<compile_context>
chip_gen: v7x
topology: tpu7x:2x2x1
jax: 0.10.2.dev20260603
libtpu: 0.0.44.dev20260713+nightly
codegen_flags: <defaults>
</compile_context>

<pallas_src>
import functools

import jax
import jax.numpy as jnp
from jax import lax
from jax.experimental import pallas as pl
from jax.experimental.pallas import tpu as pltpu
from jax.experimental.pallas import tpu_sc as plsc

N = 10000
E = 320000
NPAD = 10240
NH = NPAD // 2
NC, NS = 2, 16
NW = NC * NS
CH = 80
EPW = E // NW
NCHUNK = EPW // CH
RPT = NPAD // NS
NPT = NPAD // NW

_MESH = dict(core_axis_name="c", subcore_axis_name="s")
_SC_PARAMS = pltpu.CompilerParams(use_tc_tiling_on_sc=False,
                                  needs_layout_passes=False)



def _deg_body(dst_hbm, degw_hbm, dstv, onesv, zerov, degbuf, widev, degsp):
    c = lax.axis_index("c")
    s = lax.axis_index("s")

    def zero_body(i, _):
        zerov[pl.ds(i * 16, 16)] = jnp.zeros((16,), jnp.float32)
        return 0

    lax.fori_loop(0, RPT // 16, zero_body, 0)

    def ones_body(i, _):
        onesv[pl.ds(i * 16, 16)] = jnp.ones((16,), jnp.float32)
        return 0

    lax.fori_loop(0, CH // 16, ones_body, 0)

    pltpu.sync_copy(zerov, degsp.at[pl.ds(s * RPT, RPT)])
    wid = c * NS + s
    pltpu.sync_copy(dst_hbm.at[wid], dstv)
    plsc.subcore_barrier()

    def body(i, _):
        pltpu.sync_copy(onesv, degsp.at[dstv.at[pl.ds(i * CH, CH)]], add=True)
        return 0

    lax.fori_loop(0, NCHUNK, body, 0)
    plsc.subcore_barrier()

    pltpu.sync_copy(degsp.at[pl.ds(s * RPT, RPT)], degbuf)

    def wide_body(n, _):
        splat = plsc.load_gather(degbuf, [jnp.full((16,), n, jnp.int32)])
        row = n >> 1
        colb = (n & 1) * 64
        for r in range(4):
            widev[row, pl.ds(colb + r * 16, 16)] = splat
        return 0

    lax.fori_loop(0, RPT, wide_body, 0)
    pltpu.sync_copy(widev, degw_hbm.at[c, pl.ds(s * (RPT // 2), RPT // 2)])


_deg_call = pl.kernel(
    _deg_body,
    out_type=jax.ShapeDtypeStruct((NC, NH, 128), jnp.float32),
    mesh=plsc.VectorSubcoreMesh(**_MESH),
    compiler_params=_SC_PARAMS,
    scratch_types=[
        pltpu.VMEM((EPW,), jnp.int32),
        pltpu.VMEM((CH,), jnp.float32),
        pltpu.VMEM((RPT,), jnp.float32),
        pltpu.VMEM((RPT,), jnp.float32),
        pltpu.VMEM((RPT // 2, 128), jnp.float32),
        pltpu.VMEM_SHARED((NPAD,), jnp.float32),
    ],
)


_NBUF = 4


def _agg_body(y_hbm, src_hbm, dst_hbm, out_hbm, srcv, dstv,
              buf0, buf1, buf2, buf3, ysp, tsp,
              g0, g1, g2, g3, s0, s1, s2, s3):
    c = lax.axis_index("c")
    s = lax.axis_index("s")
    wid = c * NS + s
    bufs = (buf0, buf1, buf2, buf3)
    gsem = (g0, g1, g2, g3)
    ssem = (s0, s1, s2, s3)

    pltpu.sync_copy(y_hbm.at[pl.ds(s * RPT, RPT)], ysp.at[pl.ds(s * RPT, RPT)])
    pltpu.sync_copy(y_hbm.at[pl.ds(s * RPT, RPT)], tsp.at[pl.ds(s * RPT, RPT)])
    pltpu.sync_copy(src_hbm.at[wid], srcv)
    pltpu.sync_copy(dst_hbm.at[wid], dstv)
    plsc.subcore_barrier()

    for j in range(_NBUF):
        pltpu.async_copy(ysp.at[srcv.at[pl.ds(j * CH, CH)]], bufs[j],
                         gsem[j])

    def body(i, _):
        scat = []
        for j in range(_NBUF):
            cch = _NBUF * i + j
            pltpu.make_async_copy(ysp.at[srcv.at[pl.ds(cch * CH, CH)]],
                                  bufs[j], gsem[j]).wait()
            scat.append(pltpu.async_copy(
                bufs[j], tsp.at[dstv.at[pl.ds(cch * CH, CH)]],
                ssem[j], add=True))
        for j in range(_NBUF):
            nch = _NBUF * (i + 1) + j
            scat[j].wait()
            pltpu.async_copy(ysp.at[srcv.at[pl.ds(nch * CH, CH)]], bufs[j],
                             gsem[j])
        return 0

    lax.fori_loop(0, NCHUNK // _NBUF - 1, body, 0)
    last_pref = _NBUF * (NCHUNK // _NBUF)
    for j in range(_NBUF):
        cch = last_pref - _NBUF + j
        pltpu.make_async_copy(ysp.at[srcv.at[pl.ds(cch * CH, CH)]], bufs[j],
                              gsem[j]).wait()
        pltpu.sync_copy(bufs[j], tsp.at[dstv.at[pl.ds(cch * CH, CH)]],
                        add=True)
    for cch in range(last_pref, NCHUNK):
        pltpu.async_copy(ysp.at[srcv.at[pl.ds(cch * CH, CH)]], bufs[0],
                         gsem[0]).wait()
        pltpu.sync_copy(bufs[0], tsp.at[dstv.at[pl.ds(cch * CH, CH)]],
                        add=True)
    plsc.subcore_barrier()

    pltpu.sync_copy(tsp.at[pl.ds(s * RPT, RPT)],
                    out_hbm.at[c, pl.ds(s * RPT, RPT)])


def _make_agg(d):
    return pl.kernel(
        _agg_body,
        out_type=jax.ShapeDtypeStruct((NC, NPAD, d), jnp.float32),
        mesh=plsc.VectorSubcoreMesh(**_MESH),
        compiler_params=_SC_PARAMS,
        scratch_types=[
            pltpu.VMEM((EPW,), jnp.int32),
            pltpu.VMEM((EPW,), jnp.int32),
        ] + [pltpu.VMEM((CH, d), jnp.float32) for _ in range(_NBUF)] + [
            pltpu.VMEM_SHARED((NPAD, d), jnp.float32),
            pltpu.VMEM_SHARED((NPAD, d), jnp.float32),
        ] + [pltpu.SemaphoreType.DMA for _ in range(2 * _NBUF)],
    )


_agg64 = _make_agg(64)
_agg32 = _make_agg(32)



_BLK = 512
_NBLK = NH // _BLK


def _tc_first_body(x_ref, w_ref, degw_ref, y_ref, dinv_ref):
    dinv = lax.rsqrt(1.0 + degw_ref[0] + degw_ref[1])
    y_ref[...] = jnp.dot(x_ref[...], w_ref[...],
                         preferred_element_type=jnp.float32) * dinv
    dinv_ref[...] = dinv


def _tc_first(x_pair, w1_2, degw):
    return pl.pallas_call(
        _tc_first_body,
        grid=(_NBLK,),
        in_specs=[
            pl.BlockSpec((_BLK, 256), lambda i: (i, 0)),
            pl.BlockSpec((256, 128), lambda i: (0, 0)),
            pl.BlockSpec((NC, _BLK, 128), lambda i: (0, i, 0)),
        ],
        out_specs=[
            pl.BlockSpec((_BLK, 128), lambda i: (i, 0)),
            pl.BlockSpec((_BLK, 128), lambda i: (i, 0)),
        ],
        out_shape=[
            jax.ShapeDtypeStruct((NH, 128), jnp.float32),
            jax.ShapeDtypeStruct((NH, 128), jnp.float32),
        ],
    )(x_pair, w1_2, degw)


def _dinv32(dv):
    return jnp.concatenate([dv[:, 0:32], dv[:, 64:96]], axis=1)


def _tc_mid_body(t_ref, y_ref, dinv_ref, b_ref, w_ref, out_ref, *, d_out):
    dinv = dinv_ref[...]
    h = jnp.maximum(dinv * (t_ref[0] + t_ref[1] - y_ref[...]) + b_ref[...],
                    0.0)
    scale = dinv if d_out == 128 else _dinv32(dinv)
    out_ref[...] = jnp.dot(h, w_ref[...],
                           preferred_element_type=jnp.float32) * scale


def _tc_mid(t, y, dinv, b, w, d_out):
    return pl.pallas_call(
        functools.partial(_tc_mid_body, d_out=d_out),
        grid=(_NBLK,),
        in_specs=[
            pl.BlockSpec((NC, _BLK, 128), lambda i: (0, i, 0)),
            pl.BlockSpec((_BLK, 128), lambda i: (i, 0)),
            pl.BlockSpec((_BLK, 128), lambda i: (i, 0)),
            pl.BlockSpec((1, 128), lambda i: (0, 0)),
            pl.BlockSpec((128, d_out), lambda i: (0, 0)),
        ],
        out_specs=pl.BlockSpec((_BLK, d_out), lambda i: (i, 0)),
        out_shape=jax.ShapeDtypeStruct((NH, d_out), jnp.float32),
    )(t, y, dinv, b, w)


def _tc_last_body(t_ref, y_ref, dinv_ref, b_ref, out_ref):
    out_ref[...] = (_dinv32(dinv_ref[...]) * (t_ref[0] + t_ref[1] - y_ref[...])
                    + b_ref[...])


def _tc_last(t, y, dinv, b):
    return pl.pallas_call(
        _tc_last_body,
        grid=(_NBLK,),
        in_specs=[
            pl.BlockSpec((NC, _BLK, 64), lambda i: (0, i, 0)),
            pl.BlockSpec((_BLK, 64), lambda i: (i, 0)),
            pl.BlockSpec((_BLK, 128), lambda i: (i, 0)),
            pl.BlockSpec((1, 64), lambda i: (0, 0)),
        ],
        out_specs=pl.BlockSpec((_BLK, 64), lambda i: (i, 0)),
        out_shape=jax.ShapeDtypeStruct((NH, 64), jnp.float32),
    )(t, y, dinv, b)


def _blockdiag2(w):
    d_in, d_out = w.shape
    z = jnp.zeros((2 * d_in, 2 * d_out), jnp.float32)
    return z.at[:d_in, :d_out].set(w).at[d_in:, d_out:].set(w)



def kernel(x, edge_index, W1, b1, W2, b2, W3, b3, W4, b4):
    src = edge_index[0].astype(jnp.int32)
    dst = edge_index[1].astype(jnp.int32)
    src2 = src.reshape(NW, EPW)
    dst2 = dst.reshape(NW, EPW)

    x_pair = jnp.pad(x, ((0, NPAD - N), (0, 0))).reshape(NH, 256)
    w1_2 = _blockdiag2(W1)
    w2_2 = _blockdiag2(W2)
    w3_2 = _blockdiag2(W3)
    w4_2 = _blockdiag2(W4)
    b1p = jnp.concatenate([b1, b1])[None, :]
    b2p = jnp.concatenate([b2, b2])[None, :]
    b3p = jnp.concatenate([b3, b3])[None, :]
    b4p = jnp.concatenate([b4, b4])[None, :]

    degw = _deg_call(dst2)
    y1, dinvw = _tc_first(x_pair, w1_2, degw)

    t = _agg64(y1.reshape(NPAD, 64), src2, dst2)
    y2 = _tc_mid(t.reshape(NC, NH, 128), y1, dinvw, b1p, w2_2, 128)
    t = _agg64(y2.reshape(NPAD, 64), src2, dst2)
    y3 = _tc_mid(t.reshape(NC, NH, 128), y2, dinvw, b2p, w3_2, 128)
    t = _agg64(y3.reshape(NPAD, 64), src2, dst2)
    y4 = _tc_mid(t.reshape(NC, NH, 128), y3, dinvw, b3p, w4_2, 64)
    t = _agg32(y4.reshape(NPAD, 32), src2, dst2)
    out = _tc_last(t.reshape(NC, NH, 64), y4, dinvw, b4p)

    return out.reshape(NPAD, 32)[:N]

# --- scband reference (transcript-rebuilt; emitter-appended) ---
"""Pipeline reference for scband-four-layer-gcn-3728031613396 (READ-ONLY COPY).

The authoritative reference and input builder live on the scoring server;
editing this copy changes nothing except your own understanding.
"""

import jax, jax.numpy as jnp
import numpy as np

N_NODES = 10000
N_EDGES = 320000
IN_CH = 128
H1 = 64
H2 = 64
H3 = 64
OUT_CH = 32


def gcn_conv(x, edge_index, W, b):
    n = x.shape[0]
    loop = jnp.arange(n, dtype=edge_index.dtype)
    src = jnp.concatenate([edge_index[0], loop])
    dst = jnp.concatenate([edge_index[1], loop])
    deg = jnp.zeros((n,), dtype=x.dtype).at[dst].add(1.0)
    dinv = jnp.where(deg > 0, jax.lax.rsqrt(deg), 0.0)
    norm = dinv[src] * dinv[dst]
    xw = x @ W
    msg = xw[src] * norm[:, None]
    out = jnp.zeros((n, W.shape[1]), dtype=x.dtype).at[dst].add(msg)
    return out + b


def setup_inputs(seed: int = 0) -> dict:
    key = jax.random.key(seed)
    ks = jax.random.split(key, 10)
    x = jax.random.normal(ks[0], (N_NODES, IN_CH), dtype=jnp.float32)
    edge_index = jax.random.randint(ks[1], (2, N_EDGES), 0, N_NODES, dtype=jnp.int64)
    W1 = jax.random.normal(ks[2], (IN_CH, H1), dtype=jnp.float32) * np.sqrt(1.0 / IN_CH)
    b1 = jnp.zeros((H1,), dtype=jnp.float32)
    W2 = jax.random.normal(ks[3], (H1, H2), dtype=jnp.float32) * np.sqrt(1.0 / H1)
    b2 = jnp.zeros((H2,), dtype=jnp.float32)
    W3 = jax.random.normal(ks[4], (H2, H3), dtype=jnp.float32) * np.sqrt(1.0 / H2)
    b3 = jnp.zeros((H3,), dtype=jnp.float32)
    W4 = jax.random.normal(ks[5], (H3, OUT_CH), dtype=jnp.float32) * np.sqrt(1.0 / H3)
    b4 = jnp.zeros((OUT_CH,), dtype=jnp.float32)
    return {"x": x, "edge_index": edge_index, "W1": W1, "b1": b1, "W2": W2, "b2": b2, "W3": W3, "b3": b3, "W4": W4, "b4": b4}


def reference(x, edge_index, W1, b1, W2, b2, W3, b3, W4, b4):
    h = gcn_conv(x, edge_index, W1, b1)
    h = jax.nn.relu(h)
    h = gcn_conv(h, edge_index, W2, b2)
    h = jax.nn.relu(h)
    h = gcn_conv(h, edge_index, W3, b3)
    h = jax.nn.relu(h)
    h = gcn_conv(h, edge_index, W4, b4)
    return h

if __name__ == "__main__":
    import jax
    _d = setup_inputs()
    print(jax.jit(kernel)(*tuple(_d.values())))

</pallas_src>

<mosaic_0001>
#map = affine_map<(d0, d1) -> (0, 0)>
#map1 = affine_map<(d0, d1) -> (0, 0, 0)>
module attributes {stable_mosaic.version = 14 : i64} {
  func.func @_deg_body(%arg0: i32, %arg1: i32, %arg2: memref<32x10000xi32, #tpu.memory_space<hbm>>, %arg3: memref<2x5120x128xf32, #tpu.memory_space<hbm>>, %arg4: memref<10000xi32, #tpu.memory_space<vmem>>, %arg5: memref<80xf32, #tpu.memory_space<vmem>>, %arg6: memref<640xf32, #tpu.memory_space<vmem>>, %arg7: memref<640xf32, #tpu.memory_space<vmem>>, %arg8: memref<320x128xf32, #tpu.memory_space<vmem>>, %arg9: memref<10240xf32, #tpu.memory_space<vmem_shared>>) attributes {dimension_semantics = [#tpu.dimension_semantics<core_parallel>, #tpu.dimension_semantics<subcore_parallel>], iteration_bounds = array<i64: 2, 16>, scalar_prefetch = 0 : i64, scratch_operands = 6 : i64, tpu.core_type = #tpu.core_type<sc_vector_subcore>, window_params = [{transform_indices = #map}, {transform_indices = #map1}]} {
    %scan3A = arith.constant 0 : i32
    %scan3A_0 = arith.constant 0 : i32
    %scan3A_1 = arith.constant 40 : i32
    %scan3A_2 = arith.addi %scan3A_0, %scan3A_1 : i32
    %scan3A_3 = arith.constant 1 : i32
    %scan3A_4 = scf.for %scan3A_35 = %scan3A_0 to %scan3A_2 step %scan3A_3 iter_args(%scan3A_36 = %scan3A) -> (i32)  : i32 {
      %broadcast_in_dim3A = arith.constant 0.000000e+00 : f32
      %broadcast_in_dim3A_37 = vector.broadcast %broadcast_in_dim3A : f32 to vector<16xf32>
      %mul3A_38 = arith.constant 16 : i32
      %mul3A_39 = arith.muli %scan3A_35, %mul3A_38 : i32
      %swap3A = arith.index_cast %mul3A_39 : i32 to index
      %swap3A_40 = tpu.vector_load %arg6[%swap3A] {strides = array<i32>} : memref<640xf32, #tpu.memory_space<vmem>>, vector<16xf32>,
      tpu.vector_store %arg6[%swap3A], %broadcast_in_dim3A_37 {strides = array<i32>} : memref<640xf32, #tpu.memory_space<vmem>>, vector<16xf32>,
      %scan3A_41 = arith.constant 0 : i32
      scf.yield %scan3A_41 : i32
    }
    %scan3A_5 = arith.constant 40 : i32
    %scan3A_6 = arith.constant 0 : i32
    %scan3A_7 = arith.constant 0 : i32
    %scan3A_8 = arith.constant 5 : i32
    %scan3A_9 = arith.addi %scan3A_7, %scan3A_8 : i32
    %scan3A_10 = arith.constant 1 : i32
    %scan3A_11 = scf.for %scan3A_35 = %scan3A_7 to %scan3A_9 step %scan3A_10 iter_args(%scan3A_36 = %scan3A_6) -> (i32)  : i32 {
      %broadcast_in_dim3A = arith.constant 1.000000e+00 : f32
      %broadcast_in_dim3A_37 = vector.broadcast %broadcast_in_dim3A : f32 to vector<16xf32>
      %mul3A_38 = arith.constant 16 : i32
      %mul3A_39 = arith.muli %scan3A_35, %mul3A_38 : i32
      %swap3A = arith.index_cast %mul3A_39 : i32 to index
      %swap3A_40 = tpu.vector_load %arg5[%swap3A] {strides = array<i32>} : memref<80xf32, #tpu.memory_space<vmem>>, vector<16xf32>,
      tpu.vector_store %arg5[%swap3A], %broadcast_in_dim3A_37 {strides = array<i32>} : memref<80xf32, #tpu.memory_space<vmem>>, vector<16xf32>,
      %scan3A_41 = arith.constant 0 : i32
      scf.yield %scan3A_41 : i32
    }
    %scan3A_12 = arith.constant 5 : i32
    %mul3A = arith.constant 640 : i32
    %mul3A_13 = arith.muli %arg1, %mul3A : i32
    "tpu.region"() ({
      %run_scoped3A = tpu.sem_alloc : memref<!tpu.dma_semaphore, #tpu.memory_space<semaphore_mem>>
      %dma_start3A = tpu.memref_slice %arg9[%mul3A_13] : memref<10240xf32, #tpu.memory_space<vmem_shared>> -> memref<640xf32, #tpu.memory_space<vmem_shared>>
      %dma_start3A_35 = tpu.memref_slice %arg9[%mul3A_13] : memref<10240xf32, #tpu.memory_space<vmem_shared>> -> memref<640xf32, #tpu.memory_space<vmem_shared>>
      tpu.enqueue_dma source(%arg6 : memref<640xf32, #tpu.memory_space<vmem>>) target(%dma_start3A_35 : memref<640xf32, #tpu.memory_space<vmem_shared>>) target_semaphore(%run_scoped3A : memref<!tpu.dma_semaphore, #tpu.memory_space<semaphore_mem>>)
      %dma_wait3A = tpu.memref_slice %arg9[%mul3A_13] : memref<10240xf32, #tpu.memory_space<vmem_shared>> -> memref<640xf32, #tpu.memory_space<vmem_shared>>
      %dma_wait3A_36 = tpu.memref_slice %arg9[%mul3A_13] : memref<10240xf32, #tpu.memory_space<vmem_shared>> -> memref<640xf32, #tpu.memory_space<vmem_shared>>
      tpu.wait_dma2 semaphore(%run_scoped3A : memref<!tpu.dma_semaphore, #tpu.memory_space<semaphore_mem>>) src(%arg6 : memref<640xf32, #tpu.memory_space<vmem>>) dst(%dma_wait3A_36 : memref<640xf32, #tpu.memory_space<vmem_shared>>)
      tpu.yield
    }) : () -> ()
    %mul3A_14 = arith.constant 16 : i32
    %mul3A_15 = arith.muli %arg0, %mul3A_14 : i32
    %add3A = arith.addi %mul3A_15, %arg1 : i32
    "tpu.region"() ({
      %run_scoped3A = tpu.sem_alloc : memref<!tpu.dma_semaphore, #tpu.memory_space<semaphore_mem>>
      %dma_start3A = arith.constant 0 : i32
      %dma_start3A_35 = tpu.memref_slice %arg2[%add3A, %dma_start3A] : memref<32x10000xi32, #tpu.memory_space<hbm>> -> memref<1x10000xi32, #tpu.memory_space<hbm>>
      %dma_start3A_36 = tpu.memref_squeeze %dma_start3A_35 : memref<1x10000xi32, #tpu.memory_space<hbm>> -> memref<10000xi32, #tpu.memory_space<hbm>>
      %dma_start3A_37 = arith.constant 0 : i32
      %dma_start3A_38 = tpu.memref_slice %arg2[%add3A, %dma_start3A_37] : memref<32x10000xi32, #tpu.memory_space<hbm>> -> memref<1x10000xi32, #tpu.memory_space<hbm>>
      %dma_start3A_39 = tpu.memref_squeeze %dma_start3A_38 : memref<1x10000xi32, #tpu.memory_space<hbm>> -> memref<10000xi32, #tpu.memory_space<hbm>>
      tpu.enqueue_dma source(%dma_start3A_39 : memref<10000xi32, #tpu.memory_space<hbm>>) target(%arg4 : memref<10000xi32, #tpu.memory_space<vmem>>) target_semaphore(%run_scoped3A : memref<!tpu.dma_semaphore, #tpu.memory_space<semaphore_mem>>)
      %dma_wait3A = arith.constant 0 : i32
      %dma_wait3A_40 = tpu.memref_slice %arg2[%add3A, %dma_wait3A] : memref<32x10000xi32, #tpu.memory_space<hbm>> -> memref<1x10000xi32, #tpu.memory_space<hbm>>
      %dma_wait3A_41 = tpu.memref_squeeze %dma_wait3A_40 : memref<1x10000xi32, #tpu.memory_space<hbm>> -> memref<10000xi32, #tpu.memory_space<hbm>>
      %dma_wait3A_42 = arith.constant 0 : i32
      %dma_wait3A_43 = tpu.memref_slice %arg2[%add3A, %dma_wait3A_42] : memref<32x10000xi32, #tpu.memory_space<hbm>> -> memref<1x10000xi32, #tpu.memory_space<hbm>>
      %dma_wait3A_44 = tpu.memref_squeeze %dma_wait3A_43 : memref<1x10000xi32, #tpu.memory_space<hbm>> -> memref<10000xi32, #tpu.memory_space<hbm>>
      tpu.wait_dma2 semaphore(%run_scoped3A : memref<!tpu.dma_semaphore, #tpu.memory_space<semaphore_mem>>) src(%dma_wait3A_44 : memref<10000xi32, #tpu.memory_space<hbm>>) dst(%arg4 : memref<10000xi32, #tpu.memory_space<vmem>>)
      tpu.yield
    }) : () -> ()
    %barrier3A = arith.constant 0 : index
    tpu.barrier barrier_id(%barrier3A)
    %scan3A_16 = arith.constant 0 : i32
    %scan3A_17 = arith.constant 0 : i32
    %scan3A_18 = arith.constant 125 : i32
    %scan3A_19 = arith.addi %scan3A_17, %scan3A_18 : i32
    %scan3A_20 = arith.constant 1 : i32
    %scan3A_21 = scf.for %scan3A_35 = %scan3A_17 to %scan3A_19 step %scan3A_20 iter_args(%scan3A_36 = %scan3A_16) -> (i32)  : i32 {
      %mul3A_37 = arith.constant 80 : i32
      %mul3A_38 = arith.muli %scan3A_35, %mul3A_37 : i32
      "tpu.region"() ({
        %run_scoped3A = tpu.sem_alloc : memref<!tpu.dma_semaphore, #tpu.memory_space<semaphore_mem>>
        %dma_start3A = tpu.memref_slice %arg4[%mul3A_38] : memref<10000xi32, #tpu.memory_space<vmem>> -> memref<80xi32, #tpu.memory_space<vmem>>
        %dma_start3A_40 = arith.constant 0 : i32
        %dma_start3A_41 = tpu.memref_slice %arg9[%dma_start3A_40] : memref<10240xf32, #tpu.memory_space<vmem_shared>> -> memref<10240xf32, #tpu.memory_space<vmem_shared>>
        tpu.enqueue_indirect_dma source(%arg5 : memref<80xf32, #tpu.memory_space<vmem>>) target(%dma_start3A_41 : memref<10240xf32, #tpu.memory_space<vmem_shared>>) offsets(%dma_start3A : memref<80xi32, #tpu.memory_space<vmem>>) semaphore(%run_scoped3A : memref<!tpu.dma_semaphore, #tpu.memory_space<semaphore_mem>>) {add = true}
        %dma_wait3A = tpu.memref_slice %arg4[%mul3A_38] : memref<10000xi32, #tpu.memory_space<vmem>> -> memref<80xi32, #tpu.memory_space<vmem>>
        %dma_wait3A_42 = arith.constant 0 : i32
        %dma_wait3A_43 = tpu.memref_slice %arg9[%dma_wait3A_42] : memref<10240xf32, #tpu.memory_space<vmem_shared>> -> memref<10240xf32, #tpu.memory_space<vmem_shared>>
        tpu.wait_indirect_dma semaphore(%run_scoped3A : memref<!tpu.dma_semaphore, #tpu.memory_space<semaphore_mem>>) src(%arg5 : memref<80xf32, #tpu.memory_space<vmem>>) dst(%dma_wait3A_43 : memref<10240xf32, #tpu.memory_space<vmem_shared>>)
        tpu.yield
      }) : () -> ()
      %scan3A_39 = arith.constant 0 : i32
      scf.yield %scan3A_39 : i32
    }
    %scan3A_22 = arith.constant 125 : i32
    %barrier3A_23 = arith.constant 0 : index
    tpu.barrier barrier_id(%barrier3A_23)
    %mul3A_24 = arith.constant 640 : i32
    %mul3A_25 = arith.muli %arg1, %mul3A_24 : i32
    "tpu.region"() ({
      %run_scoped3A = tpu.sem_alloc : memref<!tpu.dma_semaphore, #tpu.memory_space<semaphore_mem>>
      %dma_start3A = tpu.memref_slice %arg9[%mul3A_25] : memref<10240xf32, #tpu.memory_space<vmem_shared>> -> memref<640xf32, #tpu.memory_space<vmem_shared>>
      %dma_start3A_35 = tpu.memref_slice %arg9[%mul3A_25] : memref<10240xf32, #tpu.memory_space<vmem_shared>> -> memref<640xf32, #tpu.memory_space<vmem_shared>>
      tpu.enqueue_dma source(%dma_start3A_35 : memref<640xf32, #tpu.memory_space<vmem_shared>>) target(%arg7 : memref<640xf32, #tpu.memory_space<vmem>>) target_semaphore(%run_scoped3A : memref<!tpu.dma_semaphore, #tpu.memory_space<semaphore_mem>>)
      %dma_wait3A = tpu.memref_slice %arg9[%mul3A_25] : memref<10240xf32, #tpu.memory_space<vmem_shared>> -> memref<640xf32, #tpu.memory_space<vmem_shared>>
      %dma_wait3A_36 = tpu.memref_slice %arg9[%mul3A_25] : memref<10240xf32, #tpu.memory_space<vmem_shared>> -> memref<640xf32, #tpu.memory_space<vmem_shared>>
      tpu.wait_dma2 semaphore(%run_scoped3A : memref<!tpu.dma_semaphore, #tpu.memory_space<semaphore_mem>>) src(%dma_wait3A_36 : memref<640xf32, #tpu.memory_space<vmem_shared>>) dst(%arg7 : memref<640xf32, #tpu.memory_space<vmem>>)
      tpu.yield
    }) : () -> ()
    %scan3A_26 = arith.constant 0 : i32
    %scan3A_27 = arith.constant 0 : i32
    %scan3A_28 = arith.constant 640 : i32
    %scan3A_29 = arith.addi %scan3A_27, %scan3A_28 : i32
    %scan3A_30 = arith.constant 1 : i32
    %scan3A_31 = scf.for %scan3A_35 = %scan3A_27 to %scan3A_29 step %scan3A_30 iter_args(%scan3A_36 = %scan3A_26) -> (i32)  : i32 {
      %broadcast_in_dim3A = vector.broadcast %scan3A_35 : i32 to vector<16xi32>
      %gather3A = tpu.vector_load_idx %arg7[%broadcast_in_dim3A] : memref<640xf32, #tpu.memory_space<vmem>>[vector<16xi32>], vector<16xf32>,
      %shift_right_arithmetic3A = arith.constant 1 : i32
      %shift_right_arithmetic3A_37 = arith.shrsi %scan3A_35, %shift_right_arithmetic3A : i32
      %and3A = arith.constant 1 : i32
      %and3A_38 = arith.andi %scan3A_35, %and3A : i32
      %mul3A_39 = arith.constant 64 : i32
      %mul3A_40 = arith.muli %and3A_38, %mul3A_39 : i32
      %add3A_41 = arith.constant 0 : i32
      %add3A_42 = arith.addi %mul3A_40, %add3A_41 : i32
      %swap3A = arith.index_cast %shift_right_arithmetic3A_37 : i32 to index
      %swap3A_43 = arith.index_cast %add3A_42 : i32 to index
      %swap3A_44 = tpu.vector_load %arg8[%swap3A, %swap3A_43] {strides = array<i32>} : memref<320x128xf32, #tpu.memory_space<vmem>>, vector<16xf32>,
      tpu.vector_store %arg8[%swap3A, %swap3A_43], %gather3A {strides = array<i32>} : memref<320x128xf32, #tpu.memory_space<vmem>>, vector<16xf32>,
      %add3A_45 = arith.constant 16 : i32
      %add3A_46 = arith.addi %mul3A_40, %add3A_45 : i32
      %swap3A_47 = arith.index_cast %shift_right_arithmetic3A_37 : i32 to index
      %swap3A_48 = arith.index_cast %add3A_46 : i32 to index
      %swap3A_49 = tpu.vector_load %arg8[%swap3A_47, %swap3A_48] {strides = array<i32>} : memref<320x128xf32, #tpu.memory_space<vmem>>, vector<16xf32>,
      tpu.vector_store %arg8[%swap3A_47, %swap3A_48], %gather3A {strides = array<i32>} : memref<320x128xf32, #tpu.memory_space<vmem>>, vector<16xf32>,
      %add3A_50 = arith.constant 32 : i32
      %add3A_51 = arith.addi %mul3A_40, %add3A_50 : i32
      %swap3A_52 = arith.index_cast %shift_right_arithmetic3A_37 : i32 to index
      %swap3A_53 = arith.index_cast %add3A_51 : i32 to index
      %swap3A_54 = tpu.vector_load %arg8[%swap3A_52, %swap3A_53] {strides = array<i32>} : memref<320x128xf32, #tpu.memory_space<vmem>>, vector<16xf32>,
      tpu.vector_store %arg8[%swap3A_52, %swap3A_53], %gather3A {strides = array<i32>} : memref<320x128xf32, #tpu.memory_space<vmem>>, vector<16xf32>,
      %add3A_55 = arith.constant 48 : i32
      %add3A_56 = arith.addi %mul3A_40, %add3A_55 : i32
      %swap3A_57 = arith.index_cast %shift_right_arithmetic3A_37 : i32 to index
      %swap3A_58 = arith.index_cast %add3A_56 : i32 to index
      %swap3A_59 = tpu.vector_load %arg8[%swap3A_57, %swap3A_58] {strides = array<i32>} : memref<320x128xf32, #tpu.memory_space<vmem>>, vector<16xf32>,
      tpu.vector_store %arg8[%swap3A_57, %swap3A_58], %gather3A {strides = array<i32>} : memref<320x128xf32, #tpu.memory_space<vmem>>, vector<16xf32>,
      %scan3A_60 = arith.constant 0 : i32
      scf.yield %scan3A_60 : i32
    }
    %scan3A_32 = arith.constant 640 : i32
    %mul3A_33 = arith.constant 320 : i32
    %mul3A_34 = arith.muli %arg1, %mul3A_33 : i32
    "tpu.region"() ({
      %run_scoped3A = tpu.sem_alloc : memref<!tpu.dma_semaphore, #tpu.memory_space<semaphore_mem>>
      %dma_start3A = arith.constant 0 : i32
      %dma_start3A_35 = tpu.memref_slice %arg3[%arg0, %mul3A_34, %dma_start3A] : memref<2x5120x128xf32, #tpu.memory_space<hbm>> -> memref<1x320x128xf32, #tpu.memory_space<hbm>>
      %dma_start3A_36 = tpu.memref_squeeze %dma_start3A_35 : memref<1x320x128xf32, #tpu.memory_space<hbm>> -> memref<320x128xf32, #tpu.memory_space<hbm>>
      %dma_start3A_37 = arith.constant 0 : i32
      %dma_start3A_38 = tpu.memref_slice %arg3[%arg0, %mul3A_34, %dma_start3A_37] : memref<2x5120x128xf32, #tpu.memory_space<hbm>> -> memref<1x320x128xf32, #tpu.memory_space<hbm>>
      %dma_start3A_39 = tpu.memref_squeeze %dma_start3A_38 : memref<1x320x128xf32, #tpu.memory_space<hbm>> -> memref<320x128xf32, #tpu.memory_space<hbm>>
      tpu.enqueue_dma source(%arg8 : memref<320x128xf32, #tpu.memory_space<vmem>>) target(%dma_start3A_39 : memref<320x128xf32, #tpu.memory_space<hbm>>) target_semaphore(%run_scoped3A : memref<!tpu.dma_semaphore, #tpu.memory_space<semaphore_mem>>)
      %dma_wait3A = arith.constant 0 : i32
      %dma_wait3A_40 = tpu.memref_slice %arg3[%arg0, %mul3A_34, %dma_wait3A] : memref<2x5120x128xf32, #tpu.memory_space<hbm>> -> memref<1x320x128xf32, #tpu.memory_space<hbm>>
      %dma_wait3A_41 = tpu.memref_squeeze %dma_wait3A_40 : memref<1x320x128xf32, #tpu.memory_space<hbm>> -> memref<320x128xf32, #tpu.memory_space<hbm>>
      %dma_wait3A_42 = arith.constant 0 : i32
      %dma_wait3A_43 = tpu.memref_slice %arg3[%arg0, %mul3A_34, %dma_wait3A_42] : memref<2x5120x128xf32, #tpu.memory_space<hbm>> -> memref<1x320x128xf32, #tpu.memory_space<hbm>>
      %dma_wait3A_44 = tpu.memref_squeeze %dma_wait3A_43 : memref<1x320x128xf32, #tpu.memory_space<hbm>> -> memref<320x128xf32, #tpu.memory_space<hbm>>
      tpu.wait_dma2 semaphore(%run_scoped3A : memref<!tpu.dma_semaphore, #tpu.memory_space<semaphore_mem>>) src(%arg8 : memref<320x128xf32, #tpu.memory_space<vmem>>) dst(%dma_wait3A_44 : memref<320x128xf32, #tpu.memory_space<hbm>>)
      tpu.yield
    }) : () -> ()
    return
  }
}

#map = affine_map<(d0, d1) -> (0, 0)>
#map1 = affine_map<(d0, d1) -> (0, 0, 0)>
module attributes {stable_mosaic.version = 14 : i64} {
  func.func @_agg_body(%arg0: i32, %arg1: i32, %arg2: memref<10240x64xf32, #tpu.memory_space<hbm>>, %arg3: memref<32x10000xi32, #tpu.memory_space<hbm>>, %arg4: memref<32x10000xi32, #tpu.memory_space<hbm>>, %arg5: memref<2x10240x64xf32, #tpu.memory_space<hbm>>, %arg6: memref<10000xi32, #tpu.memory_space<vmem>>, %arg7: memref<10000xi32, #tpu.memory_space<vmem>>, %arg8: memref<80x64xf32, #tpu.memory_space<vmem>>, %arg9: memref<80x64xf32, #tpu.memory_space<vmem>>, %arg10: memref<80x64xf32, #tpu.memory_space<vmem>>, %arg11: memref<80x64xf32, #tpu.memory_space<vmem>>, %arg12: memref<10240x64xf32, #tpu.memory_space<vmem_shared>>, %arg13: memref<10240x64xf32, #tpu.memory_space<vmem_shared>>, %arg14: memref<!tpu.dma_semaphore, #tpu.memory_space<semaphore_mem>>, %arg15: memref<!tpu.dma_semaphore, #tpu.memory_space<semaphore_mem>>, %arg16: memref<!tpu.dma_semaphore, #tpu.memory_space<semaphore_mem>>, %arg17: memref<!tpu.dma_semaphore, #tpu.memory_space<semaphore_mem>>, %arg18: memref<!tpu.dma_semaphore, #tpu.memory_space<semaphore_mem>>, %arg19: memref<!tpu.dma_semaphore, #tpu.memory_space<semaphore_mem>>, %arg20: memref<!tpu.dma_semaphore, #tpu.memory_space<semaphore_mem>>, %arg21: memref<!tpu.dma_semaphore, #tpu.memory_space<semaphore_mem>>) attributes {dimension_semantics = [#tpu.dimension_semantics<core_parallel>, #tpu.dimension_semantics<subcore_parallel>], iteration_bounds = array<i64: 2, 16>, scalar_prefetch = 0 : i64, scratch_operands = 16 : i64, tpu.core_type = #tpu.core_type<sc_vector_subcore>, window_params = [{transform_indices = #map}, {transform_indices = #map}, {transform_indices = #map}, {transform_indices = #map1}]} {
    %mul3A = arith.constant 16 : i32
    %mul3A_0 = arith.muli %arg0, %mul3A : i32
    %add3A = arith.addi %mul3A_0, %arg1 : i32
    %mul3A_1 = arith.constant 640 : i32
    %mul3A_2 = arith.muli %arg1, %mul3A_1 : i32
    %mul3A_3 = arith.constant 640 : i32
    %mul3A_4 = arith.muli %arg1, %mul3A_3 : i32
    "tpu.region"() ({
      %run_scoped3A = tpu.sem_alloc : memref<!tpu.dma_semaphore, #tpu.memory_space<semaphore_mem>>
      %dma_start3A_68 = arith.constant 0 : i32
      %dma_start3A_69 = tpu.memref_slice %arg12[%mul3A_4, %dma_start3A_68] : memref<10240x64xf32, #tpu.memory_space<vmem_shared>> -> memref<640x64xf32, #tpu.memory_space<vmem_shared>>
      %dma_start3A_70 = arith.constant 0 : i32
      %dma_start3A_71 = tpu.memref_slice %arg2[%mul3A_2, %dma_start3A_70] : memref<10240x64xf32, #tpu.memory_space<hbm>> -> memref<640x64xf32, #tpu.memory_space<hbm>>
      tpu.enqueue_dma source(%dma_start3A_71 : memref<640x64xf32, #tpu.memory_space<hbm>>) target(%dma_start3A_69 : memref<640x64xf32, #tpu.memory_space<vmem_shared>>) target_semaphore(%run_scoped3A : memref<!tpu.dma_semaphore, #tpu.memory_space<semaphore_mem>>)
      %dma_wait3A_72 = arith.constant 0 : i32
      %dma_wait3A_73 = tpu.memref_slice %arg12[%mul3A_4, %dma_wait3A_72] : memref<10240x64xf32, #tpu.memory_space<vmem_shared>> -> memref<640x64xf32, #tpu.memory_space<vmem_shared>>
      %dma_wait3A_74 = arith.constant 0 : i32
      %dma_wait3A_75 = tpu.memref_slice %arg2[%mul3A_2, %dma_wait3A_74] : memref<10240x64xf32, #tpu.memory_space<hbm>> -> memref<640x64xf32, #tpu.memory_space<hbm>>
      tpu.wait_dma2 semaphore(%run_scoped3A : memref<!tpu.dma_semaphore, #tpu.memory_space<semaphore_mem>>) src(%dma_wait3A_75 : memref<640x64xf32, #tpu.memory_space<hbm>>) dst(%dma_wait3A_73 : memref<640x64xf32, #tpu.memory_space<vmem_shared>>)
      tpu.yield
    }) : () -> ()
    %mul3A_5 = arith.constant 640 : i32
    %mul3A_6 = arith.muli %arg1, %mul3A_5 : i32
    %mul3A_7 = arith.constant 640 : i32
    %mul3A_8 = arith.muli %arg1, %mul3A_7 : i32
    "tpu.region"() ({
      %run_scoped3A = tpu.sem_alloc : memref<!tpu.dma_semaphore, #tpu.memory_space<semaphore_mem>>
      %dma_start3A_68 = arith.constant 0 : i32
      %dma_start3A_69 = tpu.memref_slice %arg13[%mul3A_8, %dma_start3A_68] : memref<10240x64xf32, #tpu.memory_space<vmem_shared>> -> memref<640x64xf32, #tpu.memory_space<vmem_shared>>
      %dma_start3A_70 = arith.constant 0 : i32
      %dma_start3A_71 = tpu.memref_slice %arg2[%mul3A_6, %dma_start3A_70] : memref<10240x64xf32, #tpu.memory_space<hbm>> -> memref<640x64xf32, #tpu.memory_space<hbm>>
      tpu.enqueue_dma source(%dma_start3A_71 : memref<640x64xf32, #tpu.memory_space<hbm>>) target(%dma_start3A_69 : memref<640x64xf32, #tpu.memory_space<vmem_shared>>) target_semaphore(%run_scoped3A : memref<!tpu.dma_semaphore, #tpu.memory_space<semaphore_mem>>)
      %dma_wait3A_72 = arith.constant 0 : i32
      %dma_wait3A_73 = tpu.memref_slice %arg13[%mul3A_8, %dma_wait3A_72] : memref<10240x64xf32, #tpu.memory_space<vmem_shared>> -> memref<640x64xf32, #tpu.memory_space<vmem_shared>>
      %dma_wait3A_74 = arith.constant 0 : i32
      %dma_wait3A_75 = tpu.memref_slice %arg2[%mul3A_6, %dma_wait3A_74] : memref<10240x64xf32, #tpu.memory_space<hbm>> -> memref<640x64xf32, #tpu.memory_space<hbm>>
      tpu.wait_dma2 semaphore(%run_scoped3A : memref<!tpu.dma_semaphore, #tpu.memory_space<semaphore_mem>>) src(%dma_wait3A_75 : memref<640x64xf32, #tpu.memory_space<hbm>>) dst(%dma_wait3A_73 : memref<640x64xf32, #tpu.memory_space<vmem_shared>>)
      tpu.yield
    }) : () -> ()
    "tpu.region"() ({
      %run_scoped3A = tpu.sem_alloc : memref<!tpu.dma_semaphore, #tpu.memory_space<semaphore_mem>>
      %dma_start3A_68 = arith.constant 0 : i32
      %dma_start3A_69 = tpu.memref_slice %arg3[%add3A, %dma_start3A_68] : memref<32x10000xi32, #tpu.memory_space<hbm>> -> memref<1x10000xi32, #tpu.memory_space<hbm>>
      %dma_start3A_70 = tpu.memref_squeeze %dma_start3A_69 : memref<1x10000xi32, #tpu.memory_space<hbm>> -> memref<10000xi32, #tpu.memory_space<hbm>>
      %dma_start3A_71 = arith.constant 0 : i32
      %dma_start3A_72 = tpu.memref_slice %arg3[%add3A, %dma_start3A_71] : memref<32x10000xi32, #tpu.memory_space<hbm>> -> memref<1x10000xi32, #tpu.memory_space<hbm>>
      %dma_start3A_73 = tpu.memref_squeeze %dma_start3A_72 : memref<1x10000xi32, #tpu.memory_space<hbm>> -> memref<10000xi32, #tpu.memory_space<hbm>>
      tpu.enqueue_dma source(%dma_start3A_73 : memref<10000xi32, #tpu.memory_space<hbm>>) target(%arg6 : memref<10000xi32, #tpu.memory_space<vmem>>) target_semaphore(%run_scoped3A : memref<!tpu.dma_semaphore, #tpu.memory_space<semaphore_mem>>)
      %dma_wait3A_74 = arith.constant 0 : i32
      %dma_wait3A_75 = tpu.memref_slice %arg3[%add3A, %dma_wait3A_74] : memref<32x10000xi32, #tpu.memory_space<hbm>> -> memref<1x10000xi32, #tpu.memory_space<hbm>>
      %dma_wait3A_76 = tpu.memref_squeeze %dma_wait3A_75 : memref<1x10000xi32, #tpu.memory_space<hbm>> -> memref<10000xi32, #tpu.memory_space<hbm>>
      %dma_wait3A_77 = arith.constant 0 : i32
      %dma_wait3A_78 = tpu.memref_slice %arg3[%add3A, %dma_wait3A_77] : memref<32x10000xi32, #tpu.memory_space<hbm>> -> memref<1x10000xi32, #tpu.memory_space<hbm>>
      %dma_wait3A_79 = tpu.memref_squeeze %dma_wait3A_78 : memref<1x10000xi32, #tpu.memory_space<hbm>> -> memref<10000xi32, #tpu.memory_space<hbm>>
      tpu.wait_dma2 semaphore(%run_scoped3A : memref<!tpu.dma_semaphore, #tpu.memory_space<semaphore_mem>>) src(%dma_wait3A_79 : memref<10000xi32, #tpu.memory_space<hbm>>) dst(%arg6 : memref<10000xi32, #tpu.memory_space<vmem>>)
      tpu.yield
    }) : () -> ()
    "tpu.region"() ({
      %run_scoped3A = tpu.sem_alloc : memref<!tpu.dma_semaphore, #tpu.memory_space<semaphore_mem>>
      %dma_start3A_68 = arith.constant 0 : i32
      %dma_start3A_69 = tpu.memref_slice %arg4[%add3A, %dma_start3A_68] : memref<32x10000xi32, #tpu.memory_space<hbm>> -> memref<1x10000xi32, #tpu.memory_space<hbm>>
      %dma_start3A_70 = tpu.memref_squeeze %dma_start3A_69 : memref<1x10000xi32, #tpu.memory_space<hbm>> -> memref<10000xi32, #tpu.memory_space<hbm>>
      %dma_start3A_71 = arith.constant 0 : i32
      %dma_start3A_72 = tpu.memref_slice %arg4[%add3A, %dma_start3A_71] : memref<32x10000xi32, #tpu.memory_space<hbm>> -> memref<1x10000xi32, #tpu.memory_space<hbm>>
      %dma_start3A_73 = tpu.memref_squeeze %dma_start3A_72 : memref<1x10000xi32, #tpu.memory_space<hbm>> -> memref<10000xi32, #tpu.memory_space<hbm>>
      tpu.enqueue_dma source(%dma_start3A_73 : memref<10000xi32, #tpu.memory_space<hbm>>) target(%arg7 : memref<10000xi32, #tpu.memory_space<vmem>>) target_semaphore(%run_scoped3A : memref<!tpu.dma_semaphore, #tpu.memory_space<semaphore_mem>>)
      %dma_wait3A_74 = arith.constant 0 : i32
      %dma_wait3A_75 = tpu.memref_slice %arg4[%add3A, %dma_wait3A_74] : memref<32x10000xi32, #tpu.memory_space<hbm>> -> memref<1x10000xi32, #tpu.memory_space<hbm>>
      %dma_wait3A_76 = tpu.memref_squeeze %dma_wait3A_75 : memref<1x10000xi32, #tpu.memory_space<hbm>> -> memref<10000xi32, #tpu.memory_space<hbm>>
      %dma_wait3A_77 = arith.constant 0 : i32
      %dma_wait3A_78 = tpu.memref_slice %arg4[%add3A, %dma_wait3A_77] : memref<32x10000xi32, #tpu.memory_space<hbm>> -> memref<1x10000xi32, #tpu.memory_space<hbm>>
      %dma_wait3A_79 = tpu.memref_squeeze %dma_wait3A_78 : memref<1x10000xi32, #tpu.memory_space<hbm>> -> memref<10000xi32, #tpu.memory_space<hbm>>
      tpu.wait_dma2 semaphore(%run_scoped3A : memref<!tpu.dma_semaphore, #tpu.memory_space<semaphore_mem>>) src(%dma_wait3A_79 : memref<10000xi32, #tpu.memory_space<hbm>>) dst(%arg7 : memref<10000xi32, #tpu.memory_space<vmem>>)
      tpu.yield
    }) : () -> ()
    %barrier3A = arith.constant 0 : index
    tpu.barrier barrier_id(%barrier3A)
    %dma_start3A = arith.constant 0 : i32
    %dma_start3A_9 = tpu.memref_slice %arg6[%dma_start3A] : memref<10000xi32, #tpu.memory_space<vmem>> -> memref<80xi32, #tpu.memory_space<vmem>>
    %dma_start3A_10 = arith.constant 0 : i32
    %dma_start3A_11 = arith.constant 0 : i32
    %dma_start3A_12 = tpu.memref_slice %arg12[%dma_start3A_10, %dma_start3A_11] : memref<10240x64xf32, #tpu.memory_space<vmem_shared>> -> memref<10240x64xf32, #tpu.memory_space<vmem_shared>>
    tpu.enqueue_indirect_dma source(%dma_start3A_12 : memref<10240x64xf32, #tpu.memory_space<vmem_shared>>) target(%arg8 : memref<80x64xf32, #tpu.memory_space<vmem>>) offsets(%dma_start3A_9 : memref<80xi32, #tpu.memory_space<vmem>>) semaphore(%arg14 : memref<!tpu.dma_semaphore, #tpu.memory_space<semaphore_mem>>)
    %dma_start3A_13 = arith.constant 80 : i32
    %dma_start3A_14 = tpu.memref_slice %arg6[%dma_start3A_13] : memref<10000xi32, #tpu.memory_space<vmem>> -> memref<80xi32, #tpu.memory_space<vmem>>
    %dma_start3A_15 = arith.constant 0 : i32
    %dma_start3A_16 = arith.constant 0 : i32
    %dma_start3A_17 = tpu.memref_slice %arg12[%dma_start3A_15, %dma_start3A_16] : memref<10240x64xf32, #tpu.memory_space<vmem_shared>> -> memref<10240x64xf32, #tpu.memory_space<vmem_shared>>
    tpu.enqueue_indirect_dma source(%dma_start3A_17 : memref<10240x64xf32, #tpu.memory_space<vmem_shared>>) target(%arg9 : memref<80x64xf32, #tpu.memory_space<vmem>>) offsets(%dma_start3A_14 : memref<80xi32, #tpu.memory_space<vmem>>) semaphore(%arg15 : memref<!tpu.dma_semaphore, #tpu.memory_space<semaphore_mem>>)
    %dma_start3A_18 = arith.constant 160 : i32
    %dma_start3A_19 = tpu.memref_slice %arg6[%dma_start3A_18] : memref<10000xi32, #tpu.memory_space<vmem>> -> memref<80xi32, #tpu.memory_space<vmem>>
    %dma_start3A_20 = arith.constant 0 : i32
    %dma_start3A_21 = arith.constant 0 : i32
    %dma_start3A_22 = tpu.memref_slice %arg12[%dma_start3A_20, %dma_start3A_21] : memref<10240x64xf32, #tpu.memory_space<vmem_shared>> -> memref<10240x64xf32, #tpu.memory_space<vmem_shared>>
    tpu.enqueue_indirect_dma source(%dma_start3A_22 : memref<10240x64xf32, #tpu.memory_space<vmem_shared>>) target(%arg10 : memref<80x64xf32, #tpu.memory_space<vmem>>) offsets(%dma_start3A_19 : memref<80xi32, #tpu.memory_space<vmem>>) semaphore(%arg16 : memref<!tpu.dma_semaphore, #tpu.memory_space<semaphore_mem>>)
    %dma_start3A_23 = arith.constant 240 : i32
    %dma_start3A_24 = tpu.memref_slice %arg6[%dma_start3A_23] : memref<10000xi32, #tpu.memory_space<vmem>> -> memref<80xi32, #tpu.memory_space<vmem>>
    %dma_start3A_25 = arith.constant 0 : i32
    %dma_start3A_26 = arith.constant 0 : i32
    %dma_start3A_27 = tpu.memref_slice %arg12[%dma_start3A_25, %dma_start3A_26] : memref<10240x64xf32, #tpu.memory_space<vmem_shared>> -> memref<10240x64xf32, #tpu.memory_space<vmem_shared>>
    tpu.enqueue_indirect_dma source(%dma_start3A_27 : memref<10240x64xf32, #tpu.memory_space<vmem_shared>>) target(%arg11 : memref<80x64xf32, #tpu.memory_space<vmem>>) offsets(%dma_start3A_24 : memref<80xi32, #tpu.memory_space<vmem>>) semaphore(%arg17 : memref<!tpu.dma_semaphore, #tpu.memory_space<semaphore_mem>>)
    %scan3A = arith.constant 0 : i32
    %scan3A_28 = arith.constant 0 : i32
    %scan3A_29 = arith.constant 30 : i32
    %scan3A_30 = arith.addi %scan3A_28, %scan3A_29 : i32
    %scan3A_31 = arith.constant 1 : i32
    %scan3A_32 = scf.for %scan3A_68 = %scan3A_28 to %scan3A_30 step %scan3A_31 iter_args(%scan3A_69 = %scan3A) -> (i32)  : i32 {
      %mul3A_70 = arith.constant 4 : i32
      %mul3A_71 = arith.muli %mul3A_70, %scan3A_68 : i32
      %add3A_72 = arith.constant 0 : i32
      %add3A_73 = arith.addi %mul3A_71, %add3A_72 : i32
      %mul3A_74 = arith.constant 80 : i32
      %mul3A_75 = arith.muli %add3A_73, %mul3A_74 : i32
      %dma_wait3A_76 = tpu.memref_slice %arg6[%mul3A_75] : memref<10000xi32, #tpu.memory_space<vmem>> -> memref<80xi32, #tpu.memory_space<vmem>>
      %dma_wait3A_77 = arith.constant 0 : i32
      %dma_wait3A_78 = arith.constant 0 : i32
      %dma_wait3A_79 = tpu.memref_slice %arg12[%dma_wait3A_77, %dma_wait3A_78] : memref<10240x64xf32, #tpu.memory_space<vmem_shared>> -> memref<10240x64xf32, #tpu.memory_space<vmem_shared>>
      tpu.wait_indirect_dma semaphore(%arg14 : memref<!tpu.dma_semaphore, #tpu.memory_space<semaphore_mem>>) src(%dma_wait3A_79 : memref<10240x64xf32, #tpu.memory_space<vmem_shared>>) dst(%arg8 : memref<80x64xf32, #tpu.memory_space<vmem>>)
      %mul3A_80 = arith.constant 80 : i32
      %mul3A_81 = arith.muli %add3A_73, %mul3A_80 : i32
      %dma_start3A_82 = tpu.memref_slice %arg7[%mul3A_81] : memref<10000xi32, #tpu.memory_space<vmem>> -> memref<80xi32, #tpu.memory_space<vmem>>
      %dma_start3A_83 = arith.constant 0 : i32
      %dma_start3A_84 = arith.constant 0 : i32
      %dma_start3A_85 = tpu.memref_slice %arg13[%dma_start3A_83, %dma_start3A_84] : memref<10240x64xf32, #tpu.memory_space<vmem_shared>> -> memref<10240x64xf32, #tpu.memory_space<vmem_shared>>
      tpu.enqueue_indirect_dma source(%arg8 : memref<80x64xf32, #tpu.memory_space<vmem>>) target(%dma_start3A_85 : memref<10240x64xf32, #tpu.memory_space<vmem_shared>>) offsets(%dma_start3A_82 : memref<80xi32, #tpu.memory_space<vmem>>) semaphore(%arg18 : memref<!tpu.dma_semaphore, #tpu.memory_space<semaphore_mem>>) {add = true}
      %mul3A_86 = arith.constant 4 : i32
      %mul3A_87 = arith.muli %mul3A_86, %scan3A_68 : i32
      %add3A_88 = arith.constant 1 : i32
      %add3A_89 = arith.addi %mul3A_87, %add3A_88 : i32
      %mul3A_90 = arith.constant 80 : i32
      %mul3A_91 = arith.muli %add3A_89, %mul3A_90 : i32
      %dma_wait3A_92 = tpu.memref_slice %arg6[%mul3A_91] : memref<10000xi32, #tpu.memory_space<vmem>> -> memref<80xi32, #tpu.memory_space<vmem>>
      %dma_wait3A_93 = arith.constant 0 : i32
      %dma_wait3A_94 = arith.constant 0 : i32
      %dma_wait3A_95 = tpu.memref_slice %arg12[%dma_wait3A_93, %dma_wait3A_94] : memref<10240x64xf32, #tpu.memory_space<vmem_shared>> -> memref<10240x64xf32, #tpu.memory_space<vmem_shared>>
      tpu.wait_indirect_dma semaphore(%arg15 : memref<!tpu.dma_semaphore, #tpu.memory_space<semaphore_mem>>) src(%dma_wait3A_95 : memref<10240x64xf32, #tpu.memory_space<vmem_shared>>) dst(%arg9 : memref<80x64xf32, #tpu.memory_space<vmem>>)
      %mul3A_96 = arith.constant 80 : i32
      %mul3A_97 = arith.muli %add3A_89, %mul3A_96 : i32
      %dma_start3A_98 = tpu.memref_slice %arg7[%mul3A_97] : memref<10000xi32, #tpu.memory_space<vmem>> -> memref<80xi32, #tpu.memory_space<vmem>>
      %dma_start3A_99 = arith.constant 0 : i32
      %dma_start3A_100 = arith.constant 0 : i32
      %dma_start3A_101 = tpu.memref_slice %arg13[%dma_start3A_99, %dma_start3A_100] : memref<10240x64xf32, #tpu.memory_space<vmem_shared>> -> memref<10240x64xf32, #tpu.memory_space<vmem_shared>>
      tpu.enqueue_indirect_dma source(%arg9 : memref<80x64xf32, #tpu.memory_space<vmem>>) target(%dma_start3A_101 : memref<10240x64xf32, #tpu.memory_space<vmem_shared>>) offsets(%dma_start3A_98 : memref<80xi32, #tpu.memory_space<vmem>>) semaphore(%arg19 : memref<!tpu.dma_semaphore, #tpu.memory_space<semaphore_mem>>) {add = true}
      %mul3A_102 = arith.constant 4 : i32
      %mul3A_103 = arith.muli %mul3A_102, %scan3A_68 : i32
      %add3A_104 = arith.constant 2 : i32
      %add3A_105 = arith.addi %mul3A_103, %add3A_104 : i32
      %mul3A_106 = arith.constant 80 : i32
      %mul3A_107 = arith.muli %add3A_105, %mul3A_106 : i32
      %dma_wait3A_108 = tpu.memref_slice %arg6[%mul3A_107] : memref<10000xi32, #tpu.memory_space<vmem>> -> memref<80xi32, #tpu.memory_space<vmem>>
      %dma_wait3A_109 = arith.constant 0 : i32
      %dma_wait3A_110 = arith.constant 0 : i32
      %dma_wait3A_111 = tpu.memref_slice %arg12[%dma_wait3A_109, %dma_wait3A_110] : memref<10240x64xf32, #tpu.memory_space<vmem_shared>> -> memref<10240x64xf32, #tpu.memory_space<vmem_shared>>
      tpu.wait_indirect_dma semaphore(%arg16 : memref<!tpu.dma_semaphore, #tpu.memory_space<semaphore_mem>>) src(%dma_wait3A_111 : memref<10240x64xf32, #tpu.memory_space<vmem_shared>>) dst(%arg10 : memref<80x64xf32, #tpu.memory_space<vmem>>)
      %mul3A_112 = arith.constant 80 : i32
      %mul3A_113 = arith.muli %add3A_105, %mul3A_112 : i32
      %dma_start3A_114 = tpu.memref_slice %arg7[%mul3A_113] : memref<10000xi32, #tpu.memory_space<vmem>> -> memref<80xi32, #tpu.memory_space<vmem>>
      %dma_start3A_115 = arith.constant 0 : i32
      %dma_start3A_116 = arith.constant 0 : i32
      %dma_start3A_117 = tpu.memref_slice %arg13[%dma_start3A_115, %dma_start3A_116] : memref<10240x64xf32, #tpu.memory_space<vmem_shared>> -> memref<10240x64xf32, #tpu.memory_space<vmem_shared>>
      tpu.enqueue_indirect_dma source(%arg10 : memref<80x64xf32, #tpu.memory_space<vmem>>) target(%dma_start3A_117 : memref<10240x64xf32, #tpu.memory_space<vmem_shared>>) offsets(%dma_start3A_114 : memref<80xi32, #tpu.memory_space<vmem>>) semaphore(%arg20 : memref<!tpu.dma_semaphore, #tpu.memory_space<semaphore_mem>>) {add = true}
      %mul3A_118 = arith.constant 4 : i32
      %mul3A_119 = arith.muli %mul3A_118, %scan3A_68 : i32
      %add3A_120 = arith.constant 3 : i32
      %add3A_121 = arith.addi %mul3A_119, %add3A_120 : i32
      %mul3A_122 = arith.constant 80 : i32
      %mul3A_123 = arith.muli %add3A_121, %mul3A_122 : i32
      %dma_wait3A_124 = tpu.memref_slice %arg6[%mul3A_123] : memref<10000xi32, #tpu.memory_space<vmem>> -> memref<80xi32, #tpu.memory_space<vmem>>
      %dma_wait3A_125 = arith.constant 0 : i32
      %dma_wait3A_126 = arith.constant 0 : i32
      %dma_wait3A_127 = tpu.memref_slice %arg12[%dma_wait3A_125, %dma_wait3A_126] : memref<10240x64xf32, #tpu.memory_space<vmem_shared>> -> memref<10240x64xf32, #tpu.memory_space<vmem_shared>>
      tpu.wait_indirect_dma semaphore(%arg17 : memref<!tpu.dma_semaphore, #tpu.memory_space<semaphore_mem>>) src(%dma_wait3A_127 : memref<10240x64xf32, #tpu.memory_space<vmem_shared>>) dst(%arg11 : memref<80x64xf32, #tpu.memory_space<vmem>>)
      %mul3A_128 = arith.constant 80 : i32
      %mul3A_129 = arith.muli %add3A_121, %mul3A_128 : i32
      %dma_start3A_130 = tpu.memref_slice %arg7[%mul3A_129] : memref<10000xi32, #tpu.memory_space<vmem>> -> memref<80xi32, #tpu.memory_space<vmem>>
      %dma_start3A_131 = arith.constant 0 : i32
      %dma_start3A_132 = arith.constant 0 : i32
      %dma_start3A_133 = tpu.memref_slice %arg13[%dma_start3A_131, %dma_start3A_132] : memref<10240x64xf32, #tpu.memory_space<vmem_shared>> -> memref<10240x64xf32, #tpu.memory_space<vmem_shared>>
      tpu.enqueue_indirect_dma source(%arg11 : memref<80x64xf32, #tpu.memory_space<vmem>>) target(%dma_start3A_133 : memref<10240x64xf32, #tpu.memory_space<vmem_shared>>) offsets(%dma_start3A_130 : memref<80xi32, #tpu.memory_space<vmem>>) semaphore(%arg21 : memref<!tpu.dma_semaphore, #tpu.memory_space<semaphore_mem>>) {add = true}
      %add3A_134 = arith.constant 1 : i32
      %add3A_135 = arith.addi %scan3A_68, %add3A_134 : i32
      %mul3A_136 = arith.constant 4 : i32
      %mul3A_137 = arith.muli %mul3A_136, %add3A_135 : i32
      %add3A_138 = arith.constant 0 : i32
      %add3A_139 = arith.addi %mul3A_137, %add3A_138 : i32
      %dma_wait3A_140 = tpu.memref_slice %arg7[%mul3A_81] : memref<10000xi32, #tpu.memory_space<vmem>> -> memref<80xi32, #tpu.memory_space<vmem>>
      %dma_wait3A_141 = arith.constant 0 : i32
      %dma_wait3A_142 = arith.constant 0 : i32
      %dma_wait3A_143 = tpu.memref_slice %arg13[%dma_wait3A_141, %dma_wait3A_142] : memref<10240x64xf32, #tpu.memory_space<vmem_shared>> -> memref<10240x64xf32, #tpu.memory_space<vmem_shared>>
      tpu.wait_indirect_dma semaphore(%arg18 : memref<!tpu.dma_semaphore, #tpu.memory_space<semaphore_mem>>) src(%arg8 : memref<80x64xf32, #tpu.memory_space<vmem>>) dst(%dma_wait3A_143 : memref<10240x64xf32, #tpu.memory_space<vmem_shared>>)
      %mul3A_144 = arith.constant 80 : i32
      %mul3A_145 = arith.muli %add3A_139, %mul3A_144 : i32
      %dma_start3A_146 = tpu.memref_slice %arg6[%mul3A_145] : memref<10000xi32, #tpu.memory_space<vmem>> -> memref<80xi32, #tpu.memory_space<vmem>>
      %dma_start3A_147 = arith.constant 0 : i32
      %dma_start3A_148 = arith.constant 0 : i32
      %dma_start3A_149 = tpu.memref_slice %arg12[%dma_start3A_147, %dma_start3A_148] : memref<10240x64xf32, #tpu.memory_space<vmem_shared>> -> memref<10240x64xf32, #tpu.memory_space<vmem_shared>>
      tpu.enqueue_indirect_dma source(%dma_start3A_149 : memref<10240x64xf32, #tpu.memory_space<vmem_shared>>) target(%arg8 : memref<80x64xf32, #tpu.memory_space<vmem>>) offsets(%dma_start3A_146 : memref<80xi32, #tpu.memory_space<vmem>>) semaphore(%arg14 : memref<!tpu.dma_semaphore, #tpu.memory_space<semaphore_mem>>)
      %add3A_150 = arith.constant 1 : i32
      %add3A_151 = arith.addi %scan3A_68, %add3A_150 : i32
      %mul3A_152 = arith.constant 4 : i32
      %mul3A_153 = arith.muli %mul3A_152, %add3A_151 : i32
      %add3A_154 = arith.constant 1 : i32
      %add3A_155 = arith.addi %mul3A_153, %add3A_154 : i32
      %dma_wait3A_156 = tpu.memref_slice %arg7[%mul3A_97] : memref<10000xi32, #tpu.memory_space<vmem>> -> memref<80xi32, #tpu.memory_space<vmem>>
      %dma_wait3A_157 = arith.constant 0 : i32
      %dma_wait3A_158 = arith.constant 0 : i32
      %dma_wait3A_159 = tpu.memref_slice %arg13[%dma_wait3A_157, %dma_wait3A_158] : memref<10240x64xf32, #tpu.memory_space<vmem_shared>> -> memref<10240x64xf32, #tpu.memory_space<vmem_shared>>
      tpu.wait_indirect_dma semaphore(%arg19 : memref<!tpu.dma_semaphore, #tpu.memory_space<semaphore_mem>>) src(%arg9 : memref<80x64xf32, #tpu.memory_space<vmem>>) dst(%dma_wait3A_159 : memref<10240x64xf32, #tpu.memory_space<vmem_shared>>)
      %mul3A_160 = arith.constant 80 : i32
      %mul3A_161 = arith.muli %add3A_155, %mul3A_160 : i32
      %dma_start3A_162 = tpu.memref_slice %arg6[%mul3A_161] : memref<10000xi32, #tpu.memory_space<vmem>> -> memref<80xi32, #tpu.memory_space<vmem>>
      %dma_start3A_163 = arith.constant 0 : i32
      %dma_start3A_164 = arith.constant 0 : i32
      %dma_start3A_165 = tpu.memref_slice %arg12[%dma_start3A_163, %dma_start3A_164] : memref<10240x64xf32, #tpu.memory_space<vmem_shared>> -> memref<10240x64xf32, #tpu.memory_space<vmem_shared>>
      tpu.enqueue_indirect_dma source(%dma_start3A_165 : memref<10240x64xf32, #tpu.memory_space<vmem_shared>>) target(%arg9 : memref<80x64xf32, #tpu.memory_space<vmem>>) offsets(%dma_start3A_162 : memref<80xi32, #tpu.memory_space<vmem>>) semaphore(%arg15 : memref<!tpu.dma_semaphore, #tpu.memory_space<semaphore_mem>>)
      %add3A_166 = arith.constant 1 : i32
      %add3A_167 = arith.addi %scan3A_68, %add3A_166 : i32
      %mul3A_168 = arith.constant 4 : i32
      %mul3A_169 = arith.muli %mul3A_168, %add3A_167 : i32
      %add3A_170 = arith.constant 2 : i32
      %add3A_171 = arith.addi %mul3A_169, %add3A_170 : i32
      %dma_wait3A_172 = tpu.memref_slice %arg7[%mul3A_113] : memref<10000xi32, #tpu.memory_space<vmem>> -> memref<80xi32, #tpu.memory_space<vmem>>
      %dma_wait3A_173 = arith.constant 0 : i32
      %dma_wait3A_174 = arith.constant 0 : i32
      %dma_wait3A_175 = tpu.memref_slice %arg13[%dma_wait3A_173, %dma_wait3A_174] : memref<10240x64xf32, #tpu.memory_space<vmem_shared>> -> memref<10240x64xf32, #tpu.memory_space<vmem_shared>>
      tpu.wait_indirect_dma semaphore(%arg20 : memref<!tpu.dma_semaphore, #tpu.memory_space<semaphore_mem>>) src(%arg10 : memref<80x64xf32, #tpu.memory_space<vmem>>) dst(%dma_wait3A_175 : memref<10240x64xf32, #tpu.memory_space<vmem_shared>>)
      %mul3A_176 = arith.constant 80 : i32
      %mul3A_177 = arith.muli %add3A_171, %mul3A_176 : i32
      %dma_start3A_178 = tpu.memref_slice %arg6[%mul3A_177] : memref<10000xi32, #tpu.memory_space<vmem>> -> memref<80xi32, #tpu.memory_space<vmem>>
      %dma_start3A_179 = arith.constant 0 : i32
      %dma_start3A_180 = arith.constant 0 : i32
      %dma_start3A_181 = tpu.memref_slice %arg12[%dma_start3A_179, %dma_start3A_180] : memref<10240x64xf32, #tpu.memory_space<vmem_shared>> -> memref<10240x64xf32, #tpu.memory_space<vmem_shared>>
      tpu.enqueue_indirect_dma source(%dma_start3A_181 : memref<10240x64xf32, #tpu.memory_space<vmem_shared>>) target(%arg10 : memref<80x64xf32, #tpu.memory_space<vmem>>) offsets(%dma_start3A_178 : memref<80xi32, #tpu.memory_space<vmem>>) semaphore(%arg16 : memref<!tpu.dma_semaphore, #tpu.memory_space<semaphore_mem>>)
      %add3A_182 = arith.constant 1 : i32
      %add3A_183 = arith.addi %scan3A_68, %add3A_182 : i32
      %mul3A_184 = arith.constant 4 : i32
      %mul3A_185 = arith.muli %mul3A_184, %add3A_183 : i32
      %add3A_186 = arith.constant 3 : i32
      %add3A_187 = arith.addi %mul3A_185, %add3A_186 : i32
      %dma_wait3A_188 = tpu.memref_slice %arg7[%mul3A_129] : memref<10000xi32, #tpu.memory_space<vmem>> -> memref<80xi32, #tpu.memory_space<vmem>>
      %dma_wait3A_189 = arith.constant 0 : i32
      %dma_wait3A_190 = arith.constant 0 : i32
      %dma_wait3A_191 = tpu.memref_slice %arg13[%dma_wait3A_189, %dma_wait3A_190] : memref<10240x64xf32, #tpu.memory_space<vmem_shared>> -> memref<10240x64xf32, #tpu.memory_space<vmem_shared>>
      tpu.wait_indirect_dma semaphore(%arg21 : memref<!tpu.dma_semaphore, #tpu.memory_space<semaphore_mem>>) src(%arg11 : memref<80x64xf32, #tpu.memory_space<vmem>>) dst(%dma_wait3A_191 : memref<10240x64xf32, #tpu.memory_space<vmem_shared>>)
      %mul3A_192 = arith.constant 80 : i32
      %mul3A_193 = arith.muli %add3A_187, %mul3A_192 : i32
      %dma_start3A_194 = tpu.memref_slice %arg6[%mul3A_193] : memref<10000xi32, #tpu.memory_space<vmem>> -> memref<80xi32, #tpu.memory_space<vmem>>
      %dma_start3A_195 = arith.constant 0 : i32
      %dma_start3A_196 = arith.constant 0 : i32
      %dma_start3A_197 = tpu.memref_slice %arg12[%dma_start3A_195, %dma_start3A_196] : memref<10240x64xf32, #tpu.memory_space<vmem_shared>> -> memref<10240x64xf32, #tpu.memory_space<vmem_shared>>
      tpu.enqueue_indirect_dma source(%dma_start3A_197 : memref<10240x64xf32, #tpu.memory_space<vmem_shared>>) target(%arg11 : memref<80x64xf32, #tpu.memory_space<vmem>>) offsets(%dma_start3A_194 : memref<80xi32, #tpu.memory_space<vmem>>) semaphore(%arg17 : memref<!tpu.dma_semaphore, #tpu.memory_space<semaphore_mem>>)
      %scan3A_198 = arith.constant 0 : i32
      scf.yield %scan3A_198 : i32
    }
    %scan3A_33 = arith.constant 30 : i32
    %dma_wait3A = arith.constant 9600 : i32
    %dma_wait3A_34 = tpu.memref_slice %arg6[%dma_wait3A] : memref<10000xi32, #tpu.memory_space<vmem>> -> memref<80xi32, #tpu.memory_space<vmem>>
    %dma_wait3A_35 = arith.constant 0 : i32
    %dma_wait3A_36 = arith.constant 0 : i32
    %dma_wait3A_37 = tpu.memref_slice %arg12[%dma_wait3A_35, %dma_wait3A_36] : memref<10240x64xf32, #tpu.memory_space<vmem_shared>> -> memref<10240x64xf32, #tpu.memory_space<vmem_shared>>
    tpu.wait_indirect_dma semaphore(%arg14 : memref<!tpu.dma_semaphore, #tpu.memory_space<semaphore_mem>>) src(%dma_wait3A_37 : memref<10240x64xf32, #tpu.memory_space<vmem_shared>>) dst(%arg8 : memref<80x64xf32, #tpu.memory_space<vmem>>)
    "tpu.region"() ({
      %run_scoped3A = tpu.sem_alloc : memref<!tpu.dma_semaphore, #tpu.memory_space<semaphore_mem>>
      %dma_start3A_68 = arith.constant 9600 : i32
      %dma_start3A_69 = tpu.memref_slice %arg7[%dma_start3A_68] : memref<10000xi32, #tpu.memory_space<vmem>> -> memref<80xi32, #tpu.memory_space<vmem>>
      %dma_start3A_70 = arith.constant 0 : i32
      %dma_start3A_71 = arith.constant 0 : i32
      %dma_start3A_72 = tpu.memref_slice %arg13[%dma_start3A_70, %dma_start3A_71] : memref<10240x64xf32, #tpu.memory_space<vmem_shared>> -> memref<10240x64xf32, #tpu.memory_space<vmem_shared>>
      tpu.enqueue_indirect_dma source(%arg8 : memref<80x64xf32, #tpu.memory_space<vmem>>) target(%dma_start3A_72 : memref<10240x64xf32, #tpu.memory_space<vmem_shared>>) offsets(%dma_start3A_69 : memref<80xi32, #tpu.memory_space<vmem>>) semaphore(%run_scoped3A : memref<!tpu.dma_semaphore, #tpu.memory_space<semaphore_mem>>) {add = true}
      %dma_wait3A_73 = arith.constant 9600 : i32
      %dma_wait3A_74 = tpu.memref_slice %arg7[%dma_wait3A_73] : memref<10000xi32, #tpu.memory_space<vmem>> -> memref<80xi32, #tpu.memory_space<vmem>>
      %dma_wait3A_75 = arith.constant 0 : i32
      %dma_wait3A_76 = arith.constant 0 : i32
      %dma_wait3A_77 = tpu.memref_slice %arg13[%dma_wait3A_75, %dma_wait3A_76] : memref<10240x64xf32, #tpu.memory_space<vmem_shared>> -> memref<10240x64xf32, #tpu.memory_space<vmem_shared>>
      tpu.wait_indirect_dma semaphore(%run_scoped3A : memref<!tpu.dma_semaphore, #tpu.memory_space<semaphore_mem>>) src(%arg8 : memref<80x64xf32, #tpu.memory_space<vmem>>) dst(%dma_wait3A_77 : memref<10240x64xf32, #tpu.memory_space<vmem_shared>>)
      tpu.yield
    }) : () -> ()
    %dma_wait3A_38 = arith.constant 9680 : i32
    %dma_wait3A_39 = tpu.memref_slice %arg6[%dma_wait3A_38] : memref<10000xi32, #tpu.memory_space<vmem>> -> memref<80xi32, #tpu.memory_space<vmem>>
    %dma_wait3A_40 = arith.constant 0 : i32
    %dma_wait3A_41 = arith.constant 0 : i32
    %dma_wait3A_42 = tpu.memref_slice %arg12[%dma_wait3A_40, %dma_wait3A_41] : memref<10240x64xf32, #tpu.memory_space<vmem_shared>> -> memref<10240x64xf32, #tpu.memory_space<vmem_shared>>
    tpu.wait_indirect_dma semaphore(%arg15 : memref<!tpu.dma_semaphore, #tpu.memory_space<semaphore_mem>>) src(%dma_wait3A_42 : memref<10240x64xf32, #tpu.memory_space<vmem_shared>>) dst(%arg9 : memref<80x64xf32, #tpu.memory_space<vmem>>)
    "tpu.region"() ({
      %run_scoped3A = tpu.sem_alloc : memref<!tpu.dma_semaphore, #tpu.memory_space<semaphore_mem>>
      %dma_start3A_68 = arith.constant 9680 : i32
      %dma_start3A_69 = tpu.memref_slice %arg7[%dma_start3A_68] : memref<10000xi32, #tpu.memory_space<vmem>> -> memref<80xi32, #tpu.memory_space<vmem>>
      %dma_start3A_70 = arith.constant 0 : i32
      %dma_start3A_71 = arith.constant 0 : i32
      %dma_start3A_72 = tpu.memref_slice %arg13[%dma_start3A_70, %dma_start3A_71] : memref<10240x64xf32, #tpu.memory_space<vmem_shared>> -> memref<10240x64xf32, #tpu.memory_space<vmem_shared>>
      tpu.enqueue_indirect_dma source(%arg9 : memref<80x64xf32, #tpu.memory_space<vmem>>) target(%dma_start3A_72 : memref<10240x64xf32, #tpu.memory_space<vmem_shared>>) offsets(%dma_start3A_69 : memref<80xi32, #tpu.memory_space<vmem>>) semaphore(%run_scoped3A : memref<!tpu.dma_semaphore, #tpu.memory_space<semaphore_mem>>) {add = true}
      %dma_wait3A_73 = arith.constant 9680 : i32
      %dma_wait3A_74 = tpu.memref_slice %arg7[%dma_wait3A_73] : memref<10000xi32, #tpu.memory_space<vmem>> -> memref<80xi32, #tpu.memory_space<vmem>>
      %dma_wait3A_75 = arith.constant 0 : i32
      %dma_wait3A_76 = arith.constant 0 : i32
      %dma_wait3A_77 = tpu.memref_slice %arg13[%dma_wait3A_75, %dma_wait3A_76] : memref<10240x64xf32, #tpu.memory_space<vmem_shared>> -> memref<10240x64xf32, #tpu.memory_space<vmem_shared>>
      tpu.wait_indirect_dma semaphore(%run_scoped3A : memref<!tpu.dma_semaphore, #tpu.memory_space<semaphore_mem>>) src(%arg9 : memref<80x64xf32, #tpu.memory_space<vmem>>) dst(%dma_wait3A_77 : memref<10240x64xf32, #tpu.memory_space<vmem_shared>>)
      tpu.yield
    }) : () -> ()
    %dma_wait3A_43 = arith.constant 9760 : i32
    %dma_wait3A_44 = tpu.memref_slice %arg6[%dma_wait3A_43] : memref<10000xi32, #tpu.memory_space<vmem>> -> memref<80xi32, #tpu.memory_space<vmem>>
    %dma_wait3A_45 = arith.constant 0 : i32
    %dma_wait3A_46 = arith.constant 0 : i32
    %dma_wait3A_47 = tpu.memref_slice %arg12[%dma_wait3A_45, %dma_wait3A_46] : memref<10240x64xf32, #tpu.memory_space<vmem_shared>> -> memref<10240x64xf32, #tpu.memory_space<vmem_shared>>
    tpu.wait_indirect_dma semaphore(%arg16 : memref<!tpu.dma_semaphore, #tpu.memory_space<semaphore_mem>>) src(%dma_wait3A_47 : memref<10240x64xf32, #tpu.memory_space<vmem_shared>>) dst(%arg10 : memref<80x64xf32, #tpu.memory_space<vmem>>)
    "tpu.region"() ({
      %run_scoped3A = tpu.sem_alloc : memref<!tpu.dma_semaphore, #tpu.memory_space<semaphore_mem>>
      %dma_start3A_68 = arith.constant 9760 : i32
      %dma_start3A_69 = tpu.memref_slice %arg7[%dma_start3A_68] : memref<10000xi32, #tpu.memory_space<vmem>> -> memref<80xi32, #tpu.memory_space<vmem>>
      %dma_start3A_70 = arith.constant 0 : i32
      %dma_start3A_71 = arith.constant 0 : i32
      %dma_start3A_72 = tpu.memref_slice %arg13[%dma_start3A_70, %dma_start3A_71] : memref<10240x64xf32, #tpu.memory_space<vmem_shared>> -> memref<10240x64xf32, #tpu.memory_space<vmem_shared>>
      tpu.enqueue_indirect_dma source(%arg10 : memref<80x64xf32, #tpu.memory_space<vmem>>) target(%dma_start3A_72 : memref<10240x64xf32, #tpu.memory_space<vmem_shared>>) offsets(%dma_start3A_69 : memref<80xi32, #tpu.memory_space<vmem>>) semaphore(%run_scoped3A : memref<!tpu.dma_semaphore, #tpu.memory_space<semaphore_mem>>) {add = true}
      %dma_wait3A_73 = arith.constant 9760 : i32
      %dma_wait3A_74 = tpu.memref_slice %arg7[%dma_wait3A_73] : memref<10000xi32, #tpu.memory_space<vmem>> -> memref<80xi32, #tpu.memory_space<vmem>>
      %dma_wait3A_75 = arith.constant 0 : i32
      %dma_wait3A_76 = arith.constant 0 : i32
      %dma_wait3A_77 = tpu.memref_slice %arg13[%dma_wait3A_75, %dma_wait3A_76] : memref<10240x64xf32, #tpu.memory_space<vmem_shared>> -> memref<10240x64xf32, #tpu.memory_space<vmem_shared>>
      tpu.wait_indirect_dma semaphore(%run_scoped3A : memref<!tpu.dma_semaphore, #tpu.memory_space<semaphore_mem>>) src(%arg10 : memref<80x64xf32, #tpu.memory_space<vmem>>) dst(%dma_wait3A_77 : memref<10240x64xf32, #tpu.memory_space<vmem_shared>>)
      tpu.yield
    }) : () -> ()
    %dma_wait3A_48 = arith.constant 9840 : i32
    %dma_wait3A_49 = tpu.memref_slice %arg6[%dma_wait3A_48] : memref<10000xi32, #tpu.memory_space<vmem>> -> memref<80xi32, #tpu.memory_space<vmem>>
    %dma_wait3A_50 = arith.constant 0 : i32
    %dma_wait3A_51 = arith.constant 0 : i32
    %dma_wait3A_52 = tpu.memref_slice %arg12[%dma_wait3A_50, %dma_wait3A_51] : memref<10240x64xf32, #tpu.memory_space<vmem_shared>> -> memref<10240x64xf32, #tpu.memory_space<vmem_shared>>
    tpu.wait_indirect_dma semaphore(%arg17 : memref<!tpu.dma_semaphore, #tpu.memory_space<semaphore_mem>>) src(%dma_wait3A_52 : memref<10240x64xf32, #tpu.memory_space<vmem_shared>>) dst(%arg11 : memref<80x64xf32, #tpu.memory_space<vmem>>)
    "tpu.region"() ({
      %run_scoped3A = tpu.sem_alloc : memref<!tpu.dma_semaphore, #tpu.memory_space<semaphore_mem>>
      %dma_start3A_68 = arith.constant 9840 : i32
      %dma_start3A_69 = tpu.memref_slice %arg7[%dma_start3A_68] : memref<10000xi32, #tpu.memory_space<vmem>> -> memref<80xi32, #tpu.memory_space<vmem>>
      %dma_start3A_70 = arith.constant 0 : i32
      %dma_start3A_71 = arith.constant 0 : i32
      %dma_start3A_72 = tpu.memref_slice %arg13[%dma_start3A_70, %dma_start3A_71] : memref<10240x64xf32, #tpu.memory_space<vmem_shared>> -> memref<10240x64xf32, #tpu.memory_space<vmem_shared>>
      tpu.enqueue_indirect_dma source(%arg11 : memref<80x64xf32, #tpu.memory_space<vmem>>) target(%dma_start3A_72 : memref<10240x64xf32, #tpu.memory_space<vmem_shared>>) offsets(%dma_start3A_69 : memref<80xi32, #tpu.memory_space<vmem>>) semaphore(%run_scoped3A : memref<!tpu.dma_semaphore, #tpu.memory_space<semaphore_mem>>) {add = true}
      %dma_wait3A_73 = arith.constant 9840 : i32
      %dma_wait3A_74 = tpu.memref_slice %arg7[%dma_wait3A_73] : memref<10000xi32, #tpu.memory_space<vmem>> -> memref<80xi32, #tpu.memory_space<vmem>>
      %dma_wait3A_75 = arith.constant 0 : i32
      %dma_wait3A_76 = arith.constant 0 : i32
      %dma_wait3A_77 = tpu.memref_slice %arg13[%dma_wait3A_75, %dma_wait3A_76] : memref<10240x64xf32, #tpu.memory_space<vmem_shared>> -> memref<10240x64xf32, #tpu.memory_space<vmem_shared>>
      tpu.wait_indirect_dma semaphore(%run_scoped3A : memref<!tpu.dma_semaphore, #tpu.memory_space<semaphore_mem>>) src(%arg11 : memref<80x64xf32, #tpu.memory_space<vmem>>) dst(%dma_wait3A_77 : memref<10240x64xf32, #tpu.memory_space<vmem_shared>>)
      tpu.yield
    }) : () -> ()
    %dma_start3A_53 = arith.constant 9920 : i32
    %dma_start3A_54 = tpu.memref_slice %arg6[%dma_start3A_53] : memref<10000xi32, #tpu.memory_space<vmem>> -> memref<80xi32, #tpu.memory_space<vmem>>
    %dma_start3A_55 = arith.constant 0 : i32
    %dma_start3A_56 = arith.constant 0 : i32
    %dma_start3A_57 = tpu.memref_slice %arg12[%dma_start3A_55, %dma_start3A_56] : memref<10240x64xf32, #tpu.memory_space<vmem_shared>> -> memref<10240x64xf32, #tpu.memory_space<vmem_shared>>
    tpu.enqueue_indirect_dma source(%dma_start3A_57 : memref<10240x64xf32, #tpu.memory_space<vmem_shared>>) target(%arg8 : memref<80x64xf32, #tpu.memory_space<vmem>>) offsets(%dma_start3A_54 : memref<80xi32, #tpu.memory_space<vmem>>) semaphore(%arg14 : memref<!tpu.dma_semaphore, #tpu.memory_space<semaphore_mem>>)
    %dma_wait3A_58 = arith.constant 9920 : i32
    %dma_wait3A_59 = tpu.memref_slice %arg6[%dma_wait3A_58] : memref<10000xi32, #tpu.memory_space<vmem>> -> memref<80xi32, #tpu.memory_space<vmem>>
    %dma_wait3A_60 = arith.constant 0 : i32
    %dma_wait3A_61 = arith.constant 0 : i32
    %dma_wait3A_62 = tpu.memref_slice %arg12[%dma_wait3A_60, %dma_wait3A_61] : memref<10240x64xf32, #tpu.memory_space<vmem_shared>> -> memref<10240x64xf32, #tpu.memory_space<vmem_shared>>
    tpu.wait_indirect_dma semaphore(%arg14 : memref<!tpu.dma_semaphore, #tpu.memory_space<semaphore_mem>>) src(%dma_wait3A_62 : memref<10240x64xf32, #tpu.memory_space<vmem_shared>>) dst(%arg8 : memref<80x64xf32, #tpu.memory_space<vmem>>)
    "tpu.region"() ({
      %run_scoped3A = tpu.sem_alloc : memref<!tpu.dma_semaphore, #tpu.memory_space<semaphore_mem>>
      %dma_start3A_68 = arith.constant 9920 : i32
      %dma_start3A_69 = tpu.memref_slice %arg7[%dma_start3A_68] : memref<10000xi32, #tpu.memory_space<vmem>> -> memref<80xi32, #tpu.memory_space<vmem>>
      %dma_start3A_70 = arith.constant 0 : i32
      %dma_start3A_71 = arith.constant 0 : i32
      %dma_start3A_72 = tpu.memref_slice %arg13[%dma_start3A_70, %dma_start3A_71] : memref<10240x64xf32, #tpu.memory_space<vmem_shared>> -> memref<10240x64xf32, #tpu.memory_space<vmem_shared>>
      tpu.enqueue_indirect_dma source(%arg8 : memref<80x64xf32, #tpu.memory_space<vmem>>) target(%dma_start3A_72 : memref<10240x64xf32, #tpu.memory_space<vmem_shared>>) offsets(%dma_start3A_69 : memref<80xi32, #tpu.memory_space<vmem>>) semaphore(%run_scoped3A : memref<!tpu.dma_semaphore, #tpu.memory_space<semaphore_mem>>) {add = true}
      %dma_wait3A_73 = arith.constant 9920 : i32
      %dma_wait3A_74 = tpu.memref_slice %arg7[%dma_wait3A_73] : memref<10000xi32, #tpu.memory_space<vmem>> -> memref<80xi32, #tpu.memory_space<vmem>>
      %dma_wait3A_75 = arith.constant 0 : i32
      %dma_wait3A_76 = arith.constant 0 : i32
      %dma_wait3A_77 = tpu.memref_slice %arg13[%dma_wait3A_75, %dma_wait3A_76] : memref<10240x64xf32, #tpu.memory_space<vmem_shared>> -> memref<10240x64xf32, #tpu.memory_space<vmem_shared>>
      tpu.wait_indirect_dma semaphore(%run_scoped3A : memref<!tpu.dma_semaphore, #tpu.memory_space<semaphore_mem>>) src(%arg8 : memref<80x64xf32, #tpu.memory_space<vmem>>) dst(%dma_wait3A_77 : memref<10240x64xf32, #tpu.memory_space<vmem_shared>>)
      tpu.yield
    }) : () -> ()
    %barrier3A_63 = arith.constant 0 : index
    tpu.barrier barrier_id(%barrier3A_63)
    %mul3A_64 = arith.constant 640 : i32
    %mul3A_65 = arith.muli %arg1, %mul3A_64 : i32
    %mul3A_66 = arith.constant 640 : i32
    %mul3A_67 = arith.muli %arg1, %mul3A_66 : i32
    "tpu.region"() ({
      %run_scoped3A = tpu.sem_alloc : memref<!tpu.dma_semaphore, #tpu.memory_space<semaphore_mem>>
      %dma_start3A_68 = arith.constant 0 : i32
      %dma_start3A_69 = tpu.memref_slice %arg5[%arg0, %mul3A_67, %dma_start3A_68] : memref<2x10240x64xf32, #tpu.memory_space<hbm>> -> memref<1x640x64xf32, #tpu.memory_space<hbm>>
      %dma_start3A_70 = tpu.memref_squeeze %dma_start3A_69 : memref<1x640x64xf32, #tpu.memory_space<hbm>> -> memref<640x64xf32, #tpu.memory_space<hbm>>
      %dma_start3A_71 = arith.constant 0 : i32
      %dma_start3A_72 = tpu.memref_slice %arg13[%mul3A_65, %dma_start3A_71] : memref<10240x64xf32, #tpu.memory_space<vmem_shared>> -> memref<640x64xf32, #tpu.memory_space<vmem_shared>>
      tpu.enqueue_dma source(%dma_start3A_72 : memref<640x64xf32, #tpu.memory_space<vmem_shared>>) target(%dma_start3A_70 : memref<640x64xf32, #tpu.memory_space<hbm>>) target_semaphore(%run_scoped3A : memref<!tpu.dma_semaphore, #tpu.memory_space<semaphore_mem>>)
      %dma_wait3A_73 = arith.constant 0 : i32
      %dma_wait3A_74 = tpu.memref_slice %arg5[%arg0, %mul3A_67, %dma_wait3A_73] : memref<2x10240x64xf32, #tpu.memory_space<hbm>> -> memref<1x640x64xf32, #tpu.memory_space<hbm>>
      %dma_wait3A_75 = tpu.memref_squeeze %dma_wait3A_74 : memref<1x640x64xf32, #tpu.memory_space<hbm>> -> memref<640x64xf32, #tpu.memory_space<hbm>>
      %dma_wait3A_76 = arith.constant 0 : i32
      %dma_wait3A_77 = tpu.memref_slice %arg13[%mul3A_65, %dma_wait3A_76] : memref<10240x64xf32, #tpu.memory_space<vmem_shared>> -> memref<640x64xf32, #tpu.memory_space<vmem_shared>>
      tpu.wait_dma2 semaphore(%run_scoped3A : memref<!tpu.dma_semaphore, #tpu.memory_space<semaphore_mem>>) src(%dma_wait3A_77 : memref<640x64xf32, #tpu.memory_space<vmem_shared>>) dst(%dma_wait3A_75 : memref<640x64xf32, #tpu.memory_space<hbm>>)
      tpu.yield
    }) : () -> ()
    return
  }
}

#map = affine_map<(d0, d1) -> (0, 0)>
#map1 = affine_map<(d0, d1) -> (0, 0, 0)>
module attributes {stable_mosaic.version = 14 : i64} {
  func.func @_agg_body(%arg0: i32, %arg1: i32, %arg2: memref<10240x64xf32, #tpu.memory_space<hbm>>, %arg3: memref<32x10000xi32, #tpu.memory_space<hbm>>, %arg4: memref<32x10000xi32, #tpu.memory_space<hbm>>, %arg5: memref<2x10240x64xf32, #tpu.memory_space<hbm>>, %arg6: memref<10000xi32, #tpu.memory_space<vmem>>, %arg7: memref<10000xi32, #tpu.memory_space<vmem>>, %arg8: memref<80x64xf32, #tpu.memory_space<vmem>>, %arg9: memref<80x64xf32, #tpu.memory_space<vmem>>, %arg10: memref<80x64xf32, #tpu.memory_space<vmem>>, %arg11: memref<80x64xf32, #tpu.memory_space<vmem>>, %arg12: memref<10240x64xf32, #tpu.memory_space<vmem_shared>>, %arg13: memref<10240x64xf32, #tpu.memory_space<vmem_shared>>, %arg14: memref<!tpu.dma_semaphore, #tpu.memory_space<semaphore_mem>>, %arg15: memref<!tpu.dma_semaphore, #tpu.memory_space<semaphore_mem>>, %arg16: memref<!tpu.dma_semaphore, #tpu.memory_space<semaphore_mem>>, %arg17: memref<!tpu.dma_semaphore, #tpu.memory_space<semaphore_mem>>, %arg18: memref<!tpu.dma_semaphore, #tpu.memory_space<semaphore_mem>>, %arg19: memref<!tpu.dma_semaphore, #tpu.memory_space<semaphore_mem>>, %arg20: memref<!tpu.dma_semaphore, #tpu.memory_space<semaphore_mem>>, %arg21: memref<!tpu.dma_semaphore, #tpu.memory_space<semaphore_mem>>) attributes {dimension_semantics = [#tpu.dimension_semantics<core_parallel>, #tpu.dimension_semantics<subcore_parallel>], iteration_bounds = array<i64: 2, 16>, scalar_prefetch = 0 : i64, scratch_operands = 16 : i64, tpu.core_type = #tpu.core_type<sc_vector_subcore>, window_params = [{transform_indices = #map}, {transform_indices = #map}, {transform_indices = #map}, {transform_indices = #map1}]} {
    %mul3A = arith.constant 16 : i32
    %mul3A_0 = arith.muli %arg0, %mul3A : i32
    %add3A = arith.addi %mul3A_0, %arg1 : i32
    %mul3A_1 = arith.constant 640 : i32
    %mul3A_2 = arith.muli %arg1, %mul3A_1 : i32
    %mul3A_3 = arith.constant 640 : i32
    %mul3A_4 = arith.muli %arg1, %mul3A_3 : i32
    "tpu.region"() ({
      %run_scoped3A = tpu.sem_alloc : memref<!tpu.dma_semaphore, #tpu.memory_space<semaphore_mem>>
      %dma_start3A_68 = arith.constant 0 : i32
      %dma_start3A_69 = tpu.memref_slice %arg12[%mul3A_4, %dma_start3A_68] : memref<10240x64xf32, #tpu.memory_space<vmem_shared>> -> memref<640x64xf32, #tpu.memory_space<vmem_shared>>
      %dma_start3A_70 = arith.constant 0 : i32
      %dma_start3A_71 = tpu.memref_slice %arg2[%mul3A_2, %dma_start3A_70] : memref<10240x64xf32, #tpu.memory_space<hbm>> -> memref<640x64xf32, #tpu.memory_space<hbm>>
      tpu.enqueue_dma source(%dma_start3A_71 : memref<640x64xf32, #tpu.memory_space<hbm>>) target(%dma_start3A_69 : memref<640x64xf32, #tpu.memory_space<vmem_shared>>) target_semaphore(%run_scoped3A : memref<!tpu.dma_semaphore, #tpu.memory_space<semaphore_mem>>)
      %dma_wait3A_72 = arith.constant 0 : i32
      %dma_wait3A_73 = tpu.memref_slice %arg12[%mul3A_4, %dma_wait3A_72] : memref<10240x64xf32, #tpu.memory_space<vmem_shared>> -> memref<640x64xf32, #tpu.memory_space<vmem_shared>>
      %dma_wait3A_74 = arith.constant 0 : i32
      %dma_wait3A_75 = tpu.memref_slice %arg2[%mul3A_2, %dma_wait3A_74] : memref<10240x64xf32, #tpu.memory_space<hbm>> -> memref<640x64xf32, #tpu.memory_space<hbm>>
      tpu.wait_dma2 semaphore(%run_scoped3A : memref<!tpu.dma_semaphore, #tpu.memory_space<semaphore_mem>>) src(%dma_wait3A_75 : memref<640x64xf32, #tpu.memory_space<hbm>>) dst(%dma_wait3A_73 : memref<640x64xf32, #tpu.memory_space<vmem_shared>>)
      tpu.yield
    }) : () -> ()
    %mul3A_5 = arith.constant 640 : i32
    %mul3A_6 = arith.muli %arg1, %mul3A_5 : i32
    %mul3A_7 = arith.constant 640 : i32
    %mul3A_8 = arith.muli %arg1, %mul3A_7 : i32
    "tpu.region"() ({
      %run_scoped3A = tpu.sem_alloc : memref<!tpu.dma_semaphore, #tpu.memory_space<semaphore_mem>>
      %dma_start3A_68 = arith.constant 0 : i32
      %dma_start3A_69 = tpu.memref_slice %arg13[%mul3A_8, %dma_start3A_68] : memref<10240x64xf32, #tpu.memory_space<vmem_shared>> -> memref<640x64xf32, #tpu.memory_space<vmem_shared>>
      %dma_start3A_70 = arith.constant 0 : i32
      %dma_start3A_71 = tpu.memref_slice %arg2[%mul3A_6, %dma_start3A_70] : memref<10240x64xf32, #tpu.memory_space<hbm>> -> memref<640x64xf32, #tpu.memory_space<hbm>>
      tpu.enqueue_dma source(%dma_start3A_71 : memref<640x64xf32, #tpu.memory_space<hbm>>) target(%dma_start3A_69 : memref<640x64xf32, #tpu.memory_space<vmem_shared>>) target_semaphore(%run_scoped3A : memref<!tpu.dma_semaphore, #tpu.memory_space<semaphore_mem>>)
      %dma_wait3A_72 = arith.constant 0 : i32
      %dma_wait3A_73 = tpu.memref_slice %arg13[%mul3A_8, %dma_wait3A_72] : memref<10240x64xf32, #tpu.memory_space<vmem_shared>> -> memref<640x64xf32, #tpu.memory_space<vmem_shared>>
      %dma_wait3A_74 = arith.constant 0 : i32
      %dma_wait3A_75 = tpu.memref_slice %arg2[%mul3A_6, %dma_wait3A_74] : memref<10240x64xf32, #tpu.memory_space<hbm>> -> memref<640x64xf32, #tpu.memory_space<hbm>>
      tpu.wait_dma2 semaphore(%run_scoped3A : memref<!tpu.dma_semaphore, #tpu.memory_space<semaphore_mem>>) src(%dma_wait3A_75 : memref<640x64xf32, #tpu.memory_space<hbm>>) dst(%dma_wait3A_73 : memref<640x64xf32, #tpu.memory_space<vmem_shared>>)
      tpu.yield
    }) : () -> ()
    "tpu.region"() ({
      %run_scoped3A = tpu.sem_alloc : memref<!tpu.dma_semaphore, #tpu.memory_space<semaphore_mem>>
      %dma_start3A_68 = arith.constant 0 : i32
      %dma_start3A_69 = tpu.memref_slice %arg3[%add3A, %dma_start3A_68] : memref<32x10000xi32, #tpu.memory_space<hbm>> -> memref<1x10000xi32, #tpu.memory_space<hbm>>
      %dma_start3A_70 = tpu.memref_squeeze %dma_start3A_69 : memref<1x10000xi32, #tpu.memory_space<hbm>> -> memref<10000xi32, #tpu.memory_space<hbm>>
      %dma_start3A_71 = arith.constant 0 : i32
      %dma_start3A_72 = tpu.memref_slice %arg3[%add3A, %dma_start3A_71] : memref<32x10000xi32, #tpu.memory_space<hbm>> -> memref<1x10000xi32, #tpu.memory_space<hbm>>
      %dma_start3A_73 = tpu.memref_squeeze %dma_start3A_72 : memref<1x10000xi32, #tpu.memory_space<hbm>> -> memref<10000xi32, #tpu.memory_space<hbm>>
      tpu.enqueue_dma source(%dma_start3A_73 : memref<10000xi32, #tpu.memory_space<hbm>>) target(%arg6 : memref<10000xi32, #tpu.memory_space<vmem>>) target_semaphore(%run_scoped3A : memref<!tpu.dma_semaphore, #tpu.memory_space<semaphore_mem>>)
      %dma_wait3A_74 = arith.constant 0 : i32
      %dma_wait3A_75 = tpu.memref_slice %arg3[%add3A, %dma_wait3A_74] : memref<32x10000xi32, #tpu.memory_space<hbm>> -> memref<1x10000xi32, #tpu.memory_space<hbm>>
      %dma_wait3A_76 = tpu.memref_squeeze %dma_wait3A_75 : memref<1x10000xi32, #tpu.memory_space<hbm>> -> memref<10000xi32, #tpu.memory_space<hbm>>
      %dma_wait3A_77 = arith.constant 0 : i32
      %dma_wait3A_78 = tpu.memref_slice %arg3[%add3A, %dma_wait3A_77] : memref<32x10000xi32, #tpu.memory_space<hbm>> -> memref<1x10000xi32, #tpu.memory_space<hbm>>
      %dma_wait3A_79 = tpu.memref_squeeze %dma_wait3A_78 : memref<1x10000xi32, #tpu.memory_space<hbm>> -> memref<10000xi32, #tpu.memory_space<hbm>>
      tpu.wait_dma2 semaphore(%run_scoped3A : memref<!tpu.dma_semaphore, #tpu.memory_space<semaphore_mem>>) src(%dma_wait3A_79 : memref<10000xi32, #tpu.memory_space<hbm>>) dst(%arg6 : memref<10000xi32, #tpu.memory_space<vmem>>)
      tpu.yield
    }) : () -> ()
    "tpu.region"() ({
      %run_scoped3A = tpu.sem_alloc : memref<!tpu.dma_semaphore, #tpu.memory_space<semaphore_mem>>
      %dma_start3A_68 = arith.constant 0 : i32
      %dma_start3A_69 = tpu.memref_slice %arg4[%add3A, %dma_start3A_68] : memref<32x10000xi32, #tpu.memory_space<hbm>> -> memref<1x10000xi32, #tpu.memory_space<hbm>>
      %dma_start3A_70 = tpu.memref_squeeze %dma_start3A_69 : memref<1x10000xi32, #tpu.memory_space<hbm>> -> memref<10000xi32, #tpu.memory_space<hbm>>
      %dma_start3A_71 = arith.constant 0 : i32
      %dma_start3A_72 = tpu.memref_slice %arg4[%add3A, %dma_start3A_71] : memref<32x10000xi32, #tpu.memory_space<hbm>> -> memref<1x10000xi32, #tpu.memory_space<hbm>>
      %dma_start3A_73 = tpu.memref_squeeze %dma_start3A_72 : memref<1x10000xi32, #tpu.memory_space<hbm>> -> memref<10000xi32, #tpu.memory_space<hbm>>
      tpu.enqueue_dma source(%dma_start3A_73 : memref<10000xi32, #tpu.memory_space<hbm>>) target(%arg7 : memref<10000xi32, #tpu.memory_space<vmem>>) target_semaphore(%run_scoped3A : memref<!tpu.dma_semaphore, #tpu.memory_space<semaphore_mem>>)
      %dma_wait3A_74 = arith.constant 0 : i32
      %dma_wait3A_75 = tpu.memref_slice %arg4[%add3A, %dma_wait3A_74] : memref<32x10000xi32, #tpu.memory_space<hbm>> -> memref<1x10000xi32, #tpu.memory_space<hbm>>
      %dma_wait3A_76 = tpu.memref_squeeze %dma_wait3A_75 : memref<1x10000xi32, #tpu.memory_space<hbm>> -> memref<10000xi32, #tpu.memory_space<hbm>>
      %dma_wait3A_77 = arith.constant 0 : i32
      %dma_wait3A_78 = tpu.memref_slice %arg4[%add3A, %dma_wait3A_77] : memref<32x10000xi32, #tpu.memory_space<hbm>> -> memref<1x10000xi32, #tpu.memory_space<hbm>>
      %dma_wait3A_79 = tpu.memref_squeeze %dma_wait3A_78 : memref<1x10000xi32, #tpu.memory_space<hbm>> -> memref<10000xi32, #tpu.memory_space<hbm>>
      tpu.wait_dma2 semaphore(%run_scoped3A : memref<!tpu.dma_semaphore, #tpu.memory_space<semaphore_mem>>) src(%dma_wait3A_79 : memref<10000xi32, #tpu.memory_space<hbm>>) dst(%arg7 : memref<10000xi32, #tpu.memory_space<vmem>>)
      tpu.yield
    }) : () -> ()
    %barrier3A = arith.constant 0 : index
    tpu.barrier barrier_id(%barrier3A)
    %dma_start3A = arith.constant 0 : i32
    %dma_start3A_9 = tpu.memref_slice %arg6[%dma_start3A] : memref<10000xi32, #tpu.memory_space<vmem>> -> memref<80xi32, #tpu.memory_space<vmem>>
    %dma_start3A_10 = arith.constant 0 : i32
    %dma_start3A_11 = arith.constant 0 : i32
    %dma_start3A_12 = tpu.memref_slice %arg12[%dma_start3A_10, %dma_start3A_11] : memref<10240x64xf32, #tpu.memory_space<vmem_shared>> -> memref<10240x64xf32, #tpu.memory_space<vmem_shared>>
    tpu.enqueue_indirect_dma source(%dma_start3A_12 : memref<10240x64xf32, #tpu.memory_space<vmem_shared>>) target(%arg8 : memref<80x64xf32, #tpu.memory_space<vmem>>) offsets(%dma_start3A_9 : memref<80xi32, #tpu.memory_space<vmem>>) semaphore(%arg14 : memref<!tpu.dma_semaphore, #tpu.memory_space<semaphore_mem>>)
    %dma_start3A_13 = arith.constant 80 : i32
    %dma_start3A_14 = tpu.memref_slice %arg6[%dma_start3A_13] : memref<10000xi32, #tpu.memory_space<vmem>> -> memref<80xi32, #tpu.memory_space<vmem>>
    %dma_start3A_15 = arith.constant 0 : i32
    %dma_start3A_16 = arith.constant 0 : i32
    %dma_start3A_17 = tpu.memref_slice %arg12[%dma_start3A_15, %dma_start3A_16] : memref<10240x64xf32, #tpu.memory_space<vmem_shared>> -> memref<10240x64xf32, #tpu.memory_space<vmem_shared>>
    tpu.enqueue_indirect_dma source(%dma_start3A_17 : memref<10240x64xf32, #tpu.memory_space<vmem_shared>>) target(%arg9 : memref<80x64xf32, #tpu.memory_space<vmem>>) offsets(%dma_start3A_14 : memref<80xi32, #tpu.memory_space<vmem>>) semaphore(%arg15 : memref<!tpu.dma_semaphore, #tpu.memory_space<semaphore_mem>>)
    %dma_start3A_18 = arith.constant 160 : i32
    %dma_start3A_19 = tpu.memref_slice %arg6[%dma_start3A_18] : memref<10000xi32, #tpu.memory_space<vmem>> -> memref<80xi32, #tpu.memory_space<vmem>>
    %dma_start3A_20 = arith.constant 0 : i32
    %dma_start3A_21 = arith.constant 0 : i32
    %dma_start3A_22 = tpu.memref_slice %arg12[%dma_start3A_20, %dma_start3A_21] : memref<10240x64xf32, #tpu.memory_space<vmem_shared>> -> memref<10240x64xf32, #tpu.memory_space<vmem_shared>>
    tpu.enqueue_indirect_dma source(%dma_start3A_22 : memref<10240x64xf32, #tpu.memory_space<vmem_shared>>) target(%arg10 : memref<80x64xf32, #tpu.memory_space<vmem>>) offsets(%dma_start3A_19 : memref<80xi32, #tpu.memory_space<vmem>>) semaphore(%arg16 : memref<!tpu.dma_semaphore, #tpu.memory_space<semaphore_mem>>)
    %dma_start3A_23 = arith.constant 240 : i32
    %dma_start3A_24 = tpu.memref_slice %arg6[%dma_start3A_23] : memref<10000xi32, #tpu.memory_space<vmem>> -> memref<80xi32, #tpu.memory_space<vmem>>
    %dma_start3A_25 = arith.constant 0 : i32
    %dma_start3A_26 = arith.constant 0 : i32
    %dma_start3A_27 = tpu.memref_slice %arg12[%dma_start3A_25, %dma_start3A_26] : memref<10240x64xf32, #tpu.memory_space<vmem_shared>> -> memref<10240x64xf32, #tpu.memory_space<vmem_shared>>
    tpu.enqueue_indirect_dma source(%dma_start3A_27 : memref<10240x64xf32, #tpu.memory_space<vmem_shared>>) target(%arg11 : memref<80x64xf32, #tpu.memory_space<vmem>>) offsets(%dma_start3A_24 : memref<80xi32, #tpu.memory_space<vmem>>) semaphore(%arg17 : memref<!tpu.dma_semaphore, #tpu.memory_space<semaphore_mem>>)
    %scan3A = arith.constant 0 : i32
    %scan3A_28 = arith.constant 0 : i32
    %scan3A_29 = arith.constant 30 : i32
    %scan3A_30 = arith.addi %scan3A_28, %scan3A_29 : i32
    %scan3A_31 = arith.constant 1 : i32
    %scan3A_32 = scf.for %scan3A_68 = %scan3A_28 to %scan3A_30 step %scan3A_31 iter_args(%scan3A_69 = %scan3A) -> (i32)  : i32 {
      %mul3A_70 = arith.constant 4 : i32
      %mul3A_71 = arith.muli %mul3A_70, %scan3A_68 : i32
      %add3A_72 = arith.constant 0 : i32
      %add3A_73 = arith.addi %mul3A_71, %add3A_72 : i32
      %mul3A_74 = arith.constant 80 : i32
      %mul3A_75 = arith.muli %add3A_73, %mul3A_74 : i32
      %dma_wait3A_76 = tpu.memref_slice %arg6[%mul3A_75] : memref<10000xi32, #tpu.memory_space<vmem>> -> memref<80xi32, #tpu.memory_space<vmem>>
      %dma_wait3A_77 = arith.constant 0 : i32
      %dma_wait3A_78 = arith.constant 0 : i32
      %dma_wait3A_79 = tpu.memref_slice %arg12[%dma_wait3A_77, %dma_wait3A_78] : memref<10240x64xf32, #tpu.memory_space<vmem_shared>> -> memref<10240x64xf32, #tpu.memory_space<vmem_shared>>
      tpu.wait_indirect_dma semaphore(%arg14 : memref<!tpu.dma_semaphore, #tpu.memory_space<semaphore_mem>>) src(%dma_wait3A_79 : memref<10240x64xf32, #tpu.memory_space<vmem_shared>>) dst(%arg8 : memref<80x64xf32, #tpu.memory_space<vmem>>)
      %mul3A_80 = arith.constant 80 : i32
      %mul3A_81 = arith.muli %add3A_73, %mul3A_80 : i32
      %dma_start3A_82 = tpu.memref_slice %arg7[%mul3A_81] : memref<10000xi32, #tpu.memory_space<vmem>> -> memref<80xi32, #tpu.memory_space<vmem>>
      %dma_start3A_83 = arith.constant 0 : i32
      %dma_start3A_84 = arith.constant 0 : i32
      %dma_start3A_85 = tpu.memref_slice %arg13[%dma_start3A_83, %dma_start3A_84] : memref<10240x64xf32, #tpu.memory_space<vmem_shared>> -> memref<10240x64xf32, #tpu.memory_space<vmem_shared>>
      tpu.enqueue_indirect_dma source(%arg8 : memref<80x64xf32, #tpu.memory_space<vmem>>) target(%dma_start3A_85 : memref<10240x64xf32, #tpu.memory_space<vmem_shared>>) offsets(%dma_start3A_82 : memref<80xi32, #tpu.memory_space<vmem>>) semaphore(%arg18 : memref<!tpu.dma_semaphore, #tpu.memory_space<semaphore_mem>>) {add = true}
      %mul3A_86 = arith.constant 4 : i32
      %mul3A_87 = arith.muli %mul3A_86, %scan3A_68 : i32
      %add3A_88 = arith.constant 1 : i32
      %add3A_89 = arith.addi %mul3A_87, %add3A_88 : i32
      %mul3A_90 = arith.constant 80 : i32
      %mul3A_91 = arith.muli %add3A_89, %mul3A_90 : i32
      %dma_wait3A_92 = tpu.memref_slice %arg6[%mul3A_91] : memref<10000xi32, #tpu.memory_space<vmem>> -> memref<80xi32, #tpu.memory_space<vmem>>
      %dma_wait3A_93 = arith.constant 0 : i32
      %dma_wait3A_94 = arith.constant 0 : i32
      %dma_wait3A_95 = tpu.memref_slice %arg12[%dma_wait3A_93, %dma_wait3A_94] : memref<10240x64xf32, #tpu.memory_space<vmem_shared>> -> memref<10240x64xf32, #tpu.memory_space<vmem_shared>>
      tpu.wait_indirect_dma semaphore(%arg15 : memref<!tpu.dma_semaphore, #tpu.memory_space<semaphore_mem>>) src(%dma_wait3A_95 : memref<10240x64xf32, #tpu.memory_space<vmem_shared>>) dst(%arg9 : memref<80x64xf32, #tpu.memory_space<vmem>>)
      %mul3A_96 = arith.constant 80 : i32
      %mul3A_97 = arith.muli %add3A_89, %mul3A_96 : i32
      %dma_start3A_98 = tpu.memref_slice %arg7[%mul3A_97] : memref<10000xi32, #tpu.memory_space<vmem>> -> memref<80xi32, #tpu.memory_space<vmem>>
      %dma_start3A_99 = arith.constant 0 : i32
      %dma_start3A_100 = arith.constant 0 : i32
      %dma_start3A_101 = tpu.memref_slice %arg13[%dma_start3A_99, %dma_start3A_100] : memref<10240x64xf32, #tpu.memory_space<vmem_shared>> -> memref<10240x64xf32, #tpu.memory_space<vmem_shared>>
      tpu.enqueue_indirect_dma source(%arg9 : memref<80x64xf32, #tpu.memory_space<vmem>>) target(%dma_start3A_101 : memref<10240x64xf32, #tpu.memory_space<vmem_shared>>) offsets(%dma_start3A_98 : memref<80xi32, #tpu.memory_space<vmem>>) semaphore(%arg19 : memref<!tpu.dma_semaphore, #tpu.memory_space<semaphore_mem>>) {add = true}
      %mul3A_102 = arith.constant 4 : i32
      %mul3A_103 = arith.muli %mul3A_102, %scan3A_68 : i32
      %add3A_104 = arith.constant 2 : i32
      %add3A_105 = arith.addi %mul3A_103, %add3A_104 : i32
      %mul3A_106 = arith.constant 80 : i32
      %mul3A_107 = arith.muli %add3A_105, %mul3A_106 : i32
      %dma_wait3A_108 = tpu.memref_slice %arg6[%mul3A_107] : memref<10000xi32, #tpu.memory_space<vmem>> -> memref<80xi32, #tpu.memory_space<vmem>>
      %dma_wait3A_109 = arith.constant 0 : i32
      %dma_wait3A_110 = arith.constant 0 : i32
      %dma_wait3A_111 = tpu.memref_slice %arg12[%dma_wait3A_109, %dma_wait3A_110] : memref<10240x64xf32, #tpu.memory_space<vmem_shared>> -> memref<10240x64xf32, #tpu.memory_space<vmem_shared>>
      tpu.wait_indirect_dma semaphore(%arg16 : memref<!tpu.dma_semaphore, #tpu.memory_space<semaphore_mem>>) src(%dma_wait3A_111 : memref<10240x64xf32, #tpu.memory_space<vmem_shared>>) dst(%arg10 : memref<80x64xf32, #tpu.memory_space<vmem>>)
      %mul3A_112 = arith.constant 80 : i32
      %mul3A_113 = arith.muli %add3A_105, %mul3A_112 : i32
      %dma_start3A_114 = tpu.memref_slice %arg7[%mul3A_113] : memref<10000xi32, #tpu.memory_space<vmem>> -> memref<80xi32, #tpu.memory_space<vmem>>
      %dma_start3A_115 = arith.constant 0 : i32
      %dma_start3A_116 = arith.constant 0 : i32
      %dma_start3A_117 = tpu.memref_slice %arg13[%dma_start3A_115, %dma_start3A_116] : memref<10240x64xf32, #tpu.memory_space<vmem_shared>> -> memref<10240x64xf32, #tpu.memory_space<vmem_shared>>
      tpu.enqueue_indirect_dma source(%arg10 : memref<80x64xf32, #tpu.memory_space<vmem>>) target(%dma_start3A_117 : memref<10240x64xf32, #tpu.memory_space<vmem_shared>>) offsets(%dma_start3A_114 : memref<80xi32, #tpu.memory_space<vmem>>) semaphore(%arg20 : memref<!tpu.dma_semaphore, #tpu.memory_space<semaphore_mem>>) {add = true}
      %mul3A_118 = arith.constant 4 : i32
      %mul3A_119 = arith.muli %mul3A_118, %scan3A_68 : i32
      %add3A_120 = arith.constant 3 : i32
      %add3A_121 = arith.addi %mul3A_119, %add3A_120 : i32
      %mul3A_122 = arith.constant 80 : i32
      %mul3A_123 = arith.muli %add3A_121, %mul3A_122 : i32
      %dma_wait3A_124 = tpu.memref_slice %arg6[%mul3A_123] : memref<10000xi32, #tpu.memory_space<vmem>> -> memref<80xi32, #tpu.memory_space<vmem>>
      %dma_wait3A_125 = arith.constant 0 : i32
      %dma_wait3A_126 = arith.constant 0 : i32
      %dma_wait3A_127 = tpu.memref_slice %arg12[%dma_wait3A_125, %dma_wait3A_126] : memref<10240x64xf32, #tpu.memory_space<vmem_shared>> -> memref<10240x64xf32, #tpu.memory_space<vmem_shared>>
      tpu.wait_indirect_dma semaphore(%arg17 : memref<!tpu.dma_semaphore, #tpu.memory_space<semaphore_mem>>) src(%dma_wait3A_127 : memref<10240x64xf32, #tpu.memory_space<vmem_shared>>) dst(%arg11 : memref<80x64xf32, #tpu.memory_space<vmem>>)
      %mul3A_128 = arith.constant 80 : i32
      %mul3A_129 = arith.muli %add3A_121, %mul3A_128 : i32
      %dma_start3A_130 = tpu.memref_slice %arg7[%mul3A_129] : memref<10000xi32, #tpu.memory_space<vmem>> -> memref<80xi32, #tpu.memory_space<vmem>>
      %dma_start3A_131 = arith.constant 0 : i32
      %dma_start3A_132 = arith.constant 0 : i32
      %dma_start3A_133 = tpu.memref_slice %arg13[%dma_start3A_131, %dma_start3A_132] : memref<10240x64xf32, #tpu.memory_space<vmem_shared>> -> memref<10240x64xf32, #tpu.memory_space<vmem_shared>>
      tpu.enqueue_indirect_dma source(%arg11 : memref<80x64xf32, #tpu.memory_space<vmem>>) target(%dma_start3A_133 : memref<10240x64xf32, #tpu.memory_space<vmem_shared>>) offsets(%dma_start3A_130 : memref<80xi32, #tpu.memory_space<vmem>>) semaphore(%arg21 : memref<!tpu.dma_semaphore, #tpu.memory_space<semaphore_mem>>) {add = true}
      %add3A_134 = arith.constant 1 : i32
      %add3A_135 = arith.addi %scan3A_68, %add3A_134 : i32
      %mul3A_136 = arith.constant 4 : i32
      %mul3A_137 = arith.muli %mul3A_136, %add3A_135 : i32
      %add3A_138 = arith.constant 0 : i32
      %add3A_139 = arith.addi %mul3A_137, %add3A_138 : i32
      %dma_wait3A_140 = tpu.memref_slice %arg7[%mul3A_81] : memref<10000xi32, #tpu.memory_space<vmem>> -> memref<80xi32, #tpu.memory_space<vmem>>
      %dma_wait3A_141 = arith.constant 0 : i32
      %dma_wait3A_142 = arith.constant 0 : i32
      %dma_wait3A_143 = tpu.memref_slice %arg13[%dma_wait3A_141, %dma_wait3A_142] : memref<10240x64xf32, #tpu.memory_space<vmem_shared>> -> memref<10240x64xf32, #tpu.memory_space<vmem_shared>>
      tpu.wait_indirect_dma semaphore(%arg18 : memref<!tpu.dma_semaphore, #tpu.memory_space<semaphore_mem>>) src(%arg8 : memref<80x64xf32, #tpu.memory_space<vmem>>) dst(%dma_wait3A_143 : memref<10240x64xf32, #tpu.memory_space<vmem_shared>>)
      %mul3A_144 = arith.constant 80 : i32
      %mul3A_145 = arith.muli %add3A_139, %mul3A_144 : i32
      %dma_start3A_146 = tpu.memref_slice %arg6[%mul3A_145] : memref<10000xi32, #tpu.memory_space<vmem>> -> memref<80xi32, #tpu.memory_space<vmem>>
      %dma_start3A_147 = arith.constant 0 : i32
      %dma_start3A_148 = arith.constant 0 : i32
      %dma_start3A_149 = tpu.memref_slice %arg12[%dma_start3A_147, %dma_start3A_148] : memref<10240x64xf32, #tpu.memory_space<vmem_shared>> -> memref<10240x64xf32, #tpu.memory_space<vmem_shared>>
      tpu.enqueue_indirect_dma source(%dma_start3A_149 : memref<10240x64xf32, #tpu.memory_space<vmem_shared>>) target(%arg8 : memref<80x64xf32, #tpu.memory_space<vmem>>) offsets(%dma_start3A_146 : memref<80xi32, #tpu.memory_space<vmem>>) semaphore(%arg14 : memref<!tpu.dma_semaphore, #tpu.memory_space<semaphore_mem>>)
      %add3A_150 = arith.constant 1 : i32
      %add3A_151 = arith.addi %scan3A_68, %add3A_150 : i32
      %mul3A_152 = arith.constant 4 : i32
      %mul3A_153 = arith.muli %mul3A_152, %add3A_151 : i32
      %add3A_154 = arith.constant 1 : i32
      %add3A_155 = arith.addi %mul3A_153, %add3A_154 : i32
      %dma_wait3A_156 = tpu.memref_slice %arg7[%mul3A_97] : memref<10000xi32, #tpu.memory_space<vmem>> -> memref<80xi32, #tpu.memory_space<vmem>>
      %dma_wait3A_157 = arith.constant 0 : i32
      %dma_wait3A_158 = arith.constant 0 : i32
      %dma_wait3A_159 = tpu.memref_slice %arg13[%dma_wait3A_157, %dma_wait3A_158] : memref<10240x64xf32, #tpu.memory_space<vmem_shared>> -> memref<10240x64xf32, #tpu.memory_space<vmem_shared>>
      tpu.wait_indirect_dma semaphore(%arg19 : memref<!tpu.dma_semaphore, #tpu.memory_space<semaphore_mem>>) src(%arg9 : memref<80x64xf32, #tpu.memory_space<vmem>>) dst(%dma_wait3A_159 : memref<10240x64xf32, #tpu.memory_space<vmem_shared>>)
      %mul3A_160 = arith.constant 80 : i32
      %mul3A_161 = arith.muli %add3A_155, %mul3A_160 : i32
      %dma_start3A_162 = tpu.memref_slice %arg6[%mul3A_161] : memref<10000xi32, #tpu.memory_space<vmem>> -> memref<80xi32, #tpu.memory_space<vmem>>
      %dma_start3A_163 = arith.constant 0 : i32
      %dma_start3A_164 = arith.constant 0 : i32
      %dma_start3A_165 = tpu.memref_slice %arg12[%dma_start3A_163, %dma_start3A_164] : memref<10240x64xf32, #tpu.memory_space<vmem_shared>> -> memref<10240x64xf32, #tpu.memory_space<vmem_shared>>
      tpu.enqueue_indirect_dma source(%dma_start3A_165 : memref<10240x64xf32, #tpu.memory_space<vmem_shared>>) target(%arg9 : memref<80x64xf32, #tpu.memory_space<vmem>>) offsets(%dma_start3A_162 : memref<80xi32, #tpu.memory_space<vmem>>) semaphore(%arg15 : memref<!tpu.dma_semaphore, #tpu.memory_space<semaphore_mem>>)
      %add3A_166 = arith.constant 1 : i32
      %add3A_167 = arith.addi %scan3A_68, %add3A_166 : i32
      %mul3A_168 = arith.constant 4 : i32
      %mul3A_169 = arith.muli %mul3A_168, %add3A_167 : i32
      %add3A_170 = arith.constant 2 : i32
      %add3A_171 = arith.addi %mul3A_169, %add3A_170 : i32
      %dma_wait3A_172 = tpu.memref_slice %arg7[%mul3A_113] : memref<10000xi32, #tpu.memory_space<vmem>> -> memref<80xi32, #tpu.memory_space<vmem>>
      %dma_wait3A_173 = arith.constant 0 : i32
      %dma_wait3A_174 = arith.constant 0 : i32
      %dma_wait3A_175 = tpu.memref_slice %arg13[%dma_wait3A_173, %dma_wait3A_174] : memref<10240x64xf32, #tpu.memory_space<vmem_shared>> -> memref<10240x64xf32, #tpu.memory_space<vmem_shared>>
      tpu.wait_indirect_dma semaphore(%arg20 : memref<!tpu.dma_semaphore, #tpu.memory_space<semaphore_mem>>) src(%arg10 : memref<80x64xf32, #tpu.memory_space<vmem>>) dst(%dma_wait3A_175 : memref<10240x64xf32, #tpu.memory_space<vmem_shared>>)
      %mul3A_176 = arith.constant 80 : i32
      %mul3A_177 = arith.muli %add3A_171, %mul3A_176 : i32
      %dma_start3A_178 = tpu.memref_slice %arg6[%mul3A_177] : memref<10000xi32, #tpu.memory_space<vmem>> -> memref<80xi32, #tpu.memory_space<vmem>>
      %dma_start3A_179 = arith.constant 0 : i32
      %dma_start3A_180 = arith.constant 0 : i32
      %dma_start3A_181 = tpu.memref_slice %arg12[%dma_start3A_179, %dma_start3A_180] : memref<10240x64xf32, #tpu.memory_space<vmem_shared>> -> memref<10240x64xf32, #tpu.memory_space<vmem_shared>>
      tpu.enqueue_indirect_dma source(%dma_start3A_181 : memref<10240x64xf32, #tpu.memory_space<vmem_shared>>) target(%arg10 : memref<80x64xf32, #tpu.memory_space<vmem>>) offsets(%dma_start3A_178 : memref<80xi32, #tpu.memory_space<vmem>>) semaphore(%arg16 : memref<!tpu.dma_semaphore, #tpu.memory_space<semaphore_mem>>)
      %add3A_182 = arith.constant 1 : i32
      %add3A_183 = arith.addi %scan3A_68, %add3A_182 : i32
      %mul3A_184 = arith.constant 4 : i32
      %mul3A_185 = arith.muli %mul3A_184, %add3A_183 : i32
      %add3A_186 = arith.constant 3 : i32
      %add3A_187 = arith.addi %mul3A_185, %add3A_186 : i32
      %dma_wait3A_188 = tpu.memref_slice %arg7[%mul3A_129] : memref<10000xi32, #tpu.memory_space<vmem>> -> memref<80xi32, #tpu.memory_space<vmem>>
      %dma_wait3A_189 = arith.constant 0 : i32
      %dma_wait3A_190 = arith.constant 0 : i32
      %dma_wait3A_191 = tpu.memref_slice %arg13[%dma_wait3A_189, %dma_wait3A_190] : memref<10240x64xf32, #tpu.memory_space<vmem_shared>> -> memref<10240x64xf32, #tpu.memory_space<vmem_shared>>
      tpu.wait_indirect_dma semaphore(%arg21 : memref<!tpu.dma_semaphore, #tpu.memory_space<semaphore_mem>>) src(%arg11 : memref<80x64xf32, #tpu.memory_space<vmem>>) dst(%dma_wait3A_191 : memref<10240x64xf32, #tpu.memory_space<vmem_shared>>)
      %mul3A_192 = arith.constant 80 : i32
      %mul3A_193 = arith.muli %add3A_187, %mul3A_192 : i32
      %dma_start3A_194 = tpu.memref_slice %arg6[%mul3A_193] : memref<10000xi32, #tpu.memory_space<vmem>> -> memref<80xi32, #tpu.memory_space<vmem>>
      %dma_start3A_195 = arith.constant 0 : i32
      %dma_start3A_196 = arith.constant 0 : i32
      %dma_start3A_197 = tpu.memref_slice %arg12[%dma_start3A_195, %dma_start3A_196] : memref<10240x64xf32, #tpu.memory_space<vmem_shared>> -> memref<10240x64xf32, #tpu.memory_space<vmem_shared>>
      tpu.enqueue_indirect_dma source(%dma_start3A_197 : memref<10240x64xf32, #tpu.memory_space<vmem_shared>>) target(%arg11 : memref<80x64xf32, #tpu.memory_space<vmem>>) offsets(%dma_start3A_194 : memref<80xi32, #tpu.memory_space<vmem>>) semaphore(%arg17 : memref<!tpu.dma_semaphore, #tpu.memory_space<semaphore_mem>>)
      %scan3A_198 = arith.constant 0 : i32
      scf.yield %scan3A_198 : i32
    }
    %scan3A_33 = arith.constant 30 : i32
    %dma_wait3A = arith.constant 9600 : i32
    %dma_wait3A_34 = tpu.memref_slice %arg6[%dma_wait3A] : memref<10000xi32, #tpu.memory_space<vmem>> -> memref<80xi32, #tpu.memory_space<vmem>>
    %dma_wait3A_35 = arith.constant 0 : i32
    %dma_wait3A_36 = arith.constant 0 : i32
    %dma_wait3A_37 = tpu.memref_slice %arg12[%dma_wait3A_35, %dma_wait3A_36] : memref<10240x64xf32, #tpu.memory_space<vmem_shared>> -> memref<10240x64xf32, #tpu.memory_space<vmem_shared>>
    tpu.wait_indirect_dma semaphore(%arg14 : memref<!tpu.dma_semaphore, #tpu.memory_space<semaphore_mem>>) src(%dma_wait3A_37 : memref<10240x64xf32, #tpu.memory_space<vmem_shared>>) dst(%arg8 : memref<80x64xf32, #tpu.memory_space<vmem>>)
    "tpu.region"() ({
      %run_scoped3A = tpu.sem_alloc : memref<!tpu.dma_semaphore, #tpu.memory_space<semaphore_mem>>
      %dma_start3A_68 = arith.constant 9600 : i32
      %dma_start3A_69 = tpu.memref_slice %arg7[%dma_start3A_68] : memref<10000xi32, #tpu.memory_space<vmem>> -> memref<80xi32, #tpu.memory_space<vmem>>
      %dma_start3A_70 = arith.constant 0 : i32
      %dma_start3A_71 = arith.constant 0 : i32
      %dma_start3A_72 = tpu.memref_slice %arg13[%dma_start3A_70, %dma_start3A_71] : memref<10240x64xf32, #tpu.memory_space<vmem_shared>> -> memref<10240x64xf32, #tpu.memory_space<vmem_shared>>
      tpu.enqueue_indirect_dma source(%arg8 : memref<80x64xf32, #tpu.memory_space<vmem>>) target(%dma_start3A_72 : memref<10240x64xf32, #tpu.memory_space<vmem_shared>>) offsets(%dma_start3A_69 : memref<80xi32, #tpu.memory_space<vmem>>) semaphore(%run_scoped3A : memref<!tpu.dma_semaphore, #tpu.memory_space<semaphore_mem>>) {add = true}
      %dma_wait3A_73 = arith.constant 9600 : i32
      %dma_wait3A_74 = tpu.memref_slice %arg7[%dma_wait3A_73] : memref<10000xi32, #tpu.memory_space<vmem>> -> memref<80xi32, #tpu.memory_space<vmem>>
      %dma_wait3A_75 = arith.constant 0 : i32
      %dma_wait3A_76 = arith.constant 0 : i32
      %dma_wait3A_77 = tpu.memref_slice %arg13[%dma_wait3A_75, %dma_wait3A_76] : memref<10240x64xf32, #tpu.memory_space<vmem_shared>> -> memref<10240x64xf32, #tpu.memory_space<vmem_shared>>
      tpu.wait_indirect_dma semaphore(%run_scoped3A : memref<!tpu.dma_semaphore, #tpu.memory_space<semaphore_mem>>) src(%arg8 : memref<80x64xf32, #tpu.memory_space<vmem>>) dst(%dma_wait3A_77 : memref<10240x64xf32, #tpu.memory_space<vmem_shared>>)
      tpu.yield
    }) : () -> ()
    %dma_wait3A_38 = arith.constant 9680 : i32
    %dma_wait3A_39 = tpu.memref_slice %arg6[%dma_wait3A_38] : memref<10000xi32, #tpu.memory_space<vmem>> -> memref<80xi32, #tpu.memory_space<vmem>>
    %dma_wait3A_40 = arith.constant 0 : i32
    %dma_wait3A_41 = arith.constant 0 : i32
    %dma_wait3A_42 = tpu.memref_slice %arg12[%dma_wait3A_40, %dma_wait3A_41] : memref<10240x64xf32, #tpu.memory_space<vmem_shared>> -> memref<10240x64xf32, #tpu.memory_space<vmem_shared>>
    tpu.wait_indirect_dma semaphore(%arg15 : memref<!tpu.dma_semaphore, #tpu.memory_space<semaphore_mem>>) src(%dma_wait3A_42 : memref<10240x64xf32, #tpu.memory_space<vmem_shared>>) dst(%arg9 : memref<80x64xf32, #tpu.memory_space<vmem>>)
    "tpu.region"() ({
      %run_scoped3A = tpu.sem_alloc : memref<!tpu.dma_semaphore, #tpu.memory_space<semaphore_mem>>
      %dma_start3A_68 = arith.constant 9680 : i32
      %dma_start3A_69 = tpu.memref_slice %arg7[%dma_start3A_68] : memref<10000xi32, #tpu.memory_space<vmem>> -> memref<80xi32, #tpu.memory_space<vmem>>
      %dma_start3A_70 = arith.constant 0 : i32
      %dma_start3A_71 = arith.constant 0 : i32
      %dma_start3A_72 = tpu.memref_slice %arg13[%dma_start3A_70, %dma_start3A_71] : memref<10240x64xf32, #tpu.memory_space<vmem_shared>> -> memref<10240x64xf32, #tpu.memory_space<vmem_shared>>
      tpu.enqueue_indirect_dma source(%arg9 : memref<80x64xf32, #tpu.memory_space<vmem>>) target(%dma_start3A_72 : memref<10240x64xf32, #tpu.memory_space<vmem_shared>>) offsets(%dma_start3A_69 : memref<80xi32, #tpu.memory_space<vmem>>) semaphore(%run_scoped3A : memref<!tpu.dma_semaphore, #tpu.memory_space<semaphore_mem>>) {add = true}
      %dma_wait3A_73 = arith.constant 9680 : i32
      %dma_wait3A_74 = tpu.memref_slice %arg7[%dma_wait3A_73] : memref<10000xi32, #tpu.memory_space<vmem>> -> memref<80xi32, #tpu.memory_space<vmem>>
      %dma_wait3A_75 = arith.constant 0 : i32
      %dma_wait3A_76 = arith.constant 0 : i32
      %dma_wait3A_77 = tpu.memref_slice %arg13[%dma_wait3A_75, %dma_wait3A_76] : memref<10240x64xf32, #tpu.memory_space<vmem_shared>> -> memref<10240x64xf32, #tpu.memory_space<vmem_shared>>
      tpu.wait_indirect_dma semaphore(%run_scoped3A : memref<!tpu.dma_semaphore, #tpu.memory_space<semaphore_mem>>) src(%arg9 : memref<80x64xf32, #tpu.memory_space<vmem>>) dst(%dma_wait3A_77 : memref<10240x64xf32, #tpu.memory_space<vmem_shared>>)
      tpu.yield
    }) : () -> ()
    %dma_wait3A_43 = arith.constant 9760 : i32
    %dma_wait3A_44 = tpu.memref_slice %arg6[%dma_wait3A_43] : memref<10000xi32, #tpu.memory_space<vmem>> -> memref<80xi32, #tpu.memory_space<vmem>>
    %dma_wait3A_45 = arith.constant 0 : i32
    %dma_wait3A_46 = arith.constant 0 : i32
    %dma_wait3A_47 = tpu.memref_slice %arg12[%dma_wait3A_45, %dma_wait3A_46] : memref<10240x64xf32, #tpu.memory_space<vmem_shared>> -> memref<10240x64xf32, #tpu.memory_space<vmem_shared>>
    tpu.wait_indirect_dma semaphore(%arg16 : memref<!tpu.dma_semaphore, #tpu.memory_space<semaphore_mem>>) src(%dma_wait3A_47 : memref<10240x64xf32, #tpu.memory_space<vmem_shared>>) dst(%arg10 : memref<80x64xf32, #tpu.memory_space<vmem>>)
    "tpu.region"() ({
      %run_scoped3A = tpu.sem_alloc : memref<!tpu.dma_semaphore, #tpu.memory_space<semaphore_mem>>
      %dma_start3A_68 = arith.constant 9760 : i32
      %dma_start3A_69 = tpu.memref_slice %arg7[%dma_start3A_68] : memref<10000xi32, #tpu.memory_space<vmem>> -> memref<80xi32, #tpu.memory_space<vmem>>
      %dma_start3A_70 = arith.constant 0 : i32
      %dma_start3A_71 = arith.constant 0 : i32
      %dma_start3A_72 = tpu.memref_slice %arg13[%dma_start3A_70, %dma_start3A_71] : memref<10240x64xf32, #tpu.memory_space<vmem_shared>> -> memref<10240x64xf32, #tpu.memory_space<vmem_shared>>
      tpu.enqueue_indirect_dma source(%arg10 : memref<80x64xf32, #tpu.memory_space<vmem>>) target(%dma_start3A_72 : memref<10240x64xf32, #tpu.memory_space<vmem_shared>>) offsets(%dma_start3A_69 : memref<80xi32, #tpu.memory_space<vmem>>) semaphore(%run_scoped3A : memref<!tpu.dma_semaphore, #tpu.memory_space<semaphore_mem>>) {add = true}
      %dma_wait3A_73 = arith.constant 9760 : i32
      %dma_wait3A_74 = tpu.memref_slice %arg7[%dma_wait3A_73] : memref<10000xi32, #tpu.memory_space<vmem>> -> memref<80xi32, #tpu.memory_space<vmem>>
      %dma_wait3A_75 = arith.constant 0 : i32
      %dma_wait3A_76 = arith.constant 0 : i32
      %dma_wait3A_77 = tpu.memref_slice %arg13[%dma_wait3A_75, %dma_wait3A_76] : memref<10240x64xf32, #tpu.memory_space<vmem_shared>> -> memref<10240x64xf32, #tpu.memory_space<vmem_shared>>
      tpu.wait_indirect_dma semaphore(%run_scoped3A : memref<!tpu.dma_semaphore, #tpu.memory_space<semaphore_mem>>) src(%arg10 : memref<80x64xf32, #tpu.memory_space<vmem>>) dst(%dma_wait3A_77 : memref<10240x64xf32, #tpu.memory_space<vmem_shared>>)
      tpu.yield
    }) : () -> ()
    %dma_wait3A_48 = arith.constant 9840 : i32
    %dma_wait3A_49 = tpu.memref_slice %arg6[%dma_wait3A_48] : memref<10000xi32, #tpu.memory_space<vmem>> -> memref<80xi32, #tpu.memory_space<vmem>>
    %dma_wait3A_50 = arith.constant 0 : i32
    %dma_wait3A_51 = arith.constant 0 : i32
    %dma_wait3A_52 = tpu.memref_slice %arg12[%dma_wait3A_50, %dma_wait3A_51] : memref<10240x64xf32, #tpu.memory_space<vmem_shared>> -> memref<10240x64xf32, #tpu.memory_space<vmem_shared>>
    tpu.wait_indirect_dma semaphore(%arg17 : memref<!tpu.dma_semaphore, #tpu.memory_space<semaphore_mem>>) src(%dma_wait3A_52 : memref<10240x64xf32, #tpu.memory_space<vmem_shared>>) dst(%arg11 : memref<80x64xf32, #tpu.memory_space<vmem>>)
    "tpu.region"() ({
      %run_scoped3A = tpu.sem_alloc : memref<!tpu.dma_semaphore, #tpu.memory_space<semaphore_mem>>
      %dma_start3A_68 = arith.constant 9840 : i32
      %dma_start3A_69 = tpu.memref_slice %arg7[%dma_start3A_68] : memref<10000xi32, #tpu.memory_space<vmem>> -> memref<80xi32, #tpu.memory_space<vmem>>
      %dma_start3A_70 = arith.constant 0 : i32
      %dma_start3A_71 = arith.constant 0 : i32
      %dma_start3A_72 = tpu.memref_slice %arg13[%dma_start3A_70, %dma_start3A_71] : memref<10240x64xf32, #tpu.memory_space<vmem_shared>> -> memref<10240x64xf32, #tpu.memory_space<vmem_shared>>
      tpu.enqueue_indirect_dma source(%arg11 : memref<80x64xf32, #tpu.memory_space<vmem>>) target(%dma_start3A_72 : memref<10240x64xf32, #tpu.memory_space<vmem_shared>>) offsets(%dma_start3A_69 : memref<80xi32, #tpu.memory_space<vmem>>) semaphore(%run_scoped3A : memref<!tpu.dma_semaphore, #tpu.memory_space<semaphore_mem>>) {add = true}
      %dma_wait3A_73 = arith.constant 9840 : i32
      %dma_wait3A_74 = tpu.memref_slice %arg7[%dma_wait3A_73] : memref<10000xi32, #tpu.memory_space<vmem>> -> memref<80xi32, #tpu.memory_space<vmem>>
      %dma_wait3A_75 = arith.constant 0 : i32
      %dma_wait3A_76 = arith.constant 0 : i32
      %dma_wait3A_77 = tpu.memref_slice %arg13[%dma_wait3A_75, %dma_wait3A_76] : memref<10240x64xf32, #tpu.memory_space<vmem_shared>> -> memref<10240x64xf32, #tpu.memory_space<vmem_shared>>
      tpu.wait_indirect_dma semaphore(%run_scoped3A : memref<!tpu.dma_semaphore, #tpu.memory_space<semaphore_mem>>) src(%arg11 : memref<80x64xf32, #tpu.memory_space<vmem>>) dst(%dma_wait3A_77 : memref<10240x64xf32, #tpu.memory_space<vmem_shared>>)
      tpu.yield
    }) : () -> ()
    %dma_start3A_53 = arith.constant 9920 : i32
    %dma_start3A_54 = tpu.memref_slice %arg6[%dma_start3A_53] : memref<10000xi32, #tpu.memory_space<vmem>> -> memref<80xi32, #tpu.memory_space<vmem>>
    %dma_start3A_55 = arith.constant 0 : i32
    %dma_start3A_56 = arith.constant 0 : i32
    %dma_start3A_57 = tpu.memref_slice %arg12[%dma_start3A_55, %dma_start3A_56] : memref<10240x64xf32, #tpu.memory_space<vmem_shared>> -> memref<10240x64xf32, #tpu.memory_space<vmem_shared>>
    tpu.enqueue_indirect_dma source(%dma_start3A_57 : memref<10240x64xf32, #tpu.memory_space<vmem_shared>>) target(%arg8 : memref<80x64xf32, #tpu.memory_space<vmem>>) offsets(%dma_start3A_54 : memref<80xi32, #tpu.memory_space<vmem>>) semaphore(%arg14 : memref<!tpu.dma_semaphore, #tpu.memory_space<semaphore_mem>>)
    %dma_wait3A_58 = arith.constant 9920 : i32
    %dma_wait3A_59 = tpu.memref_slice %arg6[%dma_wait3A_58] : memref<10000xi32, #tpu.memory_space<vmem>> -> memref<80xi32, #tpu.memory_space<vmem>>
    %dma_wait3A_60 = arith.constant 0 : i32
    %dma_wait3A_61 = arith.constant 0 : i32
    %dma_wait3A_62 = tpu.memref_slice %arg12[%dma_wait3A_60, %dma_wait3A_61] : memref<10240x64xf32, #tpu.memory_space<vmem_shared>> -> memref<10240x64xf32, #tpu.memory_space<vmem_shared>>
    tpu.wait_indirect_dma semaphore(%arg14 : memref<!tpu.dma_semaphore, #tpu.memory_space<semaphore_mem>>) src(%dma_wait3A_62 : memref<10240x64xf32, #tpu.memory_space<vmem_shared>>) dst(%arg8 : memref<80x64xf32, #tpu.memory_space<vmem>>)
    "tpu.region"() ({
      %run_scoped3A = tpu.sem_alloc : memref<!tpu.dma_semaphore, #tpu.memory_space<semaphore_mem>>
      %dma_start3A_68 = arith.constant 9920 : i32
      %dma_start3A_69 = tpu.memref_slice %arg7[%dma_start3A_68] : memref<10000xi32, #tpu.memory_space<vmem>> -> memref<80xi32, #tpu.memory_space<vmem>>
      %dma_start3A_70 = arith.constant 0 : i32
      %dma_start3A_71 = arith.constant 0 : i32
      %dma_start3A_72 = tpu.memref_slice %arg13[%dma_start3A_70, %dma_start3A_71] : memref<10240x64xf32, #tpu.memory_space<vmem_shared>> -> memref<10240x64xf32, #tpu.memory_space<vmem_shared>>
      tpu.enqueue_indirect_dma source(%arg8 : memref<80x64xf32, #tpu.memory_space<vmem>>) target(%dma_start3A_72 : memref<10240x64xf32, #tpu.memory_space<vmem_shared>>) offsets(%dma_start3A_69 : memref<80xi32, #tpu.memory_space<vmem>>) semaphore(%run_scoped3A : memref<!tpu.dma_semaphore, #tpu.memory_space<semaphore_mem>>) {add = true}
      %dma_wait3A_73 = arith.constant 9920 : i32
      %dma_wait3A_74 = tpu.memref_slice %arg7[%dma_wait3A_73] : memref<10000xi32, #tpu.memory_space<vmem>> -> memref<80xi32, #tpu.memory_space<vmem>>
      %dma_wait3A_75 = arith.constant 0 : i32
      %dma_wait3A_76 = arith.constant 0 : i32
      %dma_wait3A_77 = tpu.memref_slice %arg13[%dma_wait3A_75, %dma_wait3A_76] : memref<10240x64xf32, #tpu.memory_space<vmem_shared>> -> memref<10240x64xf32, #tpu.memory_space<vmem_shared>>
      tpu.wait_indirect_dma semaphore(%run_scoped3A : memref<!tpu.dma_semaphore, #tpu.memory_space<semaphore_mem>>) src(%arg8 : memref<80x64xf32, #tpu.memory_space<vmem>>) dst(%dma_wait3A_77 : memref<10240x64xf32, #tpu.memory_space<vmem_shared>>)
      tpu.yield
    }) : () -> ()
    %barrier3A_63 = arith.constant 0 : index
    tpu.barrier barrier_id(%barrier3A_63)
    %mul3A_64 = arith.constant 640 : i32
    %mul3A_65 = arith.muli %arg1, %mul3A_64 : i32
    %mul3A_66 = arith.constant 640 : i32
    %mul3A_67 = arith.muli %arg1, %mul3A_66 : i32
    "tpu.region"() ({
      %run_scoped3A = tpu.sem_alloc : memref<!tpu.dma_semaphore, #tpu.memory_space<semaphore_mem>>
      %dma_start3A_68 = arith.constant 0 : i32
      %dma_start3A_69 = tpu.memref_slice %arg5[%arg0, %mul3A_67, %dma_start3A_68] : memref<2x10240x64xf32, #tpu.memory_space<hbm>> -> memref<1x640x64xf32, #tpu.memory_space<hbm>>
      %dma_start3A_70 = tpu.memref_squeeze %dma_start3A_69 : memref<1x640x64xf32, #tpu.memory_space<hbm>> -> memref<640x64xf32, #tpu.memory_space<hbm>>
      %dma_start3A_71 = arith.constant 0 : i32
      %dma_start3A_72 = tpu.memref_slice %arg13[%mul3A_65, %dma_start3A_71] : memref<10240x64xf32, #tpu.memory_space<vmem_shared>> -> memref<640x64xf32, #tpu.memory_space<vmem_shared>>
      tpu.enqueue_dma source(%dma_start3A_72 : memref<640x64xf32, #tpu.memory_space<vmem_shared>>) target(%dma_start3A_70 : memref<640x64xf32, #tpu.memory_space<hbm>>) target_semaphore(%run_scoped3A : memref<!tpu.dma_semaphore, #tpu.memory_space<semaphore_mem>>)
      %dma_wait3A_73 = arith.constant 0 : i32
      %dma_wait3A_74 = tpu.memref_slice %arg5[%arg0, %mul3A_67, %dma_wait3A_73] : memref<2x10240x64xf32, #tpu.memory_space<hbm>> -> memref<1x640x64xf32, #tpu.memory_space<hbm>>
      %dma_wait3A_75 = tpu.memref_squeeze %dma_wait3A_74 : memref<1x640x64xf32, #tpu.memory_space<hbm>> -> memref<640x64xf32, #tpu.memory_space<hbm>>
      %dma_wait3A_76 = arith.constant 0 : i32
      %dma_wait3A_77 = tpu.memref_slice %arg13[%mul3A_65, %dma_wait3A_76] : memref<10240x64xf32, #tpu.memory_space<vmem_shared>> -> memref<640x64xf32, #tpu.memory_space<vmem_shared>>
      tpu.wait_dma2 semaphore(%run_scoped3A : memref<!tpu.dma_semaphore, #tpu.memory_space<semaphore_mem>>) src(%dma_wait3A_77 : memref<640x64xf32, #tpu.memory_space<vmem_shared>>) dst(%dma_wait3A_75 : memref<640x64xf32, #tpu.memory_space<hbm>>)
      tpu.yield
    }) : () -> ()
    return
  }
}

#map = affine_map<(d0, d1) -> (0, 0)>
#map1 = affine_map<(d0, d1) -> (0, 0, 0)>
module attributes {stable_mosaic.version = 14 : i64} {
  func.func @_agg_body(%arg0: i32, %arg1: i32, %arg2: memref<10240x64xf32, #tpu.memory_space<hbm>>, %arg3: memref<32x10000xi32, #tpu.memory_space<hbm>>, %arg4: memref<32x10000xi32, #tpu.memory_space<hbm>>, %arg5: memref<2x10240x64xf32, #tpu.memory_space<hbm>>, %arg6: memref<10000xi32, #tpu.memory_space<vmem>>, %arg7: memref<10000xi32, #tpu.memory_space<vmem>>, %arg8: memref<80x64xf32, #tpu.memory_space<vmem>>, %arg9: memref<80x64xf32, #tpu.memory_space<vmem>>, %arg10: memref<80x64xf32, #tpu.memory_space<vmem>>, %arg11: memref<80x64xf32, #tpu.memory_space<vmem>>, %arg12: memref<10240x64xf32, #tpu.memory_space<vmem_shared>>, %arg13: memref<10240x64xf32, #tpu.memory_space<vmem_shared>>, %arg14: memref<!tpu.dma_semaphore, #tpu.memory_space<semaphore_mem>>, %arg15: memref<!tpu.dma_semaphore, #tpu.memory_space<semaphore_mem>>, %arg16: memref<!tpu.dma_semaphore, #tpu.memory_space<semaphore_mem>>, %arg17: memref<!tpu.dma_semaphore, #tpu.memory_space<semaphore_mem>>, %arg18: memref<!tpu.dma_semaphore, #tpu.memory_space<semaphore_mem>>, %arg19: memref<!tpu.dma_semaphore, #tpu.memory_space<semaphore_mem>>, %arg20: memref<!tpu.dma_semaphore, #tpu.memory_space<semaphore_mem>>, %arg21: memref<!tpu.dma_semaphore, #tpu.memory_space<semaphore_mem>>) attributes {dimension_semantics = [#tpu.dimension_semantics<core_parallel>, #tpu.dimension_semantics<subcore_parallel>], iteration_bounds = array<i64: 2, 16>, scalar_prefetch = 0 : i64, scratch_operands = 16 : i64, tpu.core_type = #tpu.core_type<sc_vector_subcore>, window_params = [{transform_indices = #map}, {transform_indices = #map}, {transform_indices = #map}, {transform_indices = #map1}]} {
    %mul3A = arith.constant 16 : i32
    %mul3A_0 = arith.muli %arg0, %mul3A : i32
    %add3A = arith.addi %mul3A_0, %arg1 : i32
    %mul3A_1 = arith.constant 640 : i32
    %mul3A_2 = arith.muli %arg1, %mul3A_1 : i32
    %mul3A_3 = arith.constant 640 : i32
    %mul3A_4 = arith.muli %arg1, %mul3A_3 : i32
    "tpu.region"() ({
      %run_scoped3A = tpu.sem_alloc : memref<!tpu.dma_semaphore, #tpu.memory_space<semaphore_mem>>
      %dma_start3A_68 = arith.constant 0 : i32
      %dma_start3A_69 = tpu.memref_slice %arg12[%mul3A_4, %dma_start3A_68] : memref<10240x64xf32, #tpu.memory_space<vmem_shared>> -> memref<640x64xf32, #tpu.memory_space<vmem_shared>>
      %dma_start3A_70 = arith.constant 0 : i32
      %dma_start3A_71 = tpu.memref_slice %arg2[%mul3A_2, %dma_start3A_70] : memref<10240x64xf32, #tpu.memory_space<hbm>> -> memref<640x64xf32, #tpu.memory_space<hbm>>
      tpu.enqueue_dma source(%dma_start3A_71 : memref<640x64xf32, #tpu.memory_space<hbm>>) target(%dma_start3A_69 : memref<640x64xf32, #tpu.memory_space<vmem_shared>>) target_semaphore(%run_scoped3A : memref<!tpu.dma_semaphore, #tpu.memory_space<semaphore_mem>>)
      %dma_wait3A_72 = arith.constant 0 : i32
      %dma_wait3A_73 = tpu.memref_slice %arg12[%mul3A_4, %dma_wait3A_72] : memref<10240x64xf32, #tpu.memory_space<vmem_shared>> -> memref<640x64xf32, #tpu.memory_space<vmem_shared>>
      %dma_wait3A_74 = arith.constant 0 : i32
      %dma_wait3A_75 = tpu.memref_slice %arg2[%mul3A_2, %dma_wait3A_74] : memref<10240x64xf32, #tpu.memory_space<hbm>> -> memref<640x64xf32, #tpu.memory_space<hbm>>
      tpu.wait_dma2 semaphore(%run_scoped3A : memref<!tpu.dma_semaphore, #tpu.memory_space<semaphore_mem>>) src(%dma_wait3A_75 : memref<640x64xf32, #tpu.memory_space<hbm>>) dst(%dma_wait3A_73 : memref<640x64xf32, #tpu.memory_space<vmem_shared>>)
      tpu.yield
    }) : () -> ()
    %mul3A_5 = arith.constant 640 : i32
    %mul3A_6 = arith.muli %arg1, %mul3A_5 : i32
    %mul3A_7 = arith.constant 640 : i32
    %mul3A_8 = arith.muli %arg1, %mul3A_7 : i32
    "tpu.region"() ({
      %run_scoped3A = tpu.sem_alloc : memref<!tpu.dma_semaphore, #tpu.memory_space<semaphore_mem>>
      %dma_start3A_68 = arith.constant 0 : i32
      %dma_start3A_69 = tpu.memref_slice %arg13[%mul3A_8, %dma_start3A_68] : memref<10240x64xf32, #tpu.memory_space<vmem_shared>> -> memref<640x64xf32, #tpu.memory_space<vmem_shared>>
      %dma_start3A_70 = arith.constant 0 : i32
      %dma_start3A_71 = tpu.memref_slice %arg2[%mul3A_6, %dma_start3A_70] : memref<10240x64xf32, #tpu.memory_space<hbm>> -> memref<640x64xf32, #tpu.memory_space<hbm>>
      tpu.enqueue_dma source(%dma_start3A_71 : memref<640x64xf32, #tpu.memory_space<hbm>>) target(%dma_start3A_69 : memref<640x64xf32, #tpu.memory_space<vmem_shared>>) target_semaphore(%run_scoped3A : memref<!tpu.dma_semaphore, #tpu.memory_space<semaphore_mem>>)
      %dma_wait3A_72 = arith.constant 0 : i32
      %dma_wait3A_73 = tpu.memref_slice %arg13[%mul3A_8, %dma_wait3A_72] : memref<10240x64xf32, #tpu.memory_space<vmem_shared>> -> memref<640x64xf32, #tpu.memory_space<vmem_shared>>
      %dma_wait3A_74 = arith.constant 0 : i32
      %dma_wait3A_75 = tpu.memref_slice %arg2[%mul3A_6, %dma_wait3A_74] : memref<10240x64xf32, #tpu.memory_space<hbm>> -> memref<640x64xf32, #tpu.memory_space<hbm>>
      tpu.wait_dma2 semaphore(%run_scoped3A : memref<!tpu.dma_semaphore, #tpu.memory_space<semaphore_mem>>) src(%dma_wait3A_75 : memref<640x64xf32, #tpu.memory_space<hbm>>) dst(%dma_wait3A_73 : memref<640x64xf32, #tpu.memory_space<vmem_shared>>)
      tpu.yield
    }) : () -> ()
    "tpu.region"() ({
      %run_scoped3A = tpu.sem_alloc : memref<!tpu.dma_semaphore, #tpu.memory_space<semaphore_mem>>
      %dma_start3A_68 = arith.constant 0 : i32
      %dma_start3A_69 = tpu.memref_slice %arg3[%add3A, %dma_start3A_68] : memref<32x10000xi32, #tpu.memory_space<hbm>> -> memref<1x10000xi32, #tpu.memory_space<hbm>>
      %dma_start3A_70 = tpu.memref_squeeze %dma_start3A_69 : memref<1x10000xi32, #tpu.memory_space<hbm>> -> memref<10000xi32, #tpu.memory_space<hbm>>
      %dma_start3A_71 = arith.constant 0 : i32
      %dma_start3A_72 = tpu.memref_slice %arg3[%add3A, %dma_start3A_71] : memref<32x10000xi32, #tpu.memory_space<hbm>> -> memref<1x10000xi32, #tpu.memory_space<hbm>>
      %dma_start3A_73 = tpu.memref_squeeze %dma_start3A_72 : memref<1x10000xi32, #tpu.memory_space<hbm>> -> memref<10000xi32, #tpu.memory_space<hbm>>
      tpu.enqueue_dma source(%dma_start3A_73 : memref<10000xi32, #tpu.memory_space<hbm>>) target(%arg6 : memref<10000xi32, #tpu.memory_space<vmem>>) target_semaphore(%run_scoped3A : memref<!tpu.dma_semaphore, #tpu.memory_space<semaphore_mem>>)
      %dma_wait3A_74 = arith.constant 0 : i32
      %dma_wait3A_75 = tpu.memref_slice %arg3[%add3A, %dma_wait3A_74] : memref<32x10000xi32, #tpu.memory_space<hbm>> -> memref<1x10000xi32, #tpu.memory_space<hbm>>
      %dma_wait3A_76 = tpu.memref_squeeze %dma_wait3A_75 : memref<1x10000xi32, #tpu.memory_space<hbm>> -> memref<10000xi32, #tpu.memory_space<hbm>>
      %dma_wait3A_77 = arith.constant 0 : i32
      %dma_wait3A_78 = tpu.memref_slice %arg3[%add3A, %dma_wait3A_77] : memref<32x10000xi32, #tpu.memory_space<hbm>> -> memref<1x10000xi32, #tpu.memory_space<hbm>>
      %dma_wait3A_79 = tpu.memref_squeeze %dma_wait3A_78 : memref<1x10000xi32, #tpu.memory_space<hbm>> -> memref<10000xi32, #tpu.memory_space<hbm>>
      tpu.wait_dma2 semaphore(%run_scoped3A : memref<!tpu.dma_semaphore, #tpu.memory_space<semaphore_mem>>) src(%dma_wait3A_79 : memref<10000xi32, #tpu.memory_space<hbm>>) dst(%arg6 : memref<10000xi32, #tpu.memory_space<vmem>>)
      tpu.yield
    }) : () -> ()
    "tpu.region"() ({
      %run_scoped3A = tpu.sem_alloc : memref<!tpu.dma_semaphore, #tpu.memory_space<semaphore_mem>>
      %dma_start3A_68 = arith.constant 0 : i32
      %dma_start3A_69 = tpu.memref_slice %arg4[%add3A, %dma_start3A_68] : memref<32x10000xi32, #tpu.memory_space<hbm>> -> memref<1x10000xi32, #tpu.memory_space<hbm>>
      %dma_start3A_70 = tpu.memref_squeeze %dma_start3A_69 : memref<1x10000xi32, #tpu.memory_space<hbm>> -> memref<10000xi32, #tpu.memory_space<hbm>>
      %dma_start3A_71 = arith.constant 0 : i32
      %dma_start3A_72 = tpu.memref_slice %arg4[%add3A, %dma_start3A_71] : memref<32x10000xi32, #tpu.memory_space<hbm>> -> memref<1x10000xi32, #tpu.memory_space<hbm>>
      %dma_start3A_73 = tpu.memref_squeeze %dma_start3A_72 : memref<1x10000xi32, #tpu.memory_space<hbm>> -> memref<10000xi32, #tpu.memory_space<hbm>>
      tpu.enqueue_dma source(%dma_start3A_73 : memref<10000xi32, #tpu.memory_space<hbm>>) target(%arg7 : memref<10000xi32, #tpu.memory_space<vmem>>) target_semaphore(%run_scoped3A : memref<!tpu.dma_semaphore, #tpu.memory_space<semaphore_mem>>)
      %dma_wait3A_74 = arith.constant 0 : i32
      %dma_wait3A_75 = tpu.memref_slice %arg4[%add3A, %dma_wait3A_74] : memref<32x10000xi32, #tpu.memory_space<hbm>> -> memref<1x10000xi32, #tpu.memory_space<hbm>>
      %dma_wait3A_76 = tpu.memref_squeeze %dma_wait3A_75 : memref<1x10000xi32, #tpu.memory_space<hbm>> -> memref<10000xi32, #tpu.memory_space<hbm>>
      %dma_wait3A_77 = arith.constant 0 : i32
      %dma_wait3A_78 = tpu.memref_slice %arg4[%add3A, %dma_wait3A_77] : memref<32x10000xi32, #tpu.memory_space<hbm>> -> memref<1x10000xi32, #tpu.memory_space<hbm>>
      %dma_wait3A_79 = tpu.memref_squeeze %dma_wait3A_78 : memref<1x10000xi32, #tpu.memory_space<hbm>> -> memref<10000xi32, #tpu.memory_space<hbm>>
      tpu.wait_dma2 semaphore(%run_scoped3A : memref<!tpu.dma_semaphore, #tpu.memory_space<semaphore_mem>>) src(%dma_wait3A_79 : memref<10000xi32, #tpu.memory_space<hbm>>) dst(%arg7 : memref<10000xi32, #tpu.memory_space<vmem>>)
      tpu.yield
    }) : () -> ()
    %barrier3A = arith.constant 0 : index
    tpu.barrier barrier_id(%barrier3A)
    %dma_start3A = arith.constant 0 : i32
    %dma_start3A_9 = tpu.memref_slice %arg6[%dma_start3A] : memref<10000xi32, #tpu.memory_space<vmem>> -> memref<80xi32, #tpu.memory_space<vmem>>
    %dma_start3A_10 = arith.constant 0 : i32
    %dma_start3A_11 = arith.constant 0 : i32
    %dma_start3A_12 = tpu.memref_slice %arg12[%dma_start3A_10, %dma_start3A_11] : memref<10240x64xf32, #tpu.memory_space<vmem_shared>> -> memref<10240x64xf32, #tpu.memory_space<vmem_shared>>
    tpu.enqueue_indirect_dma source(%dma_start3A_12 : memref<10240x64xf32, #tpu.memory_space<vmem_shared>>) target(%arg8 : memref<80x64xf32, #tpu.memory_space<vmem>>) offsets(%dma_start3A_9 : memref<80xi32, #tpu.memory_space<vmem>>) semaphore(%arg14 : memref<!tpu.dma_semaphore, #tpu.memory_space<semaphore_mem>>)
    %dma_start3A_13 = arith.constant 80 : i32
    %dma_start3A_14 = tpu.memref_slice %arg6[%dma_start3A_13] : memref<10000xi32, #tpu.memory_space<vmem>> -> memref<80xi32, #tpu.memory_space<vmem>>
    %dma_start3A_15 = arith.constant 0 : i32
    %dma_start3A_16 = arith.constant 0 : i32
    %dma_start3A_17 = tpu.memref_slice %arg12[%dma_start3A_15, %dma_start3A_16] : memref<10240x64xf32, #tpu.memory_space<vmem_shared>> -> memref<10240x64xf32, #tpu.memory_space<vmem_shared>>
    tpu.enqueue_indirect_dma source(%dma_start3A_17 : memref<10240x64xf32, #tpu.memory_space<vmem_shared>>) target(%arg9 : memref<80x64xf32, #tpu.memory_space<vmem>>) offsets(%dma_start3A_14 : memref<80xi32, #tpu.memory_space<vmem>>) semaphore(%arg15 : memref<!tpu.dma_semaphore, #tpu.memory_space<semaphore_mem>>)
    %dma_start3A_18 = arith.constant 160 : i32
    %dma_start3A_19 = tpu.memref_slice %arg6[%dma_start3A_18] : memref<10000xi32, #tpu.memory_space<vmem>> -> memref<80xi32, #tpu.memory_space<vmem>>
    %dma_start3A_20 = arith.constant 0 : i32
    %dma_start3A_21 = arith.constant 0 : i32
    %dma_start3A_22 = tpu.memref_slice %arg12[%dma_start3A_20, %dma_start3A_21] : memref<10240x64xf32, #tpu.memory_space<vmem_shared>> -> memref<10240x64xf32, #tpu.memory_space<vmem_shared>>
    tpu.enqueue_indirect_dma source(%dma_start3A_22 : memref<10240x64xf32, #tpu.memory_space<vmem_shared>>) target(%arg10 : memref<80x64xf32, #tpu.memory_space<vmem>>) offsets(%dma_start3A_19 : memref<80xi32, #tpu.memory_space<vmem>>) semaphore(%arg16 : memref<!tpu.dma_semaphore, #tpu.memory_space<semaphore_mem>>)
    %dma_start3A_23 = arith.constant 240 : i32
    %dma_start3A_24 = tpu.memref_slice %arg6[%dma_start3A_23] : memref<10000xi32, #tpu.memory_space<vmem>> -> memref<80xi32, #tpu.memory_space<vmem>>
    %dma_start3A_25 = arith.constant 0 : i32
    %dma_start3A_26 = arith.constant 0 : i32
    %dma_start3A_27 = tpu.memref_slice %arg12[%dma_start3A_25, %dma_start3A_26] : memref<10240x64xf32, #tpu.memory_space<vmem_shared>> -> memref<10240x64xf32, #tpu.memory_space<vmem_shared>>
    tpu.enqueue_indirect_dma source(%dma_start3A_27 : memref<10240x64xf32, #tpu.memory_space<vmem_shared>>) target(%arg11 : memref<80x64xf32, #tpu.memory_space<vmem>>) offsets(%dma_start3A_24 : memref<80xi32, #tpu.memory_space<vmem>>) semaphore(%arg17 : memref<!tpu.dma_semaphore, #tpu.memory_space<semaphore_mem>>)
    %scan3A = arith.constant 0 : i32
    %scan3A_28 = arith.constant 0 : i32
    %scan3A_29 = arith.constant 30 : i32
    %scan3A_30 = arith.addi %scan3A_28, %scan3A_29 : i32
    %scan3A_31 = arith.constant 1 : i32
    %scan3A_32 = scf.for %scan3A_68 = %scan3A_28 to %scan3A_30 step %scan3A_31 iter_args(%scan3A_69 = %scan3A) -> (i32)  : i32 {
      %mul3A_70 = arith.constant 4 : i32
      %mul3A_71 = arith.muli %mul3A_70, %scan3A_68 : i32
      %add3A_72 = arith.constant 0 : i32
      %add3A_73 = arith.addi %mul3A_71, %add3A_72 : i32
      %mul3A_74 = arith.constant 80 : i32
      %mul3A_75 = arith.muli %add3A_73, %mul3A_74 : i32
      %dma_wait3A_76 = tpu.memref_slice %arg6[%mul3A_75] : memref<10000xi32, #tpu.memory_space<vmem>> -> memref<80xi32, #tpu.memory_space<vmem>>
      %dma_wait3A_77 = arith.constant 0 : i32
      %dma_wait3A_78 = arith.constant 0 : i32
      %dma_wait3A_79 = tpu.memref_slice %arg12[%dma_wait3A_77, %dma_wait3A_78] : memref<10240x64xf32, #tpu.memory_space<vmem_shared>> -> memref<10240x64xf32, #tpu.memory_space<vmem_shared>>
      tpu.wait_indirect_dma semaphore(%arg14 : memref<!tpu.dma_semaphore, #tpu.memory_space<semaphore_mem>>) src(%dma_wait3A_79 : memref<10240x64xf32, #tpu.memory_space<vmem_shared>>) dst(%arg8 : memref<80x64xf32, #tpu.memory_space<vmem>>)
      %mul3A_80 = arith.constant 80 : i32
      %mul3A_81 = arith.muli %add3A_73, %mul3A_80 : i32
      %dma_start3A_82 = tpu.memref_slice %arg7[%mul3A_81] : memref<10000xi32, #tpu.memory_space<vmem>> -> memref<80xi32, #tpu.memory_space<vmem>>
      %dma_start3A_83 = arith.constant 0 : i32
      %dma_start3A_84 = arith.constant 0 : i32
      %dma_start3A_85 = tpu.memref_slice %arg13[%dma_start3A_83, %dma_start3A_84] : memref<10240x64xf32, #tpu.memory_space<vmem_shared>> -> memref<10240x64xf32, #tpu.memory_space<vmem_shared>>
      tpu.enqueue_indirect_dma source(%arg8 : memref<80x64xf32, #tpu.memory_space<vmem>>) target(%dma_start3A_85 : memref<10240x64xf32, #tpu.memory_space<vmem_shared>>) offsets(%dma_start3A_82 : memref<80xi32, #tpu.memory_space<vmem>>) semaphore(%arg18 : memref<!tpu.dma_semaphore, #tpu.memory_space<semaphore_mem>>) {add = true}
      %mul3A_86 = arith.constant 4 : i32
      %mul3A_87 = arith.muli %mul3A_86, %scan3A_68 : i32
      %add3A_88 = arith.constant 1 : i32
      %add3A_89 = arith.addi %mul3A_87, %add3A_88 : i32
      %mul3A_90 = arith.constant 80 : i32
      %mul3A_91 = arith.muli %add3A_89, %mul3A_90 : i32
      %dma_wait3A_92 = tpu.memref_slice %arg6[%mul3A_91] : memref<10000xi32, #tpu.memory_space<vmem>> -> memref<80xi32, #tpu.memory_space<vmem>>
      %dma_wait3A_93 = arith.constant 0 : i32
      %dma_wait3A_94 = arith.constant 0 : i32
      %dma_wait3A_95 = tpu.memref_slice %arg12[%dma_wait3A_93, %dma_wait3A_94] : memref<10240x64xf32, #tpu.memory_space<vmem_shared>> -> memref<10240x64xf32, #tpu.memory_space<vmem_shared>>
      tpu.wait_indirect_dma semaphore(%arg15 : memref<!tpu.dma_semaphore, #tpu.memory_space<semaphore_mem>>) src(%dma_wait3A_95 : memref<10240x64xf32, #tpu.memory_space<vmem_shared>>) dst(%arg9 : memref<80x64xf32, #tpu.memory_space<vmem>>)
      %mul3A_96 = arith.constant 80 : i32
      %mul3A_97 = arith.muli %add3A_89, %mul3A_96 : i32
      %dma_start3A_98 = tpu.memref_slice %arg7[%mul3A_97] : memref<10000xi32, #tpu.memory_space<vmem>> -> memref<80xi32, #tpu.memory_space<vmem>>
      %dma_start3A_99 = arith.constant 0 : i32
      %dma_start3A_100 = arith.constant 0 : i32
      %dma_start3A_101 = tpu.memref_slice %arg13[%dma_start3A_99, %dma_start3A_100] : memref<10240x64xf32, #tpu.memory_space<vmem_shared>> -> memref<10240x64xf32, #tpu.memory_space<vmem_shared>>
      tpu.enqueue_indirect_dma source(%arg9 : memref<80x64xf32, #tpu.memory_space<vmem>>) target(%dma_start3A_101 : memref<10240x64xf32, #tpu.memory_space<vmem_shared>>) offsets(%dma_start3A_98 : memref<80xi32, #tpu.memory_space<vmem>>) semaphore(%arg19 : memref<!tpu.dma_semaphore, #tpu.memory_space<semaphore_mem>>) {add = true}
      %mul3A_102 = arith.constant 4 : i32
      %mul3A_103 = arith.muli %mul3A_102, %scan3A_68 : i32
      %add3A_104 = arith.constant 2 : i32
      %add3A_105 = arith.addi %mul3A_103, %add3A_104 : i32
      %mul3A_106 = arith.constant 80 : i32
      %mul3A_107 = arith.muli %add3A_105, %mul3A_106 : i32
      %dma_wait3A_108 = tpu.memref_slice %arg6[%mul3A_107] : memref<10000xi32, #tpu.memory_space<vmem>> -> memref<80xi32, #tpu.memory_space<vmem>>
      %dma_wait3A_109 = arith.constant 0 : i32
      %dma_wait3A_110 = arith.constant 0 : i32
      %dma_wait3A_111 = tpu.memref_slice %arg12[%dma_wait3A_109, %dma_wait3A_110] : memref<10240x64xf32, #tpu.memory_space<vmem_shared>> -> memref<10240x64xf32, #tpu.memory_space<vmem_shared>>
      tpu.wait_indirect_dma semaphore(%arg16 : memref<!tpu.dma_semaphore, #tpu.memory_space<semaphore_mem>>) src(%dma_wait3A_111 : memref<10240x64xf32, #tpu.memory_space<vmem_shared>>) dst(%arg10 : memref<80x64xf32, #tpu.memory_space<vmem>>)
      %mul3A_112 = arith.constant 80 : i32
      %mul3A_113 = arith.muli %add3A_105, %mul3A_112 : i32
      %dma_start3A_114 = tpu.memref_slice %arg7[%mul3A_113] : memref<10000xi32, #tpu.memory_space<vmem>> -> memref<80xi32, #tpu.memory_space<vmem>>
      %dma_start3A_115 = arith.constant 0 : i32
      %dma_start3A_116 = arith.constant 0 : i32
      %dma_start3A_117 = tpu.memref_slice %arg13[%dma_start3A_115, %dma_start3A_116] : memref<10240x64xf32, #tpu.memory_space<vmem_shared>> -> memref<10240x64xf32, #tpu.memory_space<vmem_shared>>
      tpu.enqueue_indirect_dma source(%arg10 : memref<80x64xf32, #tpu.memory_space<vmem>>) target(%dma_start3A_117 : memref<10240x64xf32, #tpu.memory_space<vmem_shared>>) offsets(%dma_start3A_114 : memref<80xi32, #tpu.memory_space<vmem>>) semaphore(%arg20 : memref<!tpu.dma_semaphore, #tpu.memory_space<semaphore_mem>>) {add = true}
      %mul3A_118 = arith.constant 4 : i32
      %mul3A_119 = arith.muli %mul3A_118, %scan3A_68 : i32
      %add3A_120 = arith.constant 3 : i32
      %add3A_121 = arith.addi %mul3A_119, %add3A_120 : i32
      %mul3A_122 = arith.constant 80 : i32
      %mul3A_123 = arith.muli %add3A_121, %mul3A_122 : i32
      %dma_wait3A_124 = tpu.memref_slice %arg6[%mul3A_123] : memref<10000xi32, #tpu.memory_space<vmem>> -> memref<80xi32, #tpu.memory_space<vmem>>
      %dma_wait3A_125 = arith.constant 0 : i32
      %dma_wait3A_126 = arith.constant 0 : i32
      %dma_wait3A_127 = tpu.memref_slice %arg12[%dma_wait3A_125, %dma_wait3A_126] : memref<10240x64xf32, #tpu.memory_space<vmem_shared>> -> memref<10240x64xf32, #tpu.memory_space<vmem_shared>>
      tpu.wait_indirect_dma semaphore(%arg17 : memref<!tpu.dma_semaphore, #tpu.memory_space<semaphore_mem>>) src(%dma_wait3A_127 : memref<10240x64xf32, #tpu.memory_space<vmem_shared>>) dst(%arg11 : memref<80x64xf32, #tpu.memory_space<vmem>>)
      %mul3A_128 = arith.constant 80 : i32
      %mul3A_129 = arith.muli %add3A_121, %mul3A_128 : i32
      %dma_start3A_130 = tpu.memref_slice %arg7[%mul3A_129] : memref<10000xi32, #tpu.memory_space<vmem>> -> memref<80xi32, #tpu.memory_space<vmem>>
      %dma_start3A_131 = arith.constant 0 : i32
      %dma_start3A_132 = arith.constant 0 : i32
      %dma_start3A_133 = tpu.memref_slice %arg13[%dma_start3A_131, %dma_start3A_132] : memref<10240x64xf32, #tpu.memory_space<vmem_shared>> -> memref<10240x64xf32, #tpu.memory_space<vmem_shared>>
      tpu.enqueue_indirect_dma source(%arg11 : memref<80x64xf32, #tpu.memory_space<vmem>>) target(%dma_start3A_133 : memref<10240x64xf32, #tpu.memory_space<vmem_shared>>) offsets(%dma_start3A_130 : memref<80xi32, #tpu.memory_space<vmem>>) semaphore(%arg21 : memref<!tpu.dma_semaphore, #tpu.memory_space<semaphore_mem>>) {add = true}
      %add3A_134 = arith.constant 1 : i32
      %add3A_135 = arith.addi %scan3A_68, %add3A_134 : i32
      %mul3A_136 = arith.constant 4 : i32
      %mul3A_137 = arith.muli %mul3A_136, %add3A_135 : i32
      %add3A_138 = arith.constant 0 : i32
      %add3A_139 = arith.addi %mul3A_137, %add3A_138 : i32
      %dma_wait3A_140 = tpu.memref_slice %arg7[%mul3A_81] : memref<10000xi32, #tpu.memory_space<vmem>> -> memref<80xi32, #tpu.memory_space<vmem>>
      %dma_wait3A_141 = arith.constant 0 : i32
      %dma_wait3A_142 = arith.constant 0 : i32
      %dma_wait3A_143 = tpu.memref_slice %arg13[%dma_wait3A_141, %dma_wait3A_142] : memref<10240x64xf32, #tpu.memory_space<vmem_shared>> -> memref<10240x64xf32, #tpu.memory_space<vmem_shared>>
      tpu.wait_indirect_dma semaphore(%arg18 : memref<!tpu.dma_semaphore, #tpu.memory_space<semaphore_mem>>) src(%arg8 : memref<80x64xf32, #tpu.memory_space<vmem>>) dst(%dma_wait3A_143 : memref<10240x64xf32, #tpu.memory_space<vmem_shared>>)
      %mul3A_144 = arith.constant 80 : i32
      %mul3A_145 = arith.muli %add3A_139, %mul3A_144 : i32
      %dma_start3A_146 = tpu.memref_slice %arg6[%mul3A_145] : memref<10000xi32, #tpu.memory_space<vmem>> -> memref<80xi32, #tpu.memory_space<vmem>>
      %dma_start3A_147 = arith.constant 0 : i32
      %dma_start3A_148 = arith.constant 0 : i32
      %dma_start3A_149 = tpu.memref_slice %arg12[%dma_start3A_147, %dma_start3A_148] : memref<10240x64xf32, #tpu.memory_space<vmem_shared>> -> memref<10240x64xf32, #tpu.memory_space<vmem_shared>>
      tpu.enqueue_indirect_dma source(%dma_start3A_149 : memref<10240x64xf32, #tpu.memory_space<vmem_shared>>) target(%arg8 : memref<80x64xf32, #tpu.memory_space<vmem>>) offsets(%dma_start3A_146 : memref<80xi32, #tpu.memory_space<vmem>>) semaphore(%arg14 : memref<!tpu.dma_semaphore, #tpu.memory_space<semaphore_mem>>)
      %add3A_150 = arith.constant 1 : i32
      %add3A_151 = arith.addi %scan3A_68, %add3A_150 : i32
      %mul3A_152 = arith.constant 4 : i32
      %mul3A_153 = arith.muli %mul3A_152, %add3A_151 : i32
      %add3A_154 = arith.constant 1 : i32
      %add3A_155 = arith.addi %mul3A_153, %add3A_154 : i32
      %dma_wait3A_156 = tpu.memref_slice %arg7[%mul3A_97] : memref<10000xi32, #tpu.memory_space<vmem>> -> memref<80xi32, #tpu.memory_space<vmem>>
      %dma_wait3A_157 = arith.constant 0 : i32
      %dma_wait3A_158 = arith.constant 0 : i32
      %dma_wait3A_159 = tpu.memref_slice %arg13[%dma_wait3A_157, %dma_wait3A_158] : memref<10240x64xf32, #tpu.memory_space<vmem_shared>> -> memref<10240x64xf32, #tpu.memory_space<vmem_shared>>
      tpu.wait_indirect_dma semaphore(%arg19 : memref<!tpu.dma_semaphore, #tpu.memory_space<semaphore_mem>>) src(%arg9 : memref<80x64xf32, #tpu.memory_space<vmem>>) dst(%dma_wait3A_159 : memref<10240x64xf32, #tpu.memory_space<vmem_shared>>)
      %mul3A_160 = arith.constant 80 : i32
      %mul3A_161 = arith.muli %add3A_155, %mul3A_160 : i32
      %dma_start3A_162 = tpu.memref_slice %arg6[%mul3A_161] : memref<10000xi32, #tpu.memory_space<vmem>> -> memref<80xi32, #tpu.memory_space<vmem>>
      %dma_start3A_163 = arith.constant 0 : i32
      %dma_start3A_164 = arith.constant 0 : i32
      %dma_start3A_165 = tpu.memref_slice %arg12[%dma_start3A_163, %dma_start3A_164] : memref<10240x64xf32, #tpu.memory_space<vmem_shared>> -> memref<10240x64xf32, #tpu.memory_space<vmem_shared>>
      tpu.enqueue_indirect_dma source(%dma_start3A_165 : memref<10240x64xf32, #tpu.memory_space<vmem_shared>>) target(%arg9 : memref<80x64xf32, #tpu.memory_space<vmem>>) offsets(%dma_start3A_162 : memref<80xi32, #tpu.memory_space<vmem>>) semaphore(%arg15 : memref<!tpu.dma_semaphore, #tpu.memory_space<semaphore_mem>>)
      %add3A_166 = arith.constant 1 : i32
      %add3A_167 = arith.addi %scan3A_68, %add3A_166 : i32
      %mul3A_168 = arith.constant 4 : i32
      %mul3A_169 = arith.muli %mul3A_168, %add3A_167 : i32
      %add3A_170 = arith.constant 2 : i32
      %add3A_171 = arith.addi %mul3A_169, %add3A_170 : i32
      %dma_wait3A_172 = tpu.memref_slice %arg7[%mul3A_113] : memref<10000xi32, #tpu.memory_space<vmem>> -> memref<80xi32, #tpu.memory_space<vmem>>
      %dma_wait3A_173 = arith.constant 0 : i32
      %dma_wait3A_174 = arith.constant 0 : i32
      %dma_wait3A_175 = tpu.memref_slice %arg13[%dma_wait3A_173, %dma_wait3A_174] : memref<10240x64xf32, #tpu.memory_space<vmem_shared>> -> memref<10240x64xf32, #tpu.memory_space<vmem_shared>>
      tpu.wait_indirect_dma semaphore(%arg20 : memref<!tpu.dma_semaphore, #tpu.memory_space<semaphore_mem>>) src(%arg10 : memref<80x64xf32, #tpu.memory_space<vmem>>) dst(%dma_wait3A_175 : memref<10240x64xf32, #tpu.memory_space<vmem_shared>>)
      %mul3A_176 = arith.constant 80 : i32
      %mul3A_177 = arith.muli %add3A_171, %mul3A_176 : i32
      %dma_start3A_178 = tpu.memref_slice %arg6[%mul3A_177] : memref<10000xi32, #tpu.memory_space<vmem>> -> memref<80xi32, #tpu.memory_space<vmem>>
      %dma_start3A_179 = arith.constant 0 : i32
      %dma_start3A_180 = arith.constant 0 : i32
      %dma_start3A_181 = tpu.memref_slice %arg12[%dma_start3A_179, %dma_start3A_180] : memref<10240x64xf32, #tpu.memory_space<vmem_shared>> -> memref<10240x64xf32, #tpu.memory_space<vmem_shared>>
      tpu.enqueue_indirect_dma source(%dma_start3A_181 : memref<10240x64xf32, #tpu.memory_space<vmem_shared>>) target(%arg10 : memref<80x64xf32, #tpu.memory_space<vmem>>) offsets(%dma_start3A_178 : memref<80xi32, #tpu.memory_space<vmem>>) semaphore(%arg16 : memref<!tpu.dma_semaphore, #tpu.memory_space<semaphore_mem>>)
      %add3A_182 = arith.constant 1 : i32
      %add3A_183 = arith.addi %scan3A_68, %add3A_182 : i32
      %mul3A_184 = arith.constant 4 : i32
      %mul3A_185 = arith.muli %mul3A_184, %add3A_183 : i32
      %add3A_186 = arith.constant 3 : i32
      %add3A_187 = arith.addi %mul3A_185, %add3A_186 : i32
      %dma_wait3A_188 = tpu.memref_slice %arg7[%mul3A_129] : memref<10000xi32, #tpu.memory_space<vmem>> -> memref<80xi32, #tpu.memory_space<vmem>>
      %dma_wait3A_189 = arith.constant 0 : i32
      %dma_wait3A_190 = arith.constant 0 : i32
      %dma_wait3A_191 = tpu.memref_slice %arg13[%dma_wait3A_189, %dma_wait3A_190] : memref<10240x64xf32, #tpu.memory_space<vmem_shared>> -> memref<10240x64xf32, #tpu.memory_space<vmem_shared>>
      tpu.wait_indirect_dma semaphore(%arg21 : memref<!tpu.dma_semaphore, #tpu.memory_space<semaphore_mem>>) src(%arg11 : memref<80x64xf32, #tpu.memory_space<vmem>>) dst(%dma_wait3A_191 : memref<10240x64xf32, #tpu.memory_space<vmem_shared>>)
      %mul3A_192 = arith.constant 80 : i32
      %mul3A_193 = arith.muli %add3A_187, %mul3A_192 : i32
      %dma_start3A_194 = tpu.memref_slice %arg6[%mul3A_193] : memref<10000xi32, #tpu.memory_space<vmem>> -> memref<80xi32, #tpu.memory_space<vmem>>
      %dma_start3A_195 = arith.constant 0 : i32
      %dma_start3A_196 = arith.constant 0 : i32
      %dma_start3A_197 = tpu.memref_slice %arg12[%dma_start3A_195, %dma_start3A_196] : memref<10240x64xf32, #tpu.memory_space<vmem_shared>> -> memref<10240x64xf32, #tpu.memory_space<vmem_shared>>
      tpu.enqueue_indirect_dma source(%dma_start3A_197 : memref<10240x64xf32, #tpu.memory_space<vmem_shared>>) target(%arg11 : memref<80x64xf32, #tpu.memory_space<vmem>>) offsets(%dma_start3A_194 : memref<80xi32, #tpu.memory_space<vmem>>) semaphore(%arg17 : memref<!tpu.dma_semaphore, #tpu.memory_space<semaphore_mem>>)
      %scan3A_198 = arith.constant 0 : i32
      scf.yield %scan3A_198 : i32
    }
    %scan3A_33 = arith.constant 30 : i32
    %dma_wait3A = arith.constant 9600 : i32
    %dma_wait3A_34 = tpu.memref_slice %arg6[%dma_wait3A] : memref<10000xi32, #tpu.memory_space<vmem>> -> memref<80xi32, #tpu.memory_space<vmem>>
    %dma_wait3A_35 = arith.constant 0 : i32
    %dma_wait3A_36 = arith.constant 0 : i32
    %dma_wait3A_37 = tpu.memref_slice %arg12[%dma_wait3A_35, %dma_wait3A_36] : memref<10240x64xf32, #tpu.memory_space<vmem_shared>> -> memref<10240x64xf32, #tpu.memory_space<vmem_shared>>
    tpu.wait_indirect_dma semaphore(%arg14 : memref<!tpu.dma_semaphore, #tpu.memory_space<semaphore_mem>>) src(%dma_wait3A_37 : memref<10240x64xf32, #tpu.memory_space<vmem_shared>>) dst(%arg8 : memref<80x64xf32, #tpu.memory_space<vmem>>)
    "tpu.region"() ({
      %run_scoped3A = tpu.sem_alloc : memref<!tpu.dma_semaphore, #tpu.memory_space<semaphore_mem>>
      %dma_start3A_68 = arith.constant 9600 : i32
      %dma_start3A_69 = tpu.memref_slice %arg7[%dma_start3A_68] : memref<10000xi32, #tpu.memory_space<vmem>> -> memref<80xi32, #tpu.memory_space<vmem>>
      %dma_start3A_70 = arith.constant 0 : i32
      %dma_start3A_71 = arith.constant 0 : i32
      %dma_start3A_72 = tpu.memref_slice %arg13[%dma_start3A_70, %dma_start3A_71] : memref<10240x64xf32, #tpu.memory_space<vmem_shared>> -> memref<10240x64xf32, #tpu.memory_space<vmem_shared>>
      tpu.enqueue_indirect_dma source(%arg8 : memref<80x64xf32, #tpu.memory_space<vmem>>) target(%dma_start3A_72 : memref<10240x64xf32, #tpu.memory_space<vmem_shared>>) offsets(%dma_start3A_69 : memref<80xi32, #tpu.memory_space<vmem>>) semaphore(%run_scoped3A : memref<!tpu.dma_semaphore, #tpu.memory_space<semaphore_mem>>) {add = true}
      %dma_wait3A_73 = arith.constant 9600 : i32
      %dma_wait3A_74 = tpu.memref_slice %arg7[%dma_wait3A_73] : memref<10000xi32, #tpu.memory_space<vmem>> -> memref<80xi32, #tpu.memory_space<vmem>>
      %dma_wait3A_75 = arith.constant 0 : i32
      %dma_wait3A_76 = arith.constant 0 : i32
      %dma_wait3A_77 = tpu.memref_slice %arg13[%dma_wait3A_75, %dma_wait3A_76] : memref<10240x64xf32, #tpu.memory_space<vmem_shared>> -> memref<10240x64xf32, #tpu.memory_space<vmem_shared>>
      tpu.wait_indirect_dma semaphore(%run_scoped3A : memref<!tpu.dma_semaphore, #tpu.memory_space<semaphore_mem>>) src(%arg8 : memref<80x64xf32, #tpu.memory_space<vmem>>) dst(%dma_wait3A_77 : memref<10240x64xf32, #tpu.memory_space<vmem_shared>>)
      tpu.yield
    }) : () -> ()
    %dma_wait3A_38 = arith.constant 9680 : i32
    %dma_wait3A_39 = tpu.memref_slice %arg6[%dma_wait3A_38] : memref<10000xi32, #tpu.memory_space<vmem>> -> memref<80xi32, #tpu.memory_space<vmem>>
    %dma_wait3A_40 = arith.constant 0 : i32
    %dma_wait3A_41 = arith.constant 0 : i32
    %dma_wait3A_42 = tpu.memref_slice %arg12[%dma_wait3A_40, %dma_wait3A_41] : memref<10240x64xf32, #tpu.memory_space<vmem_shared>> -> memref<10240x64xf32, #tpu.memory_space<vmem_shared>>
    tpu.wait_indirect_dma semaphore(%arg15 : memref<!tpu.dma_semaphore, #tpu.memory_space<semaphore_mem>>) src(%dma_wait3A_42 : memref<10240x64xf32, #tpu.memory_space<vmem_shared>>) dst(%arg9 : memref<80x64xf32, #tpu.memory_space<vmem>>)
    "tpu.region"() ({
      %run_scoped3A = tpu.sem_alloc : memref<!tpu.dma_semaphore, #tpu.memory_space<semaphore_mem>>
      %dma_start3A_68 = arith.constant 9680 : i32
      %dma_start3A_69 = tpu.memref_slice %arg7[%dma_start3A_68] : memref<10000xi32, #tpu.memory_space<vmem>> -> memref<80xi32, #tpu.memory_space<vmem>>
      %dma_start3A_70 = arith.constant 0 : i32
      %dma_start3A_71 = arith.constant 0 : i32
      %dma_start3A_72 = tpu.memref_slice %arg13[%dma_start3A_70, %dma_start3A_71] : memref<10240x64xf32, #tpu.memory_space<vmem_shared>> -> memref<10240x64xf32, #tpu.memory_space<vmem_shared>>
      tpu.enqueue_indirect_dma source(%arg9 : memref<80x64xf32, #tpu.memory_space<vmem>>) target(%dma_start3A_72 : memref<10240x64xf32, #tpu.memory_space<vmem_shared>>) offsets(%dma_start3A_69 : memref<80xi32, #tpu.memory_space<vmem>>) semaphore(%run_scoped3A : memref<!tpu.dma_semaphore, #tpu.memory_space<semaphore_mem>>) {add = true}
      %dma_wait3A_73 = arith.constant 9680 : i32
      %dma_wait3A_74 = tpu.memref_slice %arg7[%dma_wait3A_73] : memref<10000xi32, #tpu.memory_space<vmem>> -> memref<80xi32, #tpu.memory_space<vmem>>
      %dma_wait3A_75 = arith.constant 0 : i32
      %dma_wait3A_76 = arith.constant 0 : i32
      %dma_wait3A_77 = tpu.memref_slice %arg13[%dma_wait3A_75, %dma_wait3A_76] : memref<10240x64xf32, #tpu.memory_space<vmem_shared>> -> memref<10240x64xf32, #tpu.memory_space<vmem_shared>>
      tpu.wait_indirect_dma semaphore(%run_scoped3A : memref<!tpu.dma_semaphore, #tpu.memory_space<semaphore_mem>>) src(%arg9 : memref<80x64xf32, #tpu.memory_space<vmem>>) dst(%dma_wait3A_77 : memref<10240x64xf32, #tpu.memory_space<vmem_shared>>)
      tpu.yield
    }) : () -> ()
    %dma_wait3A_43 = arith.constant 9760 : i32
    %dma_wait3A_44 = tpu.memref_slice %arg6[%dma_wait3A_43] : memref<10000xi32, #tpu.memory_space<vmem>> -> memref<80xi32, #tpu.memory_space<vmem>>
    %dma_wait3A_45 = arith.constant 0 : i32
    %dma_wait3A_46 = arith.constant 0 : i32
    %dma_wait3A_47 = tpu.memref_slice %arg12[%dma_wait3A_45, %dma_wait3A_46] : memref<10240x64xf32, #tpu.memory_space<vmem_shared>> -> memref<10240x64xf32, #tpu.memory_space<vmem_shared>>
    tpu.wait_indirect_dma semaphore(%arg16 : memref<!tpu.dma_semaphore, #tpu.memory_space<semaphore_mem>>) src(%dma_wait3A_47 : memref<10240x64xf32, #tpu.memory_space<vmem_shared>>) dst(%arg10 : memref<80x64xf32, #tpu.memory_space<vmem>>)
    "tpu.region"() ({
      %run_scoped3A = tpu.sem_alloc : memref<!tpu.dma_semaphore, #tpu.memory_space<semaphore_mem>>
      %dma_start3A_68 = arith.constant 9760 : i32
      %dma_start3A_69 = tpu.memref_slice %arg7[%dma_start3A_68] : memref<10000xi32, #tpu.memory_space<vmem>> -> memref<80xi32, #tpu.memory_space<vmem>>
      %dma_start3A_70 = arith.constant 0 : i32
      %dma_start3A_71 = arith.constant 0 : i32
      %dma_start3A_72 = tpu.memref_slice %arg13[%dma_start3A_70, %dma_start3A_71] : memref<10240x64xf32, #tpu.memory_space<vmem_shared>> -> memref<10240x64xf32, #tpu.memory_space<vmem_shared>>
      tpu.enqueue_indirect_dma source(%arg10 : memref<80x64xf32, #tpu.memory_space<vmem>>) target(%dma_start3A_72 : memref<10240x64xf32, #tpu.memory_space<vmem_shared>>) offsets(%dma_start3A_69 : memref<80xi32, #tpu.memory_space<vmem>>) semaphore(%run_scoped3A : memref<!tpu.dma_semaphore, #tpu.memory_space<semaphore_mem>>) {add = true}
      %dma_wait3A_73 = arith.constant 9760 : i32
      %dma_wait3A_74 = tpu.memref_slice %arg7[%dma_wait3A_73] : memref<10000xi32, #tpu.memory_space<vmem>> -> memref<80xi32, #tpu.memory_space<vmem>>
      %dma_wait3A_75 = arith.constant 0 : i32
      %dma_wait3A_76 = arith.constant 0 : i32
      %dma_wait3A_77 = tpu.memref_slice %arg13[%dma_wait3A_75, %dma_wait3A_76] : memref<10240x64xf32, #tpu.memory_space<vmem_shared>> -> memref<10240x64xf32, #tpu.memory_space<vmem_shared>>
      tpu.wait_indirect_dma semaphore(%run_scoped3A : memref<!tpu.dma_semaphore, #tpu.memory_space<semaphore_mem>>) src(%arg10 : memref<80x64xf32, #tpu.memory_space<vmem>>) dst(%dma_wait3A_77 : memref<10240x64xf32, #tpu.memory_space<vmem_shared>>)
      tpu.yield
    }) : () -> ()
    %dma_wait3A_48 = arith.constant 9840 : i32
    %dma_wait3A_49 = tpu.memref_slice %arg6[%dma_wait3A_48] : memref<10000xi32, #tpu.memory_space<vmem>> -> memref<80xi32, #tpu.memory_space<vmem>>
    %dma_wait3A_50 = arith.constant 0 : i32
    %dma_wait3A_51 = arith.constant 0 : i32
    %dma_wait3A_52 = tpu.memref_slice %arg12[%dma_wait3A_50, %dma_wait3A_51] : memref<10240x64xf32, #tpu.memory_space<vmem_shared>> -> memref<10240x64xf32, #tpu.memory_space<vmem_shared>>
    tpu.wait_indirect_dma semaphore(%arg17 : memref<!tpu.dma_semaphore, #tpu.memory_space<semaphore_mem>>) src(%dma_wait3A_52 : memref<10240x64xf32, #tpu.memory_space<vmem_shared>>) dst(%arg11 : memref<80x64xf32, #tpu.memory_space<vmem>>)
    "tpu.region"() ({
      %run_scoped3A = tpu.sem_alloc : memref<!tpu.dma_semaphore, #tpu.memory_space<semaphore_mem>>
      %dma_start3A_68 = arith.constant 9840 : i32
      %dma_start3A_69 = tpu.memref_slice %arg7[%dma_start3A_68] : memref<10000xi32, #tpu.memory_space<vmem>> -> memref<80xi32, #tpu.memory_space<vmem>>
      %dma_start3A_70 = arith.constant 0 : i32
      %dma_start3A_71 = arith.constant 0 : i32
      %dma_start3A_72 = tpu.memref_slice %arg13[%dma_start3A_70, %dma_start3A_71] : memref<10240x64xf32, #tpu.memory_space<vmem_shared>> -> memref<10240x64xf32, #tpu.memory_space<vmem_shared>>
      tpu.enqueue_indirect_dma source(%arg11 : memref<80x64xf32, #tpu.memory_space<vmem>>) target(%dma_start3A_72 : memref<10240x64xf32, #tpu.memory_space<vmem_shared>>) offsets(%dma_start3A_69 : memref<80xi32, #tpu.memory_space<vmem>>) semaphore(%run_scoped3A : memref<!tpu.dma_semaphore, #tpu.memory_space<semaphore_mem>>) {add = true}
      %dma_wait3A_73 = arith.constant 9840 : i32
      %dma_wait3A_74 = tpu.memref_slice %arg7[%dma_wait3A_73] : memref<10000xi32, #tpu.memory_space<vmem>> -> memref<80xi32, #tpu.memory_space<vmem>>
      %dma_wait3A_75 = arith.constant 0 : i32
      %dma_wait3A_76 = arith.constant 0 : i32
      %dma_wait3A_77 = tpu.memref_slice %arg13[%dma_wait3A_75, %dma_wait3A_76] : memref<10240x64xf32, #tpu.memory_space<vmem_shared>> -> memref<10240x64xf32, #tpu.memory_space<vmem_shared>>
      tpu.wait_indirect_dma semaphore(%run_scoped3A : memref<!tpu.dma_semaphore, #tpu.memory_space<semaphore_mem>>) src(%arg11 : memref<80x64xf32, #tpu.memory_space<vmem>>) dst(%dma_wait3A_77 : memref<10240x64xf32, #tpu.memory_space<vmem_shared>>)
      tpu.yield
    }) : () -> ()
    %dma_start3A_53 = arith.constant 9920 : i32
    %dma_start3A_54 = tpu.memref_slice %arg6[%dma_start3A_53] : memref<10000xi32, #tpu.memory_space<vmem>> -> memref<80xi32, #tpu.memory_space<vmem>>
    %dma_start3A_55 = arith.constant 0 : i32
    %dma_start3A_56 = arith.constant 0 : i32
    %dma_start3A_57 = tpu.memref_slice %arg12[%dma_start3A_55, %dma_start3A_56] : memref<10240x64xf32, #tpu.memory_space<vmem_shared>> -> memref<10240x64xf32, #tpu.memory_space<vmem_shared>>
    tpu.enqueue_indirect_dma source(%dma_start3A_57 : memref<10240x64xf32, #tpu.memory_space<vmem_shared>>) target(%arg8 : memref<80x64xf32, #tpu.memory_space<vmem>>) offsets(%dma_start3A_54 : memref<80xi32, #tpu.memory_space<vmem>>) semaphore(%arg14 : memref<!tpu.dma_semaphore, #tpu.memory_space<semaphore_mem>>)
    %dma_wait3A_58 = arith.constant 9920 : i32
    %dma_wait3A_59 = tpu.memref_slice %arg6[%dma_wait3A_58] : memref<10000xi32, #tpu.memory_space<vmem>> -> memref<80xi32, #tpu.memory_space<vmem>>
    %dma_wait3A_60 = arith.constant 0 : i32
    %dma_wait3A_61 = arith.constant 0 : i32
    %dma_wait3A_62 = tpu.memref_slice %arg12[%dma_wait3A_60, %dma_wait3A_61] : memref<10240x64xf32, #tpu.memory_space<vmem_shared>> -> memref<10240x64xf32, #tpu.memory_space<vmem_shared>>
    tpu.wait_indirect_dma semaphore(%arg14 : memref<!tpu.dma_semaphore, #tpu.memory_space<semaphore_mem>>) src(%dma_wait3A_62 : memref<10240x64xf32, #tpu.memory_space<vmem_shared>>) dst(%arg8 : memref<80x64xf32, #tpu.memory_space<vmem>>)
    "tpu.region"() ({
      %run_scoped3A = tpu.sem_alloc : memref<!tpu.dma_semaphore, #tpu.memory_space<semaphore_mem>>
      %dma_start3A_68 = arith.constant 9920 : i32
      %dma_start3A_69 = tpu.memref_slice %arg7[%dma_start3A_68] : memref<10000xi32, #tpu.memory_space<vmem>> -> memref<80xi32, #tpu.memory_space<vmem>>
      %dma_start3A_70 = arith.constant 0 : i32
      %dma_start3A_71 = arith.constant 0 : i32
      %dma_start3A_72 = tpu.memref_slice %arg13[%dma_start3A_70, %dma_start3A_71] : memref<10240x64xf32, #tpu.memory_space<vmem_shared>> -> memref<10240x64xf32, #tpu.memory_space<vmem_shared>>
      tpu.enqueue_indirect_dma source(%arg8 : memref<80x64xf32, #tpu.memory_space<vmem>>) target(%dma_start3A_72 : memref<10240x64xf32, #tpu.memory_space<vmem_shared>>) offsets(%dma_start3A_69 : memref<80xi32, #tpu.memory_space<vmem>>) semaphore(%run_scoped3A : memref<!tpu.dma_semaphore, #tpu.memory_space<semaphore_mem>>) {add = true}
      %dma_wait3A_73 = arith.constant 9920 : i32
      %dma_wait3A_74 = tpu.memref_slice %arg7[%dma_wait3A_73] : memref<10000xi32, #tpu.memory_space<vmem>> -> memref<80xi32, #tpu.memory_space<vmem>>
      %dma_wait3A_75 = arith.constant 0 : i32
      %dma_wait3A_76 = arith.constant 0 : i32
      %dma_wait3A_77 = tpu.memref_slice %arg13[%dma_wait3A_75, %dma_wait3A_76] : memref<10240x64xf32, #tpu.memory_space<vmem_shared>> -> memref<10240x64xf32, #tpu.memory_space<vmem_shared>>
      tpu.wait_indirect_dma semaphore(%run_scoped3A : memref<!tpu.dma_semaphore, #tpu.memory_space<semaphore_mem>>) src(%arg8 : memref<80x64xf32, #tpu.memory_space<vmem>>) dst(%dma_wait3A_77 : memref<10240x64xf32, #tpu.memory_space<vmem_shared>>)
      tpu.yield
    }) : () -> ()
    %barrier3A_63 = arith.constant 0 : index
    tpu.barrier barrier_id(%barrier3A_63)
    %mul3A_64 = arith.constant 640 : i32
    %mul3A_65 = arith.muli %arg1, %mul3A_64 : i32
    %mul3A_66 = arith.constant 640 : i32
    %mul3A_67 = arith.muli %arg1, %mul3A_66 : i32
    "tpu.region"() ({
      %run_scoped3A = tpu.sem_alloc : memref<!tpu.dma_semaphore, #tpu.memory_space<semaphore_mem>>
      %dma_start3A_68 = arith.constant 0 : i32
      %dma_start3A_69 = tpu.memref_slice %arg5[%arg0, %mul3A_67, %dma_start3A_68] : memref<2x10240x64xf32, #tpu.memory_space<hbm>> -> memref<1x640x64xf32, #tpu.memory_space<hbm>>
      %dma_start3A_70 = tpu.memref_squeeze %dma_start3A_69 : memref<1x640x64xf32, #tpu.memory_space<hbm>> -> memref<640x64xf32, #tpu.memory_space<hbm>>
      %dma_start3A_71 = arith.constant 0 : i32
      %dma_start3A_72 = tpu.memref_slice %arg13[%mul3A_65, %dma_start3A_71] : memref<10240x64xf32, #tpu.memory_space<vmem_shared>> -> memref<640x64xf32, #tpu.memory_space<vmem_shared>>
      tpu.enqueue_dma source(%dma_start3A_72 : memref<640x64xf32, #tpu.memory_space<vmem_shared>>) target(%dma_start3A_70 : memref<640x64xf32, #tpu.memory_space<hbm>>) target_semaphore(%run_scoped3A : memref<!tpu.dma_semaphore, #tpu.memory_space<semaphore_mem>>)
      %dma_wait3A_73 = arith.constant 0 : i32
      %dma_wait3A_74 = tpu.memref_slice %arg5[%arg0, %mul3A_67, %dma_wait3A_73] : memref<2x10240x64xf32, #tpu.memory_space<hbm>> -> memref<1x640x64xf32, #tpu.memory_space<hbm>>
      %dma_wait3A_75 = tpu.memref_squeeze %dma_wait3A_74 : memref<1x640x64xf32, #tpu.memory_space<hbm>> -> memref<640x64xf32, #tpu.memory_space<hbm>>
      %dma_wait3A_76 = arith.constant 0 : i32
      %dma_wait3A_77 = tpu.memref_slice %arg13[%mul3A_65, %dma_wait3A_76] : memref<10240x64xf32, #tpu.memory_space<vmem_shared>> -> memref<640x64xf32, #tpu.memory_space<vmem_shared>>
      tpu.wait_dma2 semaphore(%run_scoped3A : memref<!tpu.dma_semaphore, #tpu.memory_space<semaphore_mem>>) src(%dma_wait3A_77 : memref<640x64xf32, #tpu.memory_space<vmem_shared>>) dst(%dma_wait3A_75 : memref<640x64xf32, #tpu.memory_space<hbm>>)
      tpu.yield
    }) : () -> ()
    return
  }
}

#map = affine_map<(d0, d1) -> (0, 0)>
#map1 = affine_map<(d0, d1) -> (0, 0, 0)>
module attributes {stable_mosaic.version = 14 : i64} {
  func.func @_agg_body(%arg0: i32, %arg1: i32, %arg2: memref<10240x32xf32, #tpu.memory_space<hbm>>, %arg3: memref<32x10000xi32, #tpu.memory_space<hbm>>, %arg4: memref<32x10000xi32, #tpu.memory_space<hbm>>, %arg5: memref<2x10240x32xf32, #tpu.memory_space<hbm>>, %arg6: memref<10000xi32, #tpu.memory_space<vmem>>, %arg7: memref<10000xi32, #tpu.memory_space<vmem>>, %arg8: memref<80x32xf32, #tpu.memory_space<vmem>>, %arg9: memref<80x32xf32, #tpu.memory_space<vmem>>, %arg10: memref<80x32xf32, #tpu.memory_space<vmem>>, %arg11: memref<80x32xf32, #tpu.memory_space<vmem>>, %arg12: memref<10240x32xf32, #tpu.memory_space<vmem_shared>>, %arg13: memref<10240x32xf32, #tpu.memory_space<vmem_shared>>, %arg14: memref<!tpu.dma_semaphore, #tpu.memory_space<semaphore_mem>>, %arg15: memref<!tpu.dma_semaphore, #tpu.memory_space<semaphore_mem>>, %arg16: memref<!tpu.dma_semaphore, #tpu.memory_space<semaphore_mem>>, %arg17: memref<!tpu.dma_semaphore, #tpu.memory_space<semaphore_mem>>, %arg18: memref<!tpu.dma_semaphore, #tpu.memory_space<semaphore_mem>>, %arg19: memref<!tpu.dma_semaphore, #tpu.memory_space<semaphore_mem>>, %arg20: memref<!tpu.dma_semaphore, #tpu.memory_space<semaphore_mem>>, %arg21: memref<!tpu.dma_semaphore, #tpu.memory_space<semaphore_mem>>) attributes {dimension_semantics = [#tpu.dimension_semantics<core_parallel>, #tpu.dimension_semantics<subcore_parallel>], iteration_bounds = array<i64: 2, 16>, scalar_prefetch = 0 : i64, scratch_operands = 16 : i64, tpu.core_type = #tpu.core_type<sc_vector_subcore>, window_params = [{transform_indices = #map}, {transform_indices = #map}, {transform_indices = #map}, {transform_indices = #map1}]} {
    %mul3A = arith.constant 16 : i32
    %mul3A_0 = arith.muli %arg0, %mul3A : i32
    %add3A = arith.addi %mul3A_0, %arg1 : i32
    %mul3A_1 = arith.constant 640 : i32
    %mul3A_2 = arith.muli %arg1, %mul3A_1 : i32
    %mul3A_3 = arith.constant 640 : i32
    %mul3A_4 = arith.muli %arg1, %mul3A_3 : i32
    "tpu.region"() ({
      %run_scoped3A = tpu.sem_alloc : memref<!tpu.dma_semaphore, #tpu.memory_space<semaphore_mem>>
      %dma_start3A_68 = arith.constant 0 : i32
      %dma_start3A_69 = tpu.memref_slice %arg12[%mul3A_4, %dma_start3A_68] : memref<10240x32xf32, #tpu.memory_space<vmem_shared>> -> memref<640x32xf32, #tpu.memory_space<vmem_shared>>
      %dma_start3A_70 = arith.constant 0 : i32
      %dma_start3A_71 = tpu.memref_slice %arg2[%mul3A_2, %dma_start3A_70] : memref<10240x32xf32, #tpu.memory_space<hbm>> -> memref<640x32xf32, #tpu.memory_space<hbm>>
      tpu.enqueue_dma source(%dma_start3A_71 : memref<640x32xf32, #tpu.memory_space<hbm>>) target(%dma_start3A_69 : memref<640x32xf32, #tpu.memory_space<vmem_shared>>) target_semaphore(%run_scoped3A : memref<!tpu.dma_semaphore, #tpu.memory_space<semaphore_mem>>)
      %dma_wait3A_72 = arith.constant 0 : i32
      %dma_wait3A_73 = tpu.memref_slice %arg12[%mul3A_4, %dma_wait3A_72] : memref<10240x32xf32, #tpu.memory_space<vmem_shared>> -> memref<640x32xf32, #tpu.memory_space<vmem_shared>>
      %dma_wait3A_74 = arith.constant 0 : i32
      %dma_wait3A_75 = tpu.memref_slice %arg2[%mul3A_2, %dma_wait3A_74] : memref<10240x32xf32, #tpu.memory_space<hbm>> -> memref<640x32xf32, #tpu.memory_space<hbm>>
      tpu.wait_dma2 semaphore(%run_scoped3A : memref<!tpu.dma_semaphore, #tpu.memory_space<semaphore_mem>>) src(%dma_wait3A_75 : memref<640x32xf32, #tpu.memory_space<hbm>>) dst(%dma_wait3A_73 : memref<640x32xf32, #tpu.memory_space<vmem_shared>>)
      tpu.yield
    }) : () -> ()
    %mul3A_5 = arith.constant 640 : i32
    %mul3A_6 = arith.muli %arg1, %mul3A_5 : i32
    %mul3A_7 = arith.constant 640 : i32
    %mul3A_8 = arith.muli %arg1, %mul3A_7 : i32
    "tpu.region"() ({
      %run_scoped3A = tpu.sem_alloc : memref<!tpu.dma_semaphore, #tpu.memory_space<semaphore_mem>>
      %dma_start3A_68 = arith.constant 0 : i32
      %dma_start3A_69 = tpu.memref_slice %arg13[%mul3A_8, %dma_start3A_68] : memref<10240x32xf32, #tpu.memory_space<vmem_shared>> -> memref<640x32xf32, #tpu.memory_space<vmem_shared>>
      %dma_start3A_70 = arith.constant 0 : i32
      %dma_start3A_71 = tpu.memref_slice %arg2[%mul3A_6, %dma_start3A_70] : memref<10240x32xf32, #tpu.memory_space<hbm>> -> memref<640x32xf32, #tpu.memory_space<hbm>>
      tpu.enqueue_dma source(%dma_start3A_71 : memref<640x32xf32, #tpu.memory_space<hbm>>) target(%dma_start3A_69 : memref<640x32xf32, #tpu.memory_space<vmem_shared>>) target_semaphore(%run_scoped3A : memref<!tpu.dma_semaphore, #tpu.memory_space<semaphore_mem>>)
      %dma_wait3A_72 = arith.constant 0 : i32
      %dma_wait3A_73 = tpu.memref_slice %arg13[%mul3A_8, %dma_wait3A_72] : memref<10240x32xf32, #tpu.memory_space<vmem_shared>> -> memref<640x32xf32, #tpu.memory_space<vmem_shared>>
      %dma_wait3A_74 = arith.constant 0 : i32
      %dma_wait3A_75 = tpu.memref_slice %arg2[%mul3A_6, %dma_wait3A_74] : memref<10240x32xf32, #tpu.memory_space<hbm>> -> memref<640x32xf32, #tpu.memory_space<hbm>>
      tpu.wait_dma2 semaphore(%run_scoped3A : memref<!tpu.dma_semaphore, #tpu.memory_space<semaphore_mem>>) src(%dma_wait3A_75 : memref<640x32xf32, #tpu.memory_space<hbm>>) dst(%dma_wait3A_73 : memref<640x32xf32, #tpu.memory_space<vmem_shared>>)
      tpu.yield
    }) : () -> ()
    "tpu.region"() ({
      %run_scoped3A = tpu.sem_alloc : memref<!tpu.dma_semaphore, #tpu.memory_space<semaphore_mem>>
      %dma_start3A_68 = arith.constant 0 : i32
      %dma_start3A_69 = tpu.memref_slice %arg3[%add3A, %dma_start3A_68] : memref<32x10000xi32, #tpu.memory_space<hbm>> -> memref<1x10000xi32, #tpu.memory_space<hbm>>
      %dma_start3A_70 = tpu.memref_squeeze %dma_start3A_69 : memref<1x10000xi32, #tpu.memory_space<hbm>> -> memref<10000xi32, #tpu.memory_space<hbm>>
      %dma_start3A_71 = arith.constant 0 : i32
      %dma_start3A_72 = tpu.memref_slice %arg3[%add3A, %dma_start3A_71] : memref<32x10000xi32, #tpu.memory_space<hbm>> -> memref<1x10000xi32, #tpu.memory_space<hbm>>
      %dma_start3A_73 = tpu.memref_squeeze %dma_start3A_72 : memref<1x10000xi32, #tpu.memory_space<hbm>> -> memref<10000xi32, #tpu.memory_space<hbm>>
      tpu.enqueue_dma source(%dma_start3A_73 : memref<10000xi32, #tpu.memory_space<hbm>>) target(%arg6 : memref<10000xi32, #tpu.memory_space<vmem>>) target_semaphore(%run_scoped3A : memref<!tpu.dma_semaphore, #tpu.memory_space<semaphore_mem>>)
      %dma_wait3A_74 = arith.constant 0 : i32
      %dma_wait3A_75 = tpu.memref_slice %arg3[%add3A, %dma_wait3A_74] : memref<32x10000xi32, #tpu.memory_space<hbm>> -> memref<1x10000xi32, #tpu.memory_space<hbm>>
      %dma_wait3A_76 = tpu.memref_squeeze %dma_wait3A_75 : memref<1x10000xi32, #tpu.memory_space<hbm>> -> memref<10000xi32, #tpu.memory_space<hbm>>
      %dma_wait3A_77 = arith.constant 0 : i32
      %dma_wait3A_78 = tpu.memref_slice %arg3[%add3A, %dma_wait3A_77] : memref<32x10000xi32, #tpu.memory_space<hbm>> -> memref<1x10000xi32, #tpu.memory_space<hbm>>
      %dma_wait3A_79 = tpu.memref_squeeze %dma_wait3A_78 : memref<1x10000xi32, #tpu.memory_space<hbm>> -> memref<10000xi32, #tpu.memory_space<hbm>>
      tpu.wait_dma2 semaphore(%run_scoped3A : memref<!tpu.dma_semaphore, #tpu.memory_space<semaphore_mem>>) src(%dma_wait3A_79 : memref<10000xi32, #tpu.memory_space<hbm>>) dst(%arg6 : memref<10000xi32, #tpu.memory_space<vmem>>)
      tpu.yield
    }) : () -> ()
    "tpu.region"() ({
      %run_scoped3A = tpu.sem_alloc : memref<!tpu.dma_semaphore, #tpu.memory_space<semaphore_mem>>
      %dma_start3A_68 = arith.constant 0 : i32
      %dma_start3A_69 = tpu.memref_slice %arg4[%add3A, %dma_start3A_68] : memref<32x10000xi32, #tpu.memory_space<hbm>> -> memref<1x10000xi32, #tpu.memory_space<hbm>>
      %dma_start3A_70 = tpu.memref_squeeze %dma_start3A_69 : memref<1x10000xi32, #tpu.memory_space<hbm>> -> memref<10000xi32, #tpu.memory_space<hbm>>
      %dma_start3A_71 = arith.constant 0 : i32
      %dma_start3A_72 = tpu.memref_slice %arg4[%add3A, %dma_start3A_71] : memref<32x10000xi32, #tpu.memory_space<hbm>> -> memref<1x10000xi32, #tpu.memory_space<hbm>>
      %dma_start3A_73 = tpu.memref_squeeze %dma_start3A_72 : memref<1x10000xi32, #tpu.memory_space<hbm>> -> memref<10000xi32, #tpu.memory_space<hbm>>
      tpu.enqueue_dma source(%dma_start3A_73 : memref<10000xi32, #tpu.memory_space<hbm>>) target(%arg7 : memref<10000xi32, #tpu.memory_space<vmem>>) target_semaphore(%run_scoped3A : memref<!tpu.dma_semaphore, #tpu.memory_space<semaphore_mem>>)
      %dma_wait3A_74 = arith.constant 0 : i32
      %dma_wait3A_75 = tpu.memref_slice %arg4[%add3A, %dma_wait3A_74] : memref<32x10000xi32, #tpu.memory_space<hbm>> -> memref<1x10000xi32, #tpu.memory_space<hbm>>
      %dma_wait3A_76 = tpu.memref_squeeze %dma_wait3A_75 : memref<1x10000xi32, #tpu.memory_space<hbm>> -> memref<10000xi32, #tpu.memory_space<hbm>>
      %dma_wait3A_77 = arith.constant 0 : i32
      %dma_wait3A_78 = tpu.memref_slice %arg4[%add3A, %dma_wait3A_77] : memref<32x10000xi32, #tpu.memory_space<hbm>> -> memref<1x10000xi32, #tpu.memory_space<hbm>>
      %dma_wait3A_79 = tpu.memref_squeeze %dma_wait3A_78 : memref<1x10000xi32, #tpu.memory_space<hbm>> -> memref<10000xi32, #tpu.memory_space<hbm>>
      tpu.wait_dma2 semaphore(%run_scoped3A : memref<!tpu.dma_semaphore, #tpu.memory_space<semaphore_mem>>) src(%dma_wait3A_79 : memref<10000xi32, #tpu.memory_space<hbm>>) dst(%arg7 : memref<10000xi32, #tpu.memory_space<vmem>>)
      tpu.yield
    }) : () -> ()
    %barrier3A = arith.constant 0 : index
    tpu.barrier barrier_id(%barrier3A)
    %dma_start3A = arith.constant 0 : i32
    %dma_start3A_9 = tpu.memref_slice %arg6[%dma_start3A] : memref<10000xi32, #tpu.memory_space<vmem>> -> memref<80xi32, #tpu.memory_space<vmem>>
    %dma_start3A_10 = arith.constant 0 : i32
    %dma_start3A_11 = arith.constant 0 : i32
    %dma_start3A_12 = tpu.memref_slice %arg12[%dma_start3A_10, %dma_start3A_11] : memref<10240x32xf32, #tpu.memory_space<vmem_shared>> -> memref<10240x32xf32, #tpu.memory_space<vmem_shared>>
    tpu.enqueue_indirect_dma source(%dma_start3A_12 : memref<10240x32xf32, #tpu.memory_space<vmem_shared>>) target(%arg8 : memref<80x32xf32, #tpu.memory_space<vmem>>) offsets(%dma_start3A_9 : memref<80xi32, #tpu.memory_space<vmem>>) semaphore(%arg14 : memref<!tpu.dma_semaphore, #tpu.memory_space<semaphore_mem>>)
    %dma_start3A_13 = arith.constant 80 : i32
    %dma_start3A_14 = tpu.memref_slice %arg6[%dma_start3A_13] : memref<10000xi32, #tpu.memory_space<vmem>> -> memref<80xi32, #tpu.memory_space<vmem>>
    %dma_start3A_15 = arith.constant 0 : i32
    %dma_start3A_16 = arith.constant 0 : i32
    %dma_start3A_17 = tpu.memref_slice %arg12[%dma_start3A_15, %dma_start3A_16] : memref<10240x32xf32, #tpu.memory_space<vmem_shared>> -> memref<10240x32xf32, #tpu.memory_space<vmem_shared>>
    tpu.enqueue_indirect_dma source(%dma_start3A_17 : memref<10240x32xf32, #tpu.memory_space<vmem_shared>>) target(%arg9 : memref<80x32xf32, #tpu.memory_space<vmem>>) offsets(%dma_start3A_14 : memref<80xi32, #tpu.memory_space<vmem>>) semaphore(%arg15 : memref<!tpu.dma_semaphore, #tpu.memory_space<semaphore_mem>>)
    %dma_start3A_18 = arith.constant 160 : i32
    %dma_start3A_19 = tpu.memref_slice %arg6[%dma_start3A_18] : memref<10000xi32, #tpu.memory_space<vmem>> -> memref<80xi32, #tpu.memory_space<vmem>>
    %dma_start3A_20 = arith.constant 0 : i32
    %dma_start3A_21 = arith.constant 0 : i32
    %dma_start3A_22 = tpu.memref_slice %arg12[%dma_start3A_20, %dma_start3A_21] : memref<10240x32xf32, #tpu.memory_space<vmem_shared>> -> memref<10240x32xf32, #tpu.memory_space<vmem_shared>>
    tpu.enqueue_indirect_dma source(%dma_start3A_22 : memref<10240x32xf32, #tpu.memory_space<vmem_shared>>) target(%arg10 : memref<80x32xf32, #tpu.memory_space<vmem>>) offsets(%dma_start3A_19 : memref<80xi32, #tpu.memory_space<vmem>>) semaphore(%arg16 : memref<!tpu.dma_semaphore, #tpu.memory_space<semaphore_mem>>)
    %dma_start3A_23 = arith.constant 240 : i32
    %dma_start3A_24 = tpu.memref_slice %arg6[%dma_start3A_23] : memref<10000xi32, #tpu.memory_space<vmem>> -> memref<80xi32, #tpu.memory_space<vmem>>
    %dma_start3A_25 = arith.constant 0 : i32
    %dma_start3A_26 = arith.constant 0 : i32
    %dma_start3A_27 = tpu.memref_slice %arg12[%dma_start3A_25, %dma_start3A_26] : memref<10240x32xf32, #tpu.memory_space<vmem_shared>> -> memref<10240x32xf32, #tpu.memory_space<vmem_shared>>
    tpu.enqueue_indirect_dma source(%dma_start3A_27 : memref<10240x32xf32, #tpu.memory_space<vmem_shared>>) target(%arg11 : memref<80x32xf32, #tpu.memory_space<vmem>>) offsets(%dma_start3A_24 : memref<80xi32, #tpu.memory_space<vmem>>) semaphore(%arg17 : memref<!tpu.dma_semaphore, #tpu.memory_space<semaphore_mem>>)
    %scan3A = arith.constant 0 : i32
    %scan3A_28 = arith.constant 0 : i32
    %scan3A_29 = arith.constant 30 : i32
    %scan3A_30 = arith.addi %scan3A_28, %scan3A_29 : i32
    %scan3A_31 = arith.constant 1 : i32
    %scan3A_32 = scf.for %scan3A_68 = %scan3A_28 to %scan3A_30 step %scan3A_31 iter_args(%scan3A_69 = %scan3A) -> (i32)  : i32 {
      %mul3A_70 = arith.constant 4 : i32
      %mul3A_71 = arith.muli %mul3A_70, %scan3A_68 : i32
      %add3A_72 = arith.constant 0 : i32
      %add3A_73 = arith.addi %mul3A_71, %add3A_72 : i32
      %mul3A_74 = arith.constant 80 : i32
      %mul3A_75 = arith.muli %add3A_73, %mul3A_74 : i32
      %dma_wait3A_76 = tpu.memref_slice %arg6[%mul3A_75] : memref<10000xi32, #tpu.memory_space<vmem>> -> memref<80xi32, #tpu.memory_space<vmem>>
      %dma_wait3A_77 = arith.constant 0 : i32
      %dma_wait3A_78 = arith.constant 0 : i32
      %dma_wait3A_79 = tpu.memref_slice %arg12[%dma_wait3A_77, %dma_wait3A_78] : memref<10240x32xf32, #tpu.memory_space<vmem_shared>> -> memref<10240x32xf32, #tpu.memory_space<vmem_shared>>
      tpu.wait_indirect_dma semaphore(%arg14 : memref<!tpu.dma_semaphore, #tpu.memory_space<semaphore_mem>>) src(%dma_wait3A_79 : memref<10240x32xf32, #tpu.memory_space<vmem_shared>>) dst(%arg8 : memref<80x32xf32, #tpu.memory_space<vmem>>)
      %mul3A_80 = arith.constant 80 : i32
      %mul3A_81 = arith.muli %add3A_73, %mul3A_80 : i32
      %dma_start3A_82 = tpu.memref_slice %arg7[%mul3A_81] : memref<10000xi32, #tpu.memory_space<vmem>> -> memref<80xi32, #tpu.memory_space<vmem>>
      %dma_start3A_83 = arith.constant 0 : i32
      %dma_start3A_84 = arith.constant 0 : i32
      %dma_start3A_85 = tpu.memref_slice %arg13[%dma_start3A_83, %dma_start3A_84] : memref<10240x32xf32, #tpu.memory_space<vmem_shared>> -> memref<10240x32xf32, #tpu.memory_space<vmem_shared>>
      tpu.enqueue_indirect_dma source(%arg8 : memref<80x32xf32, #tpu.memory_space<vmem>>) target(%dma_start3A_85 : memref<10240x32xf32, #tpu.memory_space<vmem_shared>>) offsets(%dma_start3A_82 : memref<80xi32, #tpu.memory_space<vmem>>) semaphore(%arg18 : memref<!tpu.dma_semaphore, #tpu.memory_space<semaphore_mem>>) {add = true}
      %mul3A_86 = arith.constant 4 : i32
      %mul3A_87 = arith.muli %mul3A_86, %scan3A_68 : i32
      %add3A_88 = arith.constant 1 : i32
      %add3A_89 = arith.addi %mul3A_87, %add3A_88 : i32
      %mul3A_90 = arith.constant 80 : i32
      %mul3A_91 = arith.muli %add3A_89, %mul3A_90 : i32
      %dma_wait3A_92 = tpu.memref_slice %arg6[%mul3A_91] : memref<10000xi32, #tpu.memory_space<vmem>> -> memref<80xi32, #tpu.memory_space<vmem>>
      %dma_wait3A_93 = arith.constant 0 : i32
      %dma_wait3A_94 = arith.constant 0 : i32
      %dma_wait3A_95 = tpu.memref_slice %arg12[%dma_wait3A_93, %dma_wait3A_94] : memref<10240x32xf32, #tpu.memory_space<vmem_shared>> -> memref<10240x32xf32, #tpu.memory_space<vmem_shared>>
      tpu.wait_indirect_dma semaphore(%arg15 : memref<!tpu.dma_semaphore, #tpu.memory_space<semaphore_mem>>) src(%dma_wait3A_95 : memref<10240x32xf32, #tpu.memory_space<vmem_shared>>) dst(%arg9 : memref<80x32xf32, #tpu.memory_space<vmem>>)
      %mul3A_96 = arith.constant 80 : i32
      %mul3A_97 = arith.muli %add3A_89, %mul3A_96 : i32
      %dma_start3A_98 = tpu.memref_slice %arg7[%mul3A_97] : memref<10000xi32, #tpu.memory_space<vmem>> -> memref<80xi32, #tpu.memory_space<vmem>>
      %dma_start3A_99 = arith.constant 0 : i32
      %dma_start3A_100 = arith.constant 0 : i32
      %dma_start3A_101 = tpu.memref_slice %arg13[%dma_start3A_99, %dma_start3A_100] : memref<10240x32xf32, #tpu.memory_space<vmem_shared>> -> memref<10240x32xf32, #tpu.memory_space<vmem_shared>>
      tpu.enqueue_indirect_dma source(%arg9 : memref<80x32xf32, #tpu.memory_space<vmem>>) target(%dma_start3A_101 : memref<10240x32xf32, #tpu.memory_space<vmem_shared>>) offsets(%dma_start3A_98 : memref<80xi32, #tpu.memory_space<vmem>>) semaphore(%arg19 : memref<!tpu.dma_semaphore, #tpu.memory_space<semaphore_mem>>) {add = true}
      %mul3A_102 = arith.constant 4 : i32
      %mul3A_103 = arith.muli %mul3A_102, %scan3A_68 : i32
      %add3A_104 = arith.constant 2 : i32
      %add3A_105 = arith.addi %mul3A_103, %add3A_104 : i32
      %mul3A_106 = arith.constant 80 : i32
      %mul3A_107 = arith.muli %add3A_105, %mul3A_106 : i32
      %dma_wait3A_108 = tpu.memref_slice %arg6[%mul3A_107] : memref<10000xi32, #tpu.memory_space<vmem>> -> memref<80xi32, #tpu.memory_space<vmem>>
      %dma_wait3A_109 = arith.constant 0 : i32
      %dma_wait3A_110 = arith.constant 0 : i32
      %dma_wait3A_111 = tpu.memref_slice %arg12[%dma_wait3A_109, %dma_wait3A_110] : memref<10240x32xf32, #tpu.memory_space<vmem_shared>> -> memref<10240x32xf32, #tpu.memory_space<vmem_shared>>
      tpu.wait_indirect_dma semaphore(%arg16 : memref<!tpu.dma_semaphore, #tpu.memory_space<semaphore_mem>>) src(%dma_wait3A_111 : memref<10240x32xf32, #tpu.memory_space<vmem_shared>>) dst(%arg10 : memref<80x32xf32, #tpu.memory_space<vmem>>)
      %mul3A_112 = arith.constant 80 : i32
      %mul3A_113 = arith.muli %add3A_105, %mul3A_112 : i32
      %dma_start3A_114 = tpu.memref_slice %arg7[%mul3A_113] : memref<10000xi32, #tpu.memory_space<vmem>> -> memref<80xi32, #tpu.memory_space<vmem>>
      %dma_start3A_115 = arith.constant 0 : i32
      %dma_start3A_116 = arith.constant 0 : i32
      %dma_start3A_117 = tpu.memref_slice %arg13[%dma_start3A_115, %dma_start3A_116] : memref<10240x32xf32, #tpu.memory_space<vmem_shared>> -> memref<10240x32xf32, #tpu.memory_space<vmem_shared>>
      tpu.enqueue_indirect_dma source(%arg10 : memref<80x32xf32, #tpu.memory_space<vmem>>) target(%dma_start3A_117 : memref<10240x32xf32, #tpu.memory_space<vmem_shared>>) offsets(%dma_start3A_114 : memref<80xi32, #tpu.memory_space<vmem>>) semaphore(%arg20 : memref<!tpu.dma_semaphore, #tpu.memory_space<semaphore_mem>>) {add = true}
      %mul3A_118 = arith.constant 4 : i32
      %mul3A_119 = arith.muli %mul3A_118, %scan3A_68 : i32
      %add3A_120 = arith.constant 3 : i32
      %add3A_121 = arith.addi %mul3A_119, %add3A_120 : i32
      %mul3A_122 = arith.constant 80 : i32
      %mul3A_123 = arith.muli %add3A_121, %mul3A_122 : i32
      %dma_wait3A_124 = tpu.memref_slice %arg6[%mul3A_123] : memref<10000xi32, #tpu.memory_space<vmem>> -> memref<80xi32, #tpu.memory_space<vmem>>
      %dma_wait3A_125 = arith.constant 0 : i32
      %dma_wait3A_126 = arith.constant 0 : i32
      %dma_wait3A_127 = tpu.memref_slice %arg12[%dma_wait3A_125, %dma_wait3A_126] : memref<10240x32xf32, #tpu.memory_space<vmem_shared>> -> memref<10240x32xf32, #tpu.memory_space<vmem_shared>>
      tpu.wait_indirect_dma semaphore(%arg17 : memref<!tpu.dma_semaphore, #tpu.memory_space<semaphore_mem>>) src(%dma_wait3A_127 : memref<10240x32xf32, #tpu.memory_space<vmem_shared>>) dst(%arg11 : memref<80x32xf32, #tpu.memory_space<vmem>>)
      %mul3A_128 = arith.constant 80 : i32
      %mul3A_129 = arith.muli %add3A_121, %mul3A_128 : i32
      %dma_start3A_130 = tpu.memref_slice %arg7[%mul3A_129] : memref<10000xi32, #tpu.memory_space<vmem>> -> memref<80xi32, #tpu.memory_space<vmem>>
      %dma_start3A_131 = arith.constant 0 : i32
      %dma_start3A_132 = arith.constant 0 : i32
      %dma_start3A_133 = tpu.memref_slice %arg13[%dma_start3A_131, %dma_start3A_132] : memref<10240x32xf32, #tpu.memory_space<vmem_shared>> -> memref<10240x32xf32, #tpu.memory_space<vmem_shared>>
      tpu.enqueue_indirect_dma source(%arg11 : memref<80x32xf32, #tpu.memory_space<vmem>>) target(%dma_start3A_133 : memref<10240x32xf32, #tpu.memory_space<vmem_shared>>) offsets(%dma_start3A_130 : memref<80xi32, #tpu.memory_space<vmem>>) semaphore(%arg21 : memref<!tpu.dma_semaphore, #tpu.memory_space<semaphore_mem>>) {add = true}
      %add3A_134 = arith.constant 1 : i32
      %add3A_135 = arith.addi %scan3A_68, %add3A_134 : i32
      %mul3A_136 = arith.constant 4 : i32
      %mul3A_137 = arith.muli %mul3A_136, %add3A_135 : i32
      %add3A_138 = arith.constant 0 : i32
      %add3A_139 = arith.addi %mul3A_137, %add3A_138 : i32
      %dma_wait3A_140 = tpu.memref_slice %arg7[%mul3A_81] : memref<10000xi32, #tpu.memory_space<vmem>> -> memref<80xi32, #tpu.memory_space<vmem>>
      %dma_wait3A_141 = arith.constant 0 : i32
      %dma_wait3A_142 = arith.constant 0 : i32
      %dma_wait3A_143 = tpu.memref_slice %arg13[%dma_wait3A_141, %dma_wait3A_142] : memref<10240x32xf32, #tpu.memory_space<vmem_shared>> -> memref<10240x32xf32, #tpu.memory_space<vmem_shared>>
      tpu.wait_indirect_dma semaphore(%arg18 : memref<!tpu.dma_semaphore, #tpu.memory_space<semaphore_mem>>) src(%arg8 : memref<80x32xf32, #tpu.memory_space<vmem>>) dst(%dma_wait3A_143 : memref<10240x32xf32, #tpu.memory_space<vmem_shared>>)
      %mul3A_144 = arith.constant 80 : i32
      %mul3A_145 = arith.muli %add3A_139, %mul3A_144 : i32
      %dma_start3A_146 = tpu.memref_slice %arg6[%mul3A_145] : memref<10000xi32, #tpu.memory_space<vmem>> -> memref<80xi32, #tpu.memory_space<vmem>>
      %dma_start3A_147 = arith.constant 0 : i32
      %dma_start3A_148 = arith.constant 0 : i32
      %dma_start3A_149 = tpu.memref_slice %arg12[%dma_start3A_147, %dma_start3A_148] : memref<10240x32xf32, #tpu.memory_space<vmem_shared>> -> memref<10240x32xf32, #tpu.memory_space<vmem_shared>>
      tpu.enqueue_indirect_dma source(%dma_start3A_149 : memref<10240x32xf32, #tpu.memory_space<vmem_shared>>) target(%arg8 : memref<80x32xf32, #tpu.memory_space<vmem>>) offsets(%dma_start3A_146 : memref<80xi32, #tpu.memory_space<vmem>>) semaphore(%arg14 : memref<!tpu.dma_semaphore, #tpu.memory_space<semaphore_mem>>)
      %add3A_150 = arith.constant 1 : i32
      %add3A_151 = arith.addi %scan3A_68, %add3A_150 : i32
      %mul3A_152 = arith.constant 4 : i32
      %mul3A_153 = arith.muli %mul3A_152, %add3A_151 : i32
      %add3A_154 = arith.constant 1 : i32
      %add3A_155 = arith.addi %mul3A_153, %add3A_154 : i32
      %dma_wait3A_156 = tpu.memref_slice %arg7[%mul3A_97] : memref<10000xi32, #tpu.memory_space<vmem>> -> memref<80xi32, #tpu.memory_space<vmem>>
      %dma_wait3A_157 = arith.constant 0 : i32
      %dma_wait3A_158 = arith.constant 0 : i32
      %dma_wait3A_159 = tpu.memref_slice %arg13[%dma_wait3A_157, %dma_wait3A_158] : memref<10240x32xf32, #tpu.memory_space<vmem_shared>> -> memref<10240x32xf32, #tpu.memory_space<vmem_shared>>
      tpu.wait_indirect_dma semaphore(%arg19 : memref<!tpu.dma_semaphore, #tpu.memory_space<semaphore_mem>>) src(%arg9 : memref<80x32xf32, #tpu.memory_space<vmem>>) dst(%dma_wait3A_159 : memref<10240x32xf32, #tpu.memory_space<vmem_shared>>)
      %mul3A_160 = arith.constant 80 : i32
      %mul3A_161 = arith.muli %add3A_155, %mul3A_160 : i32
      %dma_start3A_162 = tpu.memref_slice %arg6[%mul3A_161] : memref<10000xi32, #tpu.memory_space<vmem>> -> memref<80xi32, #tpu.memory_space<vmem>>
      %dma_start3A_163 = arith.constant 0 : i32
      %dma_start3A_164 = arith.constant 0 : i32
      %dma_start3A_165 = tpu.memref_slice %arg12[%dma_start3A_163, %dma_start3A_164] : memref<10240x32xf32, #tpu.memory_space<vmem_shared>> -> memref<10240x32xf32, #tpu.memory_space<vmem_shared>>
      tpu.enqueue_indirect_dma source(%dma_start3A_165 : memref<10240x32xf32, #tpu.memory_space<vmem_shared>>) target(%arg9 : memref<80x32xf32, #tpu.memory_space<vmem>>) offsets(%dma_start3A_162 : memref<80xi32, #tpu.memory_space<vmem>>) semaphore(%arg15 : memref<!tpu.dma_semaphore, #tpu.memory_space<semaphore_mem>>)
      %add3A_166 = arith.constant 1 : i32
      %add3A_167 = arith.addi %scan3A_68, %add3A_166 : i32
      %mul3A_168 = arith.constant 4 : i32
      %mul3A_169 = arith.muli %mul3A_168, %add3A_167 : i32
      %add3A_170 = arith.constant 2 : i32
      %add3A_171 = arith.addi %mul3A_169, %add3A_170 : i32
      %dma_wait3A_172 = tpu.memref_slice %arg7[%mul3A_113] : memref<10000xi32, #tpu.memory_space<vmem>> -> memref<80xi32, #tpu.memory_space<vmem>>
      %dma_wait3A_173 = arith.constant 0 : i32
      %dma_wait3A_174 = arith.constant 0 : i32
      %dma_wait3A_175 = tpu.memref_slice %arg13[%dma_wait3A_173, %dma_wait3A_174] : memref<10240x32xf32, #tpu.memory_space<vmem_shared>> -> memref<10240x32xf32, #tpu.memory_space<vmem_shared>>
      tpu.wait_indirect_dma semaphore(%arg20 : memref<!tpu.dma_semaphore, #tpu.memory_space<semaphore_mem>>) src(%arg10 : memref<80x32xf32, #tpu.memory_space<vmem>>) dst(%dma_wait3A_175 : memref<10240x32xf32, #tpu.memory_space<vmem_shared>>)
      %mul3A_176 = arith.constant 80 : i32
      %mul3A_177 = arith.muli %add3A_171, %mul3A_176 : i32
      %dma_start3A_178 = tpu.memref_slice %arg6[%mul3A_177] : memref<10000xi32, #tpu.memory_space<vmem>> -> memref<80xi32, #tpu.memory_space<vmem>>
      %dma_start3A_179 = arith.constant 0 : i32
      %dma_start3A_180 = arith.constant 0 : i32
      %dma_start3A_181 = tpu.memref_slice %arg12[%dma_start3A_179, %dma_start3A_180] : memref<10240x32xf32, #tpu.memory_space<vmem_shared>> -> memref<10240x32xf32, #tpu.memory_space<vmem_shared>>
      tpu.enqueue_indirect_dma source(%dma_start3A_181 : memref<10240x32xf32, #tpu.memory_space<vmem_shared>>) target(%arg10 : memref<80x32xf32, #tpu.memory_space<vmem>>) offsets(%dma_start3A_178 : memref<80xi32, #tpu.memory_space<vmem>>) semaphore(%arg16 : memref<!tpu.dma_semaphore, #tpu.memory_space<semaphore_mem>>)
      %add3A_182 = arith.constant 1 : i32
      %add3A_183 = arith.addi %scan3A_68, %add3A_182 : i32
      %mul3A_184 = arith.constant 4 : i32
      %mul3A_185 = arith.muli %mul3A_184, %add3A_183 : i32
      %add3A_186 = arith.constant 3 : i32
      %add3A_187 = arith.addi %mul3A_185, %add3A_186 : i32
      %dma_wait3A_188 = tpu.memref_slice %arg7[%mul3A_129] : memref<10000xi32, #tpu.memory_space<vmem>> -> memref<80xi32, #tpu.memory_space<vmem>>
      %dma_wait3A_189 = arith.constant 0 : i32
      %dma_wait3A_190 = arith.constant 0 : i32
      %dma_wait3A_191 = tpu.memref_slice %arg13[%dma_wait3A_189, %dma_wait3A_190] : memref<10240x32xf32, #tpu.memory_space<vmem_shared>> -> memref<10240x32xf32, #tpu.memory_space<vmem_shared>>
      tpu.wait_indirect_dma semaphore(%arg21 : memref<!tpu.dma_semaphore, #tpu.memory_space<semaphore_mem>>) src(%arg11 : memref<80x32xf32, #tpu.memory_space<vmem>>) dst(%dma_wait3A_191 : memref<10240x32xf32, #tpu.memory_space<vmem_shared>>)
      %mul3A_192 = arith.constant 80 : i32
      %mul3A_193 = arith.muli %add3A_187, %mul3A_192 : i32
      %dma_start3A_194 = tpu.memref_slice %arg6[%mul3A_193] : memref<10000xi32, #tpu.memory_space<vmem>> -> memref<80xi32, #tpu.memory_space<vmem>>
      %dma_start3A_195 = arith.constant 0 : i32
      %dma_start3A_196 = arith.constant 0 : i32
      %dma_start3A_197 = tpu.memref_slice %arg12[%dma_start3A_195, %dma_start3A_196] : memref<10240x32xf32, #tpu.memory_space<vmem_shared>> -> memref<10240x32xf32, #tpu.memory_space<vmem_shared>>
      tpu.enqueue_indirect_dma source(%dma_start3A_197 : memref<10240x32xf32, #tpu.memory_space<vmem_shared>>) target(%arg11 : memref<80x32xf32, #tpu.memory_space<vmem>>) offsets(%dma_start3A_194 : memref<80xi32, #tpu.memory_space<vmem>>) semaphore(%arg17 : memref<!tpu.dma_semaphore, #tpu.memory_space<semaphore_mem>>)
      %scan3A_198 = arith.constant 0 : i32
      scf.yield %scan3A_198 : i32
    }
    %scan3A_33 = arith.constant 30 : i32
    %dma_wait3A = arith.constant 9600 : i32
    %dma_wait3A_34 = tpu.memref_slice %arg6[%dma_wait3A] : memref<10000xi32, #tpu.memory_space<vmem>> -> memref<80xi32, #tpu.memory_space<vmem>>
    %dma_wait3A_35 = arith.constant 0 : i32
    %dma_wait3A_36 = arith.constant 0 : i32
    %dma_wait3A_37 = tpu.memref_slice %arg12[%dma_wait3A_35, %dma_wait3A_36] : memref<10240x32xf32, #tpu.memory_space<vmem_shared>> -> memref<10240x32xf32, #tpu.memory_space<vmem_shared>>
    tpu.wait_indirect_dma semaphore(%arg14 : memref<!tpu.dma_semaphore, #tpu.memory_space<semaphore_mem>>) src(%dma_wait3A_37 : memref<10240x32xf32, #tpu.memory_space<vmem_shared>>) dst(%arg8 : memref<80x32xf32, #tpu.memory_space<vmem>>)
    "tpu.region"() ({
      %run_scoped3A = tpu.sem_alloc : memref<!tpu.dma_semaphore, #tpu.memory_space<semaphore_mem>>
      %dma_start3A_68 = arith.constant 9600 : i32
      %dma_start3A_69 = tpu.memref_slice %arg7[%dma_start3A_68] : memref<10000xi32, #tpu.memory_space<vmem>> -> memref<80xi32, #tpu.memory_space<vmem>>
      %dma_start3A_70 = arith.constant 0 : i32
      %dma_start3A_71 = arith.constant 0 : i32
      %dma_start3A_72 = tpu.memref_slice %arg13[%dma_start3A_70, %dma_start3A_71] : memref<10240x32xf32, #tpu.memory_space<vmem_shared>> -> memref<10240x32xf32, #tpu.memory_space<vmem_shared>>
      tpu.enqueue_indirect_dma source(%arg8 : memref<80x32xf32, #tpu.memory_space<vmem>>) target(%dma_start3A_72 : memref<10240x32xf32, #tpu.memory_space<vmem_shared>>) offsets(%dma_start3A_69 : memref<80xi32, #tpu.memory_space<vmem>>) semaphore(%run_scoped3A : memref<!tpu.dma_semaphore, #tpu.memory_space<semaphore_mem>>) {add = true}
      %dma_wait3A_73 = arith.constant 9600 : i32
      %dma_wait3A_74 = tpu.memref_slice %arg7[%dma_wait3A_73] : memref<10000xi32, #tpu.memory_space<vmem>> -> memref<80xi32, #tpu.memory_space<vmem>>
      %dma_wait3A_75 = arith.constant 0 : i32
      %dma_wait3A_76 = arith.constant 0 : i32
      %dma_wait3A_77 = tpu.memref_slice %arg13[%dma_wait3A_75, %dma_wait3A_76] : memref<10240x32xf32, #tpu.memory_space<vmem_shared>> -> memref<10240x32xf32, #tpu.memory_space<vmem_shared>>
      tpu.wait_indirect_dma semaphore(%run_scoped3A : memref<!tpu.dma_semaphore, #tpu.memory_space<semaphore_mem>>) src(%arg8 : memref<80x32xf32, #tpu.memory_space<vmem>>) dst(%dma_wait3A_77 : memref<10240x32xf32, #tpu.memory_space<vmem_shared>>)
      tpu.yield
    }) : () -> ()
    %dma_wait3A_38 = arith.constant 9680 : i32
    %dma_wait3A_39 = tpu.memref_slice %arg6[%dma_wait3A_38] : memref<10000xi32, #tpu.memory_space<vmem>> -> memref<80xi32, #tpu.memory_space<vmem>>
    %dma_wait3A_40 = arith.constant 0 : i32
    %dma_wait3A_41 = arith.constant 0 : i32
    %dma_wait3A_42 = tpu.memref_slice %arg12[%dma_wait3A_40, %dma_wait3A_41] : memref<10240x32xf32, #tpu.memory_space<vmem_shared>> -> memref<10240x32xf32, #tpu.memory_space<vmem_shared>>
    tpu.wait_indirect_dma semaphore(%arg15 : memref<!tpu.dma_semaphore, #tpu.memory_space<semaphore_mem>>) src(%dma_wait3A_42 : memref<10240x32xf32, #tpu.memory_space<vmem_shared>>) dst(%arg9 : memref<80x32xf32, #tpu.memory_space<vmem>>)
    "tpu.region"() ({
      %run_scoped3A = tpu.sem_alloc : memref<!tpu.dma_semaphore, #tpu.memory_space<semaphore_mem>>
      %dma_start3A_68 = arith.constant 9680 : i32
      %dma_start3A_69 = tpu.memref_slice %arg7[%dma_start3A_68] : memref<10000xi32, #tpu.memory_space<vmem>> -> memref<80xi32, #tpu.memory_space<vmem>>
      %dma_start3A_70 = arith.constant 0 : i32
      %dma_start3A_71 = arith.constant 0 : i32
      %dma_start3A_72 = tpu.memref_slice %arg13[%dma_start3A_70, %dma_start3A_71] : memref<10240x32xf32, #tpu.memory_space<vmem_shared>> -> memref<10240x32xf32, #tpu.memory_space<vmem_shared>>
      tpu.enqueue_indirect_dma source(%arg9 : memref<80x32xf32, #tpu.memory_space<vmem>>) target(%dma_start3A_72 : memref<10240x32xf32, #tpu.memory_space<vmem_shared>>) offsets(%dma_start3A_69 : memref<80xi32, #tpu.memory_space<vmem>>) semaphore(%run_scoped3A : memref<!tpu.dma_semaphore, #tpu.memory_space<semaphore_mem>>) {add = true}
      %dma_wait3A_73 = arith.constant 9680 : i32
      %dma_wait3A_74 = tpu.memref_slice %arg7[%dma_wait3A_73] : memref<10000xi32, #tpu.memory_space<vmem>> -> memref<80xi32, #tpu.memory_space<vmem>>
      %dma_wait3A_75 = arith.constant 0 : i32
      %dma_wait3A_76 = arith.constant 0 : i32
      %dma_wait3A_77 = tpu.memref_slice %arg13[%dma_wait3A_75, %dma_wait3A_76] : memref<10240x32xf32, #tpu.memory_space<vmem_shared>> -> memref<10240x32xf32, #tpu.memory_space<vmem_shared>>
      tpu.wait_indirect_dma semaphore(%run_scoped3A : memref<!tpu.dma_semaphore, #tpu.memory_space<semaphore_mem>>) src(%arg9 : memref<80x32xf32, #tpu.memory_space<vmem>>) dst(%dma_wait3A_77 : memref<10240x32xf32, #tpu.memory_space<vmem_shared>>)
      tpu.yield
    }) : () -> ()
    %dma_wait3A_43 = arith.constant 9760 : i32
    %dma_wait3A_44 = tpu.memref_slice %arg6[%dma_wait3A_43] : memref<10000xi32, #tpu.memory_space<vmem>> -> memref<80xi32, #tpu.memory_space<vmem>>
    %dma_wait3A_45 = arith.constant 0 : i32
    %dma_wait3A_46 = arith.constant 0 : i32
    %dma_wait3A_47 = tpu.memref_slice %arg12[%dma_wait3A_45, %dma_wait3A_46] : memref<10240x32xf32, #tpu.memory_space<vmem_shared>> -> memref<10240x32xf32, #tpu.memory_space<vmem_shared>>
    tpu.wait_indirect_dma semaphore(%arg16 : memref<!tpu.dma_semaphore, #tpu.memory_space<semaphore_mem>>) src(%dma_wait3A_47 : memref<10240x32xf32, #tpu.memory_space<vmem_shared>>) dst(%arg10 : memref<80x32xf32, #tpu.memory_space<vmem>>)
    "tpu.region"() ({
      %run_scoped3A = tpu.sem_alloc : memref<!tpu.dma_semaphore, #tpu.memory_space<semaphore_mem>>
      %dma_start3A_68 = arith.constant 9760 : i32
      %dma_start3A_69 = tpu.memref_slice %arg7[%dma_start3A_68] : memref<10000xi32, #tpu.memory_space<vmem>> -> memref<80xi32, #tpu.memory_space<vmem>>
      %dma_start3A_70 = arith.constant 0 : i32
      %dma_start3A_71 = arith.constant 0 : i32
      %dma_start3A_72 = tpu.memref_slice %arg13[%dma_start3A_70, %dma_start3A_71] : memref<10240x32xf32, #tpu.memory_space<vmem_shared>> -> memref<10240x32xf32, #tpu.memory_space<vmem_shared>>
      tpu.enqueue_indirect_dma source(%arg10 : memref<80x32xf32, #tpu.memory_space<vmem>>) target(%dma_start3A_72 : memref<10240x32xf32, #tpu.memory_space<vmem_shared>>) offsets(%dma_start3A_69 : memref<80xi32, #tpu.memory_space<vmem>>) semaphore(%run_scoped3A : memref<!tpu.dma_semaphore, #tpu.memory_space<semaphore_mem>>) {add = true}
      %dma_wait3A_73 = arith.constant 9760 : i32
      %dma_wait3A_74 = tpu.memref_slice %arg7[%dma_wait3A_73] : memref<10000xi32, #tpu.memory_space<vmem>> -> memref<80xi32, #tpu.memory_space<vmem>>
      %dma_wait3A_75 = arith.constant 0 : i32
      %dma_wait3A_76 = arith.constant 0 : i32
      %dma_wait3A_77 = tpu.memref_slice %arg13[%dma_wait3A_75, %dma_wait3A_76] : memref<10240x32xf32, #tpu.memory_space<vmem_shared>> -> memref<10240x32xf32, #tpu.memory_space<vmem_shared>>
      tpu.wait_indirect_dma semaphore(%run_scoped3A : memref<!tpu.dma_semaphore, #tpu.memory_space<semaphore_mem>>) src(%arg10 : memref<80x32xf32, #tpu.memory_space<vmem>>) dst(%dma_wait3A_77 : memref<10240x32xf32, #tpu.memory_space<vmem_shared>>)
      tpu.yield
    }) : () -> ()
    %dma_wait3A_48 = arith.constant 9840 : i32
    %dma_wait3A_49 = tpu.memref_slice %arg6[%dma_wait3A_48] : memref<10000xi32, #tpu.memory_space<vmem>> -> memref<80xi32, #tpu.memory_space<vmem>>
    %dma_wait3A_50 = arith.constant 0 : i32
    %dma_wait3A_51 = arith.constant 0 : i32
    %dma_wait3A_52 = tpu.memref_slice %arg12[%dma_wait3A_50, %dma_wait3A_51] : memref<10240x32xf32, #tpu.memory_space<vmem_shared>> -> memref<10240x32xf32, #tpu.memory_space<vmem_shared>>
    tpu.wait_indirect_dma semaphore(%arg17 : memref<!tpu.dma_semaphore, #tpu.memory_space<semaphore_mem>>) src(%dma_wait3A_52 : memref<10240x32xf32, #tpu.memory_space<vmem_shared>>) dst(%arg11 : memref<80x32xf32, #tpu.memory_space<vmem>>)
    "tpu.region"() ({
      %run_scoped3A = tpu.sem_alloc : memref<!tpu.dma_semaphore, #tpu.memory_space<semaphore_mem>>
      %dma_start3A_68 = arith.constant 9840 : i32
      %dma_start3A_69 = tpu.memref_slice %arg7[%dma_start3A_68] : memref<10000xi32, #tpu.memory_space<vmem>> -> memref<80xi32, #tpu.memory_space<vmem>>
      %dma_start3A_70 = arith.constant 0 : i32
      %dma_start3A_71 = arith.constant 0 : i32
      %dma_start3A_72 = tpu.memref_slice %arg13[%dma_start3A_70, %dma_start3A_71] : memref<10240x32xf32, #tpu.memory_space<vmem_shared>> -> memref<10240x32xf32, #tpu.memory_space<vmem_shared>>
      tpu.enqueue_indirect_dma source(%arg11 : memref<80x32xf32, #tpu.memory_space<vmem>>) target(%dma_start3A_72 : memref<10240x32xf32, #tpu.memory_space<vmem_shared>>) offsets(%dma_start3A_69 : memref<80xi32, #tpu.memory_space<vmem>>) semaphore(%run_scoped3A : memref<!tpu.dma_semaphore, #tpu.memory_space<semaphore_mem>>) {add = true}
      %dma_wait3A_73 = arith.constant 9840 : i32
      %dma_wait3A_74 = tpu.memref_slice %arg7[%dma_wait3A_73] : memref<10000xi32, #tpu.memory_space<vmem>> -> memref<80xi32, #tpu.memory_space<vmem>>
      %dma_wait3A_75 = arith.constant 0 : i32
      %dma_wait3A_76 = arith.constant 0 : i32
      %dma_wait3A_77 = tpu.memref_slice %arg13[%dma_wait3A_75, %dma_wait3A_76] : memref<10240x32xf32, #tpu.memory_space<vmem_shared>> -> memref<10240x32xf32, #tpu.memory_space<vmem_shared>>
      tpu.wait_indirect_dma semaphore(%run_scoped3A : memref<!tpu.dma_semaphore, #tpu.memory_space<semaphore_mem>>) src(%arg11 : memref<80x32xf32, #tpu.memory_space<vmem>>) dst(%dma_wait3A_77 : memref<10240x32xf32, #tpu.memory_space<vmem_shared>>)
      tpu.yield
    }) : () -> ()
    %dma_start3A_53 = arith.constant 9920 : i32
    %dma_start3A_54 = tpu.memref_slice %arg6[%dma_start3A_53] : memref<10000xi32, #tpu.memory_space<vmem>> -> memref<80xi32, #tpu.memory_space<vmem>>
    %dma_start3A_55 = arith.constant 0 : i32
    %dma_start3A_56 = arith.constant 0 : i32
    %dma_start3A_57 = tpu.memref_slice %arg12[%dma_start3A_55, %dma_start3A_56] : memref<10240x32xf32, #tpu.memory_space<vmem_shared>> -> memref<10240x32xf32, #tpu.memory_space<vmem_shared>>
    tpu.enqueue_indirect_dma source(%dma_start3A_57 : memref<10240x32xf32, #tpu.memory_space<vmem_shared>>) target(%arg8 : memref<80x32xf32, #tpu.memory_space<vmem>>) offsets(%dma_start3A_54 : memref<80xi32, #tpu.memory_space<vmem>>) semaphore(%arg14 : memref<!tpu.dma_semaphore, #tpu.memory_space<semaphore_mem>>)
    %dma_wait3A_58 = arith.constant 9920 : i32
    %dma_wait3A_59 = tpu.memref_slice %arg6[%dma_wait3A_58] : memref<10000xi32, #tpu.memory_space<vmem>> -> memref<80xi32, #tpu.memory_space<vmem>>
    %dma_wait3A_60 = arith.constant 0 : i32
    %dma_wait3A_61 = arith.constant 0 : i32
    %dma_wait3A_62 = tpu.memref_slice %arg12[%dma_wait3A_60, %dma_wait3A_61] : memref<10240x32xf32, #tpu.memory_space<vmem_shared>> -> memref<10240x32xf32, #tpu.memory_space<vmem_shared>>
    tpu.wait_indirect_dma semaphore(%arg14 : memref<!tpu.dma_semaphore, #tpu.memory_space<semaphore_mem>>) src(%dma_wait3A_62 : memref<10240x32xf32, #tpu.memory_space<vmem_shared>>) dst(%arg8 : memref<80x32xf32, #tpu.memory_space<vmem>>)
    "tpu.region"() ({
      %run_scoped3A = tpu.sem_alloc : memref<!tpu.dma_semaphore, #tpu.memory_space<semaphore_mem>>
      %dma_start3A_68 = arith.constant 9920 : i32
      %dma_start3A_69 = tpu.memref_slice %arg7[%dma_start3A_68] : memref<10000xi32, #tpu.memory_space<vmem>> -> memref<80xi32, #tpu.memory_space<vmem>>
      %dma_start3A_70 = arith.constant 0 : i32
      %dma_start3A_71 = arith.constant 0 : i32
      %dma_start3A_72 = tpu.memref_slice %arg13[%dma_start3A_70, %dma_start3A_71] : memref<10240x32xf32, #tpu.memory_space<vmem_shared>> -> memref<10240x32xf32, #tpu.memory_space<vmem_shared>>
      tpu.enqueue_indirect_dma source(%arg8 : memref<80x32xf32, #tpu.memory_space<vmem>>) target(%dma_start3A_72 : memref<10240x32xf32, #tpu.memory_space<vmem_shared>>) offsets(%dma_start3A_69 : memref<80xi32, #tpu.memory_space<vmem>>) semaphore(%run_scoped3A : memref<!tpu.dma_semaphore, #tpu.memory_space<semaphore_mem>>) {add = true}
      %dma_wait3A_73 = arith.constant 9920 : i32
      %dma_wait3A_74 = tpu.memref_slice %arg7[%dma_wait3A_73] : memref<10000xi32, #tpu.memory_space<vmem>> -> memref<80xi32, #tpu.memory_space<vmem>>
      %dma_wait3A_75 = arith.constant 0 : i32
      %dma_wait3A_76 = arith.constant 0 : i32
      %dma_wait3A_77 = tpu.memref_slice %arg13[%dma_wait3A_75, %dma_wait3A_76] : memref<10240x32xf32, #tpu.memory_space<vmem_shared>> -> memref<10240x32xf32, #tpu.memory_space<vmem_shared>>
      tpu.wait_indirect_dma semaphore(%run_scoped3A : memref<!tpu.dma_semaphore, #tpu.memory_space<semaphore_mem>>) src(%arg8 : memref<80x32xf32, #tpu.memory_space<vmem>>) dst(%dma_wait3A_77 : memref<10240x32xf32, #tpu.memory_space<vmem_shared>>)
      tpu.yield
    }) : () -> ()
    %barrier3A_63 = arith.constant 0 : index
    tpu.barrier barrier_id(%barrier3A_63)
    %mul3A_64 = arith.constant 640 : i32
    %mul3A_65 = arith.muli %arg1, %mul3A_64 : i32
    %mul3A_66 = arith.constant 640 : i32
    %mul3A_67 = arith.muli %arg1, %mul3A_66 : i32
    "tpu.region"() ({
      %run_scoped3A = tpu.sem_alloc : memref<!tpu.dma_semaphore, #tpu.memory_space<semaphore_mem>>
      %dma_start3A_68 = arith.constant 0 : i32
      %dma_start3A_69 = tpu.memref_slice %arg5[%arg0, %mul3A_67, %dma_start3A_68] : memref<2x10240x32xf32, #tpu.memory_space<hbm>> -> memref<1x640x32xf32, #tpu.memory_space<hbm>>
      %dma_start3A_70 = tpu.memref_squeeze %dma_start3A_69 : memref<1x640x32xf32, #tpu.memory_space<hbm>> -> memref<640x32xf32, #tpu.memory_space<hbm>>
      %dma_start3A_71 = arith.constant 0 : i32
      %dma_start3A_72 = tpu.memref_slice %arg13[%mul3A_65, %dma_start3A_71] : memref<10240x32xf32, #tpu.memory_space<vmem_shared>> -> memref<640x32xf32, #tpu.memory_space<vmem_shared>>
      tpu.enqueue_dma source(%dma_start3A_72 : memref<640x32xf32, #tpu.memory_space<vmem_shared>>) target(%dma_start3A_70 : memref<640x32xf32, #tpu.memory_space<hbm>>) target_semaphore(%run_scoped3A : memref<!tpu.dma_semaphore, #tpu.memory_space<semaphore_mem>>)
      %dma_wait3A_73 = arith.constant 0 : i32
      %dma_wait3A_74 = tpu.memref_slice %arg5[%arg0, %mul3A_67, %dma_wait3A_73] : memref<2x10240x32xf32, #tpu.memory_space<hbm>> -> memref<1x640x32xf32, #tpu.memory_space<hbm>>
      %dma_wait3A_75 = tpu.memref_squeeze %dma_wait3A_74 : memref<1x640x32xf32, #tpu.memory_space<hbm>> -> memref<640x32xf32, #tpu.memory_space<hbm>>
      %dma_wait3A_76 = arith.constant 0 : i32
      %dma_wait3A_77 = tpu.memref_slice %arg13[%mul3A_65, %dma_wait3A_76] : memref<10240x32xf32, #tpu.memory_space<vmem_shared>> -> memref<640x32xf32, #tpu.memory_space<vmem_shared>>
      tpu.wait_dma2 semaphore(%run_scoped3A : memref<!tpu.dma_semaphore, #tpu.memory_space<semaphore_mem>>) src(%dma_wait3A_77 : memref<640x32xf32, #tpu.memory_space<vmem_shared>>) dst(%dma_wait3A_75 : memref<640x32xf32, #tpu.memory_space<hbm>>)
      tpu.yield
    }) : () -> ()
    return
  }
}

module attributes {stable_mosaic.version = 14 : i64} {
  func.func @_tc_first_body(%arg0: i32, %arg1: memref<512x256xf32, #tpu.memory_space<vmem>>, %arg2: memref<256x128xf32, #tpu.memory_space<vmem>>, %arg3: memref<2x512x128xf32, #tpu.memory_space<vmem>>, %arg4: memref<512x128xf32, #tpu.memory_space<vmem>>, %arg5: memref<512x128xf32, #tpu.memory_space<vmem>>) attributes {dimension_semantics = [#tpu.dimension_semantics<arbitrary>], iteration_bounds = array<i64: 10>, scalar_prefetch = 0 : i64, scratch_operands = 0 : i64, tpu.core_type = #tpu.core_type<tc>, window_params = [{transform_indices = @transform_0, window_bounds = array<i64: 512, 256>}, {pipeline_mode = #tpu.pipeline_mode<synchronous>, transform_indices = @transform_1, window_bounds = array<i64: 256, 128>}, {transform_indices = @transform_2, window_bounds = array<i64: 2, 512, 128>}, {transform_indices = @transform_3, window_bounds = array<i64: 512, 128>}, {transform_indices = @transform_4, window_bounds = array<i64: 512, 128>}]} {
    %get3A = arith.constant 0 : index
    %get3A_0 = arith.constant 0 : index
    %get3A_1 = arith.constant 0 : index
    %get3A_2 = vector.load %arg3[%get3A, %get3A_0, %get3A_1] : memref<2x512x128xf32, #tpu.memory_space<vmem>>, vector<1x512x128xf32>
    %get3A_3 = vector.shape_cast %get3A_2 : vector<1x512x128xf32> to vector<512x128xf32>
    %add3A = arith.constant 1.000000e+00 : f32
    %add3A_4 = vector.broadcast %add3A : f32 to vector<512x128xf32>
    %add3A_5 = arith.addf %add3A_4, %get3A_3 : vector<512x128xf32>
    %get3A_6 = arith.constant 1 : index
    %get3A_7 = arith.constant 0 : index
    %get3A_8 = arith.constant 0 : index
    %get3A_9 = vector.load %arg3[%get3A_6, %get3A_7, %get3A_8] : memref<2x512x128xf32, #tpu.memory_space<vmem>>, vector<1x512x128xf32>
    %get3A_10 = vector.shape_cast %get3A_9 : vector<1x512x128xf32> to vector<512x128xf32>
    %add3A_11 = arith.addf %add3A_5, %get3A_10 : vector<512x128xf32>
    %rsqrt3A = math.rsqrt %add3A_11 : vector<512x128xf32>
    %get3A_12 = arith.constant 0 : index
    %get3A_13 = arith.constant 0 : index
    %get3A_14 = vector.load %arg1[%get3A_12, %get3A_13] : memref<512x256xf32, #tpu.memory_space<vmem>>, vector<512x256xf32>
    %get3A_15 = arith.constant 0 : index
    %get3A_16 = arith.constant 0 : index
    %get3A_17 = vector.load %arg2[%get3A_15, %get3A_16] : memref<256x128xf32, #tpu.memory_space<vmem>>, vector<256x128xf32>
    %dot_general3A = arith.constant dense<0.000000e+00> : vector<512x128xf32>
    %dot_general3A_18 = tpu.matmul %get3A_14, %get3A_17, %dot_general3A {dimension_numbers = #tpu.dot_dimension_numbers<[1], [0], [0], [1], [0, 0, 1, 1], [], []>, transpose_lhs_hint = false} : vector<512x256xf32>, vector<256x128xf32>, vector<512x128xf32> -> vector<512x128xf32>
    %mul3A = arith.mulf %dot_general3A_18, %rsqrt3A : vector<512x128xf32>
    %swap3A = arith.constant 0 : index
    %swap3A_19 = arith.constant 0 : index
    %swap3A_20 = vector.load %arg4[%swap3A, %swap3A_19] : memref<512x128xf32, #tpu.memory_space<vmem>>, vector<512x128xf32>
    tpu.vector_store %arg4[%swap3A, %swap3A_19], %mul3A {strides = array<i32>} : memref<512x128xf32, #tpu.memory_space<vmem>>, vector<512x128xf32>,
    %swap3A_21 = arith.constant 0 : index
    %swap3A_22 = arith.constant 0 : index
    %swap3A_23 = vector.load %arg5[%swap3A_21, %swap3A_22] : memref<512x128xf32, #tpu.memory_space<vmem>>, vector<512x128xf32>
    tpu.vector_store %arg5[%swap3A_21, %swap3A_22], %rsqrt3A {strides = array<i32>} : memref<512x128xf32, #tpu.memory_space<vmem>>, vector<512x128xf32>,
    return
  }
  func.func @transform_0(%arg0: i32) -> (i32, i32) {
    %c0_i32 = arith.constant 0 : i32
    %c0_i32_0 = arith.constant 0 : i32
    return %arg0, %c0_i32 : i32, i32
  }
  func.func @transform_1(%arg0: i32) -> (i32, i32) {
    %c0_i32 = arith.constant 0 : i32
    %c0_i32_0 = arith.constant 0 : i32
    %c0_i32_1 = arith.constant 0 : i32
    return %c0_i32, %c0_i32_0 : i32, i32
  }
  func.func @transform_2(%arg0: i32) -> (i32, i32, i32) {
    %c0_i32 = arith.constant 0 : i32
    %c0_i32_0 = arith.constant 0 : i32
    %c0_i32_1 = arith.constant 0 : i32
    return %c0_i32, %arg0, %c0_i32_0 : i32, i32, i32
  }
  func.func @transform_3(%arg0: i32) -> (i32, i32) {
    %c0_i32 = arith.constant 0 : i32
    %c0_i32_0 = arith.constant 0 : i32
    return %arg0, %c0_i32 : i32, i32
  }
  func.func @transform_4(%arg0: i32) -> (i32, i32) {
    %c0_i32 = arith.constant 0 : i32
    %c0_i32_0 = arith.constant 0 : i32
    return %arg0, %c0_i32 : i32, i32
  }
}

module attributes {stable_mosaic.version = 14 : i64} {
  func.func @_tc_mid_body(%arg0: i32, %arg1: memref<2x512x128xf32, #tpu.memory_space<vmem>>, %arg2: memref<512x128xf32, #tpu.memory_space<vmem>>, %arg3: memref<512x128xf32, #tpu.memory_space<vmem>>, %arg4: memref<1x128xf32, #tpu.memory_space<vmem>>, %arg5: memref<128x128xf32, #tpu.memory_space<vmem>>, %arg6: memref<512x128xf32, #tpu.memory_space<vmem>>) attributes {dimension_semantics = [#tpu.dimension_semantics<arbitrary>], iteration_bounds = array<i64: 10>, scalar_prefetch = 0 : i64, scratch_operands = 0 : i64, tpu.core_type = #tpu.core_type<tc>, window_params = [{transform_indices = @transform_0, window_bounds = array<i64: 2, 512, 128>}, {transform_indices = @transform_1, window_bounds = array<i64: 512, 128>}, {transform_indices = @transform_2, window_bounds = array<i64: 512, 128>}, {pipeline_mode = #tpu.pipeline_mode<synchronous>, transform_indices = @transform_3, window_bounds = array<i64: 1, 128>}, {pipeline_mode = #tpu.pipeline_mode<synchronous>, transform_indices = @transform_4, window_bounds = array<i64: 128, 128>}, {transform_indices = @transform_5, window_bounds = array<i64: 512, 128>}]} {
    %get3A = arith.constant 0 : index
    %get3A_0 = arith.constant 0 : index
    %get3A_1 = vector.load %arg3[%get3A, %get3A_0] : memref<512x128xf32, #tpu.memory_space<vmem>>, vector<512x128xf32>
    %get3A_2 = arith.constant 0 : index
    %get3A_3 = arith.constant 0 : index
    %get3A_4 = arith.constant 0 : index
    %get3A_5 = vector.load %arg1[%get3A_2, %get3A_3, %get3A_4] : memref<2x512x128xf32, #tpu.memory_space<vmem>>, vector<1x512x128xf32>
    %get3A_6 = vector.shape_cast %get3A_5 : vector<1x512x128xf32> to vector<512x128xf32>
    %get3A_7 = arith.constant 1 : index
    %get3A_8 = arith.constant 0 : index
    %get3A_9 = arith.constant 0 : index
    %get3A_10 = vector.load %arg1[%get3A_7, %get3A_8, %get3A_9] : memref<2x512x128xf32, #tpu.memory_space<vmem>>, vector<1x512x128xf32>
    %get3A_11 = vector.shape_cast %get3A_10 : vector<1x512x128xf32> to vector<512x128xf32>
    %add3A = arith.addf %get3A_6, %get3A_11 : vector<512x128xf32>
    %get3A_12 = arith.constant 0 : index
    %get3A_13 = arith.constant 0 : index
    %get3A_14 = vector.load %arg2[%get3A_12, %get3A_13] : memref<512x128xf32, #tpu.memory_space<vmem>>, vector<512x128xf32>
    %sub3A = arith.subf %add3A, %get3A_14 : vector<512x128xf32>
    %mul3A = arith.mulf %get3A_1, %sub3A : vector<512x128xf32>
    %get3A_15 = arith.constant 0 : index
    %get3A_16 = arith.constant 0 : index
    %get3A_17 = vector.load %arg4[%get3A_15, %get3A_16] : memref<1x128xf32, #tpu.memory_space<vmem>>, vector<1x128xf32>
    %add3A_18 = vector.broadcast %get3A_17 : vector<1x128xf32> to vector<512x128xf32>
    %add3A_19 = arith.addf %mul3A, %add3A_18 : vector<512x128xf32>
    %max3A = arith.constant 0.000000e+00 : f32
    %max3A_20 = vector.broadcast %max3A : f32 to vector<512x128xf32>
    %max3A_21 = arith.maximumf %add3A_19, %max3A_20 : vector<512x128xf32>
    %get3A_22 = arith.constant 0 : index
    %get3A_23 = arith.constant 0 : index
    %get3A_24 = vector.load %arg5[%get3A_22, %get3A_23] : memref<128x128xf32, #tpu.memory_space<vmem>>, vector<128x128xf32>
    %dot_general3A = arith.constant dense<0.000000e+00> : vector<512x128xf32>
    %dot_general3A_25 = tpu.matmul %max3A_21, %get3A_24, %dot_general3A {dimension_numbers = #tpu.dot_dimension_numbers<[1], [0], [0], [1], [0, 0, 1, 1], [], []>, transpose_lhs_hint = false} : vector<512x128xf32>, vector<128x128xf32>, vector<512x128xf32> -> vector<512x128xf32>
    %mul3A_26 = arith.mulf %dot_general3A_25, %get3A_1 : vector<512x128xf32>
    %swap3A = arith.constant 0 : index
    %swap3A_27 = arith.constant 0 : index
    %swap3A_28 = vector.load %arg6[%swap3A, %swap3A_27] : memref<512x128xf32, #tpu.memory_space<vmem>>, vector<512x128xf32>
    tpu.vector_store %arg6[%swap3A, %swap3A_27], %mul3A_26 {strides = array<i32>} : memref<512x128xf32, #tpu.memory_space<vmem>>, vector<512x128xf32>,
    return
  }
  func.func @transform_0(%arg0: i32) -> (i32, i32, i32) {
    %c0_i32 = arith.constant 0 : i32
    %c0_i32_0 = arith.constant 0 : i32
    %c0_i32_1 = arith.constant 0 : i32
    return %c0_i32, %arg0, %c0_i32_0 : i32, i32, i32
  }
  func.func @transform_1(%arg0: i32) -> (i32, i32) {
    %c0_i32 = arith.constant 0 : i32
    %c0_i32_0 = arith.constant 0 : i32
    return %arg0, %c0_i32 : i32, i32
  }
  func.func @transform_2(%arg0: i32) -> (i32, i32) {
    %c0_i32 = arith.constant 0 : i32
    %c0_i32_0 = arith.constant 0 : i32
    return %arg0, %c0_i32 : i32, i32
  }
  func.func @transform_3(%arg0: i32) -> (i32, i32) {
    %c0_i32 = arith.constant 0 : i32
    %c0_i32_0 = arith.constant 0 : i32
    %c0_i32_1 = arith.constant 0 : i32
    return %c0_i32, %c0_i32_0 : i32, i32
  }
  func.func @transform_4(%arg0: i32) -> (i32, i32) {
    %c0_i32 = arith.constant 0 : i32
    %c0_i32_0 = arith.constant 0 : i32
    %c0_i32_1 = arith.constant 0 : i32
    return %c0_i32, %c0_i32_0 : i32, i32
  }
  func.func @transform_5(%arg0: i32) -> (i32, i32) {
    %c0_i32 = arith.constant 0 : i32
    %c0_i32_0 = arith.constant 0 : i32
    return %arg0, %c0_i32 : i32, i32
  }
}

module attributes {stable_mosaic.version = 14 : i64} {
  func.func @_tc_mid_body(%arg0: i32, %arg1: memref<2x512x128xf32, #tpu.memory_space<vmem>>, %arg2: memref<512x128xf32, #tpu.memory_space<vmem>>, %arg3: memref<512x128xf32, #tpu.memory_space<vmem>>, %arg4: memref<1x128xf32, #tpu.memory_space<vmem>>, %arg5: memref<128x64xf32, #tpu.memory_space<vmem>>, %arg6: memref<512x64xf32, #tpu.memory_space<vmem>>) attributes {dimension_semantics = [#tpu.dimension_semantics<arbitrary>], iteration_bounds = array<i64: 10>, scalar_prefetch = 0 : i64, scratch_operands = 0 : i64, tpu.core_type = #tpu.core_type<tc>, window_params = [{transform_indices = @transform_0, window_bounds = array<i64: 2, 512, 128>}, {transform_indices = @transform_1, window_bounds = array<i64: 512, 128>}, {transform_indices = @transform_2, window_bounds = array<i64: 512, 128>}, {pipeline_mode = #tpu.pipeline_mode<synchronous>, transform_indices = @transform_3, window_bounds = array<i64: 1, 128>}, {pipeline_mode = #tpu.pipeline_mode<synchronous>, transform_indices = @transform_4, window_bounds = array<i64: 128, 64>}, {transform_indices = @transform_5, window_bounds = array<i64: 512, 64>}]} {
    %get3A = arith.constant 0 : index
    %get3A_0 = arith.constant 0 : index
    %get3A_1 = vector.load %arg3[%get3A, %get3A_0] : memref<512x128xf32, #tpu.memory_space<vmem>>, vector<512x128xf32>
    %get3A_2 = arith.constant 0 : index
    %get3A_3 = arith.constant 0 : index
    %get3A_4 = arith.constant 0 : index
    %get3A_5 = vector.load %arg1[%get3A_2, %get3A_3, %get3A_4] : memref<2x512x128xf32, #tpu.memory_space<vmem>>, vector<1x512x128xf32>
    %get3A_6 = vector.shape_cast %get3A_5 : vector<1x512x128xf32> to vector<512x128xf32>
    %get3A_7 = arith.constant 1 : index
    %get3A_8 = arith.constant 0 : index
    %get3A_9 = arith.constant 0 : index
    %get3A_10 = vector.load %arg1[%get3A_7, %get3A_8, %get3A_9] : memref<2x512x128xf32, #tpu.memory_space<vmem>>, vector<1x512x128xf32>
    %get3A_11 = vector.shape_cast %get3A_10 : vector<1x512x128xf32> to vector<512x128xf32>
    %add3A = arith.addf %get3A_6, %get3A_11 : vector<512x128xf32>
    %get3A_12 = arith.constant 0 : index
    %get3A_13 = arith.constant 0 : index
    %get3A_14 = vector.load %arg2[%get3A_12, %get3A_13] : memref<512x128xf32, #tpu.memory_space<vmem>>, vector<512x128xf32>
    %sub3A = arith.subf %add3A, %get3A_14 : vector<512x128xf32>
    %mul3A = arith.mulf %get3A_1, %sub3A : vector<512x128xf32>
    %get3A_15 = arith.constant 0 : index
    %get3A_16 = arith.constant 0 : index
    %get3A_17 = vector.load %arg4[%get3A_15, %get3A_16] : memref<1x128xf32, #tpu.memory_space<vmem>>, vector<1x128xf32>
    %add3A_18 = vector.broadcast %get3A_17 : vector<1x128xf32> to vector<512x128xf32>
    %add3A_19 = arith.addf %mul3A, %add3A_18 : vector<512x128xf32>
    %max3A = arith.constant 0.000000e+00 : f32
    %max3A_20 = vector.broadcast %max3A : f32 to vector<512x128xf32>
    %max3A_21 = arith.maximumf %add3A_19, %max3A_20 : vector<512x128xf32>
    %slice3A = vector.extract_strided_slice %get3A_1 {offsets = [0, 0], sizes = [512, 32], strides = [1, 1]} : vector<512x128xf32> to vector<512x32xf32>
    %slice3A_22 = vector.extract_strided_slice %get3A_1 {offsets = [0, 64], sizes = [512, 32], strides = [1, 1]} : vector<512x128xf32> to vector<512x32xf32>
    %concatenate3A = tpu.concatenate %slice3A, %slice3A_22 in 1 : vector<512x32xf32>, vector<512x32xf32> -> vector<512x64xf32>
    %get3A_23 = arith.constant 0 : index
    %get3A_24 = arith.constant 0 : index
    %get3A_25 = vector.load %arg5[%get3A_23, %get3A_24] : memref<128x64xf32, #tpu.memory_space<vmem>>, vector<128x64xf32>
    %dot_general3A = arith.constant dense<0.000000e+00> : vector<512x64xf32>
    %dot_general3A_26 = tpu.matmul %max3A_21, %get3A_25, %dot_general3A {dimension_numbers = #tpu.dot_dimension_numbers<[1], [0], [0], [1], [0, 0, 1, 1], [], []>, transpose_lhs_hint = false} : vector<512x128xf32>, vector<128x64xf32>, vector<512x64xf32> -> vector<512x64xf32>
    %mul3A_27 = arith.mulf %dot_general3A_26, %concatenate3A : vector<512x64xf32>
    %swap3A = arith.constant 0 : index
    %swap3A_28 = arith.constant 0 : index
    %swap3A_29 = vector.load %arg6[%swap3A, %swap3A_28] : memref<512x64xf32, #tpu.memory_space<vmem>>, vector<512x64xf32>
    tpu.vector_store %arg6[%swap3A, %swap3A_28], %mul3A_27 {strides = array<i32>} : memref<512x64xf32, #tpu.memory_space<vmem>>, vector<512x64xf32>,
    return
  }
  func.func @transform_0(%arg0: i32) -> (i32, i32, i32) {
    %c0_i32 = arith.constant 0 : i32
    %c0_i32_0 = arith.constant 0 : i32
    %c0_i32_1 = arith.constant 0 : i32
    return %c0_i32, %arg0, %c0_i32_0 : i32, i32, i32
  }
  func.func @transform_1(%arg0: i32) -> (i32, i32) {
    %c0_i32 = arith.constant 0 : i32
    %c0_i32_0 = arith.constant 0 : i32
    return %arg0, %c0_i32 : i32, i32
  }
  func.func @transform_2(%arg0: i32) -> (i32, i32) {
    %c0_i32 = arith.constant 0 : i32
    %c0_i32_0 = arith.constant 0 : i32
    return %arg0, %c0_i32 : i32, i32
  }
  func.func @transform_3(%arg0: i32) -> (i32, i32) {
    %c0_i32 = arith.constant 0 : i32
    %c0_i32_0 = arith.constant 0 : i32
    %c0_i32_1 = arith.constant 0 : i32
    return %c0_i32, %c0_i32_0 : i32, i32
  }
  func.func @transform_4(%arg0: i32) -> (i32, i32) {
    %c0_i32 = arith.constant 0 : i32
    %c0_i32_0 = arith.constant 0 : i32
    %c0_i32_1 = arith.constant 0 : i32
    return %c0_i32, %c0_i32_0 : i32, i32
  }
  func.func @transform_5(%arg0: i32) -> (i32, i32) {
    %c0_i32 = arith.constant 0 : i32
    %c0_i32_0 = arith.constant 0 : i32
    return %arg0, %c0_i32 : i32, i32
  }
}

module attributes {stable_mosaic.version = 14 : i64} {
  func.func @_tc_last_body(%arg0: i32, %arg1: memref<2x512x64xf32, #tpu.memory_space<vmem>>, %arg2: memref<512x64xf32, #tpu.memory_space<vmem>>, %arg3: memref<512x128xf32, #tpu.memory_space<vmem>>, %arg4: memref<1x64xf32, #tpu.memory_space<vmem>>, %arg5: memref<512x64xf32, #tpu.memory_space<vmem>>) attributes {dimension_semantics = [#tpu.dimension_semantics<arbitrary>], iteration_bounds = array<i64: 10>, scalar_prefetch = 0 : i64, scratch_operands = 0 : i64, tpu.core_type = #tpu.core_type<tc>, window_params = [{transform_indices = @transform_0, window_bounds = array<i64: 2, 512, 64>}, {transform_indices = @transform_1, window_bounds = array<i64: 512, 64>}, {transform_indices = @transform_2, window_bounds = array<i64: 512, 128>}, {pipeline_mode = #tpu.pipeline_mode<synchronous>, transform_indices = @transform_3, window_bounds = array<i64: 1, 64>}, {transform_indices = @transform_4, window_bounds = array<i64: 512, 64>}]} {
    %get3A = arith.constant 0 : index
    %get3A_0 = arith.constant 0 : index
    %get3A_1 = vector.load %arg3[%get3A, %get3A_0] : memref<512x128xf32, #tpu.memory_space<vmem>>, vector<512x128xf32>
    %slice3A = vector.extract_strided_slice %get3A_1 {offsets = [0, 0], sizes = [512, 32], strides = [1, 1]} : vector<512x128xf32> to vector<512x32xf32>
    %slice3A_2 = vector.extract_strided_slice %get3A_1 {offsets = [0, 64], sizes = [512, 32], strides = [1, 1]} : vector<512x128xf32> to vector<512x32xf32>
    %concatenate3A = tpu.concatenate %slice3A, %slice3A_2 in 1 : vector<512x32xf32>, vector<512x32xf32> -> vector<512x64xf32>
    %get3A_3 = arith.constant 0 : index
    %get3A_4 = arith.constant 0 : index
    %get3A_5 = arith.constant 0 : index
    %get3A_6 = vector.load %arg1[%get3A_3, %get3A_4, %get3A_5] : memref<2x512x64xf32, #tpu.memory_space<vmem>>, vector<1x512x64xf32>
    %get3A_7 = vector.shape_cast %get3A_6 : vector<1x512x64xf32> to vector<512x64xf32>
    %get3A_8 = arith.constant 1 : index
    %get3A_9 = arith.constant 0 : index
    %get3A_10 = arith.constant 0 : index
    %get3A_11 = vector.load %arg1[%get3A_8, %get3A_9, %get3A_10] : memref<2x512x64xf32, #tpu.memory_space<vmem>>, vector<1x512x64xf32>
    %get3A_12 = vector.shape_cast %get3A_11 : vector<1x512x64xf32> to vector<512x64xf32>
    %add3A = arith.addf %get3A_7, %get3A_12 : vector<512x64xf32>
    %get3A_13 = arith.constant 0 : index
    %get3A_14 = arith.constant 0 : index
    %get3A_15 = vector.load %arg2[%get3A_13, %get3A_14] : memref<512x64xf32, #tpu.memory_space<vmem>>, vector<512x64xf32>
    %sub3A = arith.subf %add3A, %get3A_15 : vector<512x64xf32>
    %mul3A = arith.mulf %concatenate3A, %sub3A : vector<512x64xf32>
    %get3A_16 = arith.constant 0 : index
    %get3A_17 = arith.constant 0 : index
    %get3A_18 = vector.load %arg4[%get3A_16, %get3A_17] : memref<1x64xf32, #tpu.memory_space<vmem>>, vector<1x64xf32>
    %add3A_19 = vector.broadcast %get3A_18 : vector<1x64xf32> to vector<512x64xf32>
    %add3A_20 = arith.addf %mul3A, %add3A_19 : vector<512x64xf32>
    %swap3A = arith.constant 0 : index
    %swap3A_21 = arith.constant 0 : index
    %swap3A_22 = vector.load %arg5[%swap3A, %swap3A_21] : memref<512x64xf32, #tpu.memory_space<vmem>>, vector<512x64xf32>
    tpu.vector_store %arg5[%swap3A, %swap3A_21], %add3A_20 {strides = array<i32>} : memref<512x64xf32, #tpu.memory_space<vmem>>, vector<512x64xf32>,
    return
  }
  func.func @transform_0(%arg0: i32) -> (i32, i32, i32) {
    %c0_i32 = arith.constant 0 : i32
    %c0_i32_0 = arith.constant 0 : i32
    %c0_i32_1 = arith.constant 0 : i32
    return %c0_i32, %arg0, %c0_i32_0 : i32, i32, i32
  }
  func.func @transform_1(%arg0: i32) -> (i32, i32) {
    %c0_i32 = arith.constant 0 : i32
    %c0_i32_0 = arith.constant 0 : i32
    return %arg0, %c0_i32 : i32, i32
  }
  func.func @transform_2(%arg0: i32) -> (i32, i32) {
    %c0_i32 = arith.constant 0 : i32
    %c0_i32_0 = arith.constant 0 : i32
    return %arg0, %c0_i32 : i32, i32
  }
  func.func @transform_3(%arg0: i32) -> (i32, i32) {
    %c0_i32 = arith.constant 0 : i32
    %c0_i32_0 = arith.constant 0 : i32
    %c0_i32_1 = arith.constant 0 : i32
    return %c0_i32, %c0_i32_0 : i32, i32
  }
  func.func @transform_4(%arg0: i32) -> (i32, i32) {
    %c0_i32 = arith.constant 0 : i32
    %c0_i32_0 = arith.constant 0 : i32
    return %arg0, %c0_i32 : i32, i32
  }
}

</mosaic_0001>

<sc_bundles>
// kernel: kernel.12.cloned.1.call-start
scs
__scs_entry_jumppad:
0x0: {  	(pc) =	sbr.rel $0x88, $3  }
0x1: {  	(tag) =	ssettag $0x0;
	lr =	simm.s32 $0x1  }
0x2: {  	[smem:$0x3F97] =	sst lr;
	_ =	strace $0xD0000000  }
0x3: {  	_ = 	snop  }
0x4: {  	_ = 	snop  }
0x5: {  	_ = 	snop  }
0x6: {  	_ = 	snop  }
0x7: {  	_ = 	snop  }
__scs_overlays_trampoline_lowered:
0x8: {  	[smem:$0x3FA6] =	sst s0  }
0x9: {  	[smem:$0x3FA7] =	sst s1  }
0xa: {  	[smem:$0x3FA8] =	sst s2  }
0xb: {  	[smem:$0x3FA9] =	sst s3  }
0xc: {  	[smem:$0x3FAA] =	sst s4  }
0xd: {  	[smem:$0x3FAB] =	sst s5  }
0xe: {  	[smem:$0x3FAC] =	sst s6  }
0xf: {  	[smem:$0x3FAD] =	sst s7  }
0x10: {  	[smem:$0x3FAE] =	sst s8  }
0x11: {  	[smem:$0x3FAF] =	sst s9;
	s0 =	simm.s32 @!p0 $0x0  }
0x12: {  	s1 =	sld [smem:$0x3F95];
	s0 =	simm.s32 @p0 $0x1  }
0x13: {  	[smem:$0x3FB0] =	sst s0;
	s0 =	simm.s32 @!p1 $0x0  }
0x14: {  	s2 =	sld [smem:$0x3F94];
	s0 =	simm.s32 @p1 $0x1  }
0x15: {  	[smem:$0x3FB1] =	sst s0;
	s0 =	simm.s32 @!p2 $0x0  }
0x16: {  	s3 =	sld [smem:$0x3FDB];
	s0 =	simm.s32 @p2 $0x1  }
0x17: {  	s4 =	simm.s32 $0x1BF5;
	[smem:$0x3FB3] =	sst s0  }
0x18: {  	s0 =	sld [smem:$0x3F96];
	_ =	swait.ge [sflag:s4], $0x0  }
0x19: {  	s7 =	sld [smem:$0x3F97]  }
0x1a: {  	s8 =	sadd.s32 $0xFFFFE003, lr  }
0x1b: {  	s9 =	sadd.s32 $0xFFFFFEF7, lr;
	s5 =	simm.s32 $0xFFFFFFFF;
	p2 =	slt.u32 s8, $0xFFFFF086  }
0x1c: {  	p1 =	slt.u32 s9, $0xF7A;
	s5 =	simm.s32 @!p2 $0x0  }
0x1d: {  	s5 =	simm.s32 @p1 $0x1;
	p0 =	seq.s32 s7, s2  }
0x1e: {  	s7 =	smul.u32 @!p0 $0xF7A, s2;
	p2 =	seq.s32 @!p0 s5, $0x0  }
0x1f: {  	s9 =	smul.u32 $0xF7A, s1;
	s8 =	simm.s32 @!p0 $0x1BF5;
	p2 =	por !p2, p0  }
0x20: {  	[sflag:s8] =	ssyncset.s32 @!p0 $0xFFFFF086;
	s6 =	sadd.s32 @!p0 s3, s7;
	s7 =	simm.s32 @!p0 $0x108  }
0x21: {  	s3 =	sadd.s32 s3, s9;
	s6 =	sadd.s32 @!p0 $0x88, s6;
	s7 =	simm.s32 @p2 $0x1082  }
0x22: {  	[simem:s7], [sflag:s8] =	dma.local @!p0 [hbm:s6], $0xF7A  }
0x23: {  	s9 =	sor.u32 $0xD0000000, s2;
	s6 =	simm.s32 $0x108;
	_ =	swait.ge @!p0 [sflag:s8], $0x0  }
0x24: {  	s3 =	sadd.s32 $0x88, s3;
	s6 =	simm.s32 @!p1 $0x1082;
	[sflag:s4] =	ssyncset.s32 $0xFFFFF086  }
0x25: {  	[simem:s6], [sflag:s4] =	dma.local [hbm:s3], $0xF7A  }
0x26: {  	[smem:$0x3F97] =	sst s1;
	(tag) =	ssettag s2;
	_ =	strace s9  }
0x27: {  	s1 =	sld [smem:$0x3FA7]  }
0x28: {  	s2 =	sld [smem:$0x3FA8]  }
0x29: {  	s4 =	sld [smem:$0x3FAA]  }
0x2a: {  	p0 =	seq.s32 s5, $0x0;
	s5 =	sld [smem:$0x3FAB]  }
0x2b: {  	s6 =	sld [smem:$0x3FAC]  }
0x2c: {  	s7 =	sld [smem:$0x3FAD]  }
0x2d: {  	s3 =	simm.s32 $0x108;
	s8 =	sld [smem:$0x3FAE]  }
0x2e: {  	s3 =	simm.s32 @!p0 $0x1082;
	s9 =	sld [smem:$0x3FAF]  }
0x2f: {  	lr =	sadd.s32 s0, s3;
	s0 =	sld [smem:$0x3FA6]  }
0x30: {  	s3 =	sld [smem:$0x3FA9]  }
0x31: {  	[smem:$0x3FB2] =	sst s10  }
0x32: {  	s10 =	sld [smem:$0x3FB0];
	_ =	sdelay $0x3  }
0x33: {  	p0 =	seq.s32 s10, $0x1;
	s10 =	sld [smem:$0x3FB2];
	_ =	sdelay $0x3  }
0x34: {  	[smem:$0x3FB2] =	sst s10  }
0x35: {  	s10 =	sld [smem:$0x3FB1];
	_ =	sdelay $0x3  }
0x36: {  	p1 =	seq.s32 s10, $0x1;
	s10 =	sld [smem:$0x3FB2];
	_ =	sdelay $0x3  }
0x37: {  	[smem:$0x3FB2] =	sst s10  }
0x38: {  	s10 =	sld [smem:$0x3FB3]  }
0x39: {  	_ = 	snop;
	(pc) =	sbr.ind lr, $3  }
0x3a: {  	_ = 	snop  }
0x3b: {  	_ = 	snop  }
0x3c: {  	p2 =	seq.s32 s10, $0x1;
	s10 =	sld [smem:$0x3FB2]  }
0x3d: {  	_ =	shalt  }
0x3e: {  	_ =	shalt  }
0x3f: {  	_ =	shalt  }
0x40: {  	_ =	shalt  }
0x41: {  	_ =	shalt  }
0x42: {  	_ =	shalt  }
0x43: {  	_ =	shalt  }
0x44: {  	_ =	shalt  }
0x45: {  	_ =	shalt  }
0x46: {  	_ =	shalt  }
0x47: {  	_ =	shalt  }
0x48: {  	_ =	shalt  }
0x49: {  	_ =	shalt  }
0x4a: {  	_ =	shalt  }
0x4b: {  	_ =	shalt  }
0x4c: {  	_ =	shalt  }
0x4d: {  	_ =	shalt  }
0x4e: {  	_ =	shalt  }
0x4f: {  	_ =	shalt  }
0x50: {  	_ =	shalt  }
0x51: {  	_ =	shalt  }
0x52: {  	_ =	shalt  }
0x53: {  	_ =	shalt  }
0x54: {  	_ =	shalt  }
0x55: {  	_ =	shalt  }
0x56: {  	_ =	shalt  }
0x57: {  	_ =	shalt  }
0x58: {  	_ =	shalt  }
0x59: {  	_ =	shalt  }
0x5a: {  	_ =	shalt  }
0x5b: {  	_ =	shalt  }
0x5c: {  	_ =	shalt  }
0x5d: {  	_ =	shalt  }
0x5e: {  	_ =	shalt  }
0x5f: {  	_ =	shalt  }
0x60: {  	_ =	shalt  }
0x61: {  	_ =	shalt  }
0x62: {  	_ =	shalt  }
0x63: {  	_ =	shalt  }
0x64: {  	_ =	shalt  }
0x65: {  	_ =	shalt  }
0x66: {  	_ =	shalt  }
0x67: {  	_ =	shalt  }
0x68: {  	_ =	shalt  }
0x69: {  	_ =	shalt  }
0x6a: {  	_ =	shalt  }
0x6b: {  	_ =	shalt  }
0x6c: {  	_ =	shalt  }
0x6d: {  	_ =	shalt  }
0x6e: {  	_ =	shalt  }
0x6f: {  	_ =	shalt  }
0x70: {  	_ =	shalt  }
0x71: {  	_ =	shalt  }
0x72: {  	_ =	shalt  }
0x73: {  	_ =	shalt  }
0x74: {  	_ =	shalt  }
0x75: {  	_ =	shalt  }
0x76: {  	_ =	shalt  }
0x77: {  	_ =	shalt  }
0x78: {  	_ =	shalt  }
0x79: {  	_ =	shalt  }
0x7a: {  	_ =	shalt  }
0x7b: {  	_ =	shalt  }
0x7c: {  	_ =	shalt  }
0x7d: {  	_ =	shalt  }
0x7e: {  	_ =	shalt  }
0x7f: {  	_ =	shalt  }
0x80: {  	_ =	shalt  }
0x81: {  	_ =	shalt  }
0x82: {  	_ =	shalt  }
0x83: {  	_ =	shalt  }
0x84: {  	_ =	shalt  }
0x85: {  	_ =	shalt  }
0x86: {  	_ =	shalt  }
0x87: {  	_ =	shalt  }
.Lfunc_end0:
.L_simem_size_0:
called_computation_lowered:
.L_overlay_start_0:
0x88: {  	s2 =	sld [smem:$0x3FD9]  }
0x89: {  	s3 =	sld [smem:$0x3FFE];
	_ =	sdelay $0x1  }
0x8a: {  	s1 =	srdreg.scid  }
0x8b: {  	s0 =	sand.u32 $0x1, s1  }
0x8c: {  	s16 =	sshll.u32 s0, $0xA;
	s2 =	sadd.s32 s3, s2  }
0x8d: {  	s2 =	sadd.s32 s2, s16  }
0x8e: {  	[smem:$0x3FBE] =	sst s2  }
0x8f: {  	_ = 	snop  }
0x90: {  	(tm) =	ssettm $0x1  }
0x91: {  	s17 =	sld [smem:$0x3FFB];
	_ =	sdelay $0x3  }
0x92: {  	_ =	strace s17  }
0x93: {  	s2 =	sld [smem:$0x3FFC];
	_ =	sdelay $0x3  }
0x94: {  	_ =	strace s2  }
0x95: {  	s2 =	sld [smem:$0x3FFD];
	_ =	sdelay $0x3  }
0x96: {  	_ =	strace s2  }
0x97: {  	_ =	strace $0x8FFFFFFF  }
0x98: {  	s18 =	sld [smem:$0x3FDB];
	_ =	sdelay $0x1  }
0x99: {  	s19 =	simm.s32 $_scs_section_size  }
0x9a: {  	s4 =	simm.s32 $_size__tile_overlayer_lowered;
	s5 =	simm.s32 $_tile_overlayer_lowered  }
0x9b: {  	s22 =	simm.s32 $0x1BFF;
	s21 =	sshll.u32 s5, $0x1;
	s2 =	sadd.s32 s19, s18  }
0x9c: {  	s6 =	simm.s32 $0x0;
	s20 =	sshll.u32 s4, $0x1;
	s4 =	sadd.s32 s21, s2  }
0x9d: {  	[timem:s6], [sflag:s22] =	dma.local [hbm:s4], s20  }
0x9e: {  	_ =	swait.ge [sflag:s22], s20  }
0x9f: {  	s3 =	ssub.s32 $0x0, s20;
	[sflag:s22] =	ssyncset.done $0x0  }
0xa0: {  	[sflag:s22] =	ssyncadd.s32 s3;
	_ =	sdelay $0x1  }
0xa1: {  	s23 =	simm.s32 $0x1B8B  }
0xa2: {  	_ =	swait.ge [sflag:s23], $0x1  }
0xa3: {  	[sflag:s23] =	ssyncset.done $0x0  }
0xa4: {  	s25 =	simm.s32 $0x1B8E;
	s24 =	sld [smem:$0x3FFE];
	[sflag:s23] =	ssyncadd.s32 $0xFFFFFFFF  }
0xa5: {  	s26 =	simm.s32 $execute0_lowered;
	[smem:$0x3FD2] =	sst s25  }
0xa6: {  	s4 =	sshll.u32 s26, $0x1;
	_ =	strace $0x80000046;
	[dreg:$0x1] =	wrdreg $0xFFFFFFFF  }
0xa7: {  	s28 =	simm.s32 $_size_execute0_lowered;
	s2 =	sadd.s32 s2, s4;
	[dreg:$0x0] =	wrdreg $0x0  }
0xa8: {  	s4 =	sshll.u32 s28, $0x1;
	[dreg:$0x2] =	wrdreg s2  }
0xa9: {  	[dreg:$0x3] =	wrdreg s4  }
0xaa: {  	[dreg:$0x4] =	wrdreg $0xC0  }
0xab: {  	_ =	task [dreg:s6], $0x5FFFF  }
0xac: {  	[dreg:$0x1] =	wrdreg $0xFFFFFFFF  }
0xad: {  	[dreg:$0x0] =	wrdreg $0x60  }
0xae: {  	[dreg:$0x2] =	wrdreg s24  }
0xaf: {  	[dreg:$0x3] =	wrdreg $0xCC600  }
0xb0: {  	[dreg:$0x4] =	wrdreg $0x9  }
0xb1: {  	_ =	task.clear_ibuf [dreg:s6], $0x5FFFF;
	_ =	strace $0x90000046  }
0xb2: {  	s29 =	simm.s32 $0x9;
	_ =	strace $0x80000048  }
0xb3: {  	_ =	swait.ge [sflag:s29], $0x1  }
0xb4: {  	[sflag:s29] =	ssyncadd.s32 $0xFFFFFFFF  }
0xb5: {  	_ =	strace $0x90000048  }
0xb6: {  	_ =	sfence  }
0xb7: {  	s30 =	sld [smem:$0x0];
	_ =	sdelay $0x2  }
0xb8: {  	s31 =	sshll.u32 s1, $0xD;
	s1 =	sshrl.u32 s1, $0x2  }
0xb9: {  	s3 =	sand.u32 $0x4000, s31;
	s1 =	sadd.s32 s1, s30  }
0xba: {  	s0 =	sor.u32 s3, s0;
	s1 =	sshll.u32 s1, $0x11  }
0xbb: {  	s0 =	sor.u32 s1, s0  }
0xbc: {  	s0 =	sadd.s32 $0x8F2B, s0  }
0xbd: {  	[sflag:s0] =	ssyncadd.remote.s32 $0x1  }
0xbe: {  	_ =	sfence.sel $0xFFFF  }
0xbf: {  	[dreg:$0x0] =	wrdreg $0xFFFFFFFF;
	(pc) =	sbr.abs _section_cstart, $3  }
0xc0: {  	[dreg:$0x1] =	wrdreg $0xFFFFFFFF  }
0xc1: {  	_ =	task.clear_ibuf [dreg:s6], $0x2FFFF;
	_ =	strace $0x9FFFFFFF  }
0xc2: {  	(tm) =	ssettm $0x7FFFFFFF  }
0xc3: {  	_ =	shalt  }
tec
execute0_lowered:
.L_overlay_start_1:
0x0: {  	(tag) =	ssettag $0x1  }
0x1: {  	s4 =	rddreg [dreg:$0x0]  }
0x2: {  	s2 =	rddreg [dreg:$0x1]  }
0x3: {  	s1 =	srdreg.scid;
	s0 =	rddreg [dreg:$0x2]  }
0x4: {  	s3 =	simm.s32 $0x0;
	s10 =	simm.s32 $0x50;
	s11 =	simm.s32 $0x2710  }
0x5: {  	s12 =	simm.s32 $0x29E0;
	s13 =	simm.s32 $0x2C60;
	s5 =	sand.u32 $0x1, s1  }
0x6: {  	s14 =	simm.s32 $0x0;
	s1 =	stileid.u32;
	s7 =	smul.u32 $0xA0000, s5  }
0x7: {  	[smem:$0x7FF] =	sst s3;
	s6 =	sshll.u32 s5, $0x4;
	s8 =	smul.u32 $0xA000, s1  }
0x8: {  	_ =	strace $0x80000047;
	s30 =	smul.u32 $0xA00, s1;
	s6 =	sor.u32 s1, s6  }
0x9: {  	s5 =	ssub.s32 $0x2, s5;
	s6 =	smul.u32 $0x4E2, s6;
	s7 =	sadd.s32 s8, s7  }
0xa: {  	s31 =	sshrl.u32 s5, $0x1;
	s8 =	sshrl.u32 s30, $0x2;
	s7 =	sshrl.u32 s7, $0x3  }
0xb: {  	s9 =	ssub.s32 s5, s31;
	s6 =	sadd.s32 s6, s4;
	s7 =	sadd.s32 s7, s4  }
0xc: {  	s4 =	sadd.s32 s8, s2;
	s8 =	simm.s32 $0x2760;
	s5 =	sadd.s32 $0x3A00, s6  }
0xd: {  	v0 =	vimm.f32 $0.0e+00;
	v1 =	vimm.f32 $1.000000000e+00;
	s6 =	sadd.s32 $0xD800, s7;
	s7 =	smax.u32 s9, $0x1;
	s9 =	simm.s32 $0x1  }
.LBB2_1:
0xe: {  	[tilespmem:$0x2760] =	vst v0  }
0xf: {  	[tilespmem:$0x2770] =	vst v0  }
0x10: {  	[tilespmem:$0x2780] =	vst v0  }
0x11: {  	[tilespmem:$0x2790] =	vst v0  }
0x12: {  	[tilespmem:$0x27A0] =	vst v0  }
0x13: {  	[tilespmem:$0x27B0] =	vst v0  }
0x14: {  	[tilespmem:$0x27C0] =	vst v0  }
0x15: {  	[tilespmem:$0x27D0] =	vst v0  }
0x16: {  	[tilespmem:$0x27E0] =	vst v0  }
0x17: {  	[tilespmem:$0x27F0] =	vst v0  }
0x18: {  	[tilespmem:$0x2800] =	vst v0  }
0x19: {  	[tilespmem:$0x2810] =	vst v0  }
0x1a: {  	[tilespmem:$0x2820] =	vst v0  }
0x1b: {  	[tilespmem:$0x2830] =	vst v0  }
0x1c: {  	[tilespmem:$0x2840] =	vst v0  }
0x1d: {  	[tilespmem:$0x2850] =	vst v0  }
0x1e: {  	[tilespmem:$0x2860] =	vst v0  }
0x1f: {  	[tilespmem:$0x2870] =	vst v0  }
0x20: {  	[tilespmem:$0x2880] =	vst v0  }
0x21: {  	[tilespmem:$0x2890] =	vst v0  }
0x22: {  	[tilespmem:$0x28A0] =	vst v0  }
0x23: {  	[tilespmem:$0x28B0] =	vst v0  }
0x24: {  	[tilespmem:$0x28C0] =	vst v0  }
0x25: {  	[tilespmem:$0x28D0] =	vst v0  }
0x26: {  	[tilespmem:$0x28E0] =	vst v0  }
0x27: {  	[tilespmem:$0x28F0] =	vst v0  }
0x28: {  	[tilespmem:$0x2900] =	vst v0  }
0x29: {  	[tilespmem:$0x2910] =	vst v0  }
0x2a: {  	[tilespmem:$0x2920] =	vst v0  }
0x2b: {  	[tilespmem:$0x2930] =	vst v0  }
0x2c: {  	[tilespmem:$0x2940] =	vst v0  }
0x2d: {  	[tilespmem:$0x2950] =	vst v0  }
0x2e: {  	[tilespmem:$0x2960] =	vst v0  }
0x2f: {  	[tilespmem:$0x2970] =	vst v0  }
0x30: {  	[tilespmem:$0x2980] =	vst v0  }
0x31: {  	[tilespmem:$0x2990] =	vst v0  }
0x32: {  	[tilespmem:$0x29A0] =	vst v0  }
0x33: {  	[tilespmem:$0x29B0] =	vst v0  }
0x34: {  	[tilespmem:$0x29C0] =	vst v0  }
0x35: {  	[tilespmem:$0x29D0] =	vst v0  }
0x36: {  	[tilespmem:$0x2710] =	vst v1  }
0x37: {  	[tilespmem:$0x2720] =	vst v1  }
0x38: {  	[tilespmem:$0x2730] =	vst v1  }
0x39: {  	[tilespmem:$0x2740] =	vst v1  }
0x3a: {  	[tilespmem:$0x2750] =	vst v1  }
0x3b: {  	[spmem:s4] =	stream.linear.scatter [tilespmem:s8], [sflag:$0x1], $0x280, $0x38;
	[tilespmem:$0xCEE0] =	vst v63  }
0x3c: {  	_ =	swait.ge [sflag:s9], $0x280  }
0x3d: {  	[sflag:s9] =	ssyncset.done $0x0  }
0x3e: {  	[sflag:s9] =	ssyncadd.s32 $0xFFFFFD80  }
0x3f: {  	[tilespmem:s3], [sflag:$0x1] =	stream.linear.gather [hbm4b:s5+s3], $0x2710, $0x38;
	[tilespmem:$0xCEE0] =	vst v63  }
0x40: {  	_ =	swait.ge [sflag:s9], $0x2710  }
0x41: {  	[sflag:s9] =	ssyncset.done $0x0  }
0x42: {  	[sflag:s9] =	ssyncadd.s32 $0xFFFFD8F0  }
0x43: {  	s15 =	simm.s32 $0x0;
	[bflag:$0x0] =	sbarrier.arrive $0xFFFF  }
0x44: {  	[spmem:s2] =	stream.indirect.scatter.add.f32 [tilespmem:s11], [sflag:$0x1], $0x1, s15, s10, $0xb8;
	[tilespmem:$0xCEE0] =	vst v63  }
0x45: {  	_ =	swait.ge [sflag:s9], $0x50  }
0x46: {  	s15 =	simm.s32 $0x140;
	[sflag:s9] =	ssyncset.done $0x0  }
.LBB2_2:
0x47: {  	s16 =	sshra.s32 s15, $0x2;
	[sflag:s9] =	ssyncadd.s32 $0xFFFFFFB0;
	p0 =	sne.s32 s15, $0x9B00  }
0x48: {  	[spmem:s2] =	stream.indirect.scatter.add.f32 [tilespmem:s11], [sflag:$0x1], $0x1, s16, s10, $0xb8;
	[tilespmem:$0xCEE0] =	vst v63  }
.Ltmp0:
0x49: {  	_ = 	snop;
	(pc) =	sbr.rel @p0 .LBB2_2-.Ltmp0, $4  }
0x4a: {  	_ = 	snop  }
0x4b: {  	s15 =	sadd.s32 $0x140, s15  }
0x4c: {  	_ =	swait.ge [sflag:s9], $0x50  }
0x4d: {  	[sflag:s9] =	ssyncset.done $0x0  }
0x4e: {  	[sflag:s9] =	ssyncadd.s32 $0xFFFFFFB0;
	s15 =	simm.s32 $0x0  }
0x4f: {  	[bflag:$0x0] =	sbarrier.arrive $0xFFFF;
	v2 =	vmov s15  }
0x50: {  	[tilespmem:s12], [sflag:$0x1] =	stream.linear.gather [spmem:s4], $0x280, $0x38;
	[tilespmem:$0xCEE0] =	vst v63  }
0x51: {  	_ =	swait.ge [sflag:s9], $0x280  }
0x52: {  	[sflag:s9] =	ssyncset.done $0x0  }
0x53: {  	[sflag:s9] =	ssyncadd.s32 $0xFFFFFD80  }
0x54: {  	v2 =	vld.idx.msk [tilespmem:v2+s12+$0x0], $0xffff;
	_ =	sdelay $0x2  }
0x55: {  	s16 =	simm.s32 $0x1  }
0x56: {  	v3 =	vmov s16;
	s16 =	simm.s32 $0x2;
	s17 =	sand.u32 $0xFFC0, s15  }
.LBB2_4:
0x57: {  	p0 =	sne.s32 s16, $0x27F;
	[tilespmem:s17+$0x2C60] =	vst v2  }
0x58: {  	[tilespmem:s17+$0x2C70] =	vst v2  }
0x59: {  	[tilespmem:s17+$0x2C80] =	vst v2  }
0x5a: {  	[tilespmem:s17+$0x2C90] =	vst v2  }
0x5b: {  	v2 =	vld.idx.msk [tilespmem:v3+s12+$0x0], $0xffff  }
.Ltmp1:
0x5c: {  	(pc) =	sbr.rel @p0 .LBB2_4-.Ltmp1, $3  }
0x5d: {  	_ =	sdelay $0x1  }
0x5e: {  	s15 =	sadd.s32 $0x40, s15  }
0x5f: {  	s17 =	sand.u32 $0xFFC0, s15;
	v3 =	vmov s16;
	s16 =	sadd.s32 $0x1, s16  }
0x60: {  	[tilespmem:s17+$0x2C60] =	vst v2  }
0x61: {  	[tilespmem:s17+$0x2C70] =	vst v2  }
0x62: {  	[tilespmem:s17+$0x2C80] =	vst v2  }
0x63: {  	[tilespmem:s17+$0x2C90] =	vst v2  }
0x64: {  	v2 =	vld.idx.msk [tilespmem:v3+s12+$0x0], $0xffff;
	_ =	sdelay $0x2  }
0x65: {  	s15 =	sadd.s32 $0x40, s15  }
0x66: {  	s15 =	sand.u32 $0xFFC0, s15  }
0x67: {  	[tilespmem:s15+$0x2C60] =	vst v2  }
0x68: {  	s14 =	sadd.s32 $0x1, s14;
	[tilespmem:s15+$0x2C70] =	vst v2  }
0x69: {  	p0 =	sne.s32 s14, s7;
	[tilespmem:s15+$0x2C80] =	vst v2  }
.Ltmp2:
0x6a: {  	[tilespmem:s15+$0x2C90] =	vst v2;
	(pc) =	sbr.rel @p0 .LBB2_1-.Ltmp2, $4  }
0x6b: {  	[hbm4b:s6+s3] =	stream.linear.scatter [tilespmem:s13], [sflag:$0x1], $0xA000, $0x38;
	[tilespmem:$0xCEE0] =	vst v63  }
0x6c: {  	_ =	swait.ge [sflag:s9], $0xA000  }
0x6d: {  	[sflag:s9] =	ssyncset.done $0x0  }
0x6e: {  	[sflag:s9] =	ssyncadd.s32 $0xFFFF6000  }
0x6f: {  	_ =	sfence.sel $0x180000  }
0x70: {  	[bflag:$0x0] =	sbarrier.arrive $0xFFFF  }
0x71: {  	p0 =	sne.s32 s1, $0x0;
	_ =	strace $0x90000047  }
0x72: {  	s0 =	sadd.s32 @!p0 $0x100000, s0;
	[bflag:$0x2] =	sbarrier.arrive $0xFFFF  }
0x73: {  	[sflag:s0] =	ssyncadd.tile.s32 @!p0 $0x1;
	_ =	shalt  }
.Lfunc_end2:
_tile_overlayer_lowered:
.L_overlay_start_2:
0x74: {  	(tag) =	ssettag $0x2  }
0x75: {  	s0 =	rddreg [dreg:$0x0];
	s2 =	stileid.u32  }
0x76: {  	s1 =	rddreg [dreg:$0x1];
	p0 =	sne.s32 s2, $0x0  }
0x77: {  	s3 =	rddreg [dreg:$0x2];
	[bflag:$0x3] =	sbarrier.arrive $0xFFFF;
	s2 =	simm.s32 @!p0 $0x1C01  }
0x78: {  	[timem:s3], [sflag:s2] =	dma.local @!p0 [hbm:s0], s1  }
0x79: {  	s0 =	simm.s32 @!p0 $0x1  }
0x7a: {  	_ =	swait.ge @!p0 [sflag:s0], s1  }
0x7b: {  	s1 =	ssub.s32 @!p0 $0x0, s1;
	[sflag:s0] =	ssyncset.done @!p0 $0x0  }
0x7c: {  	[sflag:s0] =	ssyncadd.s32 @!p0 s1  }
0x7d: {  	[bflag:$0x3] =	sbarrier.arrive $0xFFFF  }
0x7e: {  	_ =	shalt  }

// kernel: kernel.15.cloned.1.call-start
scs
__scs_entry_jumppad:
0x0: {  	(pc) =	sbr.rel $0x88, $3  }
0x1: {  	(tag) =	ssettag $0x0;
	lr =	simm.s32 $0x1  }
0x2: {  	[smem:$0x3F97] =	sst lr;
	_ =	strace $0xD0000000  }
0x3: {  	_ = 	snop  }
0x4: {  	_ = 	snop  }
0x5: {  	_ = 	snop  }
0x6: {  	_ = 	snop  }
0x7: {  	_ = 	snop  }
__scs_overlays_trampoline_lowered:
0x8: {  	[smem:$0x3FA6] =	sst s0  }
0x9: {  	[smem:$0x3FA7] =	sst s1  }
0xa: {  	[smem:$0x3FA8] =	sst s2  }
0xb: {  	[smem:$0x3FA9] =	sst s3  }
0xc: {  	[smem:$0x3FAA] =	sst s4  }
0xd: {  	[smem:$0x3FAB] =	sst s5  }
0xe: {  	[smem:$0x3FAC] =	sst s6  }
0xf: {  	[smem:$0x3FAD] =	sst s7  }
0x10: {  	[smem:$0x3FAE] =	sst s8  }
0x11: {  	[smem:$0x3FAF] =	sst s9;
	s0 =	simm.s32 @!p0 $0x0  }
0x12: {  	s1 =	sld [smem:$0x3F95];
	s0 =	simm.s32 @p0 $0x1  }
0x13: {  	[smem:$0x3FB0] =	sst s0;
	s0 =	simm.s32 @!p1 $0x0  }
0x14: {  	s2 =	sld [smem:$0x3F94];
	s0 =	simm.s32 @p1 $0x1  }
0x15: {  	[smem:$0x3FB1] =	sst s0;
	s0 =	simm.s32 @!p2 $0x0  }
0x16: {  	s3 =	sld [smem:$0x3FDB];
	s0 =	simm.s32 @p2 $0x1  }
0x17: {  	s4 =	simm.s32 $0x1BF5;
	[smem:$0x3FB3] =	sst s0  }
0x18: {  	s0 =	sld [smem:$0x3F96];
	_ =	swait.ge [sflag:s4], $0x0  }
0x19: {  	s7 =	sld [smem:$0x3F97]  }
0x1a: {  	s8 =	sadd.s32 $0xFFFFE003, lr  }
0x1b: {  	s9 =	sadd.s32 $0xFFFFFEF7, lr;
	s5 =	simm.s32 $0xFFFFFFFF;
	p2 =	slt.u32 s8, $0xFFFFF086  }
0x1c: {  	p1 =	slt.u32 s9, $0xF7A;
	s5 =	simm.s32 @!p2 $0x0  }
0x1d: {  	s5 =	simm.s32 @p1 $0x1;
	p0 =	seq.s32 s7, s2  }
0x1e: {  	s7 =	smul.u32 @!p0 $0xF7A, s2;
	p2 =	seq.s32 @!p0 s5, $0x0  }
0x1f: {  	s9 =	smul.u32 $0xF7A, s1;
	s8 =	simm.s32 @!p0 $0x1BF5;
	p2 =	por !p2, p0  }
0x20: {  	[sflag:s8] =	ssyncset.s32 @!p0 $0xFFFFF086;
	s6 =	sadd.s32 @!p0 s3, s7;
	s7 =	simm.s32 @!p0 $0x108  }
0x21: {  	s3 =	sadd.s32 s3, s9;
	s6 =	sadd.s32 @!p0 $0x88, s6;
	s7 =	simm.s32 @p2 $0x1082  }
0x22: {  	[simem:s7], [sflag:s8] =	dma.local @!p0 [hbm:s6], $0xF7A  }
0x23: {  	s9 =	sor.u32 $0xD0000000, s2;
	s6 =	simm.s32 $0x108;
	_ =	swait.ge @!p0 [sflag:s8], $0x0  }
0x24: {  	s3 =	sadd.s32 $0x88, s3;
	s6 =	simm.s32 @!p1 $0x1082;
	[sflag:s4] =	ssyncset.s32 $0xFFFFF086  }
0x25: {  	[simem:s6], [sflag:s4] =	dma.local [hbm:s3], $0xF7A  }
0x26: {  	[smem:$0x3F97] =	sst s1;
	(tag) =	ssettag s2;
	_ =	strace s9  }
0x27: {  	s1 =	sld [smem:$0x3FA7]  }
0x28: {  	s2 =	sld [smem:$0x3FA8]  }
0x29: {  	s4 =	sld [smem:$0x3FAA]  }
0x2a: {  	p0 =	seq.s32 s5, $0x0;
	s5 =	sld [smem:$0x3FAB]  }
0x2b: {  	s6 =	sld [smem:$0x3FAC]  }
0x2c: {  	s7 =	sld [smem:$0x3FAD]  }
0x2d: {  	s3 =	simm.s32 $0x108;
	s8 =	sld [smem:$0x3FAE]  }
0x2e: {  	s3 =	simm.s32 @!p0 $0x1082;
	s9 =	sld [smem:$0x3FAF]  }
0x2f: {  	lr =	sadd.s32 s0, s3;
	s0 =	sld [smem:$0x3FA6]  }
0x30: {  	s3 =	sld [smem:$0x3FA9]  }
0x31: {  	[smem:$0x3FB2] =	sst s10  }
0x32: {  	s10 =	sld [smem:$0x3FB0];
	_ =	sdelay $0x3  }
0x33: {  	p0 =	seq.s32 s10, $0x1;
	s10 =	sld [smem:$0x3FB2];
	_ =	sdelay $0x3  }
0x34: {  	[smem:$0x3FB2] =	sst s10  }
0x35: {  	s10 =	sld [smem:$0x3FB1];
	_ =	sdelay $0x3  }
0x36: {  	p1 =	seq.s32 s10, $0x1;
	s10 =	sld [smem:$0x3FB2];
	_ =	sdelay $0x3  }
0x37: {  	[smem:$0x3FB2] =	sst s10  }
0x38: {  	s10 =	sld [smem:$0x3FB3]  }
0x39: {  	_ = 	snop;
	(pc) =	sbr.ind lr, $3  }
0x3a: {  	_ = 	snop  }
0x3b: {  	_ = 	snop  }
0x3c: {  	p2 =	seq.s32 s10, $0x1;
	s10 =	sld [smem:$0x3FB2]  }
0x3d: {  	_ =	shalt  }
0x3e: {  	_ =	shalt  }
0x3f: {  	_ =	shalt  }
0x40: {  	_ =	shalt  }
0x41: {  	_ =	shalt  }
0x42: {  	_ =	shalt  }
0x43: {  	_ =	shalt  }
0x44: {  	_ =	shalt  }
0x45: {  	_ =	shalt  }
0x46: {  	_ =	shalt  }
0x47: {  	_ =	shalt  }
0x48: {  	_ =	shalt  }
0x49: {  	_ =	shalt  }
0x4a: {  	_ =	shalt  }
0x4b: {  	_ =	shalt  }
0x4c: {  	_ =	shalt  }
0x4d: {  	_ =	shalt  }
0x4e: {  	_ =	shalt  }
0x4f: {  	_ =	shalt  }
0x50: {  	_ =	shalt  }
0x51: {  	_ =	shalt  }
0x52: {  	_ =	shalt  }
0x53: {  	_ =	shalt  }
0x54: {  	_ =	shalt  }
0x55: {  	_ =	shalt  }
0x56: {  	_ =	shalt  }
0x57: {  	_ =	shalt  }
0x58: {  	_ =	shalt  }
0x59: {  	_ =	shalt  }
0x5a: {  	_ =	shalt  }
0x5b: {  	_ =	shalt  }
0x5c: {  	_ =	shalt  }
0x5d: {  	_ =	shalt  }
0x5e: {  	_ =	shalt  }
0x5f: {  	_ =	shalt  }
0x60: {  	_ =	shalt  }
0x61: {  	_ =	shalt  }
0x62: {  	_ =	shalt  }
0x63: {  	_ =	shalt  }
0x64: {  	_ =	shalt  }
0x65: {  	_ =	shalt  }
0x66: {  	_ =	shalt  }
0x67: {  	_ =	shalt  }
0x68: {  	_ =	shalt  }
0x69: {  	_ =	shalt  }
0x6a: {  	_ =	shalt  }
0x6b: {  	_ =	shalt  }
0x6c: {  	_ =	shalt  }
0x6d: {  	_ =	shalt  }
0x6e: {  	_ =	shalt  }
0x6f: {  	_ =	shalt  }
0x70: {  	_ =	shalt  }
0x71: {  	_ =	shalt  }
0x72: {  	_ =	shalt  }
0x73: {  	_ =	shalt  }
0x74: {  	_ =	shalt  }
0x75: {  	_ =	shalt  }
0x76: {  	_ =	shalt  }
0x77: {  	_ =	shalt  }
0x78: {  	_ =	shalt  }
0x79: {  	_ =	shalt  }
0x7a: {  	_ =	shalt  }
0x7b: {  	_ =	shalt  }
0x7c: {  	_ =	shalt  }
0x7d: {  	_ =	shalt  }
0x7e: {  	_ =	shalt  }
0x7f: {  	_ =	shalt  }
0x80: {  	_ =	shalt  }
0x81: {  	_ =	shalt  }
0x82: {  	_ =	shalt  }
0x83: {  	_ =	shalt  }
0x84: {  	_ =	shalt  }
0x85: {  	_ =	shalt  }
0x86: {  	_ =	shalt  }
0x87: {  	_ =	shalt  }
.Lfunc_end0:
.L_simem_size_0:
called_computation.1_lowered:
.L_overlay_start_0:
0x88: {  	s2 =	sld [smem:$0x3FD9]  }
0x89: {  	s3 =	sld [smem:$0x3FFE];
	_ =	sdelay $0x1  }
0x8a: {  	s1 =	srdreg.scid  }
0x8b: {  	s0 =	sand.u32 $0x1, s1  }
0x8c: {  	s17 =	sshll.u32 s0, $0xA;
	s2 =	sadd.s32 s3, s2  }
0x8d: {  	s2 =	sadd.s32 s2, s17  }
0x8e: {  	[smem:$0x3FBE] =	sst s2  }
0x8f: {  	_ = 	snop  }
0x90: {  	s2 =	sld [smem:$0x3FD0];
	(tm) =	ssettm $0x1  }
0x91: {  	s18 =	sld [smem:$0x3FFB];
	_ =	sdelay $0x3  }
0x92: {  	_ =	strace s18  }
0x93: {  	s3 =	sld [smem:$0x3FFC];
	_ =	sdelay $0x3  }
0x94: {  	_ =	strace s3  }
0x95: {  	s3 =	sld [smem:$0x3FFD];
	_ =	sdelay $0x3  }
0x96: {  	_ =	strace s3  }
0x97: {  	_ =	strace $0x8FFFFFFF  }
0x98: {  	s19 =	sld [smem:$0x3FDB];
	_ =	sdelay $0x1  }
0x99: {  	s4 =	simm.s32 $_scs_section_size  }
0x9a: {  	s5 =	simm.s32 $_size__tile_overlayer_lowered;
	s6 =	simm.s32 $_tile_overlayer_lowered  }
0x9b: {  	s22 =	simm.s32 $0x1BFF;
	s21 =	sshll.u32 s6, $0x1;
	s3 =	sadd.s32 s4, s19  }
0x9c: {  	s7 =	simm.s32 $0x0;
	s20 =	sshll.u32 s5, $0x1;
	s5 =	sadd.s32 s21, s3  }
0x9d: {  	[timem:s7], [sflag:s22] =	dma.local [hbm:s5], s20  }
0x9e: {  	_ =	swait.ge [sflag:s22], s20  }
0x9f: {  	s4 =	ssub.s32 $0x0, s20;
	[sflag:s22] =	ssyncset.done $0x0  }
0xa0: {  	[sflag:s22] =	ssyncadd.s32 s4;
	_ =	sdelay $0x1  }
0xa1: {  	s23 =	simm.s32 $0x1B8B  }
0xa2: {  	_ =	swait.ge [sflag:s23], $0x1  }
0xa3: {  	[sflag:s23] =	ssyncset.done $0x0  }
0xa4: {  	s25 =	simm.s32 $0x1B8E;
	s24 =	sld [smem:$0x3FFE];
	[sflag:s23] =	ssyncadd.s32 $0xFFFFFFFF  }
0xa5: {  	s26 =	simm.s32 $execute0_lowered;
	[smem:$0x3FD2] =	sst s25  }
0xa6: {  	s5 =	sshll.u32 s26, $0x1;
	_ =	strace $0x80000049;
	[dreg:$0x1] =	wrdreg $0xFFFFFFFF  }
0xa7: {  	s28 =	simm.s32 $_size_execute0_lowered;
	s3 =	sadd.s32 s3, s5;
	[dreg:$0x0] =	wrdreg $0x0  }
0xa8: {  	s5 =	sshll.u32 s28, $0x1;
	[dreg:$0x2] =	wrdreg s3  }
0xa9: {  	[dreg:$0x3] =	wrdreg s5  }
0xaa: {  	[dreg:$0x4] =	wrdreg $0xC0  }
0xab: {  	_ =	task [dreg:s7], $0x5FFFF  }
0xac: {  	[dreg:$0x1] =	wrdreg $0xFFFFFFFF  }
0xad: {  	[dreg:$0x0] =	wrdreg $0x60  }
0xae: {  	[dreg:$0x2] =	wrdreg s24  }
0xaf: {  	[dreg:$0x3] =	wrdreg s2  }
0xb0: {  	[dreg:$0x4] =	wrdreg $0x9E200  }
0xb1: {  	[dreg:$0x5] =	wrdreg $0x13E200  }
0xb2: {  	[dreg:$0x6] =	wrdreg $0x9  }
0xb3: {  	_ =	task.clear_ibuf [dreg:s7], $0x7FFFF;
	_ =	strace $0x90000049  }
0xb4: {  	s29 =	simm.s32 $0x9;
	_ =	strace $0x8000004B  }
0xb5: {  	_ =	swait.ge [sflag:s29], $0x1  }
0xb6: {  	[sflag:s29] =	ssyncadd.s32 $0xFFFFFFFF  }
0xb7: {  	_ =	strace $0x9000004B  }
0xb8: {  	_ =	sfence  }
0xb9: {  	s30 =	sld [smem:$0x0];
	_ =	sdelay $0x2  }
0xba: {  	s31 =	sshll.u32 s1, $0xD;
	s1 =	sshrl.u32 s1, $0x2  }
0xbb: {  	s3 =	sand.u32 $0x4000, s31;
	s1 =	sadd.s32 s1, s30  }
0xbc: {  	s0 =	sor.u32 s3, s0;
	s1 =	sshll.u32 s1, $0x11  }
0xbd: {  	s0 =	sor.u32 s1, s0  }
0xbe: {  	s0 =	sadd.s32 $0x8F2B, s0  }
0xbf: {  	[sflag:s0] =	ssyncadd.remote.s32 $0x1  }
0xc0: {  	_ =	sfence.sel $0xFFFF  }
0xc1: {  	[dreg:$0x0] =	wrdreg $0xFFFFFFFF;
	(pc) =	sbr.abs _section_cstart, $3  }
0xc2: {  	[dreg:$0x1] =	wrdreg $0xFFFFFFFF  }
0xc3: {  	_ =	task.clear_ibuf [dreg:s7], $0x2FFFF;
	_ =	strace $0x9FFFFFFF  }
0xc4: {  	(tm) =	ssettm $0x7FFFFFFF  }
0xc5: {  	_ =	shalt  }
tec
execute0_lowered:
.L_overlay_start_1:
0x0: {  	(tag) =	ssettag $0x1  }
0x1: {  	s0 =	rddreg [dreg:$0x0]  }
0x2: {  	s1 =	rddreg [dreg:$0x1]  }
0x3: {  	s2 =	rddreg [dreg:$0x2]  }
0x4: {  	s3 =	rddreg [dreg:$0x3]  }
0x5: {  	s13 =	stileid.u32;
	s5 =	srdreg.scid;
	s4 =	simm.s32 $0x0  }
0x6: {  	s15 =	simm.s32 $0x50;
	s16 =	simm.s32 $0x4E20;
	s17 =	simm.s32 $0x6220  }
0x7: {  	s19 =	simm.s32 $0x7620;
	s28 =	simm.s32 $0x6;
	s29 =	simm.s32 $0x7  }
0x8: {  	s30 =	simm.s32 $0x8;
	s18 =	simm.s32 $0x26C0;
	s20 =	simm.s32 $0x4DD0  }
0x9: {  	s31 =	simm.s32 $0x0;
	s7 =	smul.u32 $0xA000, s13;
	s5 =	sand.u32 $0x1, s5  }
0xa: {  	[smem:$0x7FF] =	sst s4;
	s25 =	sshll.u32 s13, $0x6;
	s6 =	sshll.u32 s5, $0x4  }
0xb: {  	s8 =	smul.u32 $0xA0000, s5;
	_ =	strace $0x8000004A;
	s5 =	ssub.s32 $0x2, s5  }
0xc: {  	s6 =	sor.u32 s13, s6;
	s9 =	sshrl.u32 s7, $0x3;
	s24 =	sshrl.u32 s5, $0x1  }
0xd: {  	s12 =	sadd.s32 s7, s2;
	s26 =	sadd.s32 s7, s3;
	s10 =	smul.u32 $0x4E2, s6  }
0xe: {  	s21 =	sadd.s32 s7, s8;
	s22 =	sadd.s32 s9, s0;
	s11 =	ssub.s32 s5, s24  }
0xf: {  	s13 =	sshrl.u32 s26, $0x3;
	s24 =	simm.s32 $0x3;
	s26 =	simm.s32 $0x5  }
0x10: {  	s6 =	sshrl.u32 s21, $0x3;
	s5 =	sadd.s32 $0xD800, s22;
	s21 =	simm.s32 $0x8A20  }
0x11: {  	s22 =	simm.s32 $0x1;
	s23 =	sadd.s32 s10, s0;
	s0 =	sadd.s32 s6, s0  }
0x12: {  	s6 =	sor.u32 $0x1C09, s25;
	s7 =	sadd.s32 s1, s10;
	s10 =	smax.u32 s11, $0x1  }
0x13: {  	s11 =	sshrl.u32 s12, $0x3;
	s12 =	simm.s32 $0x9;
	s25 =	simm.s32 $0x4  }
0x14: {  	s8 =	sadd.s32 $0x3A00, s23;
	s9 =	sadd.s32 $0x21800, s0;
	s23 =	simm.s32 $0x2  }
.LBB2_1:
0x15: {  	[spmem:s11], [sflag:s6] =	dma.local [hbm:s5], $0x1400  }
0x16: {  	_ =	swait.ge [sflag:s12], $0x1400  }
0x17: {  	[sflag:s12] =	ssyncset.done $0x0  }
0x18: {  	[sflag:s12] =	ssyncadd.s32 $0xFFFFEC00  }
0x19: {  	[spmem:s13], [sflag:s6] =	dma.local [hbm:s5], $0x1400  }
0x1a: {  	_ =	swait.ge [sflag:s12], $0x1400  }
0x1b: {  	[sflag:s12] =	ssyncset.done $0x0  }
0x1c: {  	[sflag:s12] =	ssyncadd.s32 $0xFFFFEC00  }
0x1d: {  	[tilespmem:s4], [sflag:$0x9] =	stream.linear.gather [hbm4b:s7+s4], $0x2710, $0x38;
	[tilespmem:$0x1DE20] =	vst v63  }
0x1e: {  	_ =	swait.ge [sflag:s12], $0x2710  }
0x1f: {  	[sflag:s12] =	ssyncset.done $0x0  }
0x20: {  	s0 =	simm.s32 $0x2710;
	[sflag:s12] =	ssyncadd.s32 $0xFFFFD8F0  }
0x21: {  	[tilespmem:s0], [sflag:$0x9] =	stream.linear.gather [hbm4b:s8+s4], $0x2710, $0x38;
	[tilespmem:$0x1DE20] =	vst v63  }
0x22: {  	_ =	swait.ge [sflag:s12], $0x2710  }
0x23: {  	[sflag:s12] =	ssyncset.done $0x0  }
0x24: {  	[sflag:s12] =	ssyncadd.s32 $0xFFFFD8F0  }
0x25: {  	[bflag:$0x0] =	sbarrier.arrive $0xFFFF  }
0x26: {  	[tilespmem:s16], [sflag:$0x1] =	stream.indirect.gather [spmem:s2], $0x40, s4, s15, $0xb8;
	[tilespmem:$0x1DE20] =	vst v63  }
0x27: {  	_ = 	snop  }
0x28: {  	[tilespmem:s17], [sflag:$0x2] =	stream.indirect.gather [spmem:s2], $0x40, s15, s15, $0xb8;
	[tilespmem:$0x1DE20] =	vst v63  }
0x29: {  	s14 =	simm.s32 $0xA0  }
0x2a: {  	[tilespmem:s19], [sflag:$0x3] =	stream.indirect.gather [spmem:s2], $0x40, s14, s15, $0xb8;
	[tilespmem:$0x1DE20] =	vst v63  }
0x2b: {  	s1 =	simm.s32 $0xF0  }
0x2c: {  	[tilespmem:s21], [sflag:$0x4] =	stream.indirect.gather [spmem:s2], $0x40, s1, s15, $0xb8;
	[tilespmem:$0x1DE20] =	vst v63  }
0x2d: {  	_ =	swait.ge [sflag:s22], $0x1400  }
0x2e: {  	[sflag:s22] =	ssyncset.done $0x0  }
0x2f: {  	s14 =	simm.s32 $0x2710;
	[sflag:s22] =	ssyncadd.s32 $0xFFFFEC00  }
0x30: {  	[spmem:s3] =	stream.indirect.scatter.add.f32 [tilespmem:s16], [sflag:$0x5], $0x40, s14, s15, $0xb8;
	[tilespmem:$0x1DE20] =	vst v63  }
0x31: {  	_ =	swait.ge [sflag:s23], $0x1400  }
0x32: {  	[sflag:s23] =	ssyncset.done $0x0  }
0x33: {  	s1 =	simm.s32 $0x2760;
	[sflag:s23] =	ssyncadd.s32 $0xFFFFEC00  }
0x34: {  	[spmem:s3] =	stream.indirect.scatter.add.f32 [tilespmem:s17], [sflag:$0x6], $0x40, s1, s15, $0xb8;
	[tilespmem:$0x1DE20] =	vst v63  }
0x35: {  	_ =	swait.ge [sflag:s24], $0x1400  }
0x36: {  	[sflag:s24] =	ssyncset.done $0x0  }
0x37: {  	s14 =	simm.s32 $0x27B0;
	[sflag:s24] =	ssyncadd.s32 $0xFFFFEC00  }
0x38: {  	[spmem:s3] =	stream.indirect.scatter.add.f32 [tilespmem:s19], [sflag:$0x7], $0x40, s14, s15, $0xb8;
	[tilespmem:$0x1DE20] =	vst v63  }
0x39: {  	_ =	swait.ge [sflag:s25], $0x1400  }
0x3a: {  	[sflag:s25] =	ssyncset.done $0x0  }
0x3b: {  	s1 =	simm.s32 $0x2800;
	[sflag:s25] =	ssyncadd.s32 $0xFFFFEC00  }
0x3c: {  	[spmem:s3] =	stream.indirect.scatter.add.f32 [tilespmem:s21], [sflag:$0x8], $0x40, s1, s15, $0xb8;
	[tilespmem:$0x1DE20] =	vst v63  }
0x3d: {  	_ =	swait.ge [sflag:s26], $0x1400  }
0x3e: {  	[sflag:s26] =	ssyncset.done $0x0  }
0x3f: {  	s14 =	simm.s32 $0x140;
	[sflag:s26] =	ssyncadd.s32 $0xFFFFEC00  }
0x40: {  	[tilespmem:s16], [sflag:$0x1] =	stream.indirect.gather [spmem:s2], $0x40, s14, s15, $0xb8;
	[tilespmem:$0x1DE20] =	vst v63  }
0x41: {  	_ =	swait.ge [sflag:s28], $0x1400  }
0x42: {  	[sflag:s28] =	ssyncset.done $0x0  }
0x43: {  	s1 =	simm.s32 $0x190;
	[sflag:s28] =	ssyncadd.s32 $0xFFFFEC00  }
0x44: {  	[tilespmem:s17], [sflag:$0x2] =	stream.indirect.gather [spmem:s2], $0x40, s1, s15, $0xb8;
	[tilespmem:$0x1DE20] =	vst v63  }
0x45: {  	_ =	swait.ge [sflag:s29], $0x1400  }
0x46: {  	[sflag:s29] =	ssyncset.done $0x0  }
0x47: {  	s14 =	simm.s32 $0x1E0;
	[sflag:s29] =	ssyncadd.s32 $0xFFFFEC00  }
0x48: {  	[tilespmem:s19], [sflag:$0x3] =	stream.indirect.gather [spmem:s2], $0x40, s14, s15, $0xb8;
	[tilespmem:$0x1DE20] =	vst v63  }
0x49: {  	_ =	swait.ge [sflag:s30], $0x1400  }
0x4a: {  	[sflag:s30] =	ssyncset.done $0x0  }
0x4b: {  	s0 =	simm.s32 $0x500;
	s1 =	simm.s32 $0x230;
	[sflag:s30] =	ssyncadd.s32 $0xFFFFEC00  }
.LBB2_2:
0x4c: {  	[tilespmem:s21], [sflag:$0x4] =	stream.indirect.gather [spmem:s2], $0x40, s1, s15, $0xb8;
	[tilespmem:$0x1DE20] =	vst v63  }
0x4d: {  	s1 =	smov.u32 s0  }
0x4e: {  	p0 =	sne.s32 s0, $0x9100;
	s0 =	sadd.s32 $0x500, s0;
	_ =	swait.ge [sflag:s22], $0x1400  }
0x4f: {  	s1 =	sshra.s32 s1, $0x2;
	[sflag:s22] =	ssyncset.done $0x0  }
0x50: {  	s14 =	sadd.s32 $0x2710, s1;
	[sflag:s22] =	ssyncadd.s32 $0xFFFFEC00  }
0x51: {  	[spmem:s3] =	stream.indirect.scatter.add.f32 [tilespmem:s16], [sflag:$0x5], $0x40, s14, s15, $0xb8;
	[tilespmem:$0x1DE20] =	vst v63  }
0x52: {  	_ =	swait.ge [sflag:s23], $0x1400  }
0x53: {  	[sflag:s23] =	ssyncset.done $0x0  }
0x54: {  	s14 =	sadd.s32 $0x2760, s1;
	[sflag:s23] =	ssyncadd.s32 $0xFFFFEC00  }
0x55: {  	[spmem:s3] =	stream.indirect.scatter.add.f32 [tilespmem:s17], [sflag:$0x6], $0x40, s14, s15, $0xb8;
	[tilespmem:$0x1DE20] =	vst v63  }
0x56: {  	_ =	swait.ge [sflag:s24], $0x1400  }
0x57: {  	[sflag:s24] =	ssyncset.done $0x0  }
0x58: {  	s14 =	sadd.s32 $0x27B0, s1;
	[sflag:s24] =	ssyncadd.s32 $0xFFFFEC00  }
0x59: {  	[spmem:s3] =	stream.indirect.scatter.add.f32 [tilespmem:s19], [sflag:$0x7], $0x40, s14, s15, $0xb8;
	[tilespmem:$0x1DE20] =	vst v63  }
0x5a: {  	_ =	swait.ge [sflag:s25], $0x1400  }
0x5b: {  	[sflag:s25] =	ssyncset.done $0x0  }
0x5c: {  	s14 =	sadd.s32 $0x2800, s1;
	[sflag:s25] =	ssyncadd.s32 $0xFFFFEC00  }
0x5d: {  	[spmem:s3] =	stream.indirect.scatter.add.f32 [tilespmem:s21], [sflag:$0x8], $0x40, s14, s15, $0xb8;
	[tilespmem:$0x1DE20] =	vst v63  }
0x5e: {  	_ =	swait.ge [sflag:s26], $0x1400  }
0x5f: {  	[sflag:s26] =	ssyncset.done $0x0  }
0x60: {  	s14 =	sadd.s32 $0x140, s1;
	[sflag:s26] =	ssyncadd.s32 $0xFFFFEC00  }
0x61: {  	[tilespmem:s16], [sflag:$0x1] =	stream.indirect.gather [spmem:s2], $0x40, s14, s15, $0xb8;
	[tilespmem:$0x1DE20] =	vst v63  }
0x62: {  	_ =	swait.ge [sflag:s28], $0x1400  }
0x63: {  	[sflag:s28] =	ssyncset.done $0x0  }
0x64: {  	s14 =	sadd.s32 $0x190, s1;
	[sflag:s28] =	ssyncadd.s32 $0xFFFFEC00  }
0x65: {  	[tilespmem:s17], [sflag:$0x2] =	stream.indirect.gather [spmem:s2], $0x40, s14, s15, $0xb8;
	[tilespmem:$0x1DE20] =	vst v63  }
0x66: {  	_ =	swait.ge [sflag:s29], $0x1400  }
0x67: {  	[sflag:s29] =	ssyncset.done $0x0  }
.Ltmp0:
0x68: {  	s14 =	sadd.s32 $0x1E0, s1;
	[sflag:s29] =	ssyncadd.s32 $0xFFFFEC00;
	(pc) =	sbr.rel @p0 .LBB2_2-.Ltmp0, $4  }
0x69: {  	[tilespmem:s19], [sflag:$0x3] =	stream.indirect.gather [spmem:s2], $0x40, s14, s15, $0xb8;
	[tilespmem:$0x1DE20] =	vst v63  }
0x6a: {  	_ =	swait.ge [sflag:s30], $0x1400  }
0x6b: {  	[sflag:s30] =	ssyncset.done $0x0  }
0x6c: {  	s1 =	sadd.s32 $0x230, s1;
	[sflag:s30] =	ssyncadd.s32 $0xFFFFEC00  }
0x6d: {  	[tilespmem:s21], [sflag:$0x4] =	stream.indirect.gather [spmem:s2], $0x40, s1, s15, $0xb8;
	[tilespmem:$0x1DE20] =	vst v63  }
0x6e: {  	_ =	swait.ge [sflag:s22], $0x1400  }
0x6f: {  	[sflag:s22] =	ssyncset.done $0x0  }
0x70: {  	s0 =	simm.s32 $0x4C90;
	[sflag:s22] =	ssyncadd.s32 $0xFFFFEC00  }
0x71: {  	[spmem:s3] =	stream.indirect.scatter.add.f32 [tilespmem:s16], [sflag:$0x9], $0x40, s0, s15, $0xb8;
	[tilespmem:$0x1DE20] =	vst v63  }
0x72: {  	_ =	swait.ge [sflag:s12], $0x1400  }
0x73: {  	[sflag:s12] =	ssyncset.done $0x0  }
0x74: {  	[sflag:s12] =	ssyncadd.s32 $0xFFFFEC00  }
0x75: {  	_ =	swait.ge [sflag:s23], $0x1400  }
0x76: {  	[sflag:s23] =	ssyncset.done $0x0  }
0x77: {  	s14 =	simm.s32 $0x4CE0;
	[sflag:s23] =	ssyncadd.s32 $0xFFFFEC00  }
0x78: {  	[spmem:s3] =	stream.indirect.scatter.add.f32 [tilespmem:s17], [sflag:$0x9], $0x40, s14, s15, $0xb8;
	[tilespmem:$0x1DE20] =	vst v63  }
0x79: {  	_ =	swait.ge [sflag:s12], $0x1400  }
0x7a: {  	[sflag:s12] =	ssyncset.done $0x0  }
0x7b: {  	[sflag:s12] =	ssyncadd.s32 $0xFFFFEC00  }
0x7c: {  	_ =	swait.ge [sflag:s24], $0x1400  }
0x7d: {  	[sflag:s24] =	ssyncset.done $0x0  }
0x7e: {  	s1 =	simm.s32 $0x4D30;
	[sflag:s24] =	ssyncadd.s32 $0xFFFFEC00  }
0x7f: {  	[spmem:s3] =	stream.indirect.scatter.add.f32 [tilespmem:s19], [sflag:$0x9], $0x40, s1, s15, $0xb8;
	[tilespmem:$0x1DE20] =	vst v63  }
0x80: {  	_ =	swait.ge [sflag:s12], $0x1400  }
0x81: {  	[sflag:s12] =	ssyncset.done $0x0  }
0x82: {  	[sflag:s12] =	ssyncadd.s32 $0xFFFFEC00  }
0x83: {  	_ =	swait.ge [sflag:s25], $0x1400  }
0x84: {  	[sflag:s25] =	ssyncset.done $0x0  }
0x85: {  	s14 =	simm.s32 $0x4D80;
	[sflag:s25] =	ssyncadd.s32 $0xFFFFEC00  }
0x86: {  	[spmem:s3] =	stream.indirect.scatter.add.f32 [tilespmem:s21], [sflag:$0x9], $0x40, s14, s15, $0xb8;
	[tilespmem:$0x1DE20] =	vst v63  }
0x87: {  	_ =	swait.ge [sflag:s12], $0x1400  }
0x88: {  	[sflag:s12] =	ssyncset.done $0x0  }
0x89: {  	[sflag:s12] =	ssyncadd.s32 $0xFFFFEC00  }
0x8a: {  	[tilespmem:s16], [sflag:$0x1] =	stream.indirect.gather [spmem:s2], $0x40, s18, s15, $0xb8;
	[tilespmem:$0x1DE20] =	vst v63  }
0x8b: {  	_ =	swait.ge [sflag:s22], $0x1400  }
0x8c: {  	[sflag:s22] =	ssyncset.done $0x0  }
0x8d: {  	[sflag:s22] =	ssyncadd.s32 $0xFFFFEC00  }
0x8e: {  	[spmem:s3] =	stream.indirect.scatter.add.f32 [tilespmem:s16], [sflag:$0x9], $0x40, s20, s15, $0xb8;
	[tilespmem:$0x1DE20] =	vst v63  }
0x8f: {  	_ =	swait.ge [sflag:s12], $0x1400  }
0x90: {  	s31 =	sadd.s32 $0x1, s31;
	[sflag:s12] =	ssyncset.done $0x0  }
0x91: {  	p0 =	sne.s32 s31, s10;
	[sflag:s12] =	ssyncadd.s32 $0xFFFFEC00  }
.Ltmp1:
0x92: {  	[bflag:$0x0] =	sbarrier.arrive $0xFFFF;
	(pc) =	sbr.rel @p0 .LBB2_1-.Ltmp1, $4  }
0x93: {  	[hbm:s9], [sflag:s6] =	dma.local [spmem:s13], $0x1400  }
0x94: {  	_ =	swait.ge [sflag:s12], $0x1400  }
0x95: {  	[sflag:s12] =	ssyncset.done $0x0  }
0x96: {  	[sflag:s12] =	ssyncadd.s32 $0xFFFFEC00  }
0x97: {  	_ =	sfence.sel $0x180000  }
0x98: {  	[bflag:$0x0] =	sbarrier.arrive $0xFFFF  }
0x99: {  	_ =	strace $0x9000004A  }
0x9a: {  	s0 =	stileid.u32;
	[bflag:$0x2] =	sbarrier.arrive $0xFFFF  }
0x9b: {  	p0 =	sne.s32 s0, $0x0;
	s0 =	rddreg [dreg:$0x4]  }
0x9c: {  	s0 =	sadd.s32 @!p0 $0x100000, s0  }
0x9d: {  	[sflag:s0] =	ssyncadd.tile.s32 @!p0 $0x1;
	_ =	shalt  }
.Lfunc_end2:
_tile_overlayer_lowered:
.L_overlay_start_2:
0x9e: {  	(tag) =	ssettag $0x2  }
0x9f: {  	s0 =	rddreg [dreg:$0x0];
	s2 =	stileid.u32  }
0xa0: {  	s1 =	rddreg [dreg:$0x1];
	p0 =	sne.s32 s2, $0x0  }
0xa1: {  	s3 =	rddreg [dreg:$0x2];
	[bflag:$0x3] =	sbarrier.arrive $0xFFFF;
	s2 =	simm.s32 @!p0 $0x1C09  }
0xa2: {  	[timem:s3], [sflag:s2] =	dma.local @!p0 [hbm:s0], s1  }
0xa3: {  	s0 =	simm.s32 @!p0 $0x9  }
0xa4: {  	_ =	swait.ge @!p0 [sflag:s0], s1  }
0xa5: {  	s1 =	ssub.s32 @!p0 $0x0, s1;
	[sflag:s0] =	ssyncset.done @!p0 $0x0  }
0xa6: {  	[sflag:s0] =	ssyncadd.s32 @!p0 s1  }
0xa7: {  	[bflag:$0x3] =	sbarrier.arrive $0xFFFF  }
0xa8: {  	_ =	shalt  }

// kernel: kernel.18.cloned.1.call-start
scs
__scs_entry_jumppad:
0x0: {  	(pc) =	sbr.rel $0x88, $3  }
0x1: {  	(tag) =	ssettag $0x0;
	lr =	simm.s32 $0x1  }
0x2: {  	[smem:$0x3F97] =	sst lr;
	_ =	strace $0xD0000000  }
0x3: {  	_ = 	snop  }
0x4: {  	_ = 	snop  }
0x5: {  	_ = 	snop  }
0x6: {  	_ = 	snop  }
0x7: {  	_ = 	snop  }
__scs_overlays_trampoline_lowered:
0x8: {  	[smem:$0x3FA6] =	sst s0  }
0x9: {  	[smem:$0x3FA7] =	sst s1  }
0xa: {  	[smem:$0x3FA8] =	sst s2  }
0xb: {  	[smem:$0x3FA9] =	sst s3  }
0xc: {  	[smem:$0x3FAA] =	sst s4  }
0xd: {  	[smem:$0x3FAB] =	sst s5  }
0xe: {  	[smem:$0x3FAC] =	sst s6  }
0xf: {  	[smem:$0x3FAD] =	sst s7  }
0x10: {  	[smem:$0x3FAE] =	sst s8  }
0x11: {  	[smem:$0x3FAF] =	sst s9;
	s0 =	simm.s32 @!p0 $0x0  }
0x12: {  	s1 =	sld [smem:$0x3F95];
	s0 =	simm.s32 @p0 $0x1  }
0x13: {  	[smem:$0x3FB0] =	sst s0;
	s0 =	simm.s32 @!p1 $0x0  }
0x14: {  	s2 =	sld [smem:$0x3F94];
	s0 =	simm.s32 @p1 $0x1  }
0x15: {  	[smem:$0x3FB1] =	sst s0;
	s0 =	simm.s32 @!p2 $0x0  }
0x16: {  	s3 =	sld [smem:$0x3FDB];
	s0 =	simm.s32 @p2 $0x1  }
0x17: {  	s4 =	simm.s32 $0x1BF5;
	[smem:$0x3FB3] =	sst s0  }
0x18: {  	s0 =	sld [smem:$0x3F96];
	_ =	swait.ge [sflag:s4], $0x0  }
0x19: {  	s7 =	sld [smem:$0x3F97]  }
0x1a: {  	s8 =	sadd.s32 $0xFFFFE003, lr  }
0x1b: {  	s9 =	sadd.s32 $0xFFFFFEF7, lr;
	s5 =	simm.s32 $0xFFFFFFFF;
	p2 =	slt.u32 s8, $0xFFFFF086  }
0x1c: {  	p1 =	slt.u32 s9, $0xF7A;
	s5 =	simm.s32 @!p2 $0x0  }
0x1d: {  	s5 =	simm.s32 @p1 $0x1;
	p0 =	seq.s32 s7, s2  }
0x1e: {  	s7 =	smul.u32 @!p0 $0xF7A, s2;
	p2 =	seq.s32 @!p0 s5, $0x0  }
0x1f: {  	s9 =	smul.u32 $0xF7A, s1;
	s8 =	simm.s32 @!p0 $0x1BF5;
	p2 =	por !p2, p0  }
0x20: {  	[sflag:s8] =	ssyncset.s32 @!p0 $0xFFFFF086;
	s6 =	sadd.s32 @!p0 s3, s7;
	s7 =	simm.s32 @!p0 $0x108  }
0x21: {  	s3 =	sadd.s32 s3, s9;
	s6 =	sadd.s32 @!p0 $0x88, s6;
	s7 =	simm.s32 @p2 $0x1082  }
0x22: {  	[simem:s7], [sflag:s8] =	dma.local @!p0 [hbm:s6], $0xF7A  }
0x23: {  	s9 =	sor.u32 $0xD0000000, s2;
	s6 =	simm.s32 $0x108;
	_ =	swait.ge @!p0 [sflag:s8], $0x0  }
0x24: {  	s3 =	sadd.s32 $0x88, s3;
	s6 =	simm.s32 @!p1 $0x1082;
	[sflag:s4] =	ssyncset.s32 $0xFFFFF086  }
0x25: {  	[simem:s6], [sflag:s4] =	dma.local [hbm:s3], $0xF7A  }
0x26: {  	[smem:$0x3F97] =	sst s1;
	(tag) =	ssettag s2;
	_ =	strace s9  }
0x27: {  	s1 =	sld [smem:$0x3FA7]  }
0x28: {  	s2 =	sld [smem:$0x3FA8]  }
0x29: {  	s4 =	sld [smem:$0x3FAA]  }
0x2a: {  	p0 =	seq.s32 s5, $0x0;
	s5 =	sld [smem:$0x3FAB]  }
0x2b: {  	s6 =	sld [smem:$0x3FAC]  }
0x2c: {  	s7 =	sld [smem:$0x3FAD]  }
0x2d: {  	s3 =	simm.s32 $0x108;
	s8 =	sld [smem:$0x3FAE]  }
0x2e: {  	s3 =	simm.s32 @!p0 $0x1082;
	s9 =	sld [smem:$0x3FAF]  }
0x2f: {  	lr =	sadd.s32 s0, s3;
	s0 =	sld [smem:$0x3FA6]  }
0x30: {  	s3 =	sld [smem:$0x3FA9]  }
0x31: {  	[smem:$0x3FB2] =	sst s10  }
0x32: {  	s10 =	sld [smem:$0x3FB0];
	_ =	sdelay $0x3  }
0x33: {  	p0 =	seq.s32 s10, $0x1;
	s10 =	sld [smem:$0x3FB2];
	_ =	sdelay $0x3  }
0x34: {  	[smem:$0x3FB2] =	sst s10  }
0x35: {  	s10 =	sld [smem:$0x3FB1];
	_ =	sdelay $0x3  }
0x36: {  	p1 =	seq.s32 s10, $0x1;
	s10 =	sld [smem:$0x3FB2];
	_ =	sdelay $0x3  }
0x37: {  	[smem:$0x3FB2] =	sst s10  }
0x38: {  	s10 =	sld [smem:$0x3FB3]  }
0x39: {  	_ = 	snop;
	(pc) =	sbr.ind lr, $3  }
0x3a: {  	_ = 	snop  }
0x3b: {  	_ = 	snop  }
0x3c: {  	p2 =	seq.s32 s10, $0x1;
	s10 =	sld [smem:$0x3FB2]  }
0x3d: {  	_ =	shalt  }
0x3e: {  	_ =	shalt  }
0x3f: {  	_ =	shalt  }
0x40: {  	_ =	shalt  }
0x41: {  	_ =	shalt  }
0x42: {  	_ =	shalt  }
0x43: {  	_ =	shalt  }
0x44: {  	_ =	shalt  }
0x45: {  	_ =	shalt  }
0x46: {  	_ =	shalt  }
0x47: {  	_ =	shalt  }
0x48: {  	_ =	shalt  }
0x49: {  	_ =	shalt  }
0x4a: {  	_ =	shalt  }
0x4b: {  	_ =	shalt  }
0x4c: {  	_ =	shalt  }
0x4d: {  	_ =	shalt  }
0x4e: {  	_ =	shalt  }
0x4f: {  	_ =	shalt  }
0x50: {  	_ =	shalt  }
0x51: {  	_ =	shalt  }
0x52: {  	_ =	shalt  }
0x53: {  	_ =	shalt  }
0x54: {  	_ =	shalt  }
0x55: {  	_ =	shalt  }
0x56: {  	_ =	shalt  }
0x57: {  	_ =	shalt  }
0x58: {  	_ =	shalt  }
0x59: {  	_ =	shalt  }
0x5a: {  	_ =	shalt  }
0x5b: {  	_ =	shalt  }
0x5c: {  	_ =	shalt  }
0x5d: {  	_ =	shalt  }
0x5e: {  	_ =	shalt  }
0x5f: {  	_ =	shalt  }
0x60: {  	_ =	shalt  }
0x61: {  	_ =	shalt  }
0x62: {  	_ =	shalt  }
0x63: {  	_ =	shalt  }
0x64: {  	_ =	shalt  }
0x65: {  	_ =	shalt  }
0x66: {  	_ =	shalt  }
0x67: {  	_ =	shalt  }
0x68: {  	_ =	shalt  }
0x69: {  	_ =	shalt  }
0x6a: {  	_ =	shalt  }
0x6b: {  	_ =	shalt  }
0x6c: {  	_ =	shalt  }
0x6d: {  	_ =	shalt  }
0x6e: {  	_ =	shalt  }
0x6f: {  	_ =	shalt  }
0x70: {  	_ =	shalt  }
0x71: {  	_ =	shalt  }
0x72: {  	_ =	shalt  }
0x73: {  	_ =	shalt  }
0x74: {  	_ =	shalt  }
0x75: {  	_ =	shalt  }
0x76: {  	_ =	shalt  }
0x77: {  	_ =	shalt  }
0x78: {  	_ =	shalt  }
0x79: {  	_ =	shalt  }
0x7a: {  	_ =	shalt  }
0x7b: {  	_ =	shalt  }
0x7c: {  	_ =	shalt  }
0x7d: {  	_ =	shalt  }
0x7e: {  	_ =	shalt  }
0x7f: {  	_ =	shalt  }
0x80: {  	_ =	shalt  }
0x81: {  	_ =	shalt  }
0x82: {  	_ =	shalt  }
0x83: {  	_ =	shalt  }
0x84: {  	_ =	shalt  }
0x85: {  	_ =	shalt  }
0x86: {  	_ =	shalt  }
0x87: {  	_ =	shalt  }
.Lfunc_end0:
.L_simem_size_0:
called_computation.2_lowered:
.L_overlay_start_0:
0x88: {  	s2 =	sld [smem:$0x3FD9]  }
0x89: {  	s3 =	sld [smem:$0x3FFE];
	_ =	sdelay $0x1  }
0x8a: {  	s1 =	srdreg.scid  }
0x8b: {  	s0 =	sand.u32 $0x1, s1  }
0x8c: {  	s17 =	sshll.u32 s0, $0xA;
	s2 =	sadd.s32 s3, s2  }
0x8d: {  	s2 =	sadd.s32 s2, s17  }
0x8e: {  	[smem:$0x3FBE] =	sst s2  }
0x8f: {  	_ = 	snop  }
0x90: {  	s2 =	sld [smem:$0x3FD0];
	(tm) =	ssettm $0x1  }
0x91: {  	s18 =	sld [smem:$0x3FFB];
	_ =	sdelay $0x3  }
0x92: {  	_ =	strace s18  }
0x93: {  	s3 =	sld [smem:$0x3FFC];
	_ =	sdelay $0x3  }
0x94: {  	_ =	strace s3  }
0x95: {  	s3 =	sld [smem:$0x3FFD];
	_ =	sdelay $0x3  }
0x96: {  	_ =	strace s3  }
0x97: {  	_ =	strace $0x8FFFFFFF  }
0x98: {  	s19 =	sld [smem:$0x3FDB];
	_ =	sdelay $0x1  }
0x99: {  	s4 =	simm.s32 $_scs_section_size  }
0x9a: {  	s5 =	simm.s32 $_size__tile_overlayer_lowered;
	s6 =	simm.s32 $_tile_overlayer_lowered  }
0x9b: {  	s22 =	simm.s32 $0x1BFF;
	s21 =	sshll.u32 s6, $0x1;
	s3 =	sadd.s32 s4, s19  }
0x9c: {  	s7 =	simm.s32 $0x0;
	s20 =	sshll.u32 s5, $0x1;
	s5 =	sadd.s32 s21, s3  }
0x9d: {  	[timem:s7], [sflag:s22] =	dma.local [hbm:s5], s20  }
0x9e: {  	_ =	swait.ge [sflag:s22], s20  }
0x9f: {  	s4 =	ssub.s32 $0x0, s20;
	[sflag:s22] =	ssyncset.done $0x0  }
0xa0: {  	[sflag:s22] =	ssyncadd.s32 s4;
	_ =	sdelay $0x1  }
0xa1: {  	s23 =	simm.s32 $0x1B8B  }
0xa2: {  	_ =	swait.ge [sflag:s23], $0x1  }
0xa3: {  	[sflag:s23] =	ssyncset.done $0x0  }
0xa4: {  	s25 =	simm.s32 $0x1B8E;
	s24 =	sld [smem:$0x3FFE];
	[sflag:s23] =	ssyncadd.s32 $0xFFFFFFFF  }
0xa5: {  	s26 =	simm.s32 $execute0_lowered;
	[smem:$0x3FD2] =	sst s25  }
0xa6: {  	s5 =	sshll.u32 s26, $0x1;
	_ =	strace $0x8000004C;
	[dreg:$0x1] =	wrdreg $0xFFFFFFFF  }
0xa7: {  	s28 =	simm.s32 $_size_execute0_lowered;
	s3 =	sadd.s32 s3, s5;
	[dreg:$0x0] =	wrdreg $0x0  }
0xa8: {  	s5 =	sshll.u32 s28, $0x1;
	[dreg:$0x2] =	wrdreg s3  }
0xa9: {  	[dreg:$0x3] =	wrdreg s5  }
0xaa: {  	[dreg:$0x4] =	wrdreg $0xC0  }
0xab: {  	_ =	task [dreg:s7], $0x5FFFF  }
0xac: {  	[dreg:$0x1] =	wrdreg $0xFFFFFFFF  }
0xad: {  	[dreg:$0x0] =	wrdreg $0x60  }
0xae: {  	[dreg:$0x2] =	wrdreg s24  }
0xaf: {  	[dreg:$0x3] =	wrdreg s2  }
0xb0: {  	[dreg:$0x4] =	wrdreg $0x9E200  }
0xb1: {  	[dreg:$0x5] =	wrdreg $0x13E200  }
0xb2: {  	[dreg:$0x6] =	wrdreg $0x9  }
0xb3: {  	_ =	task.clear_ibuf [dreg:s7], $0x7FFFF;
	_ =	strace $0x9000004C  }
0xb4: {  	s29 =	simm.s32 $0x9;
	_ =	strace $0x8000004E  }
0xb5: {  	_ =	swait.ge [sflag:s29], $0x1  }
0xb6: {  	[sflag:s29] =	ssyncadd.s32 $0xFFFFFFFF  }
0xb7: {  	_ =	strace $0x9000004E  }
0xb8: {  	_ =	sfence  }
0xb9: {  	s30 =	sld [smem:$0x0];
	_ =	sdelay $0x2  }
0xba: {  	s31 =	sshll.u32 s1, $0xD;
	s1 =	sshrl.u32 s1, $0x2  }
0xbb: {  	s3 =	sand.u32 $0x4000, s31;
	s1 =	sadd.s32 s1, s30  }
0xbc: {  	s0 =	sor.u32 s3, s0;
	s1 =	sshll.u32 s1, $0x11  }
0xbd: {  	s0 =	sor.u32 s1, s0  }
0xbe: {  	s0 =	sadd.s32 $0x8F2B, s0  }
0xbf: {  	[sflag:s0] =	ssyncadd.remote.s32 $0x1  }
0xc0: {  	_ =	sfence.sel $0xFFFF  }
0xc1: {  	[dreg:$0x0] =	wrdreg $0xFFFFFFFF;
	(pc) =	sbr.abs _section_cstart, $3  }
0xc2: {  	[dreg:$0x1] =	wrdreg $0xFFFFFFFF  }
0xc3: {  	_ =	task.clear_ibuf [dreg:s7], $0x2FFFF;
	_ =	strace $0x9FFFFFFF  }
0xc4: {  	(tm) =	ssettm $0x7FFFFFFF  }
0xc5: {  	_ =	shalt  }
tec
execute0_lowered:
.L_overlay_start_1:
0x0: {  	(tag) =	ssettag $0x1  }
0x1: {  	s0 =	rddreg [dreg:$0x0]  }
0x2: {  	s1 =	rddreg [dreg:$0x1]  }
0x3: {  	s2 =	rddreg [dreg:$0x2]  }
0x4: {  	s3 =	rddreg [dreg:$0x3]  }
0x5: {  	s13 =	stileid.u32;
	s5 =	srdreg.scid;
	s4 =	simm.s32 $0x0  }
0x6: {  	s15 =	simm.s32 $0x50;
	s16 =	simm.s32 $0x4E20;
	s17 =	simm.s32 $0x6220  }
0x7: {  	s19 =	simm.s32 $0x7620;
	s28 =	simm.s32 $0x6;
	s29 =	simm.s32 $0x7  }
0x8: {  	s30 =	simm.s32 $0x8;
	s18 =	simm.s32 $0x26C0;
	s20 =	simm.s32 $0x4DD0  }
0x9: {  	s31 =	simm.s32 $0x0;
	s7 =	smul.u32 $0xA000, s13;
	s5 =	sand.u32 $0x1, s5  }
0xa: {  	[smem:$0x7FF] =	sst s4;
	s25 =	sshll.u32 s13, $0x6;
	s6 =	sshll.u32 s5, $0x4  }
0xb: {  	s8 =	smul.u32 $0xA0000, s5;
	_ =	strace $0x8000004D;
	s5 =	ssub.s32 $0x2, s5  }
0xc: {  	s6 =	sor.u32 s13, s6;
	s9 =	sshrl.u32 s7, $0x3;
	s24 =	sshrl.u32 s5, $0x1  }
0xd: {  	s12 =	sadd.s32 s7, s2;
	s26 =	sadd.s32 s7, s3;
	s10 =	smul.u32 $0x4E2, s6  }
0xe: {  	s21 =	sadd.s32 s7, s8;
	s22 =	sadd.s32 s9, s0;
	s11 =	ssub.s32 s5, s24  }
0xf: {  	s13 =	sshrl.u32 s26, $0x3;
	s24 =	simm.s32 $0x3;
	s26 =	simm.s32 $0x5  }
0x10: {  	s6 =	sshrl.u32 s21, $0x3;
	s5 =	sadd.s32 $0xD800, s22;
	s21 =	simm.s32 $0x8A20  }
0x11: {  	s22 =	simm.s32 $0x1;
	s23 =	sadd.s32 s10, s0;
	s0 =	sadd.s32 s6, s0  }
0x12: {  	s6 =	sor.u32 $0x1C09, s25;
	s7 =	sadd.s32 s1, s10;
	s10 =	smax.u32 s11, $0x1  }
0x13: {  	s11 =	sshrl.u32 s12, $0x3;
	s12 =	simm.s32 $0x9;
	s25 =	simm.s32 $0x4  }
0x14: {  	s8 =	sadd.s32 $0x3A00, s23;
	s9 =	sadd.s32 $0x21800, s0;
	s23 =	simm.s32 $0x2  }
.LBB2_1:
0x15: {  	[spmem:s11], [sflag:s6] =	dma.local [hbm:s5], $0x1400  }
0x16: {  	_ =	swait.ge [sflag:s12], $0x1400  }
0x17: {  	[sflag:s12] =	ssyncset.done $0x0  }
0x18: {  	[sflag:s12] =	ssyncadd.s32 $0xFFFFEC00  }
0x19: {  	[spmem:s13], [sflag:s6] =	dma.local [hbm:s5], $0x1400  }
0x1a: {  	_ =	swait.ge [sflag:s12], $0x1400  }
0x1b: {  	[sflag:s12] =	ssyncset.done $0x0  }
0x1c: {  	[sflag:s12] =	ssyncadd.s32 $0xFFFFEC00  }
0x1d: {  	[tilespmem:s4], [sflag:$0x9] =	stream.linear.gather [hbm4b:s7+s4], $0x2710, $0x38;
	[tilespmem:$0x1DE20] =	vst v63  }
0x1e: {  	_ =	swait.ge [sflag:s12], $0x2710  }
0x1f: {  	[sflag:s12] =	ssyncset.done $0x0  }
0x20: {  	s0 =	simm.s32 $0x2710;
	[sflag:s12] =	ssyncadd.s32 $0xFFFFD8F0  }
0x21: {  	[tilespmem:s0], [sflag:$0x9] =	stream.linear.gather [hbm4b:s8+s4], $0x2710, $0x38;
	[tilespmem:$0x1DE20] =	vst v63  }
0x22: {  	_ =	swait.ge [sflag:s12], $0x2710  }
0x23: {  	[sflag:s12] =	ssyncset.done $0x0  }
0x24: {  	[sflag:s12] =	ssyncadd.s32 $0xFFFFD8F0  }
0x25: {  	[bflag:$0x0] =	sbarrier.arrive $0xFFFF  }
0x26: {  	[tilespmem:s16], [sflag:$0x1] =	stream.indirect.gather [spmem:s2], $0x40, s4, s15, $0xb8;
	[tilespmem:$0x1DE20] =	vst v63  }
0x27: {  	_ = 	snop  }
0x28: {  	[tilespmem:s17], [sflag:$0x2] =	stream.indirect.gather [spmem:s2], $0x40, s15, s15, $0xb8;
	[tilespmem:$0x1DE20] =	vst v63  }
0x29: {  	s14 =	simm.s32 $0xA0  }
0x2a: {  	[tilespmem:s19], [sflag:$0x3] =	stream.indirect.gather [spmem:s2], $0x40, s14, s15, $0xb8;
	[tilespmem:$0x1DE20] =	vst v63  }
0x2b: {  	s1 =	simm.s32 $0xF0  }
0x2c: {  	[tilespmem:s21], [sflag:$0x4] =	stream.indirect.gather [spmem:s2], $0x40, s1, s15, $0xb8;
	[tilespmem:$0x1DE20] =	vst v63  }
0x2d: {  	_ =	swait.ge [sflag:s22], $0x1400  }
0x2e: {  	[sflag:s22] =	ssyncset.done $0x0  }
0x2f: {  	s14 =	simm.s32 $0x2710;
	[sflag:s22] =	ssyncadd.s32 $0xFFFFEC00  }
0x30: {  	[spmem:s3] =	stream.indirect.scatter.add.f32 [tilespmem:s16], [sflag:$0x5], $0x40, s14, s15, $0xb8;
	[tilespmem:$0x1DE20] =	vst v63  }
0x31: {  	_ =	swait.ge [sflag:s23], $0x1400  }
0x32: {  	[sflag:s23] =	ssyncset.done $0x0  }
0x33: {  	s1 =	simm.s32 $0x2760;
	[sflag:s23] =	ssyncadd.s32 $0xFFFFEC00  }
0x34: {  	[spmem:s3] =	stream.indirect.scatter.add.f32 [tilespmem:s17], [sflag:$0x6], $0x40, s1, s15, $0xb8;
	[tilespmem:$0x1DE20] =	vst v63  }
0x35: {  	_ =	swait.ge [sflag:s24], $0x1400  }
0x36: {  	[sflag:s24] =	ssyncset.done $0x0  }
0x37: {  	s14 =	simm.s32 $0x27B0;
	[sflag:s24] =	ssyncadd.s32 $0xFFFFEC00  }
0x38: {  	[spmem:s3] =	stream.indirect.scatter.add.f32 [tilespmem:s19], [sflag:$0x7], $0x40, s14, s15, $0xb8;
	[tilespmem:$0x1DE20] =	vst v63  }
0x39: {  	_ =	swait.ge [sflag:s25], $0x1400  }
0x3a: {  	[sflag:s25] =	ssyncset.done $0x0  }
0x3b: {  	s1 =	simm.s32 $0x2800;
	[sflag:s25] =	ssyncadd.s32 $0xFFFFEC00  }
0x3c: {  	[spmem:s3] =	stream.indirect.scatter.add.f32 [tilespmem:s21], [sflag:$0x8], $0x40, s1, s15, $0xb8;
	[tilespmem:$0x1DE20] =	vst v63  }
0x3d: {  	_ =	swait.ge [sflag:s26], $0x1400  }
0x3e: {  	[sflag:s26] =	ssyncset.done $0x0  }
0x3f: {  	s14 =	simm.s32 $0x140;
	[sflag:s26] =	ssyncadd.s32 $0xFFFFEC00  }
0x40: {  	[tilespmem:s16], [sflag:$0x1] =	stream.indirect.gather [spmem:s2], $0x40, s14, s15, $0xb8;
	[tilespmem:$0x1DE20] =	vst v63  }
0x41: {  	_ =	swait.ge [sflag:s28], $0x1400  }
0x42: {  	[sflag:s28] =	ssyncset.done $0x0  }
0x43: {  	s1 =	simm.s32 $0x190;
	[sflag:s28] =	ssyncadd.s32 $0xFFFFEC00  }
0x44: {  	[tilespmem:s17], [sflag:$0x2] =	stream.indirect.gather [spmem:s2], $0x40, s1, s15, $0xb8;
	[tilespmem:$0x1DE20] =	vst v63  }
0x45: {  	_ =	swait.ge [sflag:s29], $0x1400  }
0x46: {  	[sflag:s29] =	ssyncset.done $0x0  }
0x47: {  	s14 =	simm.s32 $0x1E0;
	[sflag:s29] =	ssyncadd.s32 $0xFFFFEC00  }
0x48: {  	[tilespmem:s19], [sflag:$0x3] =	stream.indirect.gather [spmem:s2], $0x40, s14, s15, $0xb8;
	[tilespmem:$0x1DE20] =	vst v63  }
0x49: {  	_ =	swait.ge [sflag:s30], $0x1400  }
0x4a: {  	[sflag:s30] =	ssyncset.done $0x0  }
0x4b: {  	s0 =	simm.s32 $0x500;
	s1 =	simm.s32 $0x230;
	[sflag:s30] =	ssyncadd.s32 $0xFFFFEC00  }
.LBB2_2:
0x4c: {  	[tilespmem:s21], [sflag:$0x4] =	stream.indirect.gather [spmem:s2], $0x40, s1, s15, $0xb8;
	[tilespmem:$0x1DE20] =	vst v63  }
0x4d: {  	s1 =	smov.u32 s0  }
0x4e: {  	p0 =	sne.s32 s0, $0x9100;
	s0 =	sadd.s32 $0x500, s0;
	_ =	swait.ge [sflag:s22], $0x1400  }
0x4f: {  	s1 =	sshra.s32 s1, $0x2;
	[sflag:s22] =	ssyncset.done $0x0  }
0x50: {  	s14 =	sadd.s32 $0x2710, s1;
	[sflag:s22] =	ssyncadd.s32 $0xFFFFEC00  }
0x51: {  	[spmem:s3] =	stream.indirect.scatter.add.f32 [tilespmem:s16], [sflag:$0x5], $0x40, s14, s15, $0xb8;
	[tilespmem:$0x1DE20] =	vst v63  }
0x52: {  	_ =	swait.ge [sflag:s23], $0x1400  }
0x53: {  	[sflag:s23] =	ssyncset.done $0x0  }
0x54: {  	s14 =	sadd.s32 $0x2760, s1;
	[sflag:s23] =	ssyncadd.s32 $0xFFFFEC00  }
0x55: {  	[spmem:s3] =	stream.indirect.scatter.add.f32 [tilespmem:s17], [sflag:$0x6], $0x40, s14, s15, $0xb8;
	[tilespmem:$0x1DE20] =	vst v63  }
0x56: {  	_ =	swait.ge [sflag:s24], $0x1400  }
0x57: {  	[sflag:s24] =	ssyncset.done $0x0  }
0x58: {  	s14 =	sadd.s32 $0x27B0, s1;
	[sflag:s24] =	ssyncadd.s32 $0xFFFFEC00  }
0x59: {  	[spmem:s3] =	stream.indirect.scatter.add.f32 [tilespmem:s19], [sflag:$0x7], $0x40, s14, s15, $0xb8;
	[tilespmem:$0x1DE20] =	vst v63  }
0x5a: {  	_ =	swait.ge [sflag:s25], $0x1400  }
0x5b: {  	[sflag:s25] =	ssyncset.done $0x0  }
0x5c: {  	s14 =	sadd.s32 $0x2800, s1;
	[sflag:s25] =	ssyncadd.s32 $0xFFFFEC00  }
0x5d: {  	[spmem:s3] =	stream.indirect.scatter.add.f32 [tilespmem:s21], [sflag:$0x8], $0x40, s14, s15, $0xb8;
	[tilespmem:$0x1DE20] =	vst v63  }
0x5e: {  	_ =	swait.ge [sflag:s26], $0x1400  }
0x5f: {  	[sflag:s26] =	ssyncset.done $0x0  }
0x60: {  	s14 =	sadd.s32 $0x140, s1;
	[sflag:s26] =	ssyncadd.s32 $0xFFFFEC00  }
0x61: {  	[tilespmem:s16], [sflag:$0x1] =	stream.indirect.gather [spmem:s2], $0x40, s14, s15, $0xb8;
	[tilespmem:$0x1DE20] =	vst v63  }
0x62: {  	_ =	swait.ge [sflag:s28], $0x1400  }
0x63: {  	[sflag:s28] =	ssyncset.done $0x0  }
0x64: {  	s14 =	sadd.s32 $0x190, s1;
	[sflag:s28] =	ssyncadd.s32 $0xFFFFEC00  }
0x65: {  	[tilespmem:s17], [sflag:$0x2] =	stream.indirect.gather [spmem:s2], $0x40, s14, s15, $0xb8;
	[tilespmem:$0x1DE20] =	vst v63  }
0x66: {  	_ =	swait.ge [sflag:s29], $0x1400  }
0x67: {  	[sflag:s29] =	ssyncset.done $0x0  }
.Ltmp0:
0x68: {  	s14 =	sadd.s32 $0x1E0, s1;
	[sflag:s29] =	ssyncadd.s32 $0xFFFFEC00;
	(pc) =	sbr.rel @p0 .LBB2_2-.Ltmp0, $4  }
0x69: {  	[tilespmem:s19], [sflag:$0x3] =	stream.indirect.gather [spmem:s2], $0x40, s14, s15, $0xb8;
	[tilespmem:$0x1DE20] =	vst v63  }
0x6a: {  	_ =	swait.ge [sflag:s30], $0x1400  }
0x6b: {  	[sflag:s30] =	ssyncset.done $0x0  }
0x6c: {  	s1 =	sadd.s32 $0x230, s1;
	[sflag:s30] =	ssyncadd.s32 $0xFFFFEC00  }
0x6d: {  	[tilespmem:s21], [sflag:$0x4] =	stream.indirect.gather [spmem:s2], $0x40, s1, s15, $0xb8;
	[tilespmem:$0x1DE20] =	vst v63  }
0x6e: {  	_ =	swait.ge [sflag:s22], $0x1400  }
0x6f: {  	[sflag:s22] =	ssyncset.done $0x0  }
0x70: {  	s0 =	simm.s32 $0x4C90;
	[sflag:s22] =	ssyncadd.s32 $0xFFFFEC00  }
0x71: {  	[spmem:s3] =	stream.indirect.scatter.add.f32 [tilespmem:s16], [sflag:$0x9], $0x40, s0, s15, $0xb8;
	[tilespmem:$0x1DE20] =	vst v63  }
0x72: {  	_ =	swait.ge [sflag:s12], $0x1400  }
0x73: {  	[sflag:s12] =	ssyncset.done $0x0  }
0x74: {  	[sflag:s12] =	ssyncadd.s32 $0xFFFFEC00  }
0x75: {  	_ =	swait.ge [sflag:s23], $0x1400  }
0x76: {  	[sflag:s23] =	ssyncset.done $0x0  }
0x77: {  	s14 =	simm.s32 $0x4CE0;
	[sflag:s23] =	ssyncadd.s32 $0xFFFFEC00  }
0x78: {  	[spmem:s3] =	stream.indirect.scatter.add.f32 [tilespmem:s17], [sflag:$0x9], $0x40, s14, s15, $0xb8;
	[tilespmem:$0x1DE20] =	vst v63  }
0x79: {  	_ =	swait.ge [sflag:s12], $0x1400  }
0x7a: {  	[sflag:s12] =	ssyncset.done $0x0  }
0x7b: {  	[sflag:s12] =	ssyncadd.s32 $0xFFFFEC00  }
0x7c: {  	_ =	swait.ge [sflag:s24], $0x1400  }
0x7d: {  	[sflag:s24] =	ssyncset.done $0x0  }
0x7e: {  	s1 =	simm.s32 $0x4D30;
	[sflag:s24] =	ssyncadd.s32 $0xFFFFEC00  }
0x7f: {  	[spmem:s3] =	stream.indirect.scatter.add.f32 [tilespmem:s19], [sflag:$0x9], $0x40, s1, s15, $0xb8;
	[tilespmem:$0x1DE20] =	vst v63  }
0x80: {  	_ =	swait.ge [sflag:s12], $0x1400  }
0x81: {  	[sflag:s12] =	ssyncset.done $0x0  }
0x82: {  	[sflag:s12] =	ssyncadd.s32 $0xFFFFEC00  }
0x83: {  	_ =	swait.ge [sflag:s25], $0x1400  }
0x84: {  	[sflag:s25] =	ssyncset.done $0x0  }
0x85: {  	s14 =	simm.s32 $0x4D80;
	[sflag:s25] =	ssyncadd.s32 $0xFFFFEC00  }
0x86: {  	[spmem:s3] =	stream.indirect.scatter.add.f32 [tilespmem:s21], [sflag:$0x9], $0x40, s14, s15, $0xb8;
	[tilespmem:$0x1DE20] =	vst v63  }
0x87: {  	_ =	swait.ge [sflag:s12], $0x1400  }
0x88: {  	[sflag:s12] =	ssyncset.done $0x0  }
0x89: {  	[sflag:s12] =	ssyncadd.s32 $0xFFFFEC00  }
0x8a: {  	[tilespmem:s16], [sflag:$0x1] =	stream.indirect.gather [spmem:s2], $0x40, s18, s15, $0xb8;
	[tilespmem:$0x1DE20] =	vst v63  }
0x8b: {  	_ =	swait.ge [sflag:s22], $0x1400  }
0x8c: {  	[sflag:s22] =	ssyncset.done $0x0  }
0x8d: {  	[sflag:s22] =	ssyncadd.s32 $0xFFFFEC00  }
0x8e: {  	[spmem:s3] =	stream.indirect.scatter.add.f32 [tilespmem:s16], [sflag:$0x9], $0x40, s20, s15, $0xb8;
	[tilespmem:$0x1DE20] =	vst v63  }
0x8f: {  	_ =	swait.ge [sflag:s12], $0x1400  }
0x90: {  	s31 =	sadd.s32 $0x1, s31;
	[sflag:s12] =	ssyncset.done $0x0  }
0x91: {  	p0 =	sne.s32 s31, s10;
	[sflag:s12] =	ssyncadd.s32 $0xFFFFEC00  }
.Ltmp1:
0x92: {  	[bflag:$0x0] =	sbarrier.arrive $0xFFFF;
	(pc) =	sbr.rel @p0 .LBB2_1-.Ltmp1, $4  }
0x93: {  	[hbm:s9], [sflag:s6] =	dma.local [spmem:s13], $0x1400  }
0x94: {  	_ =	swait.ge [sflag:s12], $0x1400  }
0x95: {  	[sflag:s12] =	ssyncset.done $0x0  }
0x96: {  	[sflag:s12] =	ssyncadd.s32 $0xFFFFEC00  }
0x97: {  	_ =	sfence.sel $0x180000  }
0x98: {  	[bflag:$0x0] =	sbarrier.arrive $0xFFFF  }
0x99: {  	_ =	strace $0x9000004D  }
0x9a: {  	s0 =	stileid.u32;
	[bflag:$0x2] =	sbarrier.arrive $0xFFFF  }
0x9b: {  	p0 =	sne.s32 s0, $0x0;
	s0 =	rddreg [dreg:$0x4]  }
0x9c: {  	s0 =	sadd.s32 @!p0 $0x100000, s0  }
0x9d: {  	[sflag:s0] =	ssyncadd.tile.s32 @!p0 $0x1;
	_ =	shalt  }
.Lfunc_end2:
_tile_overlayer_lowered:
.L_overlay_start_2:
0x9e: {  	(tag) =	ssettag $0x2  }
0x9f: {  	s0 =	rddreg [dreg:$0x0];
	s2 =	stileid.u32  }
0xa0: {  	s1 =	rddreg [dreg:$0x1];
	p0 =	sne.s32 s2, $0x0  }
0xa1: {  	s3 =	rddreg [dreg:$0x2];
	[bflag:$0x3] =	sbarrier.arrive $0xFFFF;
	s2 =	simm.s32 @!p0 $0x1C09  }
0xa2: {  	[timem:s3], [sflag:s2] =	dma.local @!p0 [hbm:s0], s1  }
0xa3: {  	s0 =	simm.s32 @!p0 $0x9  }
0xa4: {  	_ =	swait.ge @!p0 [sflag:s0], s1  }
0xa5: {  	s1 =	ssub.s32 @!p0 $0x0, s1;
	[sflag:s0] =	ssyncset.done @!p0 $0x0  }
0xa6: {  	[sflag:s0] =	ssyncadd.s32 @!p0 s1  }
0xa7: {  	[bflag:$0x3] =	sbarrier.arrive $0xFFFF  }
0xa8: {  	_ =	shalt  }

// kernel: kernel.21.cloned.1.call-start
scs
__scs_entry_jumppad:
0x0: {  	(pc) =	sbr.rel $0x88, $3  }
0x1: {  	(tag) =	ssettag $0x0;
	lr =	simm.s32 $0x1  }
0x2: {  	[smem:$0x3F97] =	sst lr;
	_ =	strace $0xD0000000  }
0x3: {  	_ = 	snop  }
0x4: {  	_ = 	snop  }
0x5: {  	_ = 	snop  }
0x6: {  	_ = 	snop  }
0x7: {  	_ = 	snop  }
__scs_overlays_trampoline_lowered:
0x8: {  	[smem:$0x3FA6] =	sst s0  }
0x9: {  	[smem:$0x3FA7] =	sst s1  }
0xa: {  	[smem:$0x3FA8] =	sst s2  }
0xb: {  	[smem:$0x3FA9] =	sst s3  }
0xc: {  	[smem:$0x3FAA] =	sst s4  }
0xd: {  	[smem:$0x3FAB] =	sst s5  }
0xe: {  	[smem:$0x3FAC] =	sst s6  }
0xf: {  	[smem:$0x3FAD] =	sst s7  }
0x10: {  	[smem:$0x3FAE] =	sst s8  }
0x11: {  	[smem:$0x3FAF] =	sst s9;
	s0 =	simm.s32 @!p0 $0x0  }
0x12: {  	s1 =	sld [smem:$0x3F95];
	s0 =	simm.s32 @p0 $0x1  }
0x13: {  	[smem:$0x3FB0] =	sst s0;
	s0 =	simm.s32 @!p1 $0x0  }
0x14: {  	s2 =	sld [smem:$0x3F94];
	s0 =	simm.s32 @p1 $0x1  }
0x15: {  	[smem:$0x3FB1] =	sst s0;
	s0 =	simm.s32 @!p2 $0x0  }
0x16: {  	s3 =	sld [smem:$0x3FDB];
	s0 =	simm.s32 @p2 $0x1  }
0x17: {  	s4 =	simm.s32 $0x1BF5;
	[smem:$0x3FB3] =	sst s0  }
0x18: {  	s0 =	sld [smem:$0x3F96];
	_ =	swait.ge [sflag:s4], $0x0  }
0x19: {  	s7 =	sld [smem:$0x3F97]  }
0x1a: {  	s8 =	sadd.s32 $0xFFFFE003, lr  }
0x1b: {  	s9 =	sadd.s32 $0xFFFFFEF7, lr;
	s5 =	simm.s32 $0xFFFFFFFF;
	p2 =	slt.u32 s8, $0xFFFFF086  }
0x1c: {  	p1 =	slt.u32 s9, $0xF7A;
	s5 =	simm.s32 @!p2 $0x0  }
0x1d: {  	s5 =	simm.s32 @p1 $0x1;
	p0 =	seq.s32 s7, s2  }
0x1e: {  	s7 =	smul.u32 @!p0 $0xF7A, s2;
	p2 =	seq.s32 @!p0 s5, $0x0  }
0x1f: {  	s9 =	smul.u32 $0xF7A, s1;
	s8 =	simm.s32 @!p0 $0x1BF5;
	p2 =	por !p2, p0  }
0x20: {  	[sflag:s8] =	ssyncset.s32 @!p0 $0xFFFFF086;
	s6 =	sadd.s32 @!p0 s3, s7;
	s7 =	simm.s32 @!p0 $0x108  }
0x21: {  	s3 =	sadd.s32 s3, s9;
	s6 =	sadd.s32 @!p0 $0x88, s6;
	s7 =	simm.s32 @p2 $0x1082  }
0x22: {  	[simem:s7], [sflag:s8] =	dma.local @!p0 [hbm:s6], $0xF7A  }
0x23: {  	s9 =	sor.u32 $0xD0000000, s2;
	s6 =	simm.s32 $0x108;
	_ =	swait.ge @!p0 [sflag:s8], $0x0  }
0x24: {  	s3 =	sadd.s32 $0x88, s3;
	s6 =	simm.s32 @!p1 $0x1082;
	[sflag:s4] =	ssyncset.s32 $0xFFFFF086  }
0x25: {  	[simem:s6], [sflag:s4] =	dma.local [hbm:s3], $0xF7A  }
0x26: {  	[smem:$0x3F97] =	sst s1;
	(tag) =	ssettag s2;
	_ =	strace s9  }
0x27: {  	s1 =	sld [smem:$0x3FA7]  }
0x28: {  	s2 =	sld [smem:$0x3FA8]  }
0x29: {  	s4 =	sld [smem:$0x3FAA]  }
0x2a: {  	p0 =	seq.s32 s5, $0x0;
	s5 =	sld [smem:$0x3FAB]  }
0x2b: {  	s6 =	sld [smem:$0x3FAC]  }
0x2c: {  	s7 =	sld [smem:$0x3FAD]  }
0x2d: {  	s3 =	simm.s32 $0x108;
	s8 =	sld [smem:$0x3FAE]  }
0x2e: {  	s3 =	simm.s32 @!p0 $0x1082;
	s9 =	sld [smem:$0x3FAF]  }
0x2f: {  	lr =	sadd.s32 s0, s3;
	s0 =	sld [smem:$0x3FA6]  }
0x30: {  	s3 =	sld [smem:$0x3FA9]  }
0x31: {  	[smem:$0x3FB2] =	sst s10  }
0x32: {  	s10 =	sld [smem:$0x3FB0];
	_ =	sdelay $0x3  }
0x33: {  	p0 =	seq.s32 s10, $0x1;
	s10 =	sld [smem:$0x3FB2];
	_ =	sdelay $0x3  }
0x34: {  	[smem:$0x3FB2] =	sst s10  }
0x35: {  	s10 =	sld [smem:$0x3FB1];
	_ =	sdelay $0x3  }
0x36: {  	p1 =	seq.s32 s10, $0x1;
	s10 =	sld [smem:$0x3FB2];
	_ =	sdelay $0x3  }
0x37: {  	[smem:$0x3FB2] =	sst s10  }
0x38: {  	s10 =	sld [smem:$0x3FB3]  }
0x39: {  	_ = 	snop;
	(pc) =	sbr.ind lr, $3  }
0x3a: {  	_ = 	snop  }
0x3b: {  	_ = 	snop  }
0x3c: {  	p2 =	seq.s32 s10, $0x1;
	s10 =	sld [smem:$0x3FB2]  }
0x3d: {  	_ =	shalt  }
0x3e: {  	_ =	shalt  }
0x3f: {  	_ =	shalt  }
0x40: {  	_ =	shalt  }
0x41: {  	_ =	shalt  }
0x42: {  	_ =	shalt  }
0x43: {  	_ =	shalt  }
0x44: {  	_ =	shalt  }
0x45: {  	_ =	shalt  }
0x46: {  	_ =	shalt  }
0x47: {  	_ =	shalt  }
0x48: {  	_ =	shalt  }
0x49: {  	_ =	shalt  }
0x4a: {  	_ =	shalt  }
0x4b: {  	_ =	shalt  }
0x4c: {  	_ =	shalt  }
0x4d: {  	_ =	shalt  }
0x4e: {  	_ =	shalt  }
0x4f: {  	_ =	shalt  }
0x50: {  	_ =	shalt  }
0x51: {  	_ =	shalt  }
0x52: {  	_ =	shalt  }
0x53: {  	_ =	shalt  }
0x54: {  	_ =	shalt  }
0x55: {  	_ =	shalt  }
0x56: {  	_ =	shalt  }
0x57: {  	_ =	shalt  }
0x58: {  	_ =	shalt  }
0x59: {  	_ =	shalt  }
0x5a: {  	_ =	shalt  }
0x5b: {  	_ =	shalt  }
0x5c: {  	_ =	shalt  }
0x5d: {  	_ =	shalt  }
0x5e: {  	_ =	shalt  }
0x5f: {  	_ =	shalt  }
0x60: {  	_ =	shalt  }
0x61: {  	_ =	shalt  }
0x62: {  	_ =	shalt  }
0x63: {  	_ =	shalt  }
0x64: {  	_ =	shalt  }
0x65: {  	_ =	shalt  }
0x66: {  	_ =	shalt  }
0x67: {  	_ =	shalt  }
0x68: {  	_ =	shalt  }
0x69: {  	_ =	shalt  }
0x6a: {  	_ =	shalt  }
0x6b: {  	_ =	shalt  }
0x6c: {  	_ =	shalt  }
0x6d: {  	_ =	shalt  }
0x6e: {  	_ =	shalt  }
0x6f: {  	_ =	shalt  }
0x70: {  	_ =	shalt  }
0x71: {  	_ =	shalt  }
0x72: {  	_ =	shalt  }
0x73: {  	_ =	shalt  }
0x74: {  	_ =	shalt  }
0x75: {  	_ =	shalt  }
0x76: {  	_ =	shalt  }
0x77: {  	_ =	shalt  }
0x78: {  	_ =	shalt  }
0x79: {  	_ =	shalt  }
0x7a: {  	_ =	shalt  }
0x7b: {  	_ =	shalt  }
0x7c: {  	_ =	shalt  }
0x7d: {  	_ =	shalt  }
0x7e: {  	_ =	shalt  }
0x7f: {  	_ =	shalt  }
0x80: {  	_ =	shalt  }
0x81: {  	_ =	shalt  }
0x82: {  	_ =	shalt  }
0x83: {  	_ =	shalt  }
0x84: {  	_ =	shalt  }
0x85: {  	_ =	shalt  }
0x86: {  	_ =	shalt  }
0x87: {  	_ =	shalt  }
.Lfunc_end0:
.L_simem_size_0:
called_computation.3_lowered:
.L_overlay_start_0:
0x88: {  	s2 =	sld [smem:$0x3FD9]  }
0x89: {  	s3 =	sld [smem:$0x3FFE];
	_ =	sdelay $0x1  }
0x8a: {  	s1 =	srdreg.scid  }
0x8b: {  	s0 =	sand.u32 $0x1, s1  }
0x8c: {  	s17 =	sshll.u32 s0, $0xA;
	s2 =	sadd.s32 s3, s2  }
0x8d: {  	s2 =	sadd.s32 s2, s17  }
0x8e: {  	[smem:$0x3FBE] =	sst s2  }
0x8f: {  	_ = 	snop  }
0x90: {  	s2 =	sld [smem:$0x3FD0];
	(tm) =	ssettm $0x1  }
0x91: {  	s18 =	sld [smem:$0x3FFB];
	_ =	sdelay $0x3  }
0x92: {  	_ =	strace s18  }
0x93: {  	s3 =	sld [smem:$0x3FFC];
	_ =	sdelay $0x3  }
0x94: {  	_ =	strace s3  }
0x95: {  	s3 =	sld [smem:$0x3FFD];
	_ =	sdelay $0x3  }
0x96: {  	_ =	strace s3  }
0x97: {  	_ =	strace $0x8FFFFFFF  }
0x98: {  	s19 =	sld [smem:$0x3FDB];
	_ =	sdelay $0x1  }
0x99: {  	s4 =	simm.s32 $_scs_section_size  }
0x9a: {  	s5 =	simm.s32 $_size__tile_overlayer_lowered;
	s6 =	simm.s32 $_tile_overlayer_lowered  }
0x9b: {  	s22 =	simm.s32 $0x1BFF;
	s21 =	sshll.u32 s6, $0x1;
	s3 =	sadd.s32 s4, s19  }
0x9c: {  	s7 =	simm.s32 $0x0;
	s20 =	sshll.u32 s5, $0x1;
	s5 =	sadd.s32 s21, s3  }
0x9d: {  	[timem:s7], [sflag:s22] =	dma.local [hbm:s5], s20  }
0x9e: {  	_ =	swait.ge [sflag:s22], s20  }
0x9f: {  	s4 =	ssub.s32 $0x0, s20;
	[sflag:s22] =	ssyncset.done $0x0  }
0xa0: {  	[sflag:s22] =	ssyncadd.s32 s4;
	_ =	sdelay $0x1  }
0xa1: {  	s23 =	simm.s32 $0x1B8B  }
0xa2: {  	_ =	swait.ge [sflag:s23], $0x1  }
0xa3: {  	[sflag:s23] =	ssyncset.done $0x0  }
0xa4: {  	s25 =	simm.s32 $0x1B8E;
	s24 =	sld [smem:$0x3FFE];
	[sflag:s23] =	ssyncadd.s32 $0xFFFFFFFF  }
0xa5: {  	s26 =	simm.s32 $execute0_lowered;
	[smem:$0x3FD2] =	sst s25  }
0xa6: {  	s5 =	sshll.u32 s26, $0x1;
	_ =	strace $0x8000004F;
	[dreg:$0x1] =	wrdreg $0xFFFFFFFF  }
0xa7: {  	s28 =	simm.s32 $_size_execute0_lowered;
	s3 =	sadd.s32 s3, s5;
	[dreg:$0x0] =	wrdreg $0x0  }
0xa8: {  	s5 =	sshll.u32 s28, $0x1;
	[dreg:$0x2] =	wrdreg s3  }
0xa9: {  	[dreg:$0x3] =	wrdreg s5  }
0xaa: {  	[dreg:$0x4] =	wrdreg $0xC0  }
0xab: {  	_ =	task [dreg:s7], $0x5FFFF  }
0xac: {  	[dreg:$0x1] =	wrdreg $0xFFFFFFFF  }
0xad: {  	[dreg:$0x0] =	wrdreg $0x60  }
0xae: {  	[dreg:$0x2] =	wrdreg s24  }
0xaf: {  	[dreg:$0x3] =	wrdreg s2  }
0xb0: {  	[dreg:$0x4] =	wrdreg $0x9E200  }
0xb1: {  	[dreg:$0x5] =	wrdreg $0x13E200  }
0xb2: {  	[dreg:$0x6] =	wrdreg $0x9  }
0xb3: {  	_ =	task.clear_ibuf [dreg:s7], $0x7FFFF;
	_ =	strace $0x9000004F  }
0xb4: {  	s29 =	simm.s32 $0x9;
	_ =	strace $0x80000051  }
0xb5: {  	_ =	swait.ge [sflag:s29], $0x1  }
0xb6: {  	[sflag:s29] =	ssyncadd.s32 $0xFFFFFFFF  }
0xb7: {  	_ =	strace $0x90000051  }
0xb8: {  	_ =	sfence  }
0xb9: {  	s30 =	sld [smem:$0x0];
	_ =	sdelay $0x2  }
0xba: {  	s31 =	sshll.u32 s1, $0xD;
	s1 =	sshrl.u32 s1, $0x2  }
0xbb: {  	s3 =	sand.u32 $0x4000, s31;
	s1 =	sadd.s32 s1, s30  }
0xbc: {  	s0 =	sor.u32 s3, s0;
	s1 =	sshll.u32 s1, $0x11  }
0xbd: {  	s0 =	sor.u32 s1, s0  }
0xbe: {  	s0 =	sadd.s32 $0x8F2B, s0  }
0xbf: {  	[sflag:s0] =	ssyncadd.remote.s32 $0x1  }
0xc0: {  	_ =	sfence.sel $0xFFFF  }
0xc1: {  	[dreg:$0x0] =	wrdreg $0xFFFFFFFF;
	(pc) =	sbr.abs _section_cstart, $3  }
0xc2: {  	[dreg:$0x1] =	wrdreg $0xFFFFFFFF  }
0xc3: {  	_ =	task.clear_ibuf [dreg:s7], $0x2FFFF;
	_ =	strace $0x9FFFFFFF  }
0xc4: {  	(tm) =	ssettm $0x7FFFFFFF  }
0xc5: {  	_ =	shalt  }
tec
execute0_lowered:
.L_overlay_start_1:
0x0: {  	(tag) =	ssettag $0x1  }
0x1: {  	s0 =	rddreg [dreg:$0x0]  }
0x2: {  	s1 =	rddreg [dreg:$0x1]  }
0x3: {  	s2 =	rddreg [dreg:$0x2]  }
0x4: {  	s3 =	rddreg [dreg:$0x3]  }
0x5: {  	s13 =	stileid.u32;
	s5 =	srdreg.scid;
	s4 =	simm.s32 $0x0  }
0x6: {  	s15 =	simm.s32 $0x50;
	s16 =	simm.s32 $0x4E20;
	s17 =	simm.s32 $0x6220  }
0x7: {  	s19 =	simm.s32 $0x7620;
	s28 =	simm.s32 $0x6;
	s29 =	simm.s32 $0x7  }
0x8: {  	s30 =	simm.s32 $0x8;
	s18 =	simm.s32 $0x26C0;
	s20 =	simm.s32 $0x4DD0  }
0x9: {  	s31 =	simm.s32 $0x0;
	s7 =	smul.u32 $0xA000, s13;
	s5 =	sand.u32 $0x1, s5  }
0xa: {  	[smem:$0x7FF] =	sst s4;
	s25 =	sshll.u32 s13, $0x6;
	s6 =	sshll.u32 s5, $0x4  }
0xb: {  	s8 =	smul.u32 $0xA0000, s5;
	_ =	strace $0x80000050;
	s5 =	ssub.s32 $0x2, s5  }
0xc: {  	s6 =	sor.u32 s13, s6;
	s9 =	sshrl.u32 s7, $0x3;
	s24 =	sshrl.u32 s5, $0x1  }
0xd: {  	s12 =	sadd.s32 s7, s2;
	s26 =	sadd.s32 s7, s3;
	s10 =	smul.u32 $0x4E2, s6  }
0xe: {  	s21 =	sadd.s32 s7, s8;
	s22 =	sadd.s32 s9, s0;
	s11 =	ssub.s32 s5, s24  }
0xf: {  	s13 =	sshrl.u32 s26, $0x3;
	s24 =	simm.s32 $0x3;
	s26 =	simm.s32 $0x5  }
0x10: {  	s6 =	sshrl.u32 s21, $0x3;
	s5 =	sadd.s32 $0xD800, s22;
	s21 =	simm.s32 $0x8A20  }
0x11: {  	s22 =	simm.s32 $0x1;
	s23 =	sadd.s32 s10, s0;
	s0 =	sadd.s32 s6, s0  }
0x12: {  	s6 =	sor.u32 $0x1C09, s25;
	s7 =	sadd.s32 s1, s10;
	s10 =	smax.u32 s11, $0x1  }
0x13: {  	s11 =	sshrl.u32 s12, $0x3;
	s12 =	simm.s32 $0x9;
	s25 =	simm.s32 $0x4  }
0x14: {  	s8 =	sadd.s32 $0x3A00, s23;
	s9 =	sadd.s32 $0x21800, s0;
	s23 =	simm.s32 $0x2  }
.LBB2_1:
0x15: {  	[spmem:s11], [sflag:s6] =	dma.local [hbm:s5], $0x1400  }
0x16: {  	_ =	swait.ge [sflag:s12], $0x1400  }
0x17: {  	[sflag:s12] =	ssyncset.done $0x0  }
0x18: {  	[sflag:s12] =	ssyncadd.s32 $0xFFFFEC00  }
0x19: {  	[spmem:s13], [sflag:s6] =	dma.local [hbm:s5], $0x1400  }
0x1a: {  	_ =	swait.ge [sflag:s12], $0x1400  }
0x1b: {  	[sflag:s12] =	ssyncset.done $0x0  }
0x1c: {  	[sflag:s12] =	ssyncadd.s32 $0xFFFFEC00  }
0x1d: {  	[tilespmem:s4], [sflag:$0x9] =	stream.linear.gather [hbm4b:s7+s4], $0x2710, $0x38;
	[tilespmem:$0x1DE20] =	vst v63  }
0x1e: {  	_ =	swait.ge [sflag:s12], $0x2710  }
0x1f: {  	[sflag:s12] =	ssyncset.done $0x0  }
0x20: {  	s0 =	simm.s32 $0x2710;
	[sflag:s12] =	ssyncadd.s32 $0xFFFFD8F0  }
0x21: {  	[tilespmem:s0], [sflag:$0x9] =	stream.linear.gather [hbm4b:s8+s4], $0x2710, $0x38;
	[tilespmem:$0x1DE20] =	vst v63  }
0x22: {  	_ =	swait.ge [sflag:s12], $0x2710  }
0x23: {  	[sflag:s12] =	ssyncset.done $0x0  }
0x24: {  	[sflag:s12] =	ssyncadd.s32 $0xFFFFD8F0  }
0x25: {  	[bflag:$0x0] =	sbarrier.arrive $0xFFFF  }
0x26: {  	[tilespmem:s16], [sflag:$0x1] =	stream.indirect.gather [spmem:s2], $0x40, s4, s15, $0xb8;
	[tilespmem:$0x1DE20] =	vst v63  }
0x27: {  	_ = 	snop  }
0x28: {  	[tilespmem:s17], [sflag:$0x2] =	stream.indirect.gather [spmem:s2], $0x40, s15, s15, $0xb8;
	[tilespmem:$0x1DE20] =	vst v63  }
0x29: {  	s14 =	simm.s32 $0xA0  }
0x2a: {  	[tilespmem:s19], [sflag:$0x3] =	stream.indirect.gather [spmem:s2], $0x40, s14, s15, $0xb8;
	[tilespmem:$0x1DE20] =	vst v63  }
0x2b: {  	s1 =	simm.s32 $0xF0  }
0x2c: {  	[tilespmem:s21], [sflag:$0x4] =	stream.indirect.gather [spmem:s2], $0x40, s1, s15, $0xb8;
	[tilespmem:$0x1DE20] =	vst v63  }
0x2d: {  	_ =	swait.ge [sflag:s22], $0x1400  }
0x2e: {  	[sflag:s22] =	ssyncset.done $0x0  }
0x2f: {  	s14 =	simm.s32 $0x2710;
	[sflag:s22] =	ssyncadd.s32 $0xFFFFEC00  }
0x30: {  	[spmem:s3] =	stream.indirect.scatter.add.f32 [tilespmem:s16], [sflag:$0x5], $0x40, s14, s15, $0xb8;
	[tilespmem:$0x1DE20] =	vst v63  }
0x31: {  	_ =	swait.ge [sflag:s23], $0x1400  }
0x32: {  	[sflag:s23] =	ssyncset.done $0x0  }
0x33: {  	s1 =	simm.s32 $0x2760;
	[sflag:s23] =	ssyncadd.s32 $0xFFFFEC00  }
0x34: {  	[spmem:s3] =	stream.indirect.scatter.add.f32 [tilespmem:s17], [sflag:$0x6], $0x40, s1, s15, $0xb8;
	[tilespmem:$0x1DE20] =	vst v63  }
0x35: {  	_ =	swait.ge [sflag:s24], $0x1400  }
0x36: {  	[sflag:s24] =	ssyncset.done $0x0  }
0x37: {  	s14 =	simm.s32 $0x27B0;
	[sflag:s24] =	ssyncadd.s32 $0xFFFFEC00  }
0x38: {  	[spmem:s3] =	stream.indirect.scatter.add.f32 [tilespmem:s19], [sflag:$0x7], $0x40, s14, s15, $0xb8;
	[tilespmem:$0x1DE20] =	vst v63  }
0x39: {  	_ =	swait.ge [sflag:s25], $0x1400  }
0x3a: {  	[sflag:s25] =	ssyncset.done $0x0  }
0x3b: {  	s1 =	simm.s32 $0x2800;
	[sflag:s25] =	ssyncadd.s32 $0xFFFFEC00  }
0x3c: {  	[spmem:s3] =	stream.indirect.scatter.add.f32 [tilespmem:s21], [sflag:$0x8], $0x40, s1, s15, $0xb8;
	[tilespmem:$0x1DE20] =	vst v63  }
0x3d: {  	_ =	swait.ge [sflag:s26], $0x1400  }
0x3e: {  	[sflag:s26] =	ssyncset.done $0x0  }
0x3f: {  	s14 =	simm.s32 $0x140;
	[sflag:s26] =	ssyncadd.s32 $0xFFFFEC00  }
0x40: {  	[tilespmem:s16], [sflag:$0x1] =	stream.indirect.gather [spmem:s2], $0x40, s14, s15, $0xb8;
	[tilespmem:$0x1DE20] =	vst v63  }
0x41: {  	_ =	swait.ge [sflag:s28], $0x1400  }
0x42: {  	[sflag:s28] =	ssyncset.done $0x0  }
0x43: {  	s1 =	simm.s32 $0x190;
	[sflag:s28] =	ssyncadd.s32 $0xFFFFEC00  }
0x44: {  	[tilespmem:s17], [sflag:$0x2] =	stream.indirect.gather [spmem:s2], $0x40, s1, s15, $0xb8;
	[tilespmem:$0x1DE20] =	vst v63  }
0x45: {  	_ =	swait.ge [sflag:s29], $0x1400  }
0x46: {  	[sflag:s29] =	ssyncset.done $0x0  }
0x47: {  	s14 =	simm.s32 $0x1E0;
	[sflag:s29] =	ssyncadd.s32 $0xFFFFEC00  }
0x48: {  	[tilespmem:s19], [sflag:$0x3] =	stream.indirect.gather [spmem:s2], $0x40, s14, s15, $0xb8;
	[tilespmem:$0x1DE20] =	vst v63  }
0x49: {  	_ =	swait.ge [sflag:s30], $0x1400  }
0x4a: {  	[sflag:s30] =	ssyncset.done $0x0  }
0x4b: {  	s0 =	simm.s32 $0x500;
	s1 =	simm.s32 $0x230;
	[sflag:s30] =	ssyncadd.s32 $0xFFFFEC00  }
.LBB2_2:
0x4c: {  	[tilespmem:s21], [sflag:$0x4] =	stream.indirect.gather [spmem:s2], $0x40, s1, s15, $0xb8;
	[tilespmem:$0x1DE20] =	vst v63  }
0x4d: {  	s1 =	smov.u32 s0  }
0x4e: {  	p0 =	sne.s32 s0, $0x9100;
	s0 =	sadd.s32 $0x500, s0;
	_ =	swait.ge [sflag:s22], $0x1400  }
0x4f: {  	s1 =	sshra.s32 s1, $0x2;
	[sflag:s22] =	ssyncset.done $0x0  }
0x50: {  	s14 =	sadd.s32 $0x2710, s1;
	[sflag:s22] =	ssyncadd.s32 $0xFFFFEC00  }
0x51: {  	[spmem:s3] =	stream.indirect.scatter.add.f32 [tilespmem:s16], [sflag:$0x5], $0x40, s14, s15, $0xb8;
	[tilespmem:$0x1DE20] =	vst v63  }
0x52: {  	_ =	swait.ge [sflag:s23], $0x1400  }
0x53: {  	[sflag:s23] =	ssyncset.done $0x0  }
0x54: {  	s14 =	sadd.s32 $0x2760, s1;
	[sflag:s23] =	ssyncadd.s32 $0xFFFFEC00  }
0x55: {  	[spmem:s3] =	stream.indirect.scatter.add.f32 [tilespmem:s17], [sflag:$0x6], $0x40, s14, s15, $0xb8;
	[tilespmem:$0x1DE20] =	vst v63  }
0x56: {  	_ =	swait.ge [sflag:s24], $0x1400  }
0x57: {  	[sflag:s24] =	ssyncset.done $0x0  }
0x58: {  	s14 =	sadd.s32 $0x27B0, s1;
	[sflag:s24] =	ssyncadd.s32 $0xFFFFEC00  }
0x59: {  	[spmem:s3] =	stream.indirect.scatter.add.f32 [tilespmem:s19], [sflag:$0x7], $0x40, s14, s15, $0xb8;
	[tilespmem:$0x1DE20] =	vst v63  }
0x5a: {  	_ =	swait.ge [sflag:s25], $0x1400  }
0x5b: {  	[sflag:s25] =	ssyncset.done $0x0  }
0x5c: {  	s14 =	sadd.s32 $0x2800, s1;
	[sflag:s25] =	ssyncadd.s32 $0xFFFFEC00  }
0x5d: {  	[spmem:s3] =	stream.indirect.scatter.add.f32 [tilespmem:s21], [sflag:$0x8], $0x40, s14, s15, $0xb8;
	[tilespmem:$0x1DE20] =	vst v63  }
0x5e: {  	_ =	swait.ge [sflag:s26], $0x1400  }
0x5f: {  	[sflag:s26] =	ssyncset.done $0x0  }
0x60: {  	s14 =	sadd.s32 $0x140, s1;
	[sflag:s26] =	ssyncadd.s32 $0xFFFFEC00  }
0x61: {  	[tilespmem:s16], [sflag:$0x1] =	stream.indirect.gather [spmem:s2], $0x40, s14, s15, $0xb8;
	[tilespmem:$0x1DE20] =	vst v63  }
0x62: {  	_ =	swait.ge [sflag:s28], $0x1400  }
0x63: {  	[sflag:s28] =	ssyncset.done $0x0  }
0x64: {  	s14 =	sadd.s32 $0x190, s1;
	[sflag:s28] =	ssyncadd.s32 $0xFFFFEC00  }
0x65: {  	[tilespmem:s17], [sflag:$0x2] =	stream.indirect.gather [spmem:s2], $0x40, s14, s15, $0xb8;
	[tilespmem:$0x1DE20] =	vst v63  }
0x66: {  	_ =	swait.ge [sflag:s29], $0x1400  }
0x67: {  	[sflag:s29] =	ssyncset.done $0x0  }
.Ltmp0:
0x68: {  	s14 =	sadd.s32 $0x1E0, s1;
	[sflag:s29] =	ssyncadd.s32 $0xFFFFEC00;
	(pc) =	sbr.rel @p0 .LBB2_2-.Ltmp0, $4  }
0x69: {  	[tilespmem:s19], [sflag:$0x3] =	stream.indirect.gather [spmem:s2], $0x40, s14, s15, $0xb8;
	[tilespmem:$0x1DE20] =	vst v63  }
0x6a: {  	_ =	swait.ge [sflag:s30], $0x1400  }
0x6b: {  	[sflag:s30] =	ssyncset.done $0x0  }
0x6c: {  	s1 =	sadd.s32 $0x230, s1;
	[sflag:s30] =	ssyncadd.s32 $0xFFFFEC00  }
0x6d: {  	[tilespmem:s21], [sflag:$0x4] =	stream.indirect.gather [spmem:s2], $0x40, s1, s15, $0xb8;
	[tilespmem:$0x1DE20] =	vst v63  }
0x6e: {  	_ =	swait.ge [sflag:s22], $0x1400  }
0x6f: {  	[sflag:s22] =	ssyncset.done $0x0  }
0x70: {  	s0 =	simm.s32 $0x4C90;
	[sflag:s22] =	ssyncadd.s32 $0xFFFFEC00  }
0x71: {  	[spmem:s3] =	stream.indirect.scatter.add.f32 [tilespmem:s16], [sflag:$0x9], $0x40, s0, s15, $0xb8;
	[tilespmem:$0x1DE20] =	vst v63  }
0x72: {  	_ =	swait.ge [sflag:s12], $0x1400  }
0x73: {  	[sflag:s12] =	ssyncset.done $0x0  }
0x74: {  	[sflag:s12] =	ssyncadd.s32 $0xFFFFEC00  }
0x75: {  	_ =	swait.ge [sflag:s23], $0x1400  }
0x76: {  	[sflag:s23] =	ssyncset.done $0x0  }
0x77: {  	s14 =	simm.s32 $0x4CE0;
	[sflag:s23] =	ssyncadd.s32 $0xFFFFEC00  }
0x78: {  	[spmem:s3] =	stream.indirect.scatter.add.f32 [tilespmem:s17], [sflag:$0x9], $0x40, s14, s15, $0xb8;
	[tilespmem:$0x1DE20] =	vst v63  }
0x79: {  	_ =	swait.ge [sflag:s12], $0x1400  }
0x7a: {  	[sflag:s12] =	ssyncset.done $0x0  }
0x7b: {  	[sflag:s12] =	ssyncadd.s32 $0xFFFFEC00  }
0x7c: {  	_ =	swait.ge [sflag:s24], $0x1400  }
0x7d: {  	[sflag:s24] =	ssyncset.done $0x0  }
0x7e: {  	s1 =	simm.s32 $0x4D30;
	[sflag:s24] =	ssyncadd.s32 $0xFFFFEC00  }
0x7f: {  	[spmem:s3] =	stream.indirect.scatter.add.f32 [tilespmem:s19], [sflag:$0x9], $0x40, s1, s15, $0xb8;
	[tilespmem:$0x1DE20] =	vst v63  }
0x80: {  	_ =	swait.ge [sflag:s12], $0x1400  }
0x81: {  	[sflag:s12] =	ssyncset.done $0x0  }
0x82: {  	[sflag:s12] =	ssyncadd.s32 $0xFFFFEC00  }
0x83: {  	_ =	swait.ge [sflag:s25], $0x1400  }
0x84: {  	[sflag:s25] =	ssyncset.done $0x0  }
0x85: {  	s14 =	simm.s32 $0x4D80;
	[sflag:s25] =	ssyncadd.s32 $0xFFFFEC00  }
0x86: {  	[spmem:s3] =	stream.indirect.scatter.add.f32 [tilespmem:s21], [sflag:$0x9], $0x40, s14, s15, $0xb8;
	[tilespmem:$0x1DE20] =	vst v63  }
0x87: {  	_ =	swait.ge [sflag:s12], $0x1400  }
0x88: {  	[sflag:s12] =	ssyncset.done $0x0  }
0x89: {  	[sflag:s12] =	ssyncadd.s32 $0xFFFFEC00  }
0x8a: {  	[tilespmem:s16], [sflag:$0x1] =	stream.indirect.gather [spmem:s2], $0x40, s18, s15, $0xb8;
	[tilespmem:$0x1DE20] =	vst v63  }
0x8b: {  	_ =	swait.ge [sflag:s22], $0x1400  }
0x8c: {  	[sflag:s22] =	ssyncset.done $0x0  }
0x8d: {  	[sflag:s22] =	ssyncadd.s32 $0xFFFFEC00  }
0x8e: {  	[spmem:s3] =	stream.indirect.scatter.add.f32 [tilespmem:s16], [sflag:$0x9], $0x40, s20, s15, $0xb8;
	[tilespmem:$0x1DE20] =	vst v63  }
0x8f: {  	_ =	swait.ge [sflag:s12], $0x1400  }
0x90: {  	s31 =	sadd.s32 $0x1, s31;
	[sflag:s12] =	ssyncset.done $0x0  }
0x91: {  	p0 =	sne.s32 s31, s10;
	[sflag:s12] =	ssyncadd.s32 $0xFFFFEC00  }
.Ltmp1:
0x92: {  	[bflag:$0x0] =	sbarrier.arrive $0xFFFF;
	(pc) =	sbr.rel @p0 .LBB2_1-.Ltmp1, $4  }
0x93: {  	[hbm:s9], [sflag:s6] =	dma.local [spmem:s13], $0x1400  }
0x94: {  	_ =	swait.ge [sflag:s12], $0x1400  }
0x95: {  	[sflag:s12] =	ssyncset.done $0x0  }
0x96: {  	[sflag:s12] =	ssyncadd.s32 $0xFFFFEC00  }
0x97: {  	_ =	sfence.sel $0x180000  }
0x98: {  	[bflag:$0x0] =	sbarrier.arrive $0xFFFF  }
0x99: {  	_ =	strace $0x90000050  }
0x9a: {  	s0 =	stileid.u32;
	[bflag:$0x2] =	sbarrier.arrive $0xFFFF  }
0x9b: {  	p0 =	sne.s32 s0, $0x0;
	s0 =	rddreg [dreg:$0x4]  }
0x9c: {  	s0 =	sadd.s32 @!p0 $0x100000, s0  }
0x9d: {  	[sflag:s0] =	ssyncadd.tile.s32 @!p0 $0x1;
	_ =	shalt  }
.Lfunc_end2:
_tile_overlayer_lowered:
.L_overlay_start_2:
0x9e: {  	(tag) =	ssettag $0x2  }
0x9f: {  	s0 =	rddreg [dreg:$0x0];
	s2 =	stileid.u32  }
0xa0: {  	s1 =	rddreg [dreg:$0x1];
	p0 =	sne.s32 s2, $0x0  }
0xa1: {  	s3 =	rddreg [dreg:$0x2];
	[bflag:$0x3] =	sbarrier.arrive $0xFFFF;
	s2 =	simm.s32 @!p0 $0x1C09  }
0xa2: {  	[timem:s3], [sflag:s2] =	dma.local @!p0 [hbm:s0], s1  }
0xa3: {  	s0 =	simm.s32 @!p0 $0x9  }
0xa4: {  	_ =	swait.ge @!p0 [sflag:s0], s1  }
0xa5: {  	s1 =	ssub.s32 @!p0 $0x0, s1;
	[sflag:s0] =	ssyncset.done @!p0 $0x0  }
0xa6: {  	[sflag:s0] =	ssyncadd.s32 @!p0 s1  }
0xa7: {  	[bflag:$0x3] =	sbarrier.arrive $0xFFFF  }
0xa8: {  	_ =	shalt  }

// kernel: kernel.24.cloned.1.call-start
scs
__scs_entry_jumppad:
0x0: {  	(pc) =	sbr.rel $0x88, $3  }
0x1: {  	(tag) =	ssettag $0x0;
	lr =	simm.s32 $0x1  }
0x2: {  	[smem:$0x3F97] =	sst lr;
	_ =	strace $0xD0000000  }
0x3: {  	_ = 	snop  }
0x4: {  	_ = 	snop  }
0x5: {  	_ = 	snop  }
0x6: {  	_ = 	snop  }
0x7: {  	_ = 	snop  }
__scs_overlays_trampoline_lowered:
0x8: {  	[smem:$0x3FA6] =	sst s0  }
0x9: {  	[smem:$0x3FA7] =	sst s1  }
0xa: {  	[smem:$0x3FA8] =	sst s2  }
0xb: {  	[smem:$0x3FA9] =	sst s3  }
0xc: {  	[smem:$0x3FAA] =	sst s4  }
0xd: {  	[smem:$0x3FAB] =	sst s5  }
0xe: {  	[smem:$0x3FAC] =	sst s6  }
0xf: {  	[smem:$0x3FAD] =	sst s7  }
0x10: {  	[smem:$0x3FAE] =	sst s8  }
0x11: {  	[smem:$0x3FAF] =	sst s9;
	s0 =	simm.s32 @!p0 $0x0  }
0x12: {  	s1 =	sld [smem:$0x3F95];
	s0 =	simm.s32 @p0 $0x1  }
0x13: {  	[smem:$0x3FB0] =	sst s0;
	s0 =	simm.s32 @!p1 $0x0  }
0x14: {  	s2 =	sld [smem:$0x3F94];
	s0 =	simm.s32 @p1 $0x1  }
0x15: {  	[smem:$0x3FB1] =	sst s0;
	s0 =	simm.s32 @!p2 $0x0  }
0x16: {  	s3 =	sld [smem:$0x3FDB];
	s0 =	simm.s32 @p2 $0x1  }
0x17: {  	s4 =	simm.s32 $0x1BF5;
	[smem:$0x3FB3] =	sst s0  }
0x18: {  	s0 =	sld [smem:$0x3F96];
	_ =	swait.ge [sflag:s4], $0x0  }
0x19: {  	s7 =	sld [smem:$0x3F97]  }
0x1a: {  	s8 =	sadd.s32 $0xFFFFE003, lr  }
0x1b: {  	s9 =	sadd.s32 $0xFFFFFEF7, lr;
	s5 =	simm.s32 $0xFFFFFFFF;
	p2 =	slt.u32 s8, $0xFFFFF086  }
0x1c: {  	p1 =	slt.u32 s9, $0xF7A;
	s5 =	simm.s32 @!p2 $0x0  }
0x1d: {  	s5 =	simm.s32 @p1 $0x1;
	p0 =	seq.s32 s7, s2  }
0x1e: {  	s7 =	smul.u32 @!p0 $0xF7A, s2;
	p2 =	seq.s32 @!p0 s5, $0x0  }
0x1f: {  	s9 =	smul.u32 $0xF7A, s1;
	s8 =	simm.s32 @!p0 $0x1BF5;
	p2 =	por !p2, p0  }
0x20: {  	[sflag:s8] =	ssyncset.s32 @!p0 $0xFFFFF086;
	s6 =	sadd.s32 @!p0 s3, s7;
	s7 =	simm.s32 @!p0 $0x108  }
0x21: {  	s3 =	sadd.s32 s3, s9;
	s6 =	sadd.s32 @!p0 $0x88, s6;
	s7 =	simm.s32 @p2 $0x1082  }
0x22: {  	[simem:s7], [sflag:s8] =	dma.local @!p0 [hbm:s6], $0xF7A  }
0x23: {  	s9 =	sor.u32 $0xD0000000, s2;
	s6 =	simm.s32 $0x108;
	_ =	swait.ge @!p0 [sflag:s8], $0x0  }
0x24: {  	s3 =	sadd.s32 $0x88, s3;
	s6 =	simm.s32 @!p1 $0x1082;
	[sflag:s4] =	ssyncset.s32 $0xFFFFF086  }
0x25: {  	[simem:s6], [sflag:s4] =	dma.local [hbm:s3], $0xF7A  }
0x26: {  	[smem:$0x3F97] =	sst s1;
	(tag) =	ssettag s2;
	_ =	strace s9  }
0x27: {  	s1 =	sld [smem:$0x3FA7]  }
0x28: {  	s2 =	sld [smem:$0x3FA8]  }
0x29: {  	s4 =	sld [smem:$0x3FAA]  }
0x2a: {  	p0 =	seq.s32 s5, $0x0;
	s5 =	sld [smem:$0x3FAB]  }
0x2b: {  	s6 =	sld [smem:$0x3FAC]  }
0x2c: {  	s7 =	sld [smem:$0x3FAD]  }
0x2d: {  	s3 =	simm.s32 $0x108;
	s8 =	sld [smem:$0x3FAE]  }
0x2e: {  	s3 =	simm.s32 @!p0 $0x1082;
	s9 =	sld [smem:$0x3FAF]  }
0x2f: {  	lr =	sadd.s32 s0, s3;
	s0 =	sld [smem:$0x3FA6]  }
0x30: {  	s3 =	sld [smem:$0x3FA9]  }
0x31: {  	[smem:$0x3FB2] =	sst s10  }
0x32: {  	s10 =	sld [smem:$0x3FB0];
	_ =	sdelay $0x3  }
0x33: {  	p0 =	seq.s32 s10, $0x1;
	s10 =	sld [smem:$0x3FB2];
	_ =	sdelay $0x3  }
0x34: {  	[smem:$0x3FB2] =	sst s10  }
0x35: {  	s10 =	sld [smem:$0x3FB1];
	_ =	sdelay $0x3  }
0x36: {  	p1 =	seq.s32 s10, $0x1;
	s10 =	sld [smem:$0x3FB2];
	_ =	sdelay $0x3  }
0x37: {  	[smem:$0x3FB2] =	sst s10  }
0x38: {  	s10 =	sld [smem:$0x3FB3]  }
0x39: {  	_ = 	snop;
	(pc) =	sbr.ind lr, $3  }
0x3a: {  	_ = 	snop  }
0x3b: {  	_ = 	snop  }
0x3c: {  	p2 =	seq.s32 s10, $0x1;
	s10 =	sld [smem:$0x3FB2]  }
0x3d: {  	_ =	shalt  }
0x3e: {  	_ =	shalt  }
0x3f: {  	_ =	shalt  }
0x40: {  	_ =	shalt  }
0x41: {  	_ =	shalt  }
0x42: {  	_ =	shalt  }
0x43: {  	_ =	shalt  }
0x44: {  	_ =	shalt  }
0x45: {  	_ =	shalt  }
0x46: {  	_ =	shalt  }
0x47: {  	_ =	shalt  }
0x48: {  	_ =	shalt  }
0x49: {  	_ =	shalt  }
0x4a: {  	_ =	shalt  }
0x4b: {  	_ =	shalt  }
0x4c: {  	_ =	shalt  }
0x4d: {  	_ =	shalt  }
0x4e: {  	_ =	shalt  }
0x4f: {  	_ =	shalt  }
0x50: {  	_ =	shalt  }
0x51: {  	_ =	shalt  }
0x52: {  	_ =	shalt  }
0x53: {  	_ =	shalt  }
0x54: {  	_ =	shalt  }
0x55: {  	_ =	shalt  }
0x56: {  	_ =	shalt  }
0x57: {  	_ =	shalt  }
0x58: {  	_ =	shalt  }
0x59: {  	_ =	shalt  }
0x5a: {  	_ =	shalt  }
0x5b: {  	_ =	shalt  }
0x5c: {  	_ =	shalt  }
0x5d: {  	_ =	shalt  }
0x5e: {  	_ =	shalt  }
0x5f: {  	_ =	shalt  }
0x60: {  	_ =	shalt  }
0x61: {  	_ =	shalt  }
0x62: {  	_ =	shalt  }
0x63: {  	_ =	shalt  }
0x64: {  	_ =	shalt  }
0x65: {  	_ =	shalt  }
0x66: {  	_ =	shalt  }
0x67: {  	_ =	shalt  }
0x68: {  	_ =	shalt  }
0x69: {  	_ =	shalt  }
0x6a: {  	_ =	shalt  }
0x6b: {  	_ =	shalt  }
0x6c: {  	_ =	shalt  }
0x6d: {  	_ =	shalt  }
0x6e: {  	_ =	shalt  }
0x6f: {  	_ =	shalt  }
0x70: {  	_ =	shalt  }
0x71: {  	_ =	shalt  }
0x72: {  	_ =	shalt  }
0x73: {  	_ =	shalt  }
0x74: {  	_ =	shalt  }
0x75: {  	_ =	shalt  }
0x76: {  	_ =	shalt  }
0x77: {  	_ =	shalt  }
0x78: {  	_ =	shalt  }
0x79: {  	_ =	shalt  }
0x7a: {  	_ =	shalt  }
0x7b: {  	_ =	shalt  }
0x7c: {  	_ =	shalt  }
0x7d: {  	_ =	shalt  }
0x7e: {  	_ =	shalt  }
0x7f: {  	_ =	shalt  }
0x80: {  	_ =	shalt  }
0x81: {  	_ =	shalt  }
0x82: {  	_ =	shalt  }
0x83: {  	_ =	shalt  }
0x84: {  	_ =	shalt  }
0x85: {  	_ =	shalt  }
0x86: {  	_ =	shalt  }
0x87: {  	_ =	shalt  }
.Lfunc_end0:
.L_simem_size_0:
called_computation.4_lowered:
.L_overlay_start_0:
0x88: {  	s2 =	sld [smem:$0x3FD9]  }
0x89: {  	s3 =	sld [smem:$0x3FFE];
	_ =	sdelay $0x1  }
0x8a: {  	s1 =	srdreg.scid  }
0x8b: {  	s0 =	sand.u32 $0x1, s1  }
0x8c: {  	s17 =	sshll.u32 s0, $0xA;
	s2 =	sadd.s32 s3, s2  }
0x8d: {  	s2 =	sadd.s32 s2, s17  }
0x8e: {  	[smem:$0x3FBE] =	sst s2  }
0x8f: {  	_ = 	snop  }
0x90: {  	s2 =	sld [smem:$0x3FD0];
	(tm) =	ssettm $0x1  }
0x91: {  	s18 =	sld [smem:$0x3FFB];
	_ =	sdelay $0x3  }
0x92: {  	_ =	strace s18  }
0x93: {  	s3 =	sld [smem:$0x3FFC];
	_ =	sdelay $0x3  }
0x94: {  	_ =	strace s3  }
0x95: {  	s3 =	sld [smem:$0x3FFD];
	_ =	sdelay $0x3  }
0x96: {  	_ =	strace s3  }
0x97: {  	_ =	strace $0x8FFFFFFF  }
0x98: {  	s19 =	sld [smem:$0x3FDB];
	_ =	sdelay $0x1  }
0x99: {  	s4 =	simm.s32 $_scs_section_size  }
0x9a: {  	s5 =	simm.s32 $_size__tile_overlayer_lowered;
	s6 =	simm.s32 $_tile_overlayer_lowered  }
0x9b: {  	s22 =	simm.s32 $0x1BFF;
	s21 =	sshll.u32 s6, $0x1;
	s3 =	sadd.s32 s4, s19  }
0x9c: {  	s7 =	simm.s32 $0x0;
	s20 =	sshll.u32 s5, $0x1;
	s5 =	sadd.s32 s21, s3  }
0x9d: {  	[timem:s7], [sflag:s22] =	dma.local [hbm:s5], s20  }
0x9e: {  	_ =	swait.ge [sflag:s22], s20  }
0x9f: {  	s4 =	ssub.s32 $0x0, s20;
	[sflag:s22] =	ssyncset.done $0x0  }
0xa0: {  	[sflag:s22] =	ssyncadd.s32 s4;
	_ =	sdelay $0x1  }
0xa1: {  	s23 =	simm.s32 $0x1B8B  }
0xa2: {  	_ =	swait.ge [sflag:s23], $0x1  }
0xa3: {  	[sflag:s23] =	ssyncset.done $0x0  }
0xa4: {  	s25 =	simm.s32 $0x1B8E;
	s24 =	sld [smem:$0x3FFE];
	[sflag:s23] =	ssyncadd.s32 $0xFFFFFFFF  }
0xa5: {  	s26 =	simm.s32 $execute0_lowered;
	[smem:$0x3FD2] =	sst s25  }
0xa6: {  	s5 =	sshll.u32 s26, $0x1;
	_ =	strace $0x80000052;
	[dreg:$0x1] =	wrdreg $0xFFFFFFFF  }
0xa7: {  	s28 =	simm.s32 $_size_execute0_lowered;
	s3 =	sadd.s32 s3, s5;
	[dreg:$0x0] =	wrdreg $0x0  }
0xa8: {  	s5 =	sshll.u32 s28, $0x1;
	[dreg:$0x2] =	wrdreg s3  }
0xa9: {  	[dreg:$0x3] =	wrdreg s5  }
0xaa: {  	[dreg:$0x4] =	wrdreg $0xC0  }
0xab: {  	_ =	task [dreg:s7], $0x5FFFF  }
0xac: {  	[dreg:$0x1] =	wrdreg $0xFFFFFFFF  }
0xad: {  	[dreg:$0x0] =	wrdreg $0x60  }
0xae: {  	[dreg:$0x2] =	wrdreg s24  }
0xaf: {  	[dreg:$0x3] =	wrdreg s2  }
0xb0: {  	[dreg:$0x4] =	wrdreg $0x76200  }
0xb1: {  	[dreg:$0x5] =	wrdreg $0xC6200  }
0xb2: {  	[dreg:$0x6] =	wrdreg $0x9  }
0xb3: {  	_ =	task.clear_ibuf [dreg:s7], $0x7FFFF;
	_ =	strace $0x90000052  }
0xb4: {  	s29 =	simm.s32 $0x9;
	_ =	strace $0x80000054  }
0xb5: {  	_ =	swait.ge [sflag:s29], $0x1  }
0xb6: {  	[sflag:s29] =	ssyncadd.s32 $0xFFFFFFFF  }
0xb7: {  	_ =	strace $0x90000054  }
0xb8: {  	_ =	sfence  }
0xb9: {  	s30 =	sld [smem:$0x0];
	_ =	sdelay $0x2  }
0xba: {  	s31 =	sshll.u32 s1, $0xD;
	s1 =	sshrl.u32 s1, $0x2  }
0xbb: {  	s3 =	sand.u32 $0x4000, s31;
	s1 =	sadd.s32 s1, s30  }
0xbc: {  	s0 =	sor.u32 s3, s0;
	s1 =	sshll.u32 s1, $0x11  }
0xbd: {  	s0 =	sor.u32 s1, s0  }
0xbe: {  	s0 =	sadd.s32 $0x8F2B, s0  }
0xbf: {  	[sflag:s0] =	ssyncadd.remote.s32 $0x1  }
0xc0: {  	_ =	sfence.sel $0xFFFF  }
0xc1: {  	[dreg:$0x0] =	wrdreg $0xFFFFFFFF;
	(pc) =	sbr.abs _section_cstart, $3  }
0xc2: {  	[dreg:$0x1] =	wrdreg $0xFFFFFFFF  }
0xc3: {  	_ =	task.clear_ibuf [dreg:s7], $0x2FFFF;
	_ =	strace $0x9FFFFFFF  }
0xc4: {  	(tm) =	ssettm $0x7FFFFFFF  }
0xc5: {  	_ =	shalt  }
tec
execute0_lowered:
.L_overlay_start_1:
0x0: {  	(tag) =	ssettag $0x1  }
0x1: {  	s0 =	rddreg [dreg:$0x0]  }
0x2: {  	s1 =	rddreg [dreg:$0x1]  }
0x3: {  	s2 =	rddreg [dreg:$0x2]  }
0x4: {  	s3 =	rddreg [dreg:$0x3]  }
0x5: {  	s13 =	stileid.u32;
	s5 =	srdreg.scid;
	s4 =	simm.s32 $0x0  }
0x6: {  	s15 =	simm.s32 $0x50;
	s16 =	simm.s32 $0x4E20;
	s17 =	simm.s32 $0x5820  }
0x7: {  	s19 =	simm.s32 $0x6220;
	s28 =	simm.s32 $0x6;
	s29 =	simm.s32 $0x7  }
0x8: {  	s30 =	simm.s32 $0x8;
	s18 =	simm.s32 $0x26C0;
	s20 =	simm.s32 $0x4DD0  }
0x9: {  	s31 =	simm.s32 $0x0;
	s7 =	smul.u32 $0x5000, s13;
	s5 =	sand.u32 $0x1, s5  }
0xa: {  	[smem:$0x7FF] =	sst s4;
	s25 =	sshll.u32 s13, $0x6;
	s6 =	sshll.u32 s5, $0x4  }
0xb: {  	s8 =	smul.u32 $0x50000, s5;
	_ =	strace $0x80000053;
	s5 =	ssub.s32 $0x2, s5  }
0xc: {  	s6 =	sor.u32 s13, s6;
	s9 =	sshrl.u32 s7, $0x3;
	s24 =	sshrl.u32 s5, $0x1  }
0xd: {  	s12 =	sadd.s32 s7, s2;
	s26 =	sadd.s32 s7, s3;
	s10 =	smul.u32 $0x4E2, s6  }
0xe: {  	s21 =	sadd.s32 s7, s8;
	s22 =	sadd.s32 s9, s0;
	s11 =	ssub.s32 s5, s24  }
0xf: {  	s13 =	sshrl.u32 s26, $0x3;
	s24 =	simm.s32 $0x3;
	s26 =	simm.s32 $0x5  }
0x10: {  	s6 =	sshrl.u32 s21, $0x3;
	s5 =	sadd.s32 $0xD800, s22;
	s21 =	simm.s32 $0x6C20  }
0x11: {  	s22 =	simm.s32 $0x1;
	s23 =	sadd.s32 s10, s0;
	s0 =	sadd.s32 s6, s0  }
0x12: {  	s6 =	sor.u32 $0x1C09, s25;
	s7 =	sadd.s32 s1, s10;
	s10 =	smax.u32 s11, $0x1  }
0x13: {  	s11 =	sshrl.u32 s12, $0x3;
	s12 =	simm.s32 $0x9;
	s25 =	simm.s32 $0x4  }
0x14: {  	s8 =	sadd.s32 $0x3A00, s23;
	s9 =	sadd.s32 $0x17800, s0;
	s23 =	simm.s32 $0x2  }
.LBB2_1:
0x15: {  	[spmem:s11], [sflag:s6] =	dma.local [hbm:s5], $0xA00  }
0x16: {  	_ =	swait.ge [sflag:s12], $0xA00  }
0x17: {  	[sflag:s12] =	ssyncset.done $0x0  }
0x18: {  	[sflag:s12] =	ssyncadd.s32 $0xFFFFF600  }
0x19: {  	[spmem:s13], [sflag:s6] =	dma.local [hbm:s5], $0xA00  }
0x1a: {  	_ =	swait.ge [sflag:s12], $0xA00  }
0x1b: {  	[sflag:s12] =	ssyncset.done $0x0  }
0x1c: {  	[sflag:s12] =	ssyncadd.s32 $0xFFFFF600  }
0x1d: {  	[tilespmem:s4], [sflag:$0x9] =	stream.linear.gather [hbm4b:s7+s4], $0x2710, $0x38;
	[tilespmem:$0x11620] =	vst v63  }
0x1e: {  	_ =	swait.ge [sflag:s12], $0x2710  }
0x1f: {  	[sflag:s12] =	ssyncset.done $0x0  }
0x20: {  	s0 =	simm.s32 $0x2710;
	[sflag:s12] =	ssyncadd.s32 $0xFFFFD8F0  }
0x21: {  	[tilespmem:s0], [sflag:$0x9] =	stream.linear.gather [hbm4b:s8+s4], $0x2710, $0x38;
	[tilespmem:$0x11620] =	vst v63  }
0x22: {  	_ =	swait.ge [sflag:s12], $0x2710  }
0x23: {  	[sflag:s12] =	ssyncset.done $0x0  }
0x24: {  	[sflag:s12] =	ssyncadd.s32 $0xFFFFD8F0  }
0x25: {  	[bflag:$0x0] =	sbarrier.arrive $0xFFFF  }
0x26: {  	[tilespmem:s16], [sflag:$0x1] =	stream.indirect.gather [spmem:s2], $0x20, s4, s15, $0xb8;
	[tilespmem:$0x11620] =	vst v63  }
0x27: {  	_ = 	snop  }
0x28: {  	[tilespmem:s17], [sflag:$0x2] =	stream.indirect.gather [spmem:s2], $0x20, s15, s15, $0xb8;
	[tilespmem:$0x11620] =	vst v63  }
0x29: {  	s14 =	simm.s32 $0xA0  }
0x2a: {  	[tilespmem:s19], [sflag:$0x3] =	stream.indirect.gather [spmem:s2], $0x20, s14, s15, $0xb8;
	[tilespmem:$0x11620] =	vst v63  }
0x2b: {  	s1 =	simm.s32 $0xF0  }
0x2c: {  	[tilespmem:s21], [sflag:$0x4] =	stream.indirect.gather [spmem:s2], $0x20, s1, s15, $0xb8;
	[tilespmem:$0x11620] =	vst v63  }
0x2d: {  	_ =	swait.ge [sflag:s22], $0xA00  }
0x2e: {  	[sflag:s22] =	ssyncset.done $0x0  }
0x2f: {  	s14 =	simm.s32 $0x2710;
	[sflag:s22] =	ssyncadd.s32 $0xFFFFF600  }
0x30: {  	[spmem:s3] =	stream.indirect.scatter.add.f32 [tilespmem:s16], [sflag:$0x5], $0x20, s14, s15, $0xb8;
	[tilespmem:$0x11620] =	vst v63  }
0x31: {  	_ =	swait.ge [sflag:s23], $0xA00  }
0x32: {  	[sflag:s23] =	ssyncset.done $0x0  }
0x33: {  	s1 =	simm.s32 $0x2760;
	[sflag:s23] =	ssyncadd.s32 $0xFFFFF600  }
0x34: {  	[spmem:s3] =	stream.indirect.scatter.add.f32 [tilespmem:s17], [sflag:$0x6], $0x20, s1, s15, $0xb8;
	[tilespmem:$0x11620] =	vst v63  }
0x35: {  	_ =	swait.ge [sflag:s24], $0xA00  }
0x36: {  	[sflag:s24] =	ssyncset.done $0x0  }
0x37: {  	s14 =	simm.s32 $0x27B0;
	[sflag:s24] =	ssyncadd.s32 $0xFFFFF600  }
0x38: {  	[spmem:s3] =	stream.indirect.scatter.add.f32 [tilespmem:s19], [sflag:$0x7], $0x20, s14, s15, $0xb8;
	[tilespmem:$0x11620] =	vst v63  }
0x39: {  	_ =	swait.ge [sflag:s25], $0xA00  }
0x3a: {  	[sflag:s25] =	ssyncset.done $0x0  }
0x3b: {  	s1 =	simm.s32 $0x2800;
	[sflag:s25] =	ssyncadd.s32 $0xFFFFF600  }
0x3c: {  	[spmem:s3] =	stream.indirect.scatter.add.f32 [tilespmem:s21], [sflag:$0x8], $0x20, s1, s15, $0xb8;
	[tilespmem:$0x11620] =	vst v63  }
0x3d: {  	_ =	swait.ge [sflag:s26], $0xA00  }
0x3e: {  	[sflag:s26] =	ssyncset.done $0x0  }
0x3f: {  	s14 =	simm.s32 $0x140;
	[sflag:s26] =	ssyncadd.s32 $0xFFFFF600  }
0x40: {  	[tilespmem:s16], [sflag:$0x1] =	stream.indirect.gather [spmem:s2], $0x20, s14, s15, $0xb8;
	[tilespmem:$0x11620] =	vst v63  }
0x41: {  	_ =	swait.ge [sflag:s28], $0xA00  }
0x42: {  	[sflag:s28] =	ssyncset.done $0x0  }
0x43: {  	s1 =	simm.s32 $0x190;
	[sflag:s28] =	ssyncadd.s32 $0xFFFFF600  }
0x44: {  	[tilespmem:s17], [sflag:$0x2] =	stream.indirect.gather [spmem:s2], $0x20, s1, s15, $0xb8;
	[tilespmem:$0x11620] =	vst v63  }
0x45: {  	_ =	swait.ge [sflag:s29], $0xA00  }
0x46: {  	[sflag:s29] =	ssyncset.done $0x0  }
0x47: {  	s14 =	simm.s32 $0x1E0;
	[sflag:s29] =	ssyncadd.s32 $0xFFFFF600  }
0x48: {  	[tilespmem:s19], [sflag:$0x3] =	stream.indirect.gather [spmem:s2], $0x20, s14, s15, $0xb8;
	[tilespmem:$0x11620] =	vst v63  }
0x49: {  	_ =	swait.ge [sflag:s30], $0xA00  }
0x4a: {  	[sflag:s30] =	ssyncset.done $0x0  }
0x4b: {  	s0 =	simm.s32 $0x500;
	s1 =	simm.s32 $0x230;
	[sflag:s30] =	ssyncadd.s32 $0xFFFFF600  }
.LBB2_2:
0x4c: {  	[tilespmem:s21], [sflag:$0x4] =	stream.indirect.gather [spmem:s2], $0x20, s1, s15, $0xb8;
	[tilespmem:$0x11620] =	vst v63  }
0x4d: {  	s1 =	smov.u32 s0  }
0x4e: {  	p0 =	sne.s32 s0, $0x9100;
	s0 =	sadd.s32 $0x500, s0;
	_ =	swait.ge [sflag:s22], $0xA00  }
0x4f: {  	s1 =	sshra.s32 s1, $0x2;
	[sflag:s22] =	ssyncset.done $0x0  }
0x50: {  	s14 =	sadd.s32 $0x2710, s1;
	[sflag:s22] =	ssyncadd.s32 $0xFFFFF600  }
0x51: {  	[spmem:s3] =	stream.indirect.scatter.add.f32 [tilespmem:s16], [sflag:$0x5], $0x20, s14, s15, $0xb8;
	[tilespmem:$0x11620] =	vst v63  }
0x52: {  	_ =	swait.ge [sflag:s23], $0xA00  }
0x53: {  	[sflag:s23] =	ssyncset.done $0x0  }
0x54: {  	s14 =	sadd.s32 $0x2760, s1;
	[sflag:s23] =	ssyncadd.s32 $0xFFFFF600  }
0x55: {  	[spmem:s3] =	stream.indirect.scatter.add.f32 [tilespmem:s17], [sflag:$0x6], $0x20, s14, s15, $0xb8;
	[tilespmem:$0x11620] =	vst v63  }
0x56: {  	_ =	swait.ge [sflag:s24], $0xA00  }
0x57: {  	[sflag:s24] =	ssyncset.done $0x0  }
0x58: {  	s14 =	sadd.s32 $0x27B0, s1;
	[sflag:s24] =	ssyncadd.s32 $0xFFFFF600  }
0x59: {  	[spmem:s3] =	stream.indirect.scatter.add.f32 [tilespmem:s19], [sflag:$0x7], $0x20, s14, s15, $0xb8;
	[tilespmem:$0x11620] =	vst v63  }
0x5a: {  	_ =	swait.ge [sflag:s25], $0xA00  }
0x5b: {  	[sflag:s25] =	ssyncset.done $0x0  }
0x5c: {  	s14 =	sadd.s32 $0x2800, s1;
	[sflag:s25] =	ssyncadd.s32 $0xFFFFF600  }
0x5d: {  	[spmem:s3] =	stream.indirect.scatter.add.f32 [tilespmem:s21], [sflag:$0x8], $0x20, s14, s15, $0xb8;
	[tilespmem:$0x11620] =	vst v63  }
0x5e: {  	_ =	swait.ge [sflag:s26], $0xA00  }
0x5f: {  	[sflag:s26] =	ssyncset.done $0x0  }
0x60: {  	s14 =	sadd.s32 $0x140, s1;
	[sflag:s26] =	ssyncadd.s32 $0xFFFFF600  }
0x61: {  	[tilespmem:s16], [sflag:$0x1] =	stream.indirect.gather [spmem:s2], $0x20, s14, s15, $0xb8;
	[tilespmem:$0x11620] =	vst v63  }
0x62: {  	_ =	swait.ge [sflag:s28], $0xA00  }
0x63: {  	[sflag:s28] =	ssyncset.done $0x0  }
0x64: {  	s14 =	sadd.s32 $0x190, s1;
	[sflag:s28] =	ssyncadd.s32 $0xFFFFF600  }
0x65: {  	[tilespmem:s17], [sflag:$0x2] =	stream.indirect.gather [spmem:s2], $0x20, s14, s15, $0xb8;
	[tilespmem:$0x11620] =	vst v63  }
0x66: {  	_ =	swait.ge [sflag:s29], $0xA00  }
0x67: {  	[sflag:s29] =	ssyncset.done $0x0  }
.Ltmp0:
0x68: {  	s14 =	sadd.s32 $0x1E0, s1;
	[sflag:s29] =	ssyncadd.s32 $0xFFFFF600;
	(pc) =	sbr.rel @p0 .LBB2_2-.Ltmp0, $4  }
0x69: {  	[tilespmem:s19], [sflag:$0x3] =	stream.indirect.gather [spmem:s2], $0x20, s14, s15, $0xb8;
	[tilespmem:$0x11620] =	vst v63  }
0x6a: {  	_ =	swait.ge [sflag:s30], $0xA00  }
0x6b: {  	[sflag:s30] =	ssyncset.done $0x0  }
0x6c: {  	s1 =	sadd.s32 $0x230, s1;
	[sflag:s30] =	ssyncadd.s32 $0xFFFFF600  }
0x6d: {  	[tilespmem:s21], [sflag:$0x4] =	stream.indirect.gather [spmem:s2], $0x20, s1, s15, $0xb8;
	[tilespmem:$0x11620] =	vst v63  }
0x6e: {  	_ =	swait.ge [sflag:s22], $0xA00  }
0x6f: {  	[sflag:s22] =	ssyncset.done $0x0  }
0x70: {  	s0 =	simm.s32 $0x4C90;
	[sflag:s22] =	ssyncadd.s32 $0xFFFFF600  }
0x71: {  	[spmem:s3] =	stream.indirect.scatter.add.f32 [tilespmem:s16], [sflag:$0x9], $0x20, s0, s15, $0xb8;
	[tilespmem:$0x11620] =	vst v63  }
0x72: {  	_ =	swait.ge [sflag:s12], $0xA00  }
0x73: {  	[sflag:s12] =	ssyncset.done $0x0  }
0x74: {  	[sflag:s12] =	ssyncadd.s32 $0xFFFFF600  }
0x75: {  	_ =	swait.ge [sflag:s23], $0xA00  }
0x76: {  	[sflag:s23] =	ssyncset.done $0x0  }
0x77: {  	s14 =	simm.s32 $0x4CE0;
	[sflag:s23] =	ssyncadd.s32 $0xFFFFF600  }
0x78: {  	[spmem:s3] =	stream.indirect.scatter.add.f32 [tilespmem:s17], [sflag:$0x9], $0x20, s14, s15, $0xb8;
	[tilespmem:$0x11620] =	vst v63  }
0x79: {  	_ =	swait.ge [sflag:s12], $0xA00  }
0x7a: {  	[sflag:s12] =	ssyncset.done $0x0  }
0x7b: {  	[sflag:s12] =	ssyncadd.s32 $0xFFFFF600  }
0x7c: {  	_ =	swait.ge [sflag:s24], $0xA00  }
0x7d: {  	[sflag:s24] =	ssyncset.done $0x0  }
0x7e: {  	s1 =	simm.s32 $0x4D30;
	[sflag:s24] =	ssyncadd.s32 $0xFFFFF600  }
0x7f: {  	[spmem:s3] =	stream.indirect.scatter.add.f32 [tilespmem:s19], [sflag:$0x9], $0x20, s1, s15, $0xb8;
	[tilespmem:$0x11620] =	vst v63  }
0x80: {  	_ =	swait.ge [sflag:s12], $0xA00  }
0x81: {  	[sflag:s12] =	ssyncset.done $0x0  }
0x82: {  	[sflag:s12] =	ssyncadd.s32 $0xFFFFF600  }
0x83: {  	_ =	swait.ge [sflag:s25], $0xA00  }
0x84: {  	[sflag:s25] =	ssyncset.done $0x0  }
0x85: {  	s14 =	simm.s32 $0x4D80;
	[sflag:s25] =	ssyncadd.s32 $0xFFFFF600  }
0x86: {  	[spmem:s3] =	stream.indirect.scatter.add.f32 [tilespmem:s21], [sflag:$0x9], $0x20, s14, s15, $0xb8;
	[tilespmem:$0x11620] =	vst v63  }
0x87: {  	_ =	swait.ge [sflag:s12], $0xA00  }
0x88: {  	[sflag:s12] =	ssyncset.done $0x0  }
0x89: {  	[sflag:s12] =	ssyncadd.s32 $0xFFFFF600  }
0x8a: {  	[tilespmem:s16], [sflag:$0x1] =	stream.indirect.gather [spmem:s2], $0x20, s18, s15, $0xb8;
	[tilespmem:$0x11620] =	vst v63  }
0x8b: {  	_ =	swait.ge [sflag:s22], $0xA00  }
0x8c: {  	[sflag:s22] =	ssyncset.done $0x0  }
0x8d: {  	[sflag:s22] =	ssyncadd.s32 $0xFFFFF600  }
0x8e: {  	[spmem:s3] =	stream.indirect.scatter.add.f32 [tilespmem:s16], [sflag:$0x9], $0x20, s20, s15, $0xb8;
	[tilespmem:$0x11620] =	vst v63  }
0x8f: {  	_ =	swait.ge [sflag:s12], $0xA00  }
0x90: {  	s31 =	sadd.s32 $0x1, s31;
	[sflag:s12] =	ssyncset.done $0x0  }
0x91: {  	p0 =	sne.s32 s31, s10;
	[sflag:s12] =	ssyncadd.s32 $0xFFFFF600  }
.Ltmp1:
0x92: {  	[bflag:$0x0] =	sbarrier.arrive $0xFFFF;
	(pc) =	sbr.rel @p0 .LBB2_1-.Ltmp1, $4  }
0x93: {  	[hbm:s9], [sflag:s6] =	dma.local [spmem:s13], $0xA00  }
0x94: {  	_ =	swait.ge [sflag:s12], $0xA00  }
0x95: {  	[sflag:s12] =	ssyncset.done $0x0  }
0x96: {  	[sflag:s12] =	ssyncadd.s32 $0xFFFFF600  }
0x97: {  	_ =	sfence.sel $0x180000  }
0x98: {  	[bflag:$0x0] =	sbarrier.arrive $0xFFFF  }
0x99: {  	_ =	strace $0x90000053  }
0x9a: {  	s0 =	stileid.u32;
	[bflag:$0x2] =	sbarrier.arrive $0xFFFF  }
0x9b: {  	p0 =	sne.s32 s0, $0x0;
	s0 =	rddreg [dreg:$0x4]  }
0x9c: {  	s0 =	sadd.s32 @!p0 $0x100000, s0  }
0x9d: {  	[sflag:s0] =	ssyncadd.tile.s32 @!p0 $0x1;
	_ =	shalt  }
.Lfunc_end2:
_tile_overlayer_lowered:
.L_overlay_start_2:
0x9e: {  	(tag) =	ssettag $0x2  }
0x9f: {  	s0 =	rddreg [dreg:$0x0];
	s2 =	stileid.u32  }
0xa0: {  	s1 =	rddreg [dreg:$0x1];
	p0 =	sne.s32 s2, $0x0  }
0xa1: {  	s3 =	rddreg [dreg:$0x2];
	[bflag:$0x3] =	sbarrier.arrive $0xFFFF;
	s2 =	simm.s32 @!p0 $0x1C09  }
0xa2: {  	[timem:s3], [sflag:s2] =	dma.local @!p0 [hbm:s0], s1  }
0xa3: {  	s0 =	simm.s32 @!p0 $0x9  }
0xa4: {  	_ =	swait.ge @!p0 [sflag:s0], s1  }
0xa5: {  	s1 =	ssub.s32 @!p0 $0x0, s1;
	[sflag:s0] =	ssyncset.done @!p0 $0x0  }
0xa6: {  	[sflag:s0] =	ssyncadd.s32 @!p0 s1  }
0xa7: {  	[bflag:$0x3] =	sbarrier.arrive $0xFFFF  }
0xa8: {  	_ =	shalt  }

</sc_bundles>
